<compile_context>
chip_gen: v7x
topology: tpu7x:2x2x1
jax: 0.10.2.dev20260603
libtpu: 0.0.44.dev20260713+nightly
codegen_flags: <defaults>
</compile_context>

<pallas_src>
import functools

import jax
import jax.numpy as jnp
from jax import lax
from jax.experimental import pallas as pl
from jax.experimental.pallas import tpu as pltpu
from jax.experimental.pallas import tpu_sc as plsc

_ALPHA = 0.2
_NEG = -1e30
_TILE = 256


def _lrelu(v):
    return jnp.where(v >= 0.0, v, _ALPHA * v)


def _elu(v):
    return jnp.where(v > 0.0, v, jnp.exp(jnp.minimum(v, 0.0)) - 1.0)


def _make_sc_gather(S, Vp, W):
    mesh = plsc.VectorSubcoreMesh(core_axis_name="c", subcore_axis_name="s")

    QR = Vp // 4

    @functools.partial(
        pl.kernel,
        mesh=mesh,
        out_type=jax.ShapeDtypeStruct((S, Vp, W), jnp.float32),
        scratch_types=[
            pltpu.VMEM((Vp // 128, 128), jnp.int32),
            pltpu.VMEM((QR, W), jnp.float32),
            pltpu.SemaphoreType.DMA,
        ],
    )
    def sc_gather(idx_hbm, tbl_hbm, tbl_out, idx_v, rows_v, sem):
        wid = lax.axis_index("s") * 2 + lax.axis_index("c")
        s = wid // 4
        q = wid % 4
        pltpu.sync_copy(idx_hbm.at[s], idx_v)
        pltpu.sync_copy(rows_v, tbl_out.at[s, pl.ds(q * QR, QR)])

    return sc_gather


def _prep_body(Vp, pad_idx, x_ref, idx_ref, cnt_ref):
    xm = x_ref[0, 0, :]
    iota_v = lax.broadcasted_iota(jnp.int32, (Vp, Vp), 0)
    iota_a = lax.broadcasted_iota(jnp.int32, (Vp, Vp), 1)
    lt = (iota_v < iota_a).astype(jnp.float32)
    pos = jnp.dot(xm[None, :], lt, preferred_element_type=jnp.float32,
                  precision=lax.Precision.HIGHEST)[0]
    onehot = jnp.where((pos[:, None] == iota_a.astype(jnp.float32))
                       & (xm[:, None] > 0.0), 1.0, 0.0)
    vals = lax.broadcasted_iota(jnp.int32, (Vp,), 0).astype(jnp.float32)
    idxC = jnp.dot(vals[None, :], onehot, preferred_element_type=jnp.float32,
                   precision=lax.Precision.HIGHEST)[0]
    A = jnp.sum(xm)
    slots = vals
    idx_ref[0, 0, :] = jnp.where(slots < A, idxC,
                                 jnp.float32(pad_idx)).astype(jnp.int32)
    cnt_ref[0, 0, :] = jnp.full((16,), A, jnp.float32).astype(jnp.int32)


def _uv(e1, e2, rmask):
    e2m = jnp.max(jnp.where(rmask, e2, _NEG))
    t = e1 + e2m
    M = jnp.maximum(t, _ALPHA * t)
    u1 = jnp.exp(t - M)
    u2 = jnp.exp(_ALPHA * t - M)
    dv = e2 - e2m
    v1 = jnp.where(rmask, jnp.exp(dv), 0.0)
    v2 = jnp.where(rmask, jnp.exp(_ALPHA * dv), 0.0)
    return u1, u2, v1, v2


def _tiled_attend(Vp, D, A, uv, Whaug, acc_ref):
    u1, u2, v1, v2 = uv
    T = _TILE
    nt = Vp // T
    acc_ref[...] = jnp.zeros((Vp, D + 1), jnp.float32)
    for i in range(nt):
        for j in range(nt):
            @pl.when((i * T < A) & (j * T < A))
            def _(i=i, j=j):
                w = jnp.maximum(
                    u1[i * T:(i + 1) * T, None] * v1[None, j * T:(j + 1) * T],
                    u2[i * T:(i + 1) * T, None] * v2[None, j * T:(j + 1) * T])
                nd = jnp.dot(w, Whaug[j * T:(j + 1) * T, :],
                             preferred_element_type=jnp.float32)
                acc_ref[i * T:(i + 1) * T, :] += nd
    acc = acc_ref[...]
    den = jnp.maximum(acc[:, -1:], 1e-30)
    return _elu(acc[:, :-1] / den)


def _sample_body(H, D, P, Vp, cnt_ref, gat_ref, W0cat_ref, A12_ref,
                 Wout_ref, Aout_ref, ba_ref, lat_ref, acc_ref):
    s = pl.program_id(0)
    A = cnt_ref[s, 0]
    feats = gat_ref[0][:, :D]
    waC = gat_ref[0][:, D:2 * D]
    ones = jnp.ones((Vp, 1), jnp.float32)
    rmask = lax.broadcasted_iota(jnp.int32, (Vp,), 0) < A
    WhAll = jnp.dot(feats, W0cat_ref[...], preferred_element_type=jnp.float32)
    E12 = jnp.dot(feats, A12_ref[...], preferred_element_type=jnp.float32)
    outs = []
    for h in range(H):
        uv = _uv(E12[:, h], E12[:, H + h], rmask)
        Whaug = jnp.concatenate([WhAll[:, h * D:(h + 1) * D], ones], axis=1)
        outs.append(_tiled_attend(Vp, D, A, uv, Whaug, acc_ref))
    feats2 = jnp.concatenate(outs, axis=1)
    Wh2aug = jnp.concatenate(
        [jnp.dot(feats2, Wout_ref[...], preferred_element_type=jnp.float32),
         ones], axis=1)
    E12_2 = jnp.dot(feats2, Aout_ref[...], preferred_element_type=jnp.float32)
    uv2 = _uv(E12_2[:, 0], E12_2[:, 1], rmask)
    out2 = _tiled_attend(Vp, P, A, uv2, Wh2aug, acc_ref)
    T = lax.dot_general(out2, waC, (((0,), (0,)), ((), ())),
                        preferred_element_type=jnp.float32)
    code = jnp.max(_elu(T + ba_ref[...][None, :]), axis=1)
    lat_ref[0, 0, :] = code


def _finale_body(K, B, H, D, P, x_ref, emb_ref, frqW_ref, frqb_ref, clsW_ref,
                 clsb_ref, clsa_ref, lat_ref, out_ref):
    for b in range(B):
        xc = jnp.clip(x_ref[b, 0, :] + x_ref[B + b, 0, :], 0.0, 1.0)
        embx = xc[:, None] * emb_ref[...]
        T = lax.dot_general(embx, frqW_ref[...], (((0,), (0,)), ((), ())),
                            preferred_element_type=jnp.float32)
        mod1 = jnp.max(_elu(T + frqb_ref[...][None, :]), axis=1)
        mod_cls = jnp.sum(mod1[:, None] * clsW_ref[...], axis=0) + clsb_ref[...]
        cls_code = _elu(mod_cls)
        lat_b = jnp.concatenate([lat_ref[b, :, :], lat_ref[B + b, :, :]], axis=0)
        acc = jnp.zeros((P,), jnp.float32)
        for h in range(H):
            e = _lrelu(jnp.sum(lat_b * clsa_ref[h, :P][None, :], axis=1)
                       + jnp.sum(cls_code * clsa_ref[h, P:]))
            m = jnp.max(e)
            wv = jnp.exp(e - m)
            attn = wv / jnp.sum(wv)
            acc = acc + jnp.sum(attn[:, None] * lat_b, axis=0)
        fused = acc / H
        out_ref[b, :] = _elu(fused + mod_cls)


def kernel(x, emb, W0, a0, W_out, a_out, cls_a, attn_dense_W, attn_dense_b,
           frq_W, frq_b, cls_W, cls_b):
    K, B, V = x.shape
    D = emb.shape[1]
    H = W0.shape[0]
    P = W_out.shape[1]
    S = K * B
    Vp = ((V + 255) // 256) * 256

    pad = ((0, Vp - V), (0, 0))
    x_p = jnp.pad(x, ((0, 0), (0, 0), (0, Vp - V))).reshape(S, 1, Vp)
    emb_p = jnp.pad(emb, pad)
    Wa_p = jnp.pad(attn_dense_W, pad)
    frqW_p = jnp.pad(frq_W, pad)
    cls_as = cls_a[..., 0]
    W0cat = jnp.transpose(W0, (1, 0, 2)).reshape(D, H * D)
    A1 = jnp.stack([W0[h] @ a0[h, :D, 0] for h in range(H)], axis=1)
    A2 = jnp.stack([W0[h] @ a0[h, D:, 0] for h in range(H)], axis=1)
    A12 = jnp.concatenate([A1, A2], axis=1)
    Aout = jnp.stack([W_out @ a_out[:P, 0], W_out @ a_out[P:, 0]], axis=1)

    idxC3, counts3 = pl.pallas_call(
        functools.partial(_prep_body, Vp, V),
        grid=(S,),
        in_specs=[pl.BlockSpec((1, 1, Vp), lambda s: (s, 0, 0))],
        out_specs=[pl.BlockSpec((1, 1, Vp), lambda s: (s, 0, 0)),
                   pl.BlockSpec((1, 1, 16), lambda s: (s, 0, 0))],
        out_shape=[jax.ShapeDtypeStruct((S, 1, Vp), jnp.int32),
                   jax.ShapeDtypeStruct((S, 1, 16), jnp.int32)],
    )(x_p)
    counts = counts3.reshape(S, 16)
    tblcat = jnp.concatenate(
        [emb_p, Wa_p, jnp.zeros((Vp, 128 - 2 * D), jnp.float32)], axis=1)
    gathered = _make_sc_gather(S, Vp, 128)(
        idxC3.reshape(S, Vp // 128, 128), tblcat)

    latent = pl.pallas_call(
        functools.partial(_sample_body, H, D, P, Vp),
        grid=(S,),
        in_specs=[
            pl.BlockSpec(memory_space=pltpu.SMEM),
            pl.BlockSpec((1, Vp, 128), lambda s: (s, 0, 0)),
            pl.BlockSpec((D, H * D), lambda s: (0, 0)),
            pl.BlockSpec((D, 2 * H), lambda s: (0, 0)),
            pl.BlockSpec((D * H, P), lambda s: (0, 0)),
            pl.BlockSpec((D * H, 2), lambda s: (0, 0)),
            pl.BlockSpec((D,), lambda s: (0,)),
        ],
        out_specs=pl.BlockSpec((1, 1, P), lambda s: (s, 0, 0)),
        out_shape=jax.ShapeDtypeStruct((S, 1, P), jnp.float32),
        scratch_shapes=[pltpu.VMEM((Vp, D + 1), jnp.float32)],
    )(counts, gathered, W0cat, A12, W_out, Aout, attn_dense_b)

    out = pl.pallas_call(
        functools.partial(_finale_body, K, B, H, D, P),
        out_shape=jax.ShapeDtypeStruct((B, P), jnp.float32),
    )(x_p, emb_p, frqW_p, frq_b, cls_W, cls_b, cls_as, latent)
    return out

# --- scband reference (transcript-rebuilt; emitter-appended) ---
"""Pipeline reference for scband-mal-gat-37580963840176 (READ-ONLY COPY).

The authoritative reference and input builder live on the scoring server;
editing this copy changes nothing except your own understanding.
"""

import jax, jax.numpy as jnp
import numpy as np

K_SAMPLES = 2
N_HEADS = 4
ALPHA = 0.2


def _gat_layer(h, adj, W, a):
    # Dense GAT layer (pyGAT-style), batched over leading dim; eval mode (no dropout).
    Wh = jnp.einsum('bnf,fo->bno', h, W)
    Fo = W.shape[1]
    e1 = jnp.einsum('bno,of->bnf', Wh, a[:Fo])  # [B,N,1]
    e2 = jnp.einsum('bno,of->bnf', Wh, a[Fo:])  # [B,N,1]
    e = jax.nn.leaky_relu(e1 + jnp.swapaxes(e2, 1, 2), negative_slope=ALPHA)
    e = jnp.where(adj > 0, e, jnp.float32(-9e15))
    attn = jax.nn.softmax(e, axis=-1)
    hp = jnp.einsum('bnm,bmo->bno', attn, Wh)
    return jax.nn.elu(hp)  # concat=True -> activation applied


def _gat_cls(x, cls_code, a):
    # CLS attention over the k sampled latent codes against the frequency-based cls code.
    cat = jnp.concatenate([x, jnp.broadcast_to(cls_code[:, None, :], x.shape)], axis=-1)
    e = jax.nn.leaky_relu(jnp.squeeze(jnp.einsum('bkf,fo->bko', cat, a), -1), negative_slope=ALPHA)
    attn = jax.nn.softmax(e, axis=1)
    return jnp.einsum('bk,bkd->bd', attn, x)


def setup_inputs(seed: int = 0):
    key = jax.random.key(seed)
    ks = jax.random.split(key, 12)
    K, B, V, D, H, P = 2, 4, 1000, 32, 4, 32
    # binary bag-of-words style features in {0,1}
    x = (jax.random.uniform(ks[0], (K, B, V)) < 0.25).astype(jnp.float32)
    emb = jax.random.normal(ks[1], (V, D), dtype=jnp.float32)
    W0 = jax.random.normal(ks[2], (H, D, D), dtype=jnp.float32) * 0.1
    a0 = jax.random.normal(ks[3], (H, 2 * D, 1), dtype=jnp.float32) * 0.1
    W_out = jax.random.normal(ks[4], (D * H, P), dtype=jnp.float32) * 0.1
    a_out = jax.random.normal(ks[5], (2 * P, 1), dtype=jnp.float32) * 0.1
    cls_a = jax.random.normal(ks[6], (H, 2 * P, 1), dtype=jnp.float32) * 0.1
    attn_dense_W = jax.random.normal(ks[7], (V, D), dtype=jnp.float32) * 0.02
    attn_dense_b = jnp.zeros((D,), dtype=jnp.float32)
    frq_W = jax.random.normal(ks[8], (V, D), dtype=jnp.float32) * 0.02
    frq_b = jnp.zeros((D,), dtype=jnp.float32)
    cls_W = jax.random.normal(ks[9], (D, P), dtype=jnp.float32) * 0.1
    cls_b = jnp.zeros((P,), dtype=jnp.float32)
    return {"x": x, "emb": emb, "W0": W0, "a0": a0, "W_out": W_out, "a_out": a_out,
            "cls_a": cls_a, "attn_dense_W": attn_dense_W, "attn_dense_b": attn_dense_b,
            "frq_W": frq_W, "frq_b": frq_b, "cls_W": cls_W, "cls_b": cls_b}


def reference(x, emb, W0, a0, W_out, a_out, cls_a, attn_dense_W, attn_dense_b, frq_W, frq_b, cls_W, cls_b):
    # eval mode: all dropout is identity
    x_comb = jnp.clip(jnp.sum(x, axis=0), 0.0, 1.0)  # [B,V]
    feat0 = jnp.swapaxes(x_comb[:, :, None] * emb[None], 1, 2)  # [B,D,V]
    mod1_code = jnp.max(jax.nn.elu(jnp.einsum('bdv,ve->bde', feat0, frq_W) + frq_b), axis=-1)  # [B,D]
    # adjs = None branch (dense): outer products per sample
    adjs = jnp.einsum('kbn,kbm->kbnm', x[:K_SAMPLES], x[:K_SAMPLES])  # [K,B,V,V]
    latent_codes = []
    for i in range(K_SAMPLES):
        feats = x[i][:, :, None] * emb[None]  # [B,V,D]
        heads = [_gat_layer(feats, adjs[i], W0[h], a0[h]) for h in range(N_HEADS)]
        feats = jnp.concatenate(heads, axis=-1)  # [B,V,D*H]
        feats = _gat_layer(feats, adjs[i], W_out, a_out)  # [B,V,P]
        g = jnp.swapaxes(x[i][:, :, None] * feats, 1, 2)  # [B,P,V]
        code = jnp.max(jax.nn.elu(jnp.einsum('bdv,ve->bde', g, attn_dense_W) + attn_dense_b), axis=-1)  # [B,D]
        latent_codes.append(code)
    latent = jnp.stack(latent_codes, axis=1)  # [B,K,D]
    mod_cls = mod1_code @ cls_W + cls_b  # [B,P]
    cls_code = jax.nn.elu(mod_cls)
    heads_cls = jnp.stack([_gat_cls(latent, cls_code, cls_a[h]) for h in range(N_HEADS)], axis=-2)  # [B,H,P]
    fused = jnp.sum(heads_cls, axis=-2) / N_HEADS
    # use_fusion=True: add raw (pre-activation) mod_frq_cls_dense(mod1_code)
    return jax.nn.elu(fused + mod_cls)

if __name__ == "__main__":
    import jax
    _d = setup_inputs()
    print(jax.jit(kernel)(*tuple(_d.values())))

</pallas_src>

<mosaic_0001>
#map = affine_map<(d0, d1) -> (0, 0, 0)>
#map1 = affine_map<(d0, d1) -> (0, 0)>
module attributes {stable_mosaic.version = 14 : i64} {
  func.func @sc_gather(%arg0: i32, %arg1: i32, %arg2: memref<8x8x128xi32, #tpu.memory_space<hbm>>, %arg3: memref<1024x128xf32, #tpu.memory_space<hbm>>, %arg4: memref<8x1024x128xf32, #tpu.memory_space<hbm>>, %arg5: memref<8x128xi32, #tpu.memory_space<vmem>>, %arg6: memref<256x128xf32, #tpu.memory_space<vmem>>, %arg7: memref<!tpu.dma_semaphore, #tpu.memory_space<semaphore_mem>>) attributes {dimension_semantics = [#tpu.dimension_semantics<core_parallel>, #tpu.dimension_semantics<subcore_parallel>], iteration_bounds = array<i64: 2, 16>, scalar_prefetch = 0 : i64, scratch_operands = 3 : i64, tpu.core_type = #tpu.core_type<sc_vector_subcore>, window_params = [{transform_indices = #map}, {transform_indices = #map1}, {transform_indices = #map}]} {
    %mul3A = arith.constant 2 : i32
    %mul3A_0 = arith.muli %arg1, %mul3A : i32
    %add3A = arith.addi %mul3A_0, %arg0 : i32
    %jit3A = arith.constant 4 : i32
    %div3A = arith.divsi %add3A, %jit3A : i32
    %sign3A = arith.constant 0 : i32
    %sign3A_1 = arith.cmpi sgt, %add3A, %sign3A : i32
    %sign3A_2 = arith.extui %sign3A_1 : i1 to i32
    %sign3A_3 = arith.constant 0 : i32
    %sign3A_4 = arith.cmpi slt, %add3A, %sign3A_3 : i32
    %sign3A_5 = arith.extui %sign3A_4 : i1 to i32
    %sign3A_6 = arith.subi %sign3A_2, %sign3A_5 : i32
    %sign3A_7 = arith.constant 0 : i32
    %sign3A_8 = arith.cmpi sgt, %jit3A, %sign3A_7 : i32
    %sign3A_9 = arith.extui %sign3A_8 : i1 to i32
    %sign3A_10 = arith.constant 0 : i32
    %sign3A_11 = arith.cmpi slt, %jit3A, %sign3A_10 : i32
    %sign3A_12 = arith.extui %sign3A_11 : i1 to i32
    %sign3A_13 = arith.subi %sign3A_9, %sign3A_12 : i32
    %ne3A = arith.cmpi ne, %sign3A_6, %sign3A_13 : i32
    %rem3A = arith.remsi %add3A, %jit3A : i32
    %ne3A_14 = arith.constant 0 : i32
    %ne3A_15 = arith.cmpi ne, %rem3A, %ne3A_14 : i32
    %and3A = arith.andi %ne3A, %ne3A_15 : i1
    %sub3A = arith.constant 1 : i32
    %sub3A_16 = arith.subi %div3A, %sub3A : i32
    %select_n3A = arith.select %and3A, %sub3A_16, %div3A : i32
    %jit3A_17 = arith.constant 4 : i32
    %eq3A = arith.constant 0 : i32
    %eq3A_18 = arith.cmpi eq, %jit3A_17, %eq3A : i32
    %jit3A_19 = arith.constant 1 : i32
    %select_n3A_20 = arith.select %eq3A_18, %jit3A_19, %jit3A_17 : i32
    %rem3A_21 = arith.remsi %add3A, %select_n3A_20 : i32
    %ne3A_22 = arith.constant 0 : i32
    %ne3A_23 = arith.cmpi ne, %rem3A_21, %ne3A_22 : i32
    %lt3A = arith.constant 0 : i32
    %lt3A_24 = arith.cmpi slt, %rem3A_21, %lt3A : i32
    %lt3A_25 = arith.constant 0 : i32
    %lt3A_26 = arith.cmpi slt, %select_n3A_20, %lt3A_25 : i32
    %ne3A_27 = arith.xori %lt3A_24, %lt3A_26 : i1
    %and3A_28 = arith.andi %ne3A_27, %ne3A_23 : i1
    %add3A_29 = arith.addi %rem3A_21, %select_n3A_20 : i32
    %select_n3A_30 = arith.select %and3A_28, %add3A_29, %rem3A_21 : i32
    "tpu.region"() ({
      %run_scoped3A = tpu.sem_alloc : memref<!tpu.dma_semaphore, #tpu.memory_space<semaphore_mem>>
      %dma_start3A = arith.constant 0 : i32
      %dma_start3A_33 = arith.constant 0 : i32
      %dma_start3A_34 = tpu.memref_slice %arg2[%select_n3A, %dma_start3A, %dma_start3A_33] : memref<8x8x128xi32, #tpu.memory_space<hbm>> -> memref<1x8x128xi32, #tpu.memory_space<hbm>>
      %dma_start3A_35 = tpu.memref_squeeze %dma_start3A_34 : memref<1x8x128xi32, #tpu.memory_space<hbm>> -> memref<8x128xi32, #tpu.memory_space<hbm>>
      %dma_start3A_36 = arith.constant 0 : i32
      %dma_start3A_37 = arith.constant 0 : i32
      %dma_start3A_38 = tpu.memref_slice %arg2[%select_n3A, %dma_start3A_36, %dma_start3A_37] : memref<8x8x128xi32, #tpu.memory_space<hbm>> -> memref<1x8x128xi32, #tpu.memory_space<hbm>>
      %dma_start3A_39 = tpu.memref_squeeze %dma_start3A_38 : memref<1x8x128xi32, #tpu.memory_space<hbm>> -> memref<8x128xi32, #tpu.memory_space<hbm>>
      tpu.enqueue_dma source(%dma_start3A_39 : memref<8x128xi32, #tpu.memory_space<hbm>>) target(%arg5 : memref<8x128xi32, #tpu.memory_space<vmem>>) target_semaphore(%run_scoped3A : memref<!tpu.dma_semaphore, #tpu.memory_space<semaphore_mem>>)
      %dma_wait3A = arith.constant 0 : i32
      %dma_wait3A_40 = arith.constant 0 : i32
      %dma_wait3A_41 = tpu.memref_slice %arg2[%select_n3A, %dma_wait3A, %dma_wait3A_40] : memref<8x8x128xi32, #tpu.memory_space<hbm>> -> memref<1x8x128xi32, #tpu.memory_space<hbm>>
      %dma_wait3A_42 = tpu.memref_squeeze %dma_wait3A_41 : memref<1x8x128xi32, #tpu.memory_space<hbm>> -> memref<8x128xi32, #tpu.memory_space<hbm>>
      %dma_wait3A_43 = arith.constant 0 : i32
      %dma_wait3A_44 = arith.constant 0 : i32
      %dma_wait3A_45 = tpu.memref_slice %arg2[%select_n3A, %dma_wait3A_43, %dma_wait3A_44] : memref<8x8x128xi32, #tpu.memory_space<hbm>> -> memref<1x8x128xi32, #tpu.memory_space<hbm>>
      %dma_wait3A_46 = tpu.memref_squeeze %dma_wait3A_45 : memref<1x8x128xi32, #tpu.memory_space<hbm>> -> memref<8x128xi32, #tpu.memory_space<hbm>>
      tpu.wait_dma2 semaphore(%run_scoped3A : memref<!tpu.dma_semaphore, #tpu.memory_space<semaphore_mem>>) src(%dma_wait3A_46 : memref<8x128xi32, #tpu.memory_space<hbm>>) dst(%arg5 : memref<8x128xi32, #tpu.memory_space<vmem>>)
      tpu.yield
    }) : () -> ()
    %mul3A_31 = arith.constant 256 : i32
    %mul3A_32 = arith.muli %select_n3A_30, %mul3A_31 : i32
    "tpu.region"() ({
      %run_scoped3A = tpu.sem_alloc : memref<!tpu.dma_semaphore, #tpu.memory_space<semaphore_mem>>
      %dma_start3A = arith.constant 0 : i32
      %dma_start3A_33 = tpu.memref_slice %arg4[%select_n3A, %mul3A_32, %dma_start3A] : memref<8x1024x128xf32, #tpu.memory_space<hbm>> -> memref<1x256x128xf32, #tpu.memory_space<hbm>>
      %dma_start3A_34 = tpu.memref_squeeze %dma_start3A_33 : memref<1x256x128xf32, #tpu.memory_space<hbm>> -> memref<256x128xf32, #tpu.memory_space<hbm>>
      %dma_start3A_35 = arith.constant 0 : i32
      %dma_start3A_36 = tpu.memref_slice %arg4[%select_n3A, %mul3A_32, %dma_start3A_35] : memref<8x1024x128xf32, #tpu.memory_space<hbm>> -> memref<1x256x128xf32, #tpu.memory_space<hbm>>
      %dma_start3A_37 = tpu.memref_squeeze %dma_start3A_36 : memref<1x256x128xf32, #tpu.memory_space<hbm>> -> memref<256x128xf32, #tpu.memory_space<hbm>>
      tpu.enqueue_dma source(%arg6 : memref<256x128xf32, #tpu.memory_space<vmem>>) target(%dma_start3A_37 : memref<256x128xf32, #tpu.memory_space<hbm>>) target_semaphore(%run_scoped3A : memref<!tpu.dma_semaphore, #tpu.memory_space<semaphore_mem>>)
      %dma_wait3A = arith.constant 0 : i32
      %dma_wait3A_38 = tpu.memref_slice %arg4[%select_n3A, %mul3A_32, %dma_wait3A] : memref<8x1024x128xf32, #tpu.memory_space<hbm>> -> memref<1x256x128xf32, #tpu.memory_space<hbm>>
      %dma_wait3A_39 = tpu.memref_squeeze %dma_wait3A_38 : memref<1x256x128xf32, #tpu.memory_space<hbm>> -> memref<256x128xf32, #tpu.memory_space<hbm>>
      %dma_wait3A_40 = arith.constant 0 : i32
      %dma_wait3A_41 = tpu.memref_slice %arg4[%select_n3A, %mul3A_32, %dma_wait3A_40] : memref<8x1024x128xf32, #tpu.memory_space<hbm>> -> memref<1x256x128xf32, #tpu.memory_space<hbm>>
      %dma_wait3A_42 = tpu.memref_squeeze %dma_wait3A_41 : memref<1x256x128xf32, #tpu.memory_space<hbm>> -> memref<256x128xf32, #tpu.memory_space<hbm>>
      tpu.wait_dma2 semaphore(%run_scoped3A : memref<!tpu.dma_semaphore, #tpu.memory_space<semaphore_mem>>) src(%arg6 : memref<256x128xf32, #tpu.memory_space<vmem>>) dst(%dma_wait3A_42 : memref<256x128xf32, #tpu.memory_space<hbm>>)
      tpu.yield
    }) : () -> ()
    return
  }
}

module attributes {stable_mosaic.version = 14 : i64} {
  func.func @_prep_body(%arg0: i32, %arg1: memref<1x1x1024xf32, #tpu.memory_space<vmem>>, %arg2: memref<1x1x1024xi32, #tpu.memory_space<vmem>>, %arg3: memref<1x1x16xi32, #tpu.memory_space<vmem>>) attributes {dimension_semantics = [#tpu.dimension_semantics<arbitrary>], iteration_bounds = array<i64: 8>, scalar_prefetch = 0 : i64, scratch_operands = 0 : i64, tpu.core_type = #tpu.core_type<tc>, window_params = [{transform_indices = @transform_0, window_bounds = array<i64: 1, 1, 1024>}, {transform_indices = @transform_1, window_bounds = array<i64: 1, 1, 1024>}, {transform_indices = @transform_2, window_bounds = array<i64: 1, 1, 16>}]} {
    %get3A = arith.constant 0 : index
    %get3A_0 = arith.constant 0 : index
    %get3A_1 = arith.constant 0 : index
    %get3A_2 = vector.load %arg1[%get3A, %get3A_0, %get3A_1] : memref<1x1x1024xf32, #tpu.memory_space<vmem>>, vector<1x1x1024xf32>
    %get3A_3 = vector.shape_cast %get3A_2 : vector<1x1x1024xf32> to vector<1024xf32>
    %iota3A = tpu.iota {dimensions = array<i32: 0>} : vector<1024x1024xi32>
    %iota3A_4 = tpu.iota {dimensions = array<i32: 1>} : vector<1024x1024xi32>
    %lt3A = arith.cmpi slt, %iota3A, %iota3A_4 : vector<1024x1024xi32>
    %convert_element_type3A = arith.extui %lt3A : vector<1024x1024xi1> to vector<1024x1024xi32>
    %convert_element_type3A_5 = arith.sitofp %convert_element_type3A : vector<1024x1024xi32> to vector<1024x1024xf32>
    %broadcast_in_dim3A = vector.shape_cast %get3A_3 : vector<1024xf32> to vector<1x1024xf32>
    %dot_general3A = arith.constant dense<0.000000e+00> : vector<1x1024xf32>
    %dot_general3A_6 = tpu.matmul %broadcast_in_dim3A, %convert_element_type3A_5, %dot_general3A {dimension_numbers = #tpu.dot_dimension_numbers<[1], [0], [0], [1], [0, 0, 1, 1], [], []>, precision = #tpu.contract_precision<fp32>, transpose_lhs_hint = false} : vector<1x1024xf32>, vector<1024x1024xf32>, vector<1x1024xf32> -> vector<1x1024xf32>
    %squeeze3A = vector.shape_cast %dot_general3A_6 : vector<1x1024xf32> to vector<1024xf32>
    %broadcast_in_dim3A_7 = vector.shape_cast %squeeze3A : vector<1024xf32> to vector<1024x1xf32>
    %convert_element_type3A_8 = arith.sitofp %iota3A_4 : vector<1024x1024xi32> to vector<1024x1024xf32>
    %eq3A = vector.broadcast %broadcast_in_dim3A_7 : vector<1024x1xf32> to vector<1024x1024xf32>
    %eq3A_9 = arith.cmpf oeq, %eq3A, %convert_element_type3A_8 : vector<1024x1024xf32>
    %broadcast_in_dim3A_10 = vector.shape_cast %get3A_3 : vector<1024xf32> to vector<1024x1xf32>
    %gt3A = arith.constant 0.000000e+00 : f32
    %gt3A_11 = vector.broadcast %gt3A : f32 to vector<1024x1xf32>
    %gt3A_12 = arith.cmpf ogt, %broadcast_in_dim3A_10, %gt3A_11 : vector<1024x1xf32>
    %and3A = vector.broadcast %gt3A_12 : vector<1024x1xi1> to vector<1024x1024xi1>
    %and3A_13 = arith.andi %eq3A_9, %and3A : vector<1024x1024xi1>
    %jit3A = arith.constant 1.000000e+00 : f32
    %jit3A_14 = arith.constant 0.000000e+00 : f32
    %broadcast_in_dim3A_15 = vector.broadcast %jit3A : f32 to vector<1024x1024xf32>
    %broadcast_in_dim3A_16 = vector.broadcast %jit3A_14 : f32 to vector<1024x1024xf32>
    %select_n3A = arith.select %and3A_13, %broadcast_in_dim3A_15, %broadcast_in_dim3A_16 : vector<1024x1024xi1>, vector<1024x1024xf32>
    %iota3A_17 = tpu.iota {dimensions = array<i32: 1>} : vector<1x1024xi32>
    %iota3A_18 = vector.shape_cast %iota3A_17 : vector<1x1024xi32> to vector<1024xi32>
    %convert_element_type3A_19 = arith.sitofp %iota3A_18 : vector<1024xi32> to vector<1024xf32>
    %broadcast_in_dim3A_20 = vector.shape_cast %convert_element_type3A_19 : vector<1024xf32> to vector<1x1024xf32>
    %dot_general3A_21 = arith.constant dense<0.000000e+00> : vector<1x1024xf32>
    %dot_general3A_22 = tpu.matmul %broadcast_in_dim3A_20, %select_n3A, %dot_general3A_21 {dimension_numbers = #tpu.dot_dimension_numbers<[1], [0], [0], [1], [0, 0, 1, 1], [], []>, precision = #tpu.contract_precision<fp32>, transpose_lhs_hint = false} : vector<1x1024xf32>, vector<1024x1024xf32>, vector<1x1024xf32> -> vector<1x1024xf32>
    %squeeze3A_23 = vector.shape_cast %dot_general3A_22 : vector<1x1024xf32> to vector<1024xf32>
    %reduce_sum3A = vector.shape_cast %get3A_3 : vector<1024xf32> to vector<1x1024xf32>
    %reduce_sum3A_24 = arith.constant dense<0.000000e+00> : vector<1xf32>
    %reduce_sum3A_25 = vector.multi_reduction <add>, %reduce_sum3A, %reduce_sum3A_24 [1] : vector<1x1024xf32> to vector<1xf32>
    %reduce_sum3A_26 = vector.shape_cast %reduce_sum3A_25 : vector<1xf32> to vector<1x1xf32>
    %reduce_sum3A_27 = vector.extract %reduce_sum3A_26[0, 0] : f32 from vector<1x1xf32>
    %lt3A_28 = vector.broadcast %reduce_sum3A_27 : f32 to vector<1024xf32>
    %lt3A_29 = arith.cmpf olt, %convert_element_type3A_19, %lt3A_28 : vector<1024xf32>
    %jit3A_30 = arith.constant 1.000000e+03 : f32
    %broadcast_in_dim3A_31 = vector.broadcast %jit3A_30 : f32 to vector<1024xf32>
    %select_n3A_32 = arith.select %lt3A_29, %squeeze3A_23, %broadcast_in_dim3A_31 : vector<1024xi1>, vector<1024xf32>
    %convert_element_type3A_33 = arith.fptosi %select_n3A_32 : vector<1024xf32> to vector<1024xi32>
    %swap3A = arith.constant 0 : index
    %swap3A_34 = arith.constant 0 : index
    %swap3A_35 = arith.constant 0 : index
    %swap3A_36 = vector.load %arg2[%swap3A, %swap3A_34, %swap3A_35] : memref<1x1x1024xi32, #tpu.memory_space<vmem>>, vector<1x1x1024xi32>
    %swap3A_37 = vector.shape_cast %swap3A_36 : vector<1x1x1024xi32> to vector<1024xi32>
    %swap3A_38 = vector.shape_cast %convert_element_type3A_33 : vector<1024xi32> to vector<1x1x1024xi32>
    tpu.vector_store %arg2[%swap3A, %swap3A_34, %swap3A_35], %swap3A_38 {strides = array<i32>} : memref<1x1x1024xi32, #tpu.memory_space<vmem>>, vector<1x1x1024xi32>,
    %broadcast_in_dim3A_39 = vector.broadcast %reduce_sum3A_27 : f32 to vector<16xf32>
    %convert_element_type3A_40 = arith.fptosi %broadcast_in_dim3A_39 : vector<16xf32> to vector<16xi32>
    %swap3A_41 = arith.constant 0 : index
    %swap3A_42 = arith.constant 0 : index
    %swap3A_43 = arith.constant 0 : index
    %swap3A_44 = vector.load %arg3[%swap3A_41, %swap3A_42, %swap3A_43] : memref<1x1x16xi32, #tpu.memory_space<vmem>>, vector<1x1x16xi32>
    %swap3A_45 = vector.shape_cast %swap3A_44 : vector<1x1x16xi32> to vector<16xi32>
    %swap3A_46 = vector.shape_cast %convert_element_type3A_40 : vector<16xi32> to vector<1x1x16xi32>
    tpu.vector_store %arg3[%swap3A_41, %swap3A_42, %swap3A_43], %swap3A_46 {strides = array<i32>} : memref<1x1x16xi32, #tpu.memory_space<vmem>>, vector<1x1x16xi32>,
    return
  }
  func.func @transform_0(%arg0: i32) -> (i32, i32, i32) {
    %c0_i32 = arith.constant 0 : i32
    %c0_i32_0 = arith.constant 0 : i32
    %c0_i32_1 = arith.constant 0 : i32
    return %arg0, %c0_i32, %c0_i32_0 : i32, i32, i32
  }
  func.func @transform_1(%arg0: i32) -> (i32, i32, i32) {
    %c0_i32 = arith.constant 0 : i32
    %c0_i32_0 = arith.constant 0 : i32
    %c0_i32_1 = arith.constant 0 : i32
    return %arg0, %c0_i32, %c0_i32_0 : i32, i32, i32
  }
  func.func @transform_2(%arg0: i32) -> (i32, i32, i32) {
    %c0_i32 = arith.constant 0 : i32
    %c0_i32_0 = arith.constant 0 : i32
    %c0_i32_1 = arith.constant 0 : i32
    return %arg0, %c0_i32, %c0_i32_0 : i32, i32, i32
  }
}

module attributes {stable_mosaic.version = 14 : i64} {
  func.func @_finale_body(%arg0: memref<8x1x1024xf32, #tpu.memory_space<vmem>>, %arg1: memref<1024x32xf32, #tpu.memory_space<vmem>>, %arg2: memref<1024x32xf32, #tpu.memory_space<vmem>>, %arg3: memref<32xf32, #tpu.memory_space<vmem>>, %arg4: memref<32x32xf32, #tpu.memory_space<vmem>>, %arg5: memref<32xf32, #tpu.memory_space<vmem>>, %arg6: memref<4x64xf32, #tpu.memory_space<vmem>>, %arg7: memref<8x1x32xf32, #tpu.memory_space<vmem>>, %arg8: memref<4x32xf32, #tpu.memory_space<vmem>>) attributes {dimension_semantics = [], scalar_prefetch = 0 : i64, scratch_operands = 0 : i64, tpu.core_type = #tpu.core_type<tc>} {
    %get3A = arith.constant 0 : index
    %get3A_0 = arith.constant 0 : index
    %get3A_1 = arith.constant 0 : index
    %get3A_2 = vector.load %arg0[%get3A, %get3A_0, %get3A_1] : memref<8x1x1024xf32, #tpu.memory_space<vmem>>, vector<1x1x1024xf32>
    %get3A_3 = vector.shape_cast %get3A_2 : vector<1x1x1024xf32> to vector<1024xf32>
    %get3A_4 = arith.constant 4 : index
    %get3A_5 = arith.constant 0 : index
    %get3A_6 = arith.constant 0 : index
    %get3A_7 = vector.load %arg0[%get3A_4, %get3A_5, %get3A_6] : memref<8x1x1024xf32, #tpu.memory_space<vmem>>, vector<1x1x1024xf32>
    %get3A_8 = vector.shape_cast %get3A_7 : vector<1x1x1024xf32> to vector<1024xf32>
    %add3A = arith.addf %get3A_3, %get3A_8 : vector<1024xf32>
    %jit3A = arith.constant 0.000000e+00 : f32
    %jit3A_9 = arith.constant 1.000000e+00 : f32
    %max3A = vector.broadcast %jit3A : f32 to vector<1024xf32>
    %max3A_10 = arith.maximumf %max3A, %add3A : vector<1024xf32>
    %min3A = vector.broadcast %jit3A_9 : f32 to vector<1024xf32>
    %min3A_11 = arith.minimumf %min3A, %max3A_10 : vector<1024xf32>
    %broadcast_in_dim3A = vector.shape_cast %min3A_11 : vector<1024xf32> to vector<1024x1xf32>
    %get3A_12 = arith.constant 0 : index
    %get3A_13 = arith.constant 0 : index
    %get3A_14 = vector.load %arg1[%get3A_12, %get3A_13] : memref<1024x32xf32, #tpu.memory_space<vmem>>, vector<1024x32xf32>
    %mul3A = vector.broadcast %broadcast_in_dim3A : vector<1024x1xf32> to vector<1024x32xf32>
    %mul3A_15 = arith.mulf %mul3A, %get3A_14 : vector<1024x32xf32>
    %get3A_16 = arith.constant 0 : index
    %get3A_17 = arith.constant 0 : index
    %get3A_18 = vector.load %arg2[%get3A_16, %get3A_17] : memref<1024x32xf32, #tpu.memory_space<vmem>>, vector<1024x32xf32>
    %dot_general3A = arith.constant dense<0.000000e+00> : vector<32x32xf32>
    %dot_general3A_19 = tpu.matmul %mul3A_15, %get3A_18, %dot_general3A {dimension_numbers = #tpu.dot_dimension_numbers<[0], [0], [1], [1], [0, 1, 1, 1], [], []>, transpose_lhs_hint = false} : vector<1024x32xf32>, vector<1024x32xf32>, vector<32x32xf32> -> vector<32x32xf32>
    %get3A_20 = arith.constant 0 : index
    %get3A_21 = vector.load %arg3[%get3A_20] : memref<32xf32, #tpu.memory_space<vmem>>, vector<32xf32>
    %broadcast_in_dim3A_22 = vector.shape_cast %get3A_21 : vector<32xf32> to vector<1x32xf32>
    %add3A_23 = vector.broadcast %broadcast_in_dim3A_22 : vector<1x32xf32> to vector<32x32xf32>
    %add3A_24 = arith.addf %dot_general3A_19, %add3A_23 : vector<32x32xf32>
    %gt3A = arith.constant 0.000000e+00 : f32
    %gt3A_25 = vector.broadcast %gt3A : f32 to vector<32x32xf32>
    %gt3A_26 = arith.cmpf ogt, %add3A_24, %gt3A_25 : vector<32x32xf32>
    %min3A_27 = arith.constant 0.000000e+00 : f32
    %min3A_28 = vector.broadcast %min3A_27 : f32 to vector<32x32xf32>
    %min3A_29 = arith.minimumf %add3A_24, %min3A_28 : vector<32x32xf32>
    %exp3A = math.exp %min3A_29 : vector<32x32xf32>
    %sub3A = arith.constant 1.000000e+00 : f32
    %sub3A_30 = vector.broadcast %sub3A : f32 to vector<32x32xf32>
    %sub3A_31 = arith.subf %exp3A, %sub3A_30 : vector<32x32xf32>
    %select_n3A = arith.select %gt3A_26, %add3A_24, %sub3A_31 : vector<32x32xi1>, vector<32x32xf32>
    %reduce_max3A = arith.constant dense<0xFF800000> : vector<32xf32>
    %reduce_max3A_32 = vector.multi_reduction <maximumf>, %select_n3A, %reduce_max3A [1] : vector<32x32xf32> to vector<32xf32>
    %broadcast_in_dim3A_33 = vector.shape_cast %reduce_max3A_32 : vector<32xf32> to vector<32x1xf32>
    %get3A_34 = arith.constant 0 : index
    %get3A_35 = arith.constant 0 : index
    %get3A_36 = vector.load %arg4[%get3A_34, %get3A_35] : memref<32x32xf32, #tpu.memory_space<vmem>>, vector<32x32xf32>
    %mul3A_37 = vector.broadcast %broadcast_in_dim3A_33 : vector<32x1xf32> to vector<32x32xf32>
    %mul3A_38 = arith.mulf %mul3A_37, %get3A_36 : vector<32x32xf32>
    %reduce_sum3A = arith.constant dense<0.000000e+00> : vector<32xf32>
    %reduce_sum3A_39 = vector.multi_reduction <add>, %mul3A_38, %reduce_sum3A [0] : vector<32x32xf32> to vector<32xf32>
    %get3A_40 = arith.constant 0 : index
    %get3A_41 = vector.load %arg5[%get3A_40] : memref<32xf32, #tpu.memory_space<vmem>>, vector<32xf32>
    %add3A_42 = arith.addf %reduce_sum3A_39, %get3A_41 : vector<32xf32>
    %gt3A_43 = arith.constant 0.000000e+00 : f32
    %gt3A_44 = vector.broadcast %gt3A_43 : f32 to vector<32xf32>
    %gt3A_45 = arith.cmpf ogt, %add3A_42, %gt3A_44 : vector<32xf32>
    %min3A_46 = arith.constant 0.000000e+00 : f32
    %min3A_47 = vector.broadcast %min3A_46 : f32 to vector<32xf32>
    %min3A_48 = arith.minimumf %add3A_42, %min3A_47 : vector<32xf32>
    %exp3A_49 = math.exp %min3A_48 : vector<32xf32>
    %sub3A_50 = arith.constant 1.000000e+00 : f32
    %sub3A_51 = vector.broadcast %sub3A_50 : f32 to vector<32xf32>
    %sub3A_52 = arith.subf %exp3A_49, %sub3A_51 : vector<32xf32>
    %select_n3A_53 = arith.select %gt3A_45, %add3A_42, %sub3A_52 : vector<32xi1>, vector<32xf32>
    %get3A_54 = arith.constant 0 : index
    %get3A_55 = arith.constant 0 : index
    %get3A_56 = arith.constant 0 : index
    %get3A_57 = vector.load %arg7[%get3A_54, %get3A_55, %get3A_56] : memref<8x1x32xf32, #tpu.memory_space<vmem>>, vector<1x1x32xf32>
    %get3A_58 = vector.shape_cast %get3A_57 : vector<1x1x32xf32> to vector<1x32xf32>
    %get3A_59 = arith.constant 4 : index
    %get3A_60 = arith.constant 0 : index
    %get3A_61 = arith.constant 0 : index
    %get3A_62 = vector.load %arg7[%get3A_59, %get3A_60, %get3A_61] : memref<8x1x32xf32, #tpu.memory_space<vmem>>, vector<1x1x32xf32>
    %get3A_63 = vector.shape_cast %get3A_62 : vector<1x1x32xf32> to vector<1x32xf32>
    %concatenate3A = tpu.concatenate %get3A_58, %get3A_63 in 0 : vector<1x32xf32>, vector<1x32xf32> -> vector<2x32xf32>
    %broadcast_in_dim3A_64 = arith.constant 0.000000e+00 : f32
    %broadcast_in_dim3A_65 = vector.broadcast %broadcast_in_dim3A_64 : f32 to vector<32xf32>
    %get3A_66 = arith.constant 0 : index
    %get3A_67 = arith.constant 0 : index
    %get3A_68 = vector.load %arg6[%get3A_66, %get3A_67] : memref<4x64xf32, #tpu.memory_space<vmem>>, vector<1x32xf32>
    %get3A_69 = vector.shape_cast %get3A_68 : vector<1x32xf32> to vector<32xf32>
    %broadcast_in_dim3A_70 = vector.shape_cast %get3A_69 : vector<32xf32> to vector<1x32xf32>
    %mul3A_71 = vector.broadcast %broadcast_in_dim3A_70 : vector<1x32xf32> to vector<2x32xf32>
    %mul3A_72 = arith.mulf %concatenate3A, %mul3A_71 : vector<2x32xf32>
    %reduce_sum3A_73 = arith.constant dense<0.000000e+00> : vector<2xf32>
    %reduce_sum3A_74 = vector.multi_reduction <add>, %mul3A_72, %reduce_sum3A_73 [1] : vector<2x32xf32> to vector<2xf32>
    %get3A_75 = arith.constant 0 : index
    %get3A_76 = arith.constant 32 : index
    %get3A_77 = vector.load %arg6[%get3A_75, %get3A_76] : memref<4x64xf32, #tpu.memory_space<vmem>>, vector<1x32xf32>
    %get3A_78 = vector.shape_cast %get3A_77 : vector<1x32xf32> to vector<32xf32>
    %mul3A_79 = arith.mulf %select_n3A_53, %get3A_78 : vector<32xf32>
    %reduce_sum3A_80 = vector.shape_cast %mul3A_79 : vector<32xf32> to vector<1x32xf32>
    %reduce_sum3A_81 = arith.constant dense<0.000000e+00> : vector<1xf32>
    %reduce_sum3A_82 = vector.multi_reduction <add>, %reduce_sum3A_80, %reduce_sum3A_81 [1] : vector<1x32xf32> to vector<1xf32>
    %reduce_sum3A_83 = vector.shape_cast %reduce_sum3A_82 : vector<1xf32> to vector<1x1xf32>
    %reduce_sum3A_84 = vector.extract %reduce_sum3A_83[0, 0] : f32 from vector<1x1xf32>
    %add3A_85 = vector.broadcast %reduce_sum3A_84 : f32 to vector<2xf32>
    %add3A_86 = arith.addf %reduce_sum3A_74, %add3A_85 : vector<2xf32>
    %ge3A = arith.constant 0.000000e+00 : f32
    %ge3A_87 = vector.broadcast %ge3A : f32 to vector<2xf32>
    %ge3A_88 = arith.cmpf oge, %add3A_86, %ge3A_87 : vector<2xf32>
    %mul3A_89 = arith.constant 2.000000e-01 : f32
    %mul3A_90 = vector.broadcast %mul3A_89 : f32 to vector<2xf32>
    %mul3A_91 = arith.mulf %mul3A_90, %add3A_86 : vector<2xf32>
    %select_n3A_92 = arith.select %ge3A_88, %add3A_86, %mul3A_91 : vector<2xi1>, vector<2xf32>
    %reduce_max3A_93 = vector.shape_cast %select_n3A_92 : vector<2xf32> to vector<1x2xf32>
    %reduce_max3A_94 = arith.constant dense<0xFF800000> : vector<1xf32>
    %reduce_max3A_95 = vector.multi_reduction <maximumf>, %reduce_max3A_93, %reduce_max3A_94 [1] : vector<1x2xf32> to vector<1xf32>
    %reduce_max3A_96 = vector.shape_cast %reduce_max3A_95 : vector<1xf32> to vector<1x1xf32>
    %reduce_max3A_97 = vector.extract %reduce_max3A_96[0, 0] : f32 from vector<1x1xf32>
    %sub3A_98 = vector.broadcast %reduce_max3A_97 : f32 to vector<2xf32>
    %sub3A_99 = arith.subf %select_n3A_92, %sub3A_98 : vector<2xf32>
    %exp3A_100 = math.exp %sub3A_99 : vector<2xf32>
    %reduce_sum3A_101 = vector.shape_cast %exp3A_100 : vector<2xf32> to vector<1x2xf32>
    %reduce_sum3A_102 = arith.constant dense<0.000000e+00> : vector<1xf32>
    %reduce_sum3A_103 = vector.multi_reduction <add>, %reduce_sum3A_101, %reduce_sum3A_102 [1] : vector<1x2xf32> to vector<1xf32>
    %reduce_sum3A_104 = vector.shape_cast %reduce_sum3A_103 : vector<1xf32> to vector<1x1xf32>
    %reduce_sum3A_105 = vector.extract %reduce_sum3A_104[0, 0] : f32 from vector<1x1xf32>
    %div3A = vector.broadcast %reduce_sum3A_105 : f32 to vector<2xf32>
    %div3A_106 = arith.divf %exp3A_100, %div3A : vector<2xf32>
    %broadcast_in_dim3A_107 = vector.shape_cast %div3A_106 : vector<2xf32> to vector<2x1xf32>
    %mul3A_108 = vector.broadcast %broadcast_in_dim3A_107 : vector<2x1xf32> to vector<2x32xf32>
    %mul3A_109 = arith.mulf %mul3A_108, %concatenate3A : vector<2x32xf32>
    %reduce_sum3A_110 = arith.constant dense<0.000000e+00> : vector<32xf32>
    %reduce_sum3A_111 = vector.multi_reduction <add>, %mul3A_109, %reduce_sum3A_110 [0] : vector<2x32xf32> to vector<32xf32>
    %add3A_112 = arith.addf %broadcast_in_dim3A_65, %reduce_sum3A_111 : vector<32xf32>
    %get3A_113 = arith.constant 1 : index
    %get3A_114 = arith.constant 0 : index
    %get3A_115 = vector.load %arg6[%get3A_113, %get3A_114] : memref<4x64xf32, #tpu.memory_space<vmem>>, vector<1x32xf32>
    %get3A_116 = vector.shape_cast %get3A_115 : vector<1x32xf32> to vector<32xf32>
    %broadcast_in_dim3A_117 = vector.shape_cast %get3A_116 : vector<32xf32> to vector<1x32xf32>
    %mul3A_118 = vector.broadcast %broadcast_in_dim3A_117 : vector<1x32xf32> to vector<2x32xf32>
    %mul3A_119 = arith.mulf %concatenate3A, %mul3A_118 : vector<2x32xf32>
    %reduce_sum3A_120 = arith.constant dense<0.000000e+00> : vector<2xf32>
    %reduce_sum3A_121 = vector.multi_reduction <add>, %mul3A_119, %reduce_sum3A_120 [1] : vector<2x32xf32> to vector<2xf32>
    %get3A_122 = arith.constant 1 : index
    %get3A_123 = arith.constant 32 : index
    %get3A_124 = vector.load %arg6[%get3A_122, %get3A_123] : memref<4x64xf32, #tpu.memory_space<vmem>>, vector<1x32xf32>
    %get3A_125 = vector.shape_cast %get3A_124 : vector<1x32xf32> to vector<32xf32>
    %mul3A_126 = arith.mulf %select_n3A_53, %get3A_125 : vector<32xf32>
    %reduce_sum3A_127 = vector.shape_cast %mul3A_126 : vector<32xf32> to vector<1x32xf32>
    %reduce_sum3A_128 = arith.constant dense<0.000000e+00> : vector<1xf32>
    %reduce_sum3A_129 = vector.multi_reduction <add>, %reduce_sum3A_127, %reduce_sum3A_128 [1] : vector<1x32xf32> to vector<1xf32>
    %reduce_sum3A_130 = vector.shape_cast %reduce_sum3A_129 : vector<1xf32> to vector<1x1xf32>
    %reduce_sum3A_131 = vector.extract %reduce_sum3A_130[0, 0] : f32 from vector<1x1xf32>
    %add3A_132 = vector.broadcast %reduce_sum3A_131 : f32 to vector<2xf32>
    %add3A_133 = arith.addf %reduce_sum3A_121, %add3A_132 : vector<2xf32>
    %ge3A_134 = arith.constant 0.000000e+00 : f32
    %ge3A_135 = vector.broadcast %ge3A_134 : f32 to vector<2xf32>
    %ge3A_136 = arith.cmpf oge, %add3A_133, %ge3A_135 : vector<2xf32>
    %mul3A_137 = arith.constant 2.000000e-01 : f32
    %mul3A_138 = vector.broadcast %mul3A_137 : f32 to vector<2xf32>
    %mul3A_139 = arith.mulf %mul3A_138, %add3A_133 : vector<2xf32>
    %select_n3A_140 = arith.select %ge3A_136, %add3A_133, %mul3A_139 : vector<2xi1>, vector<2xf32>
    %reduce_max3A_141 = vector.shape_cast %select_n3A_140 : vector<2xf32> to vector<1x2xf32>
    %reduce_max3A_142 = arith.constant dense<0xFF800000> : vector<1xf32>
    %reduce_max3A_143 = vector.multi_reduction <maximumf>, %reduce_max3A_141, %reduce_max3A_142 [1] : vector<1x2xf32> to vector<1xf32>
    %reduce_max3A_144 = vector.shape_cast %reduce_max3A_143 : vector<1xf32> to vector<1x1xf32>
    %reduce_max3A_145 = vector.extract %reduce_max3A_144[0, 0] : f32 from vector<1x1xf32>
    %sub3A_146 = vector.broadcast %reduce_max3A_145 : f32 to vector<2xf32>
    %sub3A_147 = arith.subf %select_n3A_140, %sub3A_146 : vector<2xf32>
    %exp3A_148 = math.exp %sub3A_147 : vector<2xf32>
    %reduce_sum3A_149 = vector.shape_cast %exp3A_148 : vector<2xf32> to vector<1x2xf32>
    %reduce_sum3A_150 = arith.constant dense<0.000000e+00> : vector<1xf32>
    %reduce_sum3A_151 = vector.multi_reduction <add>, %reduce_sum3A_149, %reduce_sum3A_150 [1] : vector<1x2xf32> to vector<1xf32>
    %reduce_sum3A_152 = vector.shape_cast %reduce_sum3A_151 : vector<1xf32> to vector<1x1xf32>
    %reduce_sum3A_153 = vector.extract %reduce_sum3A_152[0, 0] : f32 from vector<1x1xf32>
    %div3A_154 = vector.broadcast %reduce_sum3A_153 : f32 to vector<2xf32>
    %div3A_155 = arith.divf %exp3A_148, %div3A_154 : vector<2xf32>
    %broadcast_in_dim3A_156 = vector.shape_cast %div3A_155 : vector<2xf32> to vector<2x1xf32>
    %mul3A_157 = vector.broadcast %broadcast_in_dim3A_156 : vector<2x1xf32> to vector<2x32xf32>
    %mul3A_158 = arith.mulf %mul3A_157, %concatenate3A : vector<2x32xf32>
    %reduce_sum3A_159 = arith.constant dense<0.000000e+00> : vector<32xf32>
    %reduce_sum3A_160 = vector.multi_reduction <add>, %mul3A_158, %reduce_sum3A_159 [0] : vector<2x32xf32> to vector<32xf32>
    %add3A_161 = arith.addf %add3A_112, %reduce_sum3A_160 : vector<32xf32>
    %get3A_162 = arith.constant 2 : index
    %get3A_163 = arith.constant 0 : index
    %get3A_164 = vector.load %arg6[%get3A_162, %get3A_163] : memref<4x64xf32, #tpu.memory_space<vmem>>, vector<1x32xf32>
    %get3A_165 = vector.shape_cast %get3A_164 : vector<1x32xf32> to vector<32xf32>
    %broadcast_in_dim3A_166 = vector.shape_cast %get3A_165 : vector<32xf32> to vector<1x32xf32>
    %mul3A_167 = vector.broadcast %broadcast_in_dim3A_166 : vector<1x32xf32> to vector<2x32xf32>
    %mul3A_168 = arith.mulf %concatenate3A, %mul3A_167 : vector<2x32xf32>
    %reduce_sum3A_169 = arith.constant dense<0.000000e+00> : vector<2xf32>
    %reduce_sum3A_170 = vector.multi_reduction <add>, %mul3A_168, %reduce_sum3A_169 [1] : vector<2x32xf32> to vector<2xf32>
    %get3A_171 = arith.constant 2 : index
    %get3A_172 = arith.constant 32 : index
    %get3A_173 = vector.load %arg6[%get3A_171, %get3A_172] : memref<4x64xf32, #tpu.memory_space<vmem>>, vector<1x32xf32>
    %get3A_174 = vector.shape_cast %get3A_173 : vector<1x32xf32> to vector<32xf32>
    %mul3A_175 = arith.mulf %select_n3A_53, %get3A_174 : vector<32xf32>
    %reduce_sum3A_176 = vector.shape_cast %mul3A_175 : vector<32xf32> to vector<1x32xf32>
    %reduce_sum3A_177 = arith.constant dense<0.000000e+00> : vector<1xf32>
    %reduce_sum3A_178 = vector.multi_reduction <add>, %reduce_sum3A_176, %reduce_sum3A_177 [1] : vector<1x32xf32> to vector<1xf32>
    %reduce_sum3A_179 = vector.shape_cast %reduce_sum3A_178 : vector<1xf32> to vector<1x1xf32>
    %reduce_sum3A_180 = vector.extract %reduce_sum3A_179[0, 0] : f32 from vector<1x1xf32>
    %add3A_181 = vector.broadcast %reduce_sum3A_180 : f32 to vector<2xf32>
    %add3A_182 = arith.addf %reduce_sum3A_170, %add3A_181 : vector<2xf32>
    %ge3A_183 = arith.constant 0.000000e+00 : f32
    %ge3A_184 = vector.broadcast %ge3A_183 : f32 to vector<2xf32>
    %ge3A_185 = arith.cmpf oge, %add3A_182, %ge3A_184 : vector<2xf32>
    %mul3A_186 = arith.constant 2.000000e-01 : f32
    %mul3A_187 = vector.broadcast %mul3A_186 : f32 to vector<2xf32>
    %mul3A_188 = arith.mulf %mul3A_187, %add3A_182 : vector<2xf32>
    %select_n3A_189 = arith.select %ge3A_185, %add3A_182, %mul3A_188 : vector<2xi1>, vector<2xf32>
    %reduce_max3A_190 = vector.shape_cast %select_n3A_189 : vector<2xf32> to vector<1x2xf32>
    %reduce_max3A_191 = arith.constant dense<0xFF800000> : vector<1xf32>
    %reduce_max3A_192 = vector.multi_reduction <maximumf>, %reduce_max3A_190, %reduce_max3A_191 [1] : vector<1x2xf32> to vector<1xf32>
    %reduce_max3A_193 = vector.shape_cast %reduce_max3A_192 : vector<1xf32> to vector<1x1xf32>
    %reduce_max3A_194 = vector.extract %reduce_max3A_193[0, 0] : f32 from vector<1x1xf32>
    %sub3A_195 = vector.broadcast %reduce_max3A_194 : f32 to vector<2xf32>
    %sub3A_196 = arith.subf %select_n3A_189, %sub3A_195 : vector<2xf32>
    %exp3A_197 = math.exp %sub3A_196 : vector<2xf32>
    %reduce_sum3A_198 = vector.shape_cast %exp3A_197 : vector<2xf32> to vector<1x2xf32>
    %reduce_sum3A_199 = arith.constant dense<0.000000e+00> : vector<1xf32>
    %reduce_sum3A_200 = vector.multi_reduction <add>, %reduce_sum3A_198, %reduce_sum3A_199 [1] : vector<1x2xf32> to vector<1xf32>
    %reduce_sum3A_201 = vector.shape_cast %reduce_sum3A_200 : vector<1xf32> to vector<1x1xf32>
    %reduce_sum3A_202 = vector.extract %reduce_sum3A_201[0, 0] : f32 from vector<1x1xf32>
    %div3A_203 = vector.broadcast %reduce_sum3A_202 : f32 to vector<2xf32>
    %div3A_204 = arith.divf %exp3A_197, %div3A_203 : vector<2xf32>
    %broadcast_in_dim3A_205 = vector.shape_cast %div3A_204 : vector<2xf32> to vector<2x1xf32>
    %mul3A_206 = vector.broadcast %broadcast_in_dim3A_205 : vector<2x1xf32> to vector<2x32xf32>
    %mul3A_207 = arith.mulf %mul3A_206, %concatenate3A : vector<2x32xf32>
    %reduce_sum3A_208 = arith.constant dense<0.000000e+00> : vector<32xf32>
    %reduce_sum3A_209 = vector.multi_reduction <add>, %mul3A_207, %reduce_sum3A_208 [0] : vector<2x32xf32> to vector<32xf32>
    %add3A_210 = arith.addf %add3A_161, %reduce_sum3A_209 : vector<32xf32>
    %get3A_211 = arith.constant 3 : index
    %get3A_212 = arith.constant 0 : index
    %get3A_213 = vector.load %arg6[%get3A_211, %get3A_212] : memref<4x64xf32, #tpu.memory_space<vmem>>, vector<1x32xf32>
    %get3A_214 = vector.shape_cast %get3A_213 : vector<1x32xf32> to vector<32xf32>
    %broadcast_in_dim3A_215 = vector.shape_cast %get3A_214 : vector<32xf32> to vector<1x32xf32>
    %mul3A_216 = vector.broadcast %broadcast_in_dim3A_215 : vector<1x32xf32> to vector<2x32xf32>
    %mul3A_217 = arith.mulf %concatenate3A, %mul3A_216 : vector<2x32xf32>
    %reduce_sum3A_218 = arith.constant dense<0.000000e+00> : vector<2xf32>
    %reduce_sum3A_219 = vector.multi_reduction <add>, %mul3A_217, %reduce_sum3A_218 [1] : vector<2x32xf32> to vector<2xf32>
    %get3A_220 = arith.constant 3 : index
    %get3A_221 = arith.constant 32 : index
    %get3A_222 = vector.load %arg6[%get3A_220, %get3A_221] : memref<4x64xf32, #tpu.memory_space<vmem>>, vector<1x32xf32>
    %get3A_223 = vector.shape_cast %get3A_222 : vector<1x32xf32> to vector<32xf32>
    %mul3A_224 = arith.mulf %select_n3A_53, %get3A_223 : vector<32xf32>
    %reduce_sum3A_225 = vector.shape_cast %mul3A_224 : vector<32xf32> to vector<1x32xf32>
    %reduce_sum3A_226 = arith.constant dense<0.000000e+00> : vector<1xf32>
    %reduce_sum3A_227 = vector.multi_reduction <add>, %reduce_sum3A_225, %reduce_sum3A_226 [1] : vector<1x32xf32> to vector<1xf32>
    %reduce_sum3A_228 = vector.shape_cast %reduce_sum3A_227 : vector<1xf32> to vector<1x1xf32>
    %reduce_sum3A_229 = vector.extract %reduce_sum3A_228[0, 0] : f32 from vector<1x1xf32>
    %add3A_230 = vector.broadcast %reduce_sum3A_229 : f32 to vector<2xf32>
    %add3A_231 = arith.addf %reduce_sum3A_219, %add3A_230 : vector<2xf32>
    %ge3A_232 = arith.constant 0.000000e+00 : f32
    %ge3A_233 = vector.broadcast %ge3A_232 : f32 to vector<2xf32>
    %ge3A_234 = arith.cmpf oge, %add3A_231, %ge3A_233 : vector<2xf32>
    %mul3A_235 = arith.constant 2.000000e-01 : f32
    %mul3A_236 = vector.broadcast %mul3A_235 : f32 to vector<2xf32>
    %mul3A_237 = arith.mulf %mul3A_236, %add3A_231 : vector<2xf32>
    %select_n3A_238 = arith.select %ge3A_234, %add3A_231, %mul3A_237 : vector<2xi1>, vector<2xf32>
    %reduce_max3A_239 = vector.shape_cast %select_n3A_238 : vector<2xf32> to vector<1x2xf32>
    %reduce_max3A_240 = arith.constant dense<0xFF800000> : vector<1xf32>
    %reduce_max3A_241 = vector.multi_reduction <maximumf>, %reduce_max3A_239, %reduce_max3A_240 [1] : vector<1x2xf32> to vector<1xf32>
    %reduce_max3A_242 = vector.shape_cast %reduce_max3A_241 : vector<1xf32> to vector<1x1xf32>
    %reduce_max3A_243 = vector.extract %reduce_max3A_242[0, 0] : f32 from vector<1x1xf32>
    %sub3A_244 = vector.broadcast %reduce_max3A_243 : f32 to vector<2xf32>
    %sub3A_245 = arith.subf %select_n3A_238, %sub3A_244 : vector<2xf32>
    %exp3A_246 = math.exp %sub3A_245 : vector<2xf32>
    %reduce_sum3A_247 = vector.shape_cast %exp3A_246 : vector<2xf32> to vector<1x2xf32>
    %reduce_sum3A_248 = arith.constant dense<0.000000e+00> : vector<1xf32>
    %reduce_sum3A_249 = vector.multi_reduction <add>, %reduce_sum3A_247, %reduce_sum3A_248 [1] : vector<1x2xf32> to vector<1xf32>
    %reduce_sum3A_250 = vector.shape_cast %reduce_sum3A_249 : vector<1xf32> to vector<1x1xf32>
    %reduce_sum3A_251 = vector.extract %reduce_sum3A_250[0, 0] : f32 from vector<1x1xf32>
    %div3A_252 = vector.broadcast %reduce_sum3A_251 : f32 to vector<2xf32>
    %div3A_253 = arith.divf %exp3A_246, %div3A_252 : vector<2xf32>
    %broadcast_in_dim3A_254 = vector.shape_cast %div3A_253 : vector<2xf32> to vector<2x1xf32>
    %mul3A_255 = vector.broadcast %broadcast_in_dim3A_254 : vector<2x1xf32> to vector<2x32xf32>
    %mul3A_256 = arith.mulf %mul3A_255, %concatenate3A : vector<2x32xf32>
    %reduce_sum3A_257 = arith.constant dense<0.000000e+00> : vector<32xf32>
    %reduce_sum3A_258 = vector.multi_reduction <add>, %mul3A_256, %reduce_sum3A_257 [0] : vector<2x32xf32> to vector<32xf32>
    %add3A_259 = arith.addf %add3A_210, %reduce_sum3A_258 : vector<32xf32>
    %div3A_260 = arith.constant 4.000000e+00 : f32
    %div3A_261 = vector.broadcast %div3A_260 : f32 to vector<32xf32>
    %div3A_262 = arith.divf %add3A_259, %div3A_261 : vector<32xf32>
    %add3A_263 = arith.addf %div3A_262, %add3A_42 : vector<32xf32>
    %gt3A_264 = arith.constant 0.000000e+00 : f32
    %gt3A_265 = vector.broadcast %gt3A_264 : f32 to vector<32xf32>
    %gt3A_266 = arith.cmpf ogt, %add3A_263, %gt3A_265 : vector<32xf32>
    %min3A_267 = arith.constant 0.000000e+00 : f32
    %min3A_268 = vector.broadcast %min3A_267 : f32 to vector<32xf32>
    %min3A_269 = arith.minimumf %add3A_263, %min3A_268 : vector<32xf32>
    %exp3A_270 = math.exp %min3A_269 : vector<32xf32>
    %sub3A_271 = arith.constant 1.000000e+00 : f32
    %sub3A_272 = vector.broadcast %sub3A_271 : f32 to vector<32xf32>
    %sub3A_273 = arith.subf %exp3A_270, %sub3A_272 : vector<32xf32>
    %select_n3A_274 = arith.select %gt3A_266, %add3A_263, %sub3A_273 : vector<32xi1>, vector<32xf32>
    %swap3A = arith.constant 0 : index
    %swap3A_275 = arith.constant 0 : index
    %swap3A_276 = vector.load %arg8[%swap3A, %swap3A_275] : memref<4x32xf32, #tpu.memory_space<vmem>>, vector<1x32xf32>
    %swap3A_277 = vector.shape_cast %swap3A_276 : vector<1x32xf32> to vector<32xf32>
    %swap3A_278 = vector.shape_cast %select_n3A_274 : vector<32xf32> to vector<1x32xf32>
    tpu.vector_store %arg8[%swap3A, %swap3A_275], %swap3A_278 {strides = array<i32>} : memref<4x32xf32, #tpu.memory_space<vmem>>, vector<1x32xf32>,
    %get3A_279 = arith.constant 1 : index
    %get3A_280 = arith.constant 0 : index
    %get3A_281 = arith.constant 0 : index
    %get3A_282 = vector.load %arg0[%get3A_279, %get3A_280, %get3A_281] : memref<8x1x1024xf32, #tpu.memory_space<vmem>>, vector<1x1x1024xf32>
    %get3A_283 = vector.shape_cast %get3A_282 : vector<1x1x1024xf32> to vector<1024xf32>
    %get3A_284 = arith.constant 5 : index
    %get3A_285 = arith.constant 0 : index
    %get3A_286 = arith.constant 0 : index
    %get3A_287 = vector.load %arg0[%get3A_284, %get3A_285, %get3A_286] : memref<8x1x1024xf32, #tpu.memory_space<vmem>>, vector<1x1x1024xf32>
    %get3A_288 = vector.shape_cast %get3A_287 : vector<1x1x1024xf32> to vector<1024xf32>
    %add3A_289 = arith.addf %get3A_283, %get3A_288 : vector<1024xf32>
    %jit3A_290 = arith.constant 0.000000e+00 : f32
    %jit3A_291 = arith.constant 1.000000e+00 : f32
    %max3A_292 = vector.broadcast %jit3A_290 : f32 to vector<1024xf32>
    %max3A_293 = arith.maximumf %max3A_292, %add3A_289 : vector<1024xf32>
    %min3A_294 = vector.broadcast %jit3A_291 : f32 to vector<1024xf32>
    %min3A_295 = arith.minimumf %min3A_294, %max3A_293 : vector<1024xf32>
    %broadcast_in_dim3A_296 = vector.shape_cast %min3A_295 : vector<1024xf32> to vector<1024x1xf32>
    %get3A_297 = arith.constant 0 : index
    %get3A_298 = arith.constant 0 : index
    %get3A_299 = vector.load %arg1[%get3A_297, %get3A_298] : memref<1024x32xf32, #tpu.memory_space<vmem>>, vector<1024x32xf32>
    %mul3A_300 = vector.broadcast %broadcast_in_dim3A_296 : vector<1024x1xf32> to vector<1024x32xf32>
    %mul3A_301 = arith.mulf %mul3A_300, %get3A_299 : vector<1024x32xf32>
    %get3A_302 = arith.constant 0 : index
    %get3A_303 = arith.constant 0 : index
    %get3A_304 = vector.load %arg2[%get3A_302, %get3A_303] : memref<1024x32xf32, #tpu.memory_space<vmem>>, vector<1024x32xf32>
    %dot_general3A_305 = arith.constant dense<0.000000e+00> : vector<32x32xf32>
    %dot_general3A_306 = tpu.matmul %mul3A_301, %get3A_304, %dot_general3A_305 {dimension_numbers = #tpu.dot_dimension_numbers<[0], [0], [1], [1], [0, 1, 1, 1], [], []>, transpose_lhs_hint = false} : vector<1024x32xf32>, vector<1024x32xf32>, vector<32x32xf32> -> vector<32x32xf32>
    %get3A_307 = arith.constant 0 : index
    %get3A_308 = vector.load %arg3[%get3A_307] : memref<32xf32, #tpu.memory_space<vmem>>, vector<32xf32>
    %broadcast_in_dim3A_309 = vector.shape_cast %get3A_308 : vector<32xf32> to vector<1x32xf32>
    %add3A_310 = vector.broadcast %broadcast_in_dim3A_309 : vector<1x32xf32> to vector<32x32xf32>
    %add3A_311 = arith.addf %dot_general3A_306, %add3A_310 : vector<32x32xf32>
    %gt3A_312 = arith.constant 0.000000e+00 : f32
    %gt3A_313 = vector.broadcast %gt3A_312 : f32 to vector<32x32xf32>
    %gt3A_314 = arith.cmpf ogt, %add3A_311, %gt3A_313 : vector<32x32xf32>
    %min3A_315 = arith.constant 0.000000e+00 : f32
    %min3A_316 = vector.broadcast %min3A_315 : f32 to vector<32x32xf32>
    %min3A_317 = arith.minimumf %add3A_311, %min3A_316 : vector<32x32xf32>
    %exp3A_318 = math.exp %min3A_317 : vector<32x32xf32>
    %sub3A_319 = arith.constant 1.000000e+00 : f32
    %sub3A_320 = vector.broadcast %sub3A_319 : f32 to vector<32x32xf32>
    %sub3A_321 = arith.subf %exp3A_318, %sub3A_320 : vector<32x32xf32>
    %select_n3A_322 = arith.select %gt3A_314, %add3A_311, %sub3A_321 : vector<32x32xi1>, vector<32x32xf32>
    %reduce_max3A_323 = arith.constant dense<0xFF800000> : vector<32xf32>
    %reduce_max3A_324 = vector.multi_reduction <maximumf>, %select_n3A_322, %reduce_max3A_323 [1] : vector<32x32xf32> to vector<32xf32>
    %broadcast_in_dim3A_325 = vector.shape_cast %reduce_max3A_324 : vector<32xf32> to vector<32x1xf32>
    %get3A_326 = arith.constant 0 : index
    %get3A_327 = arith.constant 0 : index
    %get3A_328 = vector.load %arg4[%get3A_326, %get3A_327] : memref<32x32xf32, #tpu.memory_space<vmem>>, vector<32x32xf32>
    %mul3A_329 = vector.broadcast %broadcast_in_dim3A_325 : vector<32x1xf32> to vector<32x32xf32>
    %mul3A_330 = arith.mulf %mul3A_329, %get3A_328 : vector<32x32xf32>
    %reduce_sum3A_331 = arith.constant dense<0.000000e+00> : vector<32xf32>
    %reduce_sum3A_332 = vector.multi_reduction <add>, %mul3A_330, %reduce_sum3A_331 [0] : vector<32x32xf32> to vector<32xf32>
    %get3A_333 = arith.constant 0 : index
    %get3A_334 = vector.load %arg5[%get3A_333] : memref<32xf32, #tpu.memory_space<vmem>>, vector<32xf32>
    %add3A_335 = arith.addf %reduce_sum3A_332, %get3A_334 : vector<32xf32>
    %gt3A_336 = arith.constant 0.000000e+00 : f32
    %gt3A_337 = vector.broadcast %gt3A_336 : f32 to vector<32xf32>
    %gt3A_338 = arith.cmpf ogt, %add3A_335, %gt3A_337 : vector<32xf32>
    %min3A_339 = arith.constant 0.000000e+00 : f32
    %min3A_340 = vector.broadcast %min3A_339 : f32 to vector<32xf32>
    %min3A_341 = arith.minimumf %add3A_335, %min3A_340 : vector<32xf32>
    %exp3A_342 = math.exp %min3A_341 : vector<32xf32>
    %sub3A_343 = arith.constant 1.000000e+00 : f32
    %sub3A_344 = vector.broadcast %sub3A_343 : f32 to vector<32xf32>
    %sub3A_345 = arith.subf %exp3A_342, %sub3A_344 : vector<32xf32>
    %select_n3A_346 = arith.select %gt3A_338, %add3A_335, %sub3A_345 : vector<32xi1>, vector<32xf32>
    %get3A_347 = arith.constant 1 : index
    %get3A_348 = arith.constant 0 : index
    %get3A_349 = arith.constant 0 : index
    %get3A_350 = vector.load %arg7[%get3A_347, %get3A_348, %get3A_349] : memref<8x1x32xf32, #tpu.memory_space<vmem>>, vector<1x1x32xf32>
    %get3A_351 = vector.shape_cast %get3A_350 : vector<1x1x32xf32> to vector<1x32xf32>
    %get3A_352 = arith.constant 5 : index
    %get3A_353 = arith.constant 0 : index
    %get3A_354 = arith.constant 0 : index
    %get3A_355 = vector.load %arg7[%get3A_352, %get3A_353, %get3A_354] : memref<8x1x32xf32, #tpu.memory_space<vmem>>, vector<1x1x32xf32>
    %get3A_356 = vector.shape_cast %get3A_355 : vector<1x1x32xf32> to vector<1x32xf32>
    %concatenate3A_357 = tpu.concatenate %get3A_351, %get3A_356 in 0 : vector<1x32xf32>, vector<1x32xf32> -> vector<2x32xf32>
    %broadcast_in_dim3A_358 = arith.constant 0.000000e+00 : f32
    %broadcast_in_dim3A_359 = vector.broadcast %broadcast_in_dim3A_358 : f32 to vector<32xf32>
    %get3A_360 = arith.constant 0 : index
    %get3A_361 = arith.constant 0 : index
    %get3A_362 = vector.load %arg6[%get3A_360, %get3A_361] : memref<4x64xf32, #tpu.memory_space<vmem>>, vector<1x32xf32>
    %get3A_363 = vector.shape_cast %get3A_362 : vector<1x32xf32> to vector<32xf32>
    %broadcast_in_dim3A_364 = vector.shape_cast %get3A_363 : vector<32xf32> to vector<1x32xf32>
    %mul3A_365 = vector.broadcast %broadcast_in_dim3A_364 : vector<1x32xf32> to vector<2x32xf32>
    %mul3A_366 = arith.mulf %concatenate3A_357, %mul3A_365 : vector<2x32xf32>
    %reduce_sum3A_367 = arith.constant dense<0.000000e+00> : vector<2xf32>
    %reduce_sum3A_368 = vector.multi_reduction <add>, %mul3A_366, %reduce_sum3A_367 [1] : vector<2x32xf32> to vector<2xf32>
    %get3A_369 = arith.constant 0 : index
    %get3A_370 = arith.constant 32 : index
    %get3A_371 = vector.load %arg6[%get3A_369, %get3A_370] : memref<4x64xf32, #tpu.memory_space<vmem>>, vector<1x32xf32>
    %get3A_372 = vector.shape_cast %get3A_371 : vector<1x32xf32> to vector<32xf32>
    %mul3A_373 = arith.mulf %select_n3A_346, %get3A_372 : vector<32xf32>
    %reduce_sum3A_374 = vector.shape_cast %mul3A_373 : vector<32xf32> to vector<1x32xf32>
    %reduce_sum3A_375 = arith.constant dense<0.000000e+00> : vector<1xf32>
    %reduce_sum3A_376 = vector.multi_reduction <add>, %reduce_sum3A_374, %reduce_sum3A_375 [1] : vector<1x32xf32> to vector<1xf32>
    %reduce_sum3A_377 = vector.shape_cast %reduce_sum3A_376 : vector<1xf32> to vector<1x1xf32>
    %reduce_sum3A_378 = vector.extract %reduce_sum3A_377[0, 0] : f32 from vector<1x1xf32>
    %add3A_379 = vector.broadcast %reduce_sum3A_378 : f32 to vector<2xf32>
    %add3A_380 = arith.addf %reduce_sum3A_368, %add3A_379 : vector<2xf32>
    %ge3A_381 = arith.constant 0.000000e+00 : f32
    %ge3A_382 = vector.broadcast %ge3A_381 : f32 to vector<2xf32>
    %ge3A_383 = arith.cmpf oge, %add3A_380, %ge3A_382 : vector<2xf32>
    %mul3A_384 = arith.constant 2.000000e-01 : f32
    %mul3A_385 = vector.broadcast %mul3A_384 : f32 to vector<2xf32>
    %mul3A_386 = arith.mulf %mul3A_385, %add3A_380 : vector<2xf32>
    %select_n3A_387 = arith.select %ge3A_383, %add3A_380, %mul3A_386 : vector<2xi1>, vector<2xf32>
    %reduce_max3A_388 = vector.shape_cast %select_n3A_387 : vector<2xf32> to vector<1x2xf32>
    %reduce_max3A_389 = arith.constant dense<0xFF800000> : vector<1xf32>
    %reduce_max3A_390 = vector.multi_reduction <maximumf>, %reduce_max3A_388, %reduce_max3A_389 [1] : vector<1x2xf32> to vector<1xf32>
    %reduce_max3A_391 = vector.shape_cast %reduce_max3A_390 : vector<1xf32> to vector<1x1xf32>
    %reduce_max3A_392 = vector.extract %reduce_max3A_391[0, 0] : f32 from vector<1x1xf32>
    %sub3A_393 = vector.broadcast %reduce_max3A_392 : f32 to vector<2xf32>
    %sub3A_394 = arith.subf %select_n3A_387, %sub3A_393 : vector<2xf32>
    %exp3A_395 = math.exp %sub3A_394 : vector<2xf32>
    %reduce_sum3A_396 = vector.shape_cast %exp3A_395 : vector<2xf32> to vector<1x2xf32>
    %reduce_sum3A_397 = arith.constant dense<0.000000e+00> : vector<1xf32>
    %reduce_sum3A_398 = vector.multi_reduction <add>, %reduce_sum3A_396, %reduce_sum3A_397 [1] : vector<1x2xf32> to vector<1xf32>
    %reduce_sum3A_399 = vector.shape_cast %reduce_sum3A_398 : vector<1xf32> to vector<1x1xf32>
    %reduce_sum3A_400 = vector.extract %reduce_sum3A_399[0, 0] : f32 from vector<1x1xf32>
    %div3A_401 = vector.broadcast %reduce_sum3A_400 : f32 to vector<2xf32>
    %div3A_402 = arith.divf %exp3A_395, %div3A_401 : vector<2xf32>
    %broadcast_in_dim3A_403 = vector.shape_cast %div3A_402 : vector<2xf32> to vector<2x1xf32>
    %mul3A_404 = vector.broadcast %broadcast_in_dim3A_403 : vector<2x1xf32> to vector<2x32xf32>
    %mul3A_405 = arith.mulf %mul3A_404, %concatenate3A_357 : vector<2x32xf32>
    %reduce_sum3A_406 = arith.constant dense<0.000000e+00> : vector<32xf32>
    %reduce_sum3A_407 = vector.multi_reduction <add>, %mul3A_405, %reduce_sum3A_406 [0] : vector<2x32xf32> to vector<32xf32>
    %add3A_408 = arith.addf %broadcast_in_dim3A_359, %reduce_sum3A_407 : vector<32xf32>
    %get3A_409 = arith.constant 1 : index
    %get3A_410 = arith.constant 0 : index
    %get3A_411 = vector.load %arg6[%get3A_409, %get3A_410] : memref<4x64xf32, #tpu.memory_space<vmem>>, vector<1x32xf32>
    %get3A_412 = vector.shape_cast %get3A_411 : vector<1x32xf32> to vector<32xf32>
    %broadcast_in_dim3A_413 = vector.shape_cast %get3A_412 : vector<32xf32> to vector<1x32xf32>
    %mul3A_414 = vector.broadcast %broadcast_in_dim3A_413 : vector<1x32xf32> to vector<2x32xf32>
    %mul3A_415 = arith.mulf %concatenate3A_357, %mul3A_414 : vector<2x32xf32>
    %reduce_sum3A_416 = arith.constant dense<0.000000e+00> : vector<2xf32>
    %reduce_sum3A_417 = vector.multi_reduction <add>, %mul3A_415, %reduce_sum3A_416 [1] : vector<2x32xf32> to vector<2xf32>
    %get3A_418 = arith.constant 1 : index
    %get3A_419 = arith.constant 32 : index
    %get3A_420 = vector.load %arg6[%get3A_418, %get3A_419] : memref<4x64xf32, #tpu.memory_space<vmem>>, vector<1x32xf32>
    %get3A_421 = vector.shape_cast %get3A_420 : vector<1x32xf32> to vector<32xf32>
    %mul3A_422 = arith.mulf %select_n3A_346, %get3A_421 : vector<32xf32>
    %reduce_sum3A_423 = vector.shape_cast %mul3A_422 : vector<32xf32> to vector<1x32xf32>
    %reduce_sum3A_424 = arith.constant dense<0.000000e+00> : vector<1xf32>
    %reduce_sum3A_425 = vector.multi_reduction <add>, %reduce_sum3A_423, %reduce_sum3A_424 [1] : vector<1x32xf32> to vector<1xf32>
    %reduce_sum3A_426 = vector.shape_cast %reduce_sum3A_425 : vector<1xf32> to vector<1x1xf32>
    %reduce_sum3A_427 = vector.extract %reduce_sum3A_426[0, 0] : f32 from vector<1x1xf32>
    %add3A_428 = vector.broadcast %reduce_sum3A_427 : f32 to vector<2xf32>
    %add3A_429 = arith.addf %reduce_sum3A_417, %add3A_428 : vector<2xf32>
    %ge3A_430 = arith.constant 0.000000e+00 : f32
    %ge3A_431 = vector.broadcast %ge3A_430 : f32 to vector<2xf32>
    %ge3A_432 = arith.cmpf oge, %add3A_429, %ge3A_431 : vector<2xf32>
    %mul3A_433 = arith.constant 2.000000e-01 : f32
    %mul3A_434 = vector.broadcast %mul3A_433 : f32 to vector<2xf32>
    %mul3A_435 = arith.mulf %mul3A_434, %add3A_429 : vector<2xf32>
    %select_n3A_436 = arith.select %ge3A_432, %add3A_429, %mul3A_435 : vector<2xi1>, vector<2xf32>
    %reduce_max3A_437 = vector.shape_cast %select_n3A_436 : vector<2xf32> to vector<1x2xf32>
    %reduce_max3A_438 = arith.constant dense<0xFF800000> : vector<1xf32>
    %reduce_max3A_439 = vector.multi_reduction <maximumf>, %reduce_max3A_437, %reduce_max3A_438 [1] : vector<1x2xf32> to vector<1xf32>
    %reduce_max3A_440 = vector.shape_cast %reduce_max3A_439 : vector<1xf32> to vector<1x1xf32>
    %reduce_max3A_441 = vector.extract %reduce_max3A_440[0, 0] : f32 from vector<1x1xf32>
    %sub3A_442 = vector.broadcast %reduce_max3A_441 : f32 to vector<2xf32>
    %sub3A_443 = arith.subf %select_n3A_436, %sub3A_442 : vector<2xf32>
    %exp3A_444 = math.exp %sub3A_443 : vector<2xf32>
    %reduce_sum3A_445 = vector.shape_cast %exp3A_444 : vector<2xf32> to vector<1x2xf32>
    %reduce_sum3A_446 = arith.constant dense<0.000000e+00> : vector<1xf32>
    %reduce_sum3A_447 = vector.multi_reduction <add>, %reduce_sum3A_445, %reduce_sum3A_446 [1] : vector<1x2xf32> to vector<1xf32>
    %reduce_sum3A_448 = vector.shape_cast %reduce_sum3A_447 : vector<1xf32> to vector<1x1xf32>
    %reduce_sum3A_449 = vector.extract %reduce_sum3A_448[0, 0] : f32 from vector<1x1xf32>
    %div3A_450 = vector.broadcast %reduce_sum3A_449 : f32 to vector<2xf32>
    %div3A_451 = arith.divf %exp3A_444, %div3A_450 : vector<2xf32>
    %broadcast_in_dim3A_452 = vector.shape_cast %div3A_451 : vector<2xf32> to vector<2x1xf32>
    %mul3A_453 = vector.broadcast %broadcast_in_dim3A_452 : vector<2x1xf32> to vector<2x32xf32>
    %mul3A_454 = arith.mulf %mul3A_453, %concatenate3A_357 : vector<2x32xf32>
    %reduce_sum3A_455 = arith.constant dense<0.000000e+00> : vector<32xf32>
    %reduce_sum3A_456 = vector.multi_reduction <add>, %mul3A_454, %reduce_sum3A_455 [0] : vector<2x32xf32> to vector<32xf32>
    %add3A_457 = arith.addf %add3A_408, %reduce_sum3A_456 : vector<32xf32>
    %get3A_458 = arith.constant 2 : index
    %get3A_459 = arith.constant 0 : index
    %get3A_460 = vector.load %arg6[%get3A_458, %get3A_459] : memref<4x64xf32, #tpu.memory_space<vmem>>, vector<1x32xf32>
    %get3A_461 = vector.shape_cast %get3A_460 : vector<1x32xf32> to vector<32xf32>
    %broadcast_in_dim3A_462 = vector.shape_cast %get3A_461 : vector<32xf32> to vector<1x32xf32>
    %mul3A_463 = vector.broadcast %broadcast_in_dim3A_462 : vector<1x32xf32> to vector<2x32xf32>
    %mul3A_464 = arith.mulf %concatenate3A_357, %mul3A_463 : vector<2x32xf32>
    %reduce_sum3A_465 = arith.constant dense<0.000000e+00> : vector<2xf32>
    %reduce_sum3A_466 = vector.multi_reduction <add>, %mul3A_464, %reduce_sum3A_465 [1] : vector<2x32xf32> to vector<2xf32>
    %get3A_467 = arith.constant 2 : index
    %get3A_468 = arith.constant 32 : index
    %get3A_469 = vector.load %arg6[%get3A_467, %get3A_468] : memref<4x64xf32, #tpu.memory_space<vmem>>, vector<1x32xf32>
    %get3A_470 = vector.shape_cast %get3A_469 : vector<1x32xf32> to vector<32xf32>
    %mul3A_471 = arith.mulf %select_n3A_346, %get3A_470 : vector<32xf32>
    %reduce_sum3A_472 = vector.shape_cast %mul3A_471 : vector<32xf32> to vector<1x32xf32>
    %reduce_sum3A_473 = arith.constant dense<0.000000e+00> : vector<1xf32>
    %reduce_sum3A_474 = vector.multi_reduction <add>, %reduce_sum3A_472, %reduce_sum3A_473 [1] : vector<1x32xf32> to vector<1xf32>
    %reduce_sum3A_475 = vector.shape_cast %reduce_sum3A_474 : vector<1xf32> to vector<1x1xf32>
    %reduce_sum3A_476 = vector.extract %reduce_sum3A_475[0, 0] : f32 from vector<1x1xf32>
    %add3A_477 = vector.broadcast %reduce_sum3A_476 : f32 to vector<2xf32>
    %add3A_478 = arith.addf %reduce_sum3A_466, %add3A_477 : vector<2xf32>
    %ge3A_479 = arith.constant 0.000000e+00 : f32
    %ge3A_480 = vector.broadcast %ge3A_479 : f32 to vector<2xf32>
    %ge3A_481 = arith.cmpf oge, %add3A_478, %ge3A_480 : vector<2xf32>
    %mul3A_482 = arith.constant 2.000000e-01 : f32
    %mul3A_483 = vector.broadcast %mul3A_482 : f32 to vector<2xf32>
    %mul3A_484 = arith.mulf %mul3A_483, %add3A_478 : vector<2xf32>
    %select_n3A_485 = arith.select %ge3A_481, %add3A_478, %mul3A_484 : vector<2xi1>, vector<2xf32>
    %reduce_max3A_486 = vector.shape_cast %select_n3A_485 : vector<2xf32> to vector<1x2xf32>
    %reduce_max3A_487 = arith.constant dense<0xFF800000> : vector<1xf32>
    %reduce_max3A_488 = vector.multi_reduction <maximumf>, %reduce_max3A_486, %reduce_max3A_487 [1] : vector<1x2xf32> to vector<1xf32>
    %reduce_max3A_489 = vector.shape_cast %reduce_max3A_488 : vector<1xf32> to vector<1x1xf32>
    %reduce_max3A_490 = vector.extract %reduce_max3A_489[0, 0] : f32 from vector<1x1xf32>
    %sub3A_491 = vector.broadcast %reduce_max3A_490 : f32 to vector<2xf32>
    %sub3A_492 = arith.subf %select_n3A_485, %sub3A_491 : vector<2xf32>
    %exp3A_493 = math.exp %sub3A_492 : vector<2xf32>
    %reduce_sum3A_494 = vector.shape_cast %exp3A_493 : vector<2xf32> to vector<1x2xf32>
    %reduce_sum3A_495 = arith.constant dense<0.000000e+00> : vector<1xf32>
    %reduce_sum3A_496 = vector.multi_reduction <add>, %reduce_sum3A_494, %reduce_sum3A_495 [1] : vector<1x2xf32> to vector<1xf32>
    %reduce_sum3A_497 = vector.shape_cast %reduce_sum3A_496 : vector<1xf32> to vector<1x1xf32>
    %reduce_sum3A_498 = vector.extract %reduce_sum3A_497[0, 0] : f32 from vector<1x1xf32>
    %div3A_499 = vector.broadcast %reduce_sum3A_498 : f32 to vector<2xf32>
    %div3A_500 = arith.divf %exp3A_493, %div3A_499 : vector<2xf32>
    %broadcast_in_dim3A_501 = vector.shape_cast %div3A_500 : vector<2xf32> to vector<2x1xf32>
    %mul3A_502 = vector.broadcast %broadcast_in_dim3A_501 : vector<2x1xf32> to vector<2x32xf32>
    %mul3A_503 = arith.mulf %mul3A_502, %concatenate3A_357 : vector<2x32xf32>
    %reduce_sum3A_504 = arith.constant dense<0.000000e+00> : vector<32xf32>
    %reduce_sum3A_505 = vector.multi_reduction <add>, %mul3A_503, %reduce_sum3A_504 [0] : vector<2x32xf32> to vector<32xf32>
    %add3A_506 = arith.addf %add3A_457, %reduce_sum3A_505 : vector<32xf32>
    %get3A_507 = arith.constant 3 : index
    %get3A_508 = arith.constant 0 : index
    %get3A_509 = vector.load %arg6[%get3A_507, %get3A_508] : memref<4x64xf32, #tpu.memory_space<vmem>>, vector<1x32xf32>
    %get3A_510 = vector.shape_cast %get3A_509 : vector<1x32xf32> to vector<32xf32>
    %broadcast_in_dim3A_511 = vector.shape_cast %get3A_510 : vector<32xf32> to vector<1x32xf32>
    %mul3A_512 = vector.broadcast %broadcast_in_dim3A_511 : vector<1x32xf32> to vector<2x32xf32>
    %mul3A_513 = arith.mulf %concatenate3A_357, %mul3A_512 : vector<2x32xf32>
    %reduce_sum3A_514 = arith.constant dense<0.000000e+00> : vector<2xf32>
    %reduce_sum3A_515 = vector.multi_reduction <add>, %mul3A_513, %reduce_sum3A_514 [1] : vector<2x32xf32> to vector<2xf32>
    %get3A_516 = arith.constant 3 : index
    %get3A_517 = arith.constant 32 : index
    %get3A_518 = vector.load %arg6[%get3A_516, %get3A_517] : memref<4x64xf32, #tpu.memory_space<vmem>>, vector<1x32xf32>
    %get3A_519 = vector.shape_cast %get3A_518 : vector<1x32xf32> to vector<32xf32>
    %mul3A_520 = arith.mulf %select_n3A_346, %get3A_519 : vector<32xf32>
    %reduce_sum3A_521 = vector.shape_cast %mul3A_520 : vector<32xf32> to vector<1x32xf32>
    %reduce_sum3A_522 = arith.constant dense<0.000000e+00> : vector<1xf32>
    %reduce_sum3A_523 = vector.multi_reduction <add>, %reduce_sum3A_521, %reduce_sum3A_522 [1] : vector<1x32xf32> to vector<1xf32>
    %reduce_sum3A_524 = vector.shape_cast %reduce_sum3A_523 : vector<1xf32> to vector<1x1xf32>
    %reduce_sum3A_525 = vector.extract %reduce_sum3A_524[0, 0] : f32 from vector<1x1xf32>
    %add3A_526 = vector.broadcast %reduce_sum3A_525 : f32 to vector<2xf32>
    %add3A_527 = arith.addf %reduce_sum3A_515, %add3A_526 : vector<2xf32>
    %ge3A_528 = arith.constant 0.000000e+00 : f32
    %ge3A_529 = vector.broadcast %ge3A_528 : f32 to vector<2xf32>
    %ge3A_530 = arith.cmpf oge, %add3A_527, %ge3A_529 : vector<2xf32>
    %mul3A_531 = arith.constant 2.000000e-01 : f32
    %mul3A_532 = vector.broadcast %mul3A_531 : f32 to vector<2xf32>
    %mul3A_533 = arith.mulf %mul3A_532, %add3A_527 : vector<2xf32>
    %select_n3A_534 = arith.select %ge3A_530, %add3A_527, %mul3A_533 : vector<2xi1>, vector<2xf32>
    %reduce_max3A_535 = vector.shape_cast %select_n3A_534 : vector<2xf32> to vector<1x2xf32>
    %reduce_max3A_536 = arith.constant dense<0xFF800000> : vector<1xf32>
    %reduce_max3A_537 = vector.multi_reduction <maximumf>, %reduce_max3A_535, %reduce_max3A_536 [1] : vector<1x2xf32> to vector<1xf32>
    %reduce_max3A_538 = vector.shape_cast %reduce_max3A_537 : vector<1xf32> to vector<1x1xf32>
    %reduce_max3A_539 = vector.extract %reduce_max3A_538[0, 0] : f32 from vector<1x1xf32>
    %sub3A_540 = vector.broadcast %reduce_max3A_539 : f32 to vector<2xf32>
    %sub3A_541 = arith.subf %select_n3A_534, %sub3A_540 : vector<2xf32>
    %exp3A_542 = math.exp %sub3A_541 : vector<2xf32>
    %reduce_sum3A_543 = vector.shape_cast %exp3A_542 : vector<2xf32> to vector<1x2xf32>
    %reduce_sum3A_544 = arith.constant dense<0.000000e+00> : vector<1xf32>
    %reduce_sum3A_545 = vector.multi_reduction <add>, %reduce_sum3A_543, %reduce_sum3A_544 [1] : vector<1x2xf32> to vector<1xf32>
    %reduce_sum3A_546 = vector.shape_cast %reduce_sum3A_545 : vector<1xf32> to vector<1x1xf32>
    %reduce_sum3A_547 = vector.extract %reduce_sum3A_546[0, 0] : f32 from vector<1x1xf32>
    %div3A_548 = vector.broadcast %reduce_sum3A_547 : f32 to vector<2xf32>
    %div3A_549 = arith.divf %exp3A_542, %div3A_548 : vector<2xf32>
    %broadcast_in_dim3A_550 = vector.shape_cast %div3A_549 : vector<2xf32> to vector<2x1xf32>
    %mul3A_551 = vector.broadcast %broadcast_in_dim3A_550 : vector<2x1xf32> to vector<2x32xf32>
    %mul3A_552 = arith.mulf %mul3A_551, %concatenate3A_357 : vector<2x32xf32>
    %reduce_sum3A_553 = arith.constant dense<0.000000e+00> : vector<32xf32>
    %reduce_sum3A_554 = vector.multi_reduction <add>, %mul3A_552, %reduce_sum3A_553 [0] : vector<2x32xf32> to vector<32xf32>
    %add3A_555 = arith.addf %add3A_506, %reduce_sum3A_554 : vector<32xf32>
    %div3A_556 = arith.constant 4.000000e+00 : f32
    %div3A_557 = vector.broadcast %div3A_556 : f32 to vector<32xf32>
    %div3A_558 = arith.divf %add3A_555, %div3A_557 : vector<32xf32>
    %add3A_559 = arith.addf %div3A_558, %add3A_335 : vector<32xf32>
    %gt3A_560 = arith.constant 0.000000e+00 : f32
    %gt3A_561 = vector.broadcast %gt3A_560 : f32 to vector<32xf32>
    %gt3A_562 = arith.cmpf ogt, %add3A_559, %gt3A_561 : vector<32xf32>
    %min3A_563 = arith.constant 0.000000e+00 : f32
    %min3A_564 = vector.broadcast %min3A_563 : f32 to vector<32xf32>
    %min3A_565 = arith.minimumf %add3A_559, %min3A_564 : vector<32xf32>
    %exp3A_566 = math.exp %min3A_565 : vector<32xf32>
    %sub3A_567 = arith.constant 1.000000e+00 : f32
    %sub3A_568 = vector.broadcast %sub3A_567 : f32 to vector<32xf32>
    %sub3A_569 = arith.subf %exp3A_566, %sub3A_568 : vector<32xf32>
    %select_n3A_570 = arith.select %gt3A_562, %add3A_559, %sub3A_569 : vector<32xi1>, vector<32xf32>
    %swap3A_571 = arith.constant 1 : index
    %swap3A_572 = arith.constant 0 : index
    %swap3A_573 = vector.load %arg8[%swap3A_571, %swap3A_572] : memref<4x32xf32, #tpu.memory_space<vmem>>, vector<1x32xf32>
    %swap3A_574 = vector.shape_cast %swap3A_573 : vector<1x32xf32> to vector<32xf32>
    %swap3A_575 = vector.shape_cast %select_n3A_570 : vector<32xf32> to vector<1x32xf32>
    tpu.vector_store %arg8[%swap3A_571, %swap3A_572], %swap3A_575 {strides = array<i32>} : memref<4x32xf32, #tpu.memory_space<vmem>>, vector<1x32xf32>,
    %get3A_576 = arith.constant 2 : index
    %get3A_577 = arith.constant 0 : index
    %get3A_578 = arith.constant 0 : index
    %get3A_579 = vector.load %arg0[%get3A_576, %get3A_577, %get3A_578] : memref<8x1x1024xf32, #tpu.memory_space<vmem>>, vector<1x1x1024xf32>
    %get3A_580 = vector.shape_cast %get3A_579 : vector<1x1x1024xf32> to vector<1024xf32>
    %get3A_581 = arith.constant 6 : index
    %get3A_582 = arith.constant 0 : index
    %get3A_583 = arith.constant 0 : index
    %get3A_584 = vector.load %arg0[%get3A_581, %get3A_582, %get3A_583] : memref<8x1x1024xf32, #tpu.memory_space<vmem>>, vector<1x1x1024xf32>
    %get3A_585 = vector.shape_cast %get3A_584 : vector<1x1x1024xf32> to vector<1024xf32>
    %add3A_586 = arith.addf %get3A_580, %get3A_585 : vector<1024xf32>
    %jit3A_587 = arith.constant 0.000000e+00 : f32
    %jit3A_588 = arith.constant 1.000000e+00 : f32
    %max3A_589 = vector.broadcast %jit3A_587 : f32 to vector<1024xf32>
    %max3A_590 = arith.maximumf %max3A_589, %add3A_586 : vector<1024xf32>
    %min3A_591 = vector.broadcast %jit3A_588 : f32 to vector<1024xf32>
    %min3A_592 = arith.minimumf %min3A_591, %max3A_590 : vector<1024xf32>
    %broadcast_in_dim3A_593 = vector.shape_cast %min3A_592 : vector<1024xf32> to vector<1024x1xf32>
    %get3A_594 = arith.constant 0 : index
    %get3A_595 = arith.constant 0 : index
    %get3A_596 = vector.load %arg1[%get3A_594, %get3A_595] : memref<1024x32xf32, #tpu.memory_space<vmem>>, vector<1024x32xf32>
    %mul3A_597 = vector.broadcast %broadcast_in_dim3A_593 : vector<1024x1xf32> to vector<1024x32xf32>
    %mul3A_598 = arith.mulf %mul3A_597, %get3A_596 : vector<1024x32xf32>
    %get3A_599 = arith.constant 0 : index
    %get3A_600 = arith.constant 0 : index
    %get3A_601 = vector.load %arg2[%get3A_599, %get3A_600] : memref<1024x32xf32, #tpu.memory_space<vmem>>, vector<1024x32xf32>
    %dot_general3A_602 = arith.constant dense<0.000000e+00> : vector<32x32xf32>
    %dot_general3A_603 = tpu.matmul %mul3A_598, %get3A_601, %dot_general3A_602 {dimension_numbers = #tpu.dot_dimension_numbers<[0], [0], [1], [1], [0, 1, 1, 1], [], []>, transpose_lhs_hint = false} : vector<1024x32xf32>, vector<1024x32xf32>, vector<32x32xf32> -> vector<32x32xf32>
    %get3A_604 = arith.constant 0 : index
    %get3A_605 = vector.load %arg3[%get3A_604] : memref<32xf32, #tpu.memory_space<vmem>>, vector<32xf32>
    %broadcast_in_dim3A_606 = vector.shape_cast %get3A_605 : vector<32xf32> to vector<1x32xf32>
    %add3A_607 = vector.broadcast %broadcast_in_dim3A_606 : vector<1x32xf32> to vector<32x32xf32>
    %add3A_608 = arith.addf %dot_general3A_603, %add3A_607 : vector<32x32xf32>
    %gt3A_609 = arith.constant 0.000000e+00 : f32
    %gt3A_610 = vector.broadcast %gt3A_609 : f32 to vector<32x32xf32>
    %gt3A_611 = arith.cmpf ogt, %add3A_608, %gt3A_610 : vector<32x32xf32>
    %min3A_612 = arith.constant 0.000000e+00 : f32
    %min3A_613 = vector.broadcast %min3A_612 : f32 to vector<32x32xf32>
    %min3A_614 = arith.minimumf %add3A_608, %min3A_613 : vector<32x32xf32>
    %exp3A_615 = math.exp %min3A_614 : vector<32x32xf32>
    %sub3A_616 = arith.constant 1.000000e+00 : f32
    %sub3A_617 = vector.broadcast %sub3A_616 : f32 to vector<32x32xf32>
    %sub3A_618 = arith.subf %exp3A_615, %sub3A_617 : vector<32x32xf32>
    %select_n3A_619 = arith.select %gt3A_611, %add3A_608, %sub3A_618 : vector<32x32xi1>, vector<32x32xf32>
    %reduce_max3A_620 = arith.constant dense<0xFF800000> : vector<32xf32>
    %reduce_max3A_621 = vector.multi_reduction <maximumf>, %select_n3A_619, %reduce_max3A_620 [1] : vector<32x32xf32> to vector<32xf32>
    %broadcast_in_dim3A_622 = vector.shape_cast %reduce_max3A_621 : vector<32xf32> to vector<32x1xf32>
    %get3A_623 = arith.constant 0 : index
    %get3A_624 = arith.constant 0 : index
    %get3A_625 = vector.load %arg4[%get3A_623, %get3A_624] : memref<32x32xf32, #tpu.memory_space<vmem>>, vector<32x32xf32>
    %mul3A_626 = vector.broadcast %broadcast_in_dim3A_622 : vector<32x1xf32> to vector<32x32xf32>
    %mul3A_627 = arith.mulf %mul3A_626, %get3A_625 : vector<32x32xf32>
    %reduce_sum3A_628 = arith.constant dense<0.000000e+00> : vector<32xf32>
    %reduce_sum3A_629 = vector.multi_reduction <add>, %mul3A_627, %reduce_sum3A_628 [0] : vector<32x32xf32> to vector<32xf32>
    %get3A_630 = arith.constant 0 : index
    %get3A_631 = vector.load %arg5[%get3A_630] : memref<32xf32, #tpu.memory_space<vmem>>, vector<32xf32>
    %add3A_632 = arith.addf %reduce_sum3A_629, %get3A_631 : vector<32xf32>
    %gt3A_633 = arith.constant 0.000000e+00 : f32
    %gt3A_634 = vector.broadcast %gt3A_633 : f32 to vector<32xf32>
    %gt3A_635 = arith.cmpf ogt, %add3A_632, %gt3A_634 : vector<32xf32>
    %min3A_636 = arith.constant 0.000000e+00 : f32
    %min3A_637 = vector.broadcast %min3A_636 : f32 to vector<32xf32>
    %min3A_638 = arith.minimumf %add3A_632, %min3A_637 : vector<32xf32>
    %exp3A_639 = math.exp %min3A_638 : vector<32xf32>
    %sub3A_640 = arith.constant 1.000000e+00 : f32
    %sub3A_641 = vector.broadcast %sub3A_640 : f32 to vector<32xf32>
    %sub3A_642 = arith.subf %exp3A_639, %sub3A_641 : vector<32xf32>
    %select_n3A_643 = arith.select %gt3A_635, %add3A_632, %sub3A_642 : vector<32xi1>, vector<32xf32>
    %get3A_644 = arith.constant 2 : index
    %get3A_645 = arith.constant 0 : index
    %get3A_646 = arith.constant 0 : index
    %get3A_647 = vector.load %arg7[%get3A_644, %get3A_645, %get3A_646] : memref<8x1x32xf32, #tpu.memory_space<vmem>>, vector<1x1x32xf32>
    %get3A_648 = vector.shape_cast %get3A_647 : vector<1x1x32xf32> to vector<1x32xf32>
    %get3A_649 = arith.constant 6 : index
    %get3A_650 = arith.constant 0 : index
    %get3A_651 = arith.constant 0 : index
    %get3A_652 = vector.load %arg7[%get3A_649, %get3A_650, %get3A_651] : memref<8x1x32xf32, #tpu.memory_space<vmem>>, vector<1x1x32xf32>
    %get3A_653 = vector.shape_cast %get3A_652 : vector<1x1x32xf32> to vector<1x32xf32>
    %concatenate3A_654 = tpu.concatenate %get3A_648, %get3A_653 in 0 : vector<1x32xf32>, vector<1x32xf32> -> vector<2x32xf32>
    %broadcast_in_dim3A_655 = arith.constant 0.000000e+00 : f32
    %broadcast_in_dim3A_656 = vector.broadcast %broadcast_in_dim3A_655 : f32 to vector<32xf32>
    %get3A_657 = arith.constant 0 : index
    %get3A_658 = arith.constant 0 : index
    %get3A_659 = vector.load %arg6[%get3A_657, %get3A_658] : memref<4x64xf32, #tpu.memory_space<vmem>>, vector<1x32xf32>
    %get3A_660 = vector.shape_cast %get3A_659 : vector<1x32xf32> to vector<32xf32>
    %broadcast_in_dim3A_661 = vector.shape_cast %get3A_660 : vector<32xf32> to vector<1x32xf32>
    %mul3A_662 = vector.broadcast %broadcast_in_dim3A_661 : vector<1x32xf32> to vector<2x32xf32>
    %mul3A_663 = arith.mulf %concatenate3A_654, %mul3A_662 : vector<2x32xf32>
    %reduce_sum3A_664 = arith.constant dense<0.000000e+00> : vector<2xf32>
    %reduce_sum3A_665 = vector.multi_reduction <add>, %mul3A_663, %reduce_sum3A_664 [1] : vector<2x32xf32> to vector<2xf32>
    %get3A_666 = arith.constant 0 : index
    %get3A_667 = arith.constant 32 : index
    %get3A_668 = vector.load %arg6[%get3A_666, %get3A_667] : memref<4x64xf32, #tpu.memory_space<vmem>>, vector<1x32xf32>
    %get3A_669 = vector.shape_cast %get3A_668 : vector<1x32xf32> to vector<32xf32>
    %mul3A_670 = arith.mulf %select_n3A_643, %get3A_669 : vector<32xf32>
    %reduce_sum3A_671 = vector.shape_cast %mul3A_670 : vector<32xf32> to vector<1x32xf32>
    %reduce_sum3A_672 = arith.constant dense<0.000000e+00> : vector<1xf32>
    %reduce_sum3A_673 = vector.multi_reduction <add>, %reduce_sum3A_671, %reduce_sum3A_672 [1] : vector<1x32xf32> to vector<1xf32>
    %reduce_sum3A_674 = vector.shape_cast %reduce_sum3A_673 : vector<1xf32> to vector<1x1xf32>
    %reduce_sum3A_675 = vector.extract %reduce_sum3A_674[0, 0] : f32 from vector<1x1xf32>
    %add3A_676 = vector.broadcast %reduce_sum3A_675 : f32 to vector<2xf32>
    %add3A_677 = arith.addf %reduce_sum3A_665, %add3A_676 : vector<2xf32>
    %ge3A_678 = arith.constant 0.000000e+00 : f32
    %ge3A_679 = vector.broadcast %ge3A_678 : f32 to vector<2xf32>
    %ge3A_680 = arith.cmpf oge, %add3A_677, %ge3A_679 : vector<2xf32>
    %mul3A_681 = arith.constant 2.000000e-01 : f32
    %mul3A_682 = vector.broadcast %mul3A_681 : f32 to vector<2xf32>
    %mul3A_683 = arith.mulf %mul3A_682, %add3A_677 : vector<2xf32>
    %select_n3A_684 = arith.select %ge3A_680, %add3A_677, %mul3A_683 : vector<2xi1>, vector<2xf32>
    %reduce_max3A_685 = vector.shape_cast %select_n3A_684 : vector<2xf32> to vector<1x2xf32>
    %reduce_max3A_686 = arith.constant dense<0xFF800000> : vector<1xf32>
    %reduce_max3A_687 = vector.multi_reduction <maximumf>, %reduce_max3A_685, %reduce_max3A_686 [1] : vector<1x2xf32> to vector<1xf32>
    %reduce_max3A_688 = vector.shape_cast %reduce_max3A_687 : vector<1xf32> to vector<1x1xf32>
    %reduce_max3A_689 = vector.extract %reduce_max3A_688[0, 0] : f32 from vector<1x1xf32>
    %sub3A_690 = vector.broadcast %reduce_max3A_689 : f32 to vector<2xf32>
    %sub3A_691 = arith.subf %select_n3A_684, %sub3A_690 : vector<2xf32>
    %exp3A_692 = math.exp %sub3A_691 : vector<2xf32>
    %reduce_sum3A_693 = vector.shape_cast %exp3A_692 : vector<2xf32> to vector<1x2xf32>
    %reduce_sum3A_694 = arith.constant dense<0.000000e+00> : vector<1xf32>
    %reduce_sum3A_695 = vector.multi_reduction <add>, %reduce_sum3A_693, %reduce_sum3A_694 [1] : vector<1x2xf32> to vector<1xf32>
    %reduce_sum3A_696 = vector.shape_cast %reduce_sum3A_695 : vector<1xf32> to vector<1x1xf32>
    %reduce_sum3A_697 = vector.extract %reduce_sum3A_696[0, 0] : f32 from vector<1x1xf32>
    %div3A_698 = vector.broadcast %reduce_sum3A_697 : f32 to vector<2xf32>
    %div3A_699 = arith.divf %exp3A_692, %div3A_698 : vector<2xf32>
    %broadcast_in_dim3A_700 = vector.shape_cast %div3A_699 : vector<2xf32> to vector<2x1xf32>
    %mul3A_701 = vector.broadcast %broadcast_in_dim3A_700 : vector<2x1xf32> to vector<2x32xf32>
    %mul3A_702 = arith.mulf %mul3A_701, %concatenate3A_654 : vector<2x32xf32>
    %reduce_sum3A_703 = arith.constant dense<0.000000e+00> : vector<32xf32>
    %reduce_sum3A_704 = vector.multi_reduction <add>, %mul3A_702, %reduce_sum3A_703 [0] : vector<2x32xf32> to vector<32xf32>
    %add3A_705 = arith.addf %broadcast_in_dim3A_656, %reduce_sum3A_704 : vector<32xf32>
    %get3A_706 = arith.constant 1 : index
    %get3A_707 = arith.constant 0 : index
    %get3A_708 = vector.load %arg6[%get3A_706, %get3A_707] : memref<4x64xf32, #tpu.memory_space<vmem>>, vector<1x32xf32>
    %get3A_709 = vector.shape_cast %get3A_708 : vector<1x32xf32> to vector<32xf32>
    %broadcast_in_dim3A_710 = vector.shape_cast %get3A_709 : vector<32xf32> to vector<1x32xf32>
    %mul3A_711 = vector.broadcast %broadcast_in_dim3A_710 : vector<1x32xf32> to vector<2x32xf32>
    %mul3A_712 = arith.mulf %concatenate3A_654, %mul3A_711 : vector<2x32xf32>
    %reduce_sum3A_713 = arith.constant dense<0.000000e+00> : vector<2xf32>
    %reduce_sum3A_714 = vector.multi_reduction <add>, %mul3A_712, %reduce_sum3A_713 [1] : vector<2x32xf32> to vector<2xf32>
    %get3A_715 = arith.constant 1 : index
    %get3A_716 = arith.constant 32 : index
    %get3A_717 = vector.load %arg6[%get3A_715, %get3A_716] : memref<4x64xf32, #tpu.memory_space<vmem>>, vector<1x32xf32>
    %get3A_718 = vector.shape_cast %get3A_717 : vector<1x32xf32> to vector<32xf32>
    %mul3A_719 = arith.mulf %select_n3A_643, %get3A_718 : vector<32xf32>
    %reduce_sum3A_720 = vector.shape_cast %mul3A_719 : vector<32xf32> to vector<1x32xf32>
    %reduce_sum3A_721 = arith.constant dense<0.000000e+00> : vector<1xf32>
    %reduce_sum3A_722 = vector.multi_reduction <add>, %reduce_sum3A_720, %reduce_sum3A_721 [1] : vector<1x32xf32> to vector<1xf32>
    %reduce_sum3A_723 = vector.shape_cast %reduce_sum3A_722 : vector<1xf32> to vector<1x1xf32>
    %reduce_sum3A_724 = vector.extract %reduce_sum3A_723[0, 0] : f32 from vector<1x1xf32>
    %add3A_725 = vector.broadcast %reduce_sum3A_724 : f32 to vector<2xf32>
    %add3A_726 = arith.addf %reduce_sum3A_714, %add3A_725 : vector<2xf32>
    %ge3A_727 = arith.constant 0.000000e+00 : f32
    %ge3A_728 = vector.broadcast %ge3A_727 : f32 to vector<2xf32>
    %ge3A_729 = arith.cmpf oge, %add3A_726, %ge3A_728 : vector<2xf32>
    %mul3A_730 = arith.constant 2.000000e-01 : f32
    %mul3A_731 = vector.broadcast %mul3A_730 : f32 to vector<2xf32>
    %mul3A_732 = arith.mulf %mul3A_731, %add3A_726 : vector<2xf32>
    %select_n3A_733 = arith.select %ge3A_729, %add3A_726, %mul3A_732 : vector<2xi1>, vector<2xf32>
    %reduce_max3A_734 = vector.shape_cast %select_n3A_733 : vector<2xf32> to vector<1x2xf32>
    %reduce_max3A_735 = arith.constant dense<0xFF800000> : vector<1xf32>
    %reduce_max3A_736 = vector.multi_reduction <maximumf>, %reduce_max3A_734, %reduce_max3A_735 [1] : vector<1x2xf32> to vector<1xf32>
    %reduce_max3A_737 = vector.shape_cast %reduce_max3A_736 : vector<1xf32> to vector<1x1xf32>
    %reduce_max3A_738 = vector.extract %reduce_max3A_737[0, 0] : f32 from vector<1x1xf32>
    %sub3A_739 = vector.broadcast %reduce_max3A_738 : f32 to vector<2xf32>
    %sub3A_740 = arith.subf %select_n3A_733, %sub3A_739 : vector<2xf32>
    %exp3A_741 = math.exp %sub3A_740 : vector<2xf32>
    %reduce_sum3A_742 = vector.shape_cast %exp3A_741 : vector<2xf32> to vector<1x2xf32>
    %reduce_sum3A_743 = arith.constant dense<0.000000e+00> : vector<1xf32>
    %reduce_sum3A_744 = vector.multi_reduction <add>, %reduce_sum3A_742, %reduce_sum3A_743 [1] : vector<1x2xf32> to vector<1xf32>
    %reduce_sum3A_745 = vector.shape_cast %reduce_sum3A_744 : vector<1xf32> to vector<1x1xf32>
    %reduce_sum3A_746 = vector.extract %reduce_sum3A_745[0, 0] : f32 from vector<1x1xf32>
    %div3A_747 = vector.broadcast %reduce_sum3A_746 : f32 to vector<2xf32>
    %div3A_748 = arith.divf %exp3A_741, %div3A_747 : vector<2xf32>
    %broadcast_in_dim3A_749 = vector.shape_cast %div3A_748 : vector<2xf32> to vector<2x1xf32>
    %mul3A_750 = vector.broadcast %broadcast_in_dim3A_749 : vector<2x1xf32> to vector<2x32xf32>
    %mul3A_751 = arith.mulf %mul3A_750, %concatenate3A_654 : vector<2x32xf32>
    %reduce_sum3A_752 = arith.constant dense<0.000000e+00> : vector<32xf32>
    %reduce_sum3A_753 = vector.multi_reduction <add>, %mul3A_751, %reduce_sum3A_752 [0] : vector<2x32xf32> to vector<32xf32>
    %add3A_754 = arith.addf %add3A_705, %reduce_sum3A_753 : vector<32xf32>
    %get3A_755 = arith.constant 2 : index
    %get3A_756 = arith.constant 0 : index
    %get3A_757 = vector.load %arg6[%get3A_755, %get3A_756] : memref<4x64xf32, #tpu.memory_space<vmem>>, vector<1x32xf32>
    %get3A_758 = vector.shape_cast %get3A_757 : vector<1x32xf32> to vector<32xf32>
    %broadcast_in_dim3A_759 = vector.shape_cast %get3A_758 : vector<32xf32> to vector<1x32xf32>
    %mul3A_760 = vector.broadcast %broadcast_in_dim3A_759 : vector<1x32xf32> to vector<2x32xf32>
    %mul3A_761 = arith.mulf %concatenate3A_654, %mul3A_760 : vector<2x32xf32>
    %reduce_sum3A_762 = arith.constant dense<0.000000e+00> : vector<2xf32>
    %reduce_sum3A_763 = vector.multi_reduction <add>, %mul3A_761, %reduce_sum3A_762 [1] : vector<2x32xf32> to vector<2xf32>
    %get3A_764 = arith.constant 2 : index
    %get3A_765 = arith.constant 32 : index
    %get3A_766 = vector.load %arg6[%get3A_764, %get3A_765] : memref<4x64xf32, #tpu.memory_space<vmem>>, vector<1x32xf32>
    %get3A_767 = vector.shape_cast %get3A_766 : vector<1x32xf32> to vector<32xf32>
    %mul3A_768 = arith.mulf %select_n3A_643, %get3A_767 : vector<32xf32>
    %reduce_sum3A_769 = vector.shape_cast %mul3A_768 : vector<32xf32> to vector<1x32xf32>
    %reduce_sum3A_770 = arith.constant dense<0.000000e+00> : vector<1xf32>
    %reduce_sum3A_771 = vector.multi_reduction <add>, %reduce_sum3A_769, %reduce_sum3A_770 [1] : vector<1x32xf32> to vector<1xf32>
    %reduce_sum3A_772 = vector.shape_cast %reduce_sum3A_771 : vector<1xf32> to vector<1x1xf32>
    %reduce_sum3A_773 = vector.extract %reduce_sum3A_772[0, 0] : f32 from vector<1x1xf32>
    %add3A_774 = vector.broadcast %reduce_sum3A_773 : f32 to vector<2xf32>
    %add3A_775 = arith.addf %reduce_sum3A_763, %add3A_774 : vector<2xf32>
    %ge3A_776 = arith.constant 0.000000e+00 : f32
    %ge3A_777 = vector.broadcast %ge3A_776 : f32 to vector<2xf32>
    %ge3A_778 = arith.cmpf oge, %add3A_775, %ge3A_777 : vector<2xf32>
    %mul3A_779 = arith.constant 2.000000e-01 : f32
    %mul3A_780 = vector.broadcast %mul3A_779 : f32 to vector<2xf32>
    %mul3A_781 = arith.mulf %mul3A_780, %add3A_775 : vector<2xf32>
    %select_n3A_782 = arith.select %ge3A_778, %add3A_775, %mul3A_781 : vector<2xi1>, vector<2xf32>
    %reduce_max3A_783 = vector.shape_cast %select_n3A_782 : vector<2xf32> to vector<1x2xf32>
    %reduce_max3A_784 = arith.constant dense<0xFF800000> : vector<1xf32>
    %reduce_max3A_785 = vector.multi_reduction <maximumf>, %reduce_max3A_783, %reduce_max3A_784 [1] : vector<1x2xf32> to vector<1xf32>
    %reduce_max3A_786 = vector.shape_cast %reduce_max3A_785 : vector<1xf32> to vector<1x1xf32>
    %reduce_max3A_787 = vector.extract %reduce_max3A_786[0, 0] : f32 from vector<1x1xf32>
    %sub3A_788 = vector.broadcast %reduce_max3A_787 : f32 to vector<2xf32>
    %sub3A_789 = arith.subf %select_n3A_782, %sub3A_788 : vector<2xf32>
    %exp3A_790 = math.exp %sub3A_789 : vector<2xf32>
    %reduce_sum3A_791 = vector.shape_cast %exp3A_790 : vector<2xf32> to vector<1x2xf32>
    %reduce_sum3A_792 = arith.constant dense<0.000000e+00> : vector<1xf32>
    %reduce_sum3A_793 = vector.multi_reduction <add>, %reduce_sum3A_791, %reduce_sum3A_792 [1] : vector<1x2xf32> to vector<1xf32>
    %reduce_sum3A_794 = vector.shape_cast %reduce_sum3A_793 : vector<1xf32> to vector<1x1xf32>
    %reduce_sum3A_795 = vector.extract %reduce_sum3A_794[0, 0] : f32 from vector<1x1xf32>
    %div3A_796 = vector.broadcast %reduce_sum3A_795 : f32 to vector<2xf32>
    %div3A_797 = arith.divf %exp3A_790, %div3A_796 : vector<2xf32>
    %broadcast_in_dim3A_798 = vector.shape_cast %div3A_797 : vector<2xf32> to vector<2x1xf32>
    %mul3A_799 = vector.broadcast %broadcast_in_dim3A_798 : vector<2x1xf32> to vector<2x32xf32>
    %mul3A_800 = arith.mulf %mul3A_799, %concatenate3A_654 : vector<2x32xf32>
    %reduce_sum3A_801 = arith.constant dense<0.000000e+00> : vector<32xf32>
    %reduce_sum3A_802 = vector.multi_reduction <add>, %mul3A_800, %reduce_sum3A_801 [0] : vector<2x32xf32> to vector<32xf32>
    %add3A_803 = arith.addf %add3A_754, %reduce_sum3A_802 : vector<32xf32>
    %get3A_804 = arith.constant 3 : index
    %get3A_805 = arith.constant 0 : index
    %get3A_806 = vector.load %arg6[%get3A_804, %get3A_805] : memref<4x64xf32, #tpu.memory_space<vmem>>, vector<1x32xf32>
    %get3A_807 = vector.shape_cast %get3A_806 : vector<1x32xf32> to vector<32xf32>
    %broadcast_in_dim3A_808 = vector.shape_cast %get3A_807 : vector<32xf32> to vector<1x32xf32>
    %mul3A_809 = vector.broadcast %broadcast_in_dim3A_808 : vector<1x32xf32> to vector<2x32xf32>
    %mul3A_810 = arith.mulf %concatenate3A_654, %mul3A_809 : vector<2x32xf32>
    %reduce_sum3A_811 = arith.constant dense<0.000000e+00> : vector<2xf32>
    %reduce_sum3A_812 = vector.multi_reduction <add>, %mul3A_810, %reduce_sum3A_811 [1] : vector<2x32xf32> to vector<2xf32>
    %get3A_813 = arith.constant 3 : index
    %get3A_814 = arith.constant 32 : index
    %get3A_815 = vector.load %arg6[%get3A_813, %get3A_814] : memref<4x64xf32, #tpu.memory_space<vmem>>, vector<1x32xf32>
    %get3A_816 = vector.shape_cast %get3A_815 : vector<1x32xf32> to vector<32xf32>
    %mul3A_817 = arith.mulf %select_n3A_643, %get3A_816 : vector<32xf32>
    %reduce_sum3A_818 = vector.shape_cast %mul3A_817 : vector<32xf32> to vector<1x32xf32>
    %reduce_sum3A_819 = arith.constant dense<0.000000e+00> : vector<1xf32>
    %reduce_sum3A_820 = vector.multi_reduction <add>, %reduce_sum3A_818, %reduce_sum3A_819 [1] : vector<1x32xf32> to vector<1xf32>
    %reduce_sum3A_821 = vector.shape_cast %reduce_sum3A_820 : vector<1xf32> to vector<1x1xf32>
    %reduce_sum3A_822 = vector.extract %reduce_sum3A_821[0, 0] : f32 from vector<1x1xf32>
    %add3A_823 = vector.broadcast %reduce_sum3A_822 : f32 to vector<2xf32>
    %add3A_824 = arith.addf %reduce_sum3A_812, %add3A_823 : vector<2xf32>
    %ge3A_825 = arith.constant 0.000000e+00 : f32
    %ge3A_826 = vector.broadcast %ge3A_825 : f32 to vector<2xf32>
    %ge3A_827 = arith.cmpf oge, %add3A_824, %ge3A_826 : vector<2xf32>
    %mul3A_828 = arith.constant 2.000000e-01 : f32
    %mul3A_829 = vector.broadcast %mul3A_828 : f32 to vector<2xf32>
    %mul3A_830 = arith.mulf %mul3A_829, %add3A_824 : vector<2xf32>
    %select_n3A_831 = arith.select %ge3A_827, %add3A_824, %mul3A_830 : vector<2xi1>, vector<2xf32>
    %reduce_max3A_832 = vector.shape_cast %select_n3A_831 : vector<2xf32> to vector<1x2xf32>
    %reduce_max3A_833 = arith.constant dense<0xFF800000> : vector<1xf32>
    %reduce_max3A_834 = vector.multi_reduction <maximumf>, %reduce_max3A_832, %reduce_max3A_833 [1] : vector<1x2xf32> to vector<1xf32>
    %reduce_max3A_835 = vector.shape_cast %reduce_max3A_834 : vector<1xf32> to vector<1x1xf32>
    %reduce_max3A_836 = vector.extract %reduce_max3A_835[0, 0] : f32 from vector<1x1xf32>
    %sub3A_837 = vector.broadcast %reduce_max3A_836 : f32 to vector<2xf32>
    %sub3A_838 = arith.subf %select_n3A_831, %sub3A_837 : vector<2xf32>
    %exp3A_839 = math.exp %sub3A_838 : vector<2xf32>
    %reduce_sum3A_840 = vector.shape_cast %exp3A_839 : vector<2xf32> to vector<1x2xf32>
    %reduce_sum3A_841 = arith.constant dense<0.000000e+00> : vector<1xf32>
    %reduce_sum3A_842 = vector.multi_reduction <add>, %reduce_sum3A_840, %reduce_sum3A_841 [1] : vector<1x2xf32> to vector<1xf32>
    %reduce_sum3A_843 = vector.shape_cast %reduce_sum3A_842 : vector<1xf32> to vector<1x1xf32>
    %reduce_sum3A_844 = vector.extract %reduce_sum3A_843[0, 0] : f32 from vector<1x1xf32>
    %div3A_845 = vector.broadcast %reduce_sum3A_844 : f32 to vector<2xf32>
    %div3A_846 = arith.divf %exp3A_839, %div3A_845 : vector<2xf32>
    %broadcast_in_dim3A_847 = vector.shape_cast %div3A_846 : vector<2xf32> to vector<2x1xf32>
    %mul3A_848 = vector.broadcast %broadcast_in_dim3A_847 : vector<2x1xf32> to vector<2x32xf32>
    %mul3A_849 = arith.mulf %mul3A_848, %concatenate3A_654 : vector<2x32xf32>
    %reduce_sum3A_850 = arith.constant dense<0.000000e+00> : vector<32xf32>
    %reduce_sum3A_851 = vector.multi_reduction <add>, %mul3A_849, %reduce_sum3A_850 [0] : vector<2x32xf32> to vector<32xf32>
    %add3A_852 = arith.addf %add3A_803, %reduce_sum3A_851 : vector<32xf32>
    %div3A_853 = arith.constant 4.000000e+00 : f32
    %div3A_854 = vector.broadcast %div3A_853 : f32 to vector<32xf32>
    %div3A_855 = arith.divf %add3A_852, %div3A_854 : vector<32xf32>
    %add3A_856 = arith.addf %div3A_855, %add3A_632 : vector<32xf32>
    %gt3A_857 = arith.constant 0.000000e+00 : f32
    %gt3A_858 = vector.broadcast %gt3A_857 : f32 to vector<32xf32>
    %gt3A_859 = arith.cmpf ogt, %add3A_856, %gt3A_858 : vector<32xf32>
    %min3A_860 = arith.constant 0.000000e+00 : f32
    %min3A_861 = vector.broadcast %min3A_860 : f32 to vector<32xf32>
    %min3A_862 = arith.minimumf %add3A_856, %min3A_861 : vector<32xf32>
    %exp3A_863 = math.exp %min3A_862 : vector<32xf32>
    %sub3A_864 = arith.constant 1.000000e+00 : f32
    %sub3A_865 = vector.broadcast %sub3A_864 : f32 to vector<32xf32>
    %sub3A_866 = arith.subf %exp3A_863, %sub3A_865 : vector<32xf32>
    %select_n3A_867 = arith.select %gt3A_859, %add3A_856, %sub3A_866 : vector<32xi1>, vector<32xf32>
    %swap3A_868 = arith.constant 2 : index
    %swap3A_869 = arith.constant 0 : index
    %swap3A_870 = vector.load %arg8[%swap3A_868, %swap3A_869] : memref<4x32xf32, #tpu.memory_space<vmem>>, vector<1x32xf32>
    %swap3A_871 = vector.shape_cast %swap3A_870 : vector<1x32xf32> to vector<32xf32>
    %swap3A_872 = vector.shape_cast %select_n3A_867 : vector<32xf32> to vector<1x32xf32>
    tpu.vector_store %arg8[%swap3A_868, %swap3A_869], %swap3A_872 {strides = array<i32>} : memref<4x32xf32, #tpu.memory_space<vmem>>, vector<1x32xf32>,
    %get3A_873 = arith.constant 3 : index
    %get3A_874 = arith.constant 0 : index
    %get3A_875 = arith.constant 0 : index
    %get3A_876 = vector.load %arg0[%get3A_873, %get3A_874, %get3A_875] : memref<8x1x1024xf32, #tpu.memory_space<vmem>>, vector<1x1x1024xf32>
    %get3A_877 = vector.shape_cast %get3A_876 : vector<1x1x1024xf32> to vector<1024xf32>
    %get3A_878 = arith.constant 7 : index
    %get3A_879 = arith.constant 0 : index
    %get3A_880 = arith.constant 0 : index
    %get3A_881 = vector.load %arg0[%get3A_878, %get3A_879, %get3A_880] : memref<8x1x1024xf32, #tpu.memory_space<vmem>>, vector<1x1x1024xf32>
    %get3A_882 = vector.shape_cast %get3A_881 : vector<1x1x1024xf32> to vector<1024xf32>
    %add3A_883 = arith.addf %get3A_877, %get3A_882 : vector<1024xf32>
    %jit3A_884 = arith.constant 0.000000e+00 : f32
    %jit3A_885 = arith.constant 1.000000e+00 : f32
    %max3A_886 = vector.broadcast %jit3A_884 : f32 to vector<1024xf32>
    %max3A_887 = arith.maximumf %max3A_886, %add3A_883 : vector<1024xf32>
    %min3A_888 = vector.broadcast %jit3A_885 : f32 to vector<1024xf32>
    %min3A_889 = arith.minimumf %min3A_888, %max3A_887 : vector<1024xf32>
    %broadcast_in_dim3A_890 = vector.shape_cast %min3A_889 : vector<1024xf32> to vector<1024x1xf32>
    %get3A_891 = arith.constant 0 : index
    %get3A_892 = arith.constant 0 : index
    %get3A_893 = vector.load %arg1[%get3A_891, %get3A_892] : memref<1024x32xf32, #tpu.memory_space<vmem>>, vector<1024x32xf32>
    %mul3A_894 = vector.broadcast %broadcast_in_dim3A_890 : vector<1024x1xf32> to vector<1024x32xf32>
    %mul3A_895 = arith.mulf %mul3A_894, %get3A_893 : vector<1024x32xf32>
    %get3A_896 = arith.constant 0 : index
    %get3A_897 = arith.constant 0 : index
    %get3A_898 = vector.load %arg2[%get3A_896, %get3A_897] : memref<1024x32xf32, #tpu.memory_space<vmem>>, vector<1024x32xf32>
    %dot_general3A_899 = arith.constant dense<0.000000e+00> : vector<32x32xf32>
    %dot_general3A_900 = tpu.matmul %mul3A_895, %get3A_898, %dot_general3A_899 {dimension_numbers = #tpu.dot_dimension_numbers<[0], [0], [1], [1], [0, 1, 1, 1], [], []>, transpose_lhs_hint = false} : vector<1024x32xf32>, vector<1024x32xf32>, vector<32x32xf32> -> vector<32x32xf32>
    %get3A_901 = arith.constant 0 : index
    %get3A_902 = vector.load %arg3[%get3A_901] : memref<32xf32, #tpu.memory_space<vmem>>, vector<32xf32>
    %broadcast_in_dim3A_903 = vector.shape_cast %get3A_902 : vector<32xf32> to vector<1x32xf32>
    %add3A_904 = vector.broadcast %broadcast_in_dim3A_903 : vector<1x32xf32> to vector<32x32xf32>
    %add3A_905 = arith.addf %dot_general3A_900, %add3A_904 : vector<32x32xf32>
    %gt3A_906 = arith.constant 0.000000e+00 : f32
    %gt3A_907 = vector.broadcast %gt3A_906 : f32 to vector<32x32xf32>
    %gt3A_908 = arith.cmpf ogt, %add3A_905, %gt3A_907 : vector<32x32xf32>
    %min3A_909 = arith.constant 0.000000e+00 : f32
    %min3A_910 = vector.broadcast %min3A_909 : f32 to vector<32x32xf32>
    %min3A_911 = arith.minimumf %add3A_905, %min3A_910 : vector<32x32xf32>
    %exp3A_912 = math.exp %min3A_911 : vector<32x32xf32>
    %sub3A_913 = arith.constant 1.000000e+00 : f32
    %sub3A_914 = vector.broadcast %sub3A_913 : f32 to vector<32x32xf32>
    %sub3A_915 = arith.subf %exp3A_912, %sub3A_914 : vector<32x32xf32>
    %select_n3A_916 = arith.select %gt3A_908, %add3A_905, %sub3A_915 : vector<32x32xi1>, vector<32x32xf32>
    %reduce_max3A_917 = arith.constant dense<0xFF800000> : vector<32xf32>
    %reduce_max3A_918 = vector.multi_reduction <maximumf>, %select_n3A_916, %reduce_max3A_917 [1] : vector<32x32xf32> to vector<32xf32>
    %broadcast_in_dim3A_919 = vector.shape_cast %reduce_max3A_918 : vector<32xf32> to vector<32x1xf32>
    %get3A_920 = arith.constant 0 : index
    %get3A_921 = arith.constant 0 : index
    %get3A_922 = vector.load %arg4[%get3A_920, %get3A_921] : memref<32x32xf32, #tpu.memory_space<vmem>>, vector<32x32xf32>
    %mul3A_923 = vector.broadcast %broadcast_in_dim3A_919 : vector<32x1xf32> to vector<32x32xf32>
    %mul3A_924 = arith.mulf %mul3A_923, %get3A_922 : vector<32x32xf32>
    %reduce_sum3A_925 = arith.constant dense<0.000000e+00> : vector<32xf32>
    %reduce_sum3A_926 = vector.multi_reduction <add>, %mul3A_924, %reduce_sum3A_925 [0] : vector<32x32xf32> to vector<32xf32>
    %get3A_927 = arith.constant 0 : index
    %get3A_928 = vector.load %arg5[%get3A_927] : memref<32xf32, #tpu.memory_space<vmem>>, vector<32xf32>
    %add3A_929 = arith.addf %reduce_sum3A_926, %get3A_928 : vector<32xf32>
    %gt3A_930 = arith.constant 0.000000e+00 : f32
    %gt3A_931 = vector.broadcast %gt3A_930 : f32 to vector<32xf32>
    %gt3A_932 = arith.cmpf ogt, %add3A_929, %gt3A_931 : vector<32xf32>
    %min3A_933 = arith.constant 0.000000e+00 : f32
    %min3A_934 = vector.broadcast %min3A_933 : f32 to vector<32xf32>
    %min3A_935 = arith.minimumf %add3A_929, %min3A_934 : vector<32xf32>
    %exp3A_936 = math.exp %min3A_935 : vector<32xf32>
    %sub3A_937 = arith.constant 1.000000e+00 : f32
    %sub3A_938 = vector.broadcast %sub3A_937 : f32 to vector<32xf32>
    %sub3A_939 = arith.subf %exp3A_936, %sub3A_938 : vector<32xf32>
    %select_n3A_940 = arith.select %gt3A_932, %add3A_929, %sub3A_939 : vector<32xi1>, vector<32xf32>
    %get3A_941 = arith.constant 3 : index
    %get3A_942 = arith.constant 0 : index
    %get3A_943 = arith.constant 0 : index
    %get3A_944 = vector.load %arg7[%get3A_941, %get3A_942, %get3A_943] : memref<8x1x32xf32, #tpu.memory_space<vmem>>, vector<1x1x32xf32>
    %get3A_945 = vector.shape_cast %get3A_944 : vector<1x1x32xf32> to vector<1x32xf32>
    %get3A_946 = arith.constant 7 : index
    %get3A_947 = arith.constant 0 : index
    %get3A_948 = arith.constant 0 : index
    %get3A_949 = vector.load %arg7[%get3A_946, %get3A_947, %get3A_948] : memref<8x1x32xf32, #tpu.memory_space<vmem>>, vector<1x1x32xf32>
    %get3A_950 = vector.shape_cast %get3A_949 : vector<1x1x32xf32> to vector<1x32xf32>
    %concatenate3A_951 = tpu.concatenate %get3A_945, %get3A_950 in 0 : vector<1x32xf32>, vector<1x32xf32> -> vector<2x32xf32>
    %broadcast_in_dim3A_952 = arith.constant 0.000000e+00 : f32
    %broadcast_in_dim3A_953 = vector.broadcast %broadcast_in_dim3A_952 : f32 to vector<32xf32>
    %get3A_954 = arith.constant 0 : index
    %get3A_955 = arith.constant 0 : index
    %get3A_956 = vector.load %arg6[%get3A_954, %get3A_955] : memref<4x64xf32, #tpu.memory_space<vmem>>, vector<1x32xf32>
    %get3A_957 = vector.shape_cast %get3A_956 : vector<1x32xf32> to vector<32xf32>
    %broadcast_in_dim3A_958 = vector.shape_cast %get3A_957 : vector<32xf32> to vector<1x32xf32>
    %mul3A_959 = vector.broadcast %broadcast_in_dim3A_958 : vector<1x32xf32> to vector<2x32xf32>
    %mul3A_960 = arith.mulf %concatenate3A_951, %mul3A_959 : vector<2x32xf32>
    %reduce_sum3A_961 = arith.constant dense<0.000000e+00> : vector<2xf32>
    %reduce_sum3A_962 = vector.multi_reduction <add>, %mul3A_960, %reduce_sum3A_961 [1] : vector<2x32xf32> to vector<2xf32>
    %get3A_963 = arith.constant 0 : index
    %get3A_964 = arith.constant 32 : index
    %get3A_965 = vector.load %arg6[%get3A_963, %get3A_964] : memref<4x64xf32, #tpu.memory_space<vmem>>, vector<1x32xf32>
    %get3A_966 = vector.shape_cast %get3A_965 : vector<1x32xf32> to vector<32xf32>
    %mul3A_967 = arith.mulf %select_n3A_940, %get3A_966 : vector<32xf32>
    %reduce_sum3A_968 = vector.shape_cast %mul3A_967 : vector<32xf32> to vector<1x32xf32>
    %reduce_sum3A_969 = arith.constant dense<0.000000e+00> : vector<1xf32>
    %reduce_sum3A_970 = vector.multi_reduction <add>, %reduce_sum3A_968, %reduce_sum3A_969 [1] : vector<1x32xf32> to vector<1xf32>
    %reduce_sum3A_971 = vector.shape_cast %reduce_sum3A_970 : vector<1xf32> to vector<1x1xf32>
    %reduce_sum3A_972 = vector.extract %reduce_sum3A_971[0, 0] : f32 from vector<1x1xf32>
    %add3A_973 = vector.broadcast %reduce_sum3A_972 : f32 to vector<2xf32>
    %add3A_974 = arith.addf %reduce_sum3A_962, %add3A_973 : vector<2xf32>
    %ge3A_975 = arith.constant 0.000000e+00 : f32
    %ge3A_976 = vector.broadcast %ge3A_975 : f32 to vector<2xf32>
    %ge3A_977 = arith.cmpf oge, %add3A_974, %ge3A_976 : vector<2xf32>
    %mul3A_978 = arith.constant 2.000000e-01 : f32
    %mul3A_979 = vector.broadcast %mul3A_978 : f32 to vector<2xf32>
    %mul3A_980 = arith.mulf %mul3A_979, %add3A_974 : vector<2xf32>
    %select_n3A_981 = arith.select %ge3A_977, %add3A_974, %mul3A_980 : vector<2xi1>, vector<2xf32>
    %reduce_max3A_982 = vector.shape_cast %select_n3A_981 : vector<2xf32> to vector<1x2xf32>
    %reduce_max3A_983 = arith.constant dense<0xFF800000> : vector<1xf32>
    %reduce_max3A_984 = vector.multi_reduction <maximumf>, %reduce_max3A_982, %reduce_max3A_983 [1] : vector<1x2xf32> to vector<1xf32>
    %reduce_max3A_985 = vector.shape_cast %reduce_max3A_984 : vector<1xf32> to vector<1x1xf32>
    %reduce_max3A_986 = vector.extract %reduce_max3A_985[0, 0] : f32 from vector<1x1xf32>
    %sub3A_987 = vector.broadcast %reduce_max3A_986 : f32 to vector<2xf32>
    %sub3A_988 = arith.subf %select_n3A_981, %sub3A_987 : vector<2xf32>
    %exp3A_989 = math.exp %sub3A_988 : vector<2xf32>
    %reduce_sum3A_990 = vector.shape_cast %exp3A_989 : vector<2xf32> to vector<1x2xf32>
    %reduce_sum3A_991 = arith.constant dense<0.000000e+00> : vector<1xf32>
    %reduce_sum3A_992 = vector.multi_reduction <add>, %reduce_sum3A_990, %reduce_sum3A_991 [1] : vector<1x2xf32> to vector<1xf32>
    %reduce_sum3A_993 = vector.shape_cast %reduce_sum3A_992 : vector<1xf32> to vector<1x1xf32>
    %reduce_sum3A_994 = vector.extract %reduce_sum3A_993[0, 0] : f32 from vector<1x1xf32>
    %div3A_995 = vector.broadcast %reduce_sum3A_994 : f32 to vector<2xf32>
    %div3A_996 = arith.divf %exp3A_989, %div3A_995 : vector<2xf32>
    %broadcast_in_dim3A_997 = vector.shape_cast %div3A_996 : vector<2xf32> to vector<2x1xf32>
    %mul3A_998 = vector.broadcast %broadcast_in_dim3A_997 : vector<2x1xf32> to vector<2x32xf32>
    %mul3A_999 = arith.mulf %mul3A_998, %concatenate3A_951 : vector<2x32xf32>
    %reduce_sum3A_1000 = arith.constant dense<0.000000e+00> : vector<32xf32>
    %reduce_sum3A_1001 = vector.multi_reduction <add>, %mul3A_999, %reduce_sum3A_1000 [0] : vector<2x32xf32> to vector<32xf32>
    %add3A_1002 = arith.addf %broadcast_in_dim3A_953, %reduce_sum3A_1001 : vector<32xf32>
    %get3A_1003 = arith.constant 1 : index
    %get3A_1004 = arith.constant 0 : index
    %get3A_1005 = vector.load %arg6[%get3A_1003, %get3A_1004] : memref<4x64xf32, #tpu.memory_space<vmem>>, vector<1x32xf32>
    %get3A_1006 = vector.shape_cast %get3A_1005 : vector<1x32xf32> to vector<32xf32>
    %broadcast_in_dim3A_1007 = vector.shape_cast %get3A_1006 : vector<32xf32> to vector<1x32xf32>
    %mul3A_1008 = vector.broadcast %broadcast_in_dim3A_1007 : vector<1x32xf32> to vector<2x32xf32>
    %mul3A_1009 = arith.mulf %concatenate3A_951, %mul3A_1008 : vector<2x32xf32>
    %reduce_sum3A_1010 = arith.constant dense<0.000000e+00> : vector<2xf32>
    %reduce_sum3A_1011 = vector.multi_reduction <add>, %mul3A_1009, %reduce_sum3A_1010 [1] : vector<2x32xf32> to vector<2xf32>
    %get3A_1012 = arith.constant 1 : index
    %get3A_1013 = arith.constant 32 : index
    %get3A_1014 = vector.load %arg6[%get3A_1012, %get3A_1013] : memref<4x64xf32, #tpu.memory_space<vmem>>, vector<1x32xf32>
    %get3A_1015 = vector.shape_cast %get3A_1014 : vector<1x32xf32> to vector<32xf32>
    %mul3A_1016 = arith.mulf %select_n3A_940, %get3A_1015 : vector<32xf32>
    %reduce_sum3A_1017 = vector.shape_cast %mul3A_1016 : vector<32xf32> to vector<1x32xf32>
    %reduce_sum3A_1018 = arith.constant dense<0.000000e+00> : vector<1xf32>
    %reduce_sum3A_1019 = vector.multi_reduction <add>, %reduce_sum3A_1017, %reduce_sum3A_1018 [1] : vector<1x32xf32> to vector<1xf32>
    %reduce_sum3A_1020 = vector.shape_cast %reduce_sum3A_1019 : vector<1xf32> to vector<1x1xf32>
    %reduce_sum3A_1021 = vector.extract %reduce_sum3A_1020[0, 0] : f32 from vector<1x1xf32>
    %add3A_1022 = vector.broadcast %reduce_sum3A_1021 : f32 to vector<2xf32>
    %add3A_1023 = arith.addf %reduce_sum3A_1011, %add3A_1022 : vector<2xf32>
    %ge3A_1024 = arith.constant 0.000000e+00 : f32
    %ge3A_1025 = vector.broadcast %ge3A_1024 : f32 to vector<2xf32>
    %ge3A_1026 = arith.cmpf oge, %add3A_1023, %ge3A_1025 : vector<2xf32>
    %mul3A_1027 = arith.constant 2.000000e-01 : f32
    %mul3A_1028 = vector.broadcast %mul3A_1027 : f32 to vector<2xf32>
    %mul3A_1029 = arith.mulf %mul3A_1028, %add3A_1023 : vector<2xf32>
    %select_n3A_1030 = arith.select %ge3A_1026, %add3A_1023, %mul3A_1029 : vector<2xi1>, vector<2xf32>
    %reduce_max3A_1031 = vector.shape_cast %select_n3A_1030 : vector<2xf32> to vector<1x2xf32>
    %reduce_max3A_1032 = arith.constant dense<0xFF800000> : vector<1xf32>
    %reduce_max3A_1033 = vector.multi_reduction <maximumf>, %reduce_max3A_1031, %reduce_max3A_1032 [1] : vector<1x2xf32> to vector<1xf32>
    %reduce_max3A_1034 = vector.shape_cast %reduce_max3A_1033 : vector<1xf32> to vector<1x1xf32>
    %reduce_max3A_1035 = vector.extract %reduce_max3A_1034[0, 0] : f32 from vector<1x1xf32>
    %sub3A_1036 = vector.broadcast %reduce_max3A_1035 : f32 to vector<2xf32>
    %sub3A_1037 = arith.subf %select_n3A_1030, %sub3A_1036 : vector<2xf32>
    %exp3A_1038 = math.exp %sub3A_1037 : vector<2xf32>
    %reduce_sum3A_1039 = vector.shape_cast %exp3A_1038 : vector<2xf32> to vector<1x2xf32>
    %reduce_sum3A_1040 = arith.constant dense<0.000000e+00> : vector<1xf32>
    %reduce_sum3A_1041 = vector.multi_reduction <add>, %reduce_sum3A_1039, %reduce_sum3A_1040 [1] : vector<1x2xf32> to vector<1xf32>
    %reduce_sum3A_1042 = vector.shape_cast %reduce_sum3A_1041 : vector<1xf32> to vector<1x1xf32>
    %reduce_sum3A_1043 = vector.extract %reduce_sum3A_1042[0, 0] : f32 from vector<1x1xf32>
    %div3A_1044 = vector.broadcast %reduce_sum3A_1043 : f32 to vector<2xf32>
    %div3A_1045 = arith.divf %exp3A_1038, %div3A_1044 : vector<2xf32>
    %broadcast_in_dim3A_1046 = vector.shape_cast %div3A_1045 : vector<2xf32> to vector<2x1xf32>
    %mul3A_1047 = vector.broadcast %broadcast_in_dim3A_1046 : vector<2x1xf32> to vector<2x32xf32>
    %mul3A_1048 = arith.mulf %mul3A_1047, %concatenate3A_951 : vector<2x32xf32>
    %reduce_sum3A_1049 = arith.constant dense<0.000000e+00> : vector<32xf32>
    %reduce_sum3A_1050 = vector.multi_reduction <add>, %mul3A_1048, %reduce_sum3A_1049 [0] : vector<2x32xf32> to vector<32xf32>
    %add3A_1051 = arith.addf %add3A_1002, %reduce_sum3A_1050 : vector<32xf32>
    %get3A_1052 = arith.constant 2 : index
    %get3A_1053 = arith.constant 0 : index
    %get3A_1054 = vector.load %arg6[%get3A_1052, %get3A_1053] : memref<4x64xf32, #tpu.memory_space<vmem>>, vector<1x32xf32>
    %get3A_1055 = vector.shape_cast %get3A_1054 : vector<1x32xf32> to vector<32xf32>
    %broadcast_in_dim3A_1056 = vector.shape_cast %get3A_1055 : vector<32xf32> to vector<1x32xf32>
    %mul3A_1057 = vector.broadcast %broadcast_in_dim3A_1056 : vector<1x32xf32> to vector<2x32xf32>
    %mul3A_1058 = arith.mulf %concatenate3A_951, %mul3A_1057 : vector<2x32xf32>
    %reduce_sum3A_1059 = arith.constant dense<0.000000e+00> : vector<2xf32>
    %reduce_sum3A_1060 = vector.multi_reduction <add>, %mul3A_1058, %reduce_sum3A_1059 [1] : vector<2x32xf32> to vector<2xf32>
    %get3A_1061 = arith.constant 2 : index
    %get3A_1062 = arith.constant 32 : index
    %get3A_1063 = vector.load %arg6[%get3A_1061, %get3A_1062] : memref<4x64xf32, #tpu.memory_space<vmem>>, vector<1x32xf32>
    %get3A_1064 = vector.shape_cast %get3A_1063 : vector<1x32xf32> to vector<32xf32>
    %mul3A_1065 = arith.mulf %select_n3A_940, %get3A_1064 : vector<32xf32>
    %reduce_sum3A_1066 = vector.shape_cast %mul3A_1065 : vector<32xf32> to vector<1x32xf32>
    %reduce_sum3A_1067 = arith.constant dense<0.000000e+00> : vector<1xf32>
    %reduce_sum3A_1068 = vector.multi_reduction <add>, %reduce_sum3A_1066, %reduce_sum3A_1067 [1] : vector<1x32xf32> to vector<1xf32>
    %reduce_sum3A_1069 = vector.shape_cast %reduce_sum3A_1068 : vector<1xf32> to vector<1x1xf32>
    %reduce_sum3A_1070 = vector.extract %reduce_sum3A_1069[0, 0] : f32 from vector<1x1xf32>
    %add3A_1071 = vector.broadcast %reduce_sum3A_1070 : f32 to vector<2xf32>
    %add3A_1072 = arith.addf %reduce_sum3A_1060, %add3A_1071 : vector<2xf32>
    %ge3A_1073 = arith.constant 0.000000e+00 : f32
    %ge3A_1074 = vector.broadcast %ge3A_1073 : f32 to vector<2xf32>
    %ge3A_1075 = arith.cmpf oge, %add3A_1072, %ge3A_1074 : vector<2xf32>
    %mul3A_1076 = arith.constant 2.000000e-01 : f32
    %mul3A_1077 = vector.broadcast %mul3A_1076 : f32 to vector<2xf32>
    %mul3A_1078 = arith.mulf %mul3A_1077, %add3A_1072 : vector<2xf32>
    %select_n3A_1079 = arith.select %ge3A_1075, %add3A_1072, %mul3A_1078 : vector<2xi1>, vector<2xf32>
    %reduce_max3A_1080 = vector.shape_cast %select_n3A_1079 : vector<2xf32> to vector<1x2xf32>
    %reduce_max3A_1081 = arith.constant dense<0xFF800000> : vector<1xf32>
    %reduce_max3A_1082 = vector.multi_reduction <maximumf>, %reduce_max3A_1080, %reduce_max3A_1081 [1] : vector<1x2xf32> to vector<1xf32>
    %reduce_max3A_1083 = vector.shape_cast %reduce_max3A_1082 : vector<1xf32> to vector<1x1xf32>
    %reduce_max3A_1084 = vector.extract %reduce_max3A_1083[0, 0] : f32 from vector<1x1xf32>
    %sub3A_1085 = vector.broadcast %reduce_max3A_1084 : f32 to vector<2xf32>
    %sub3A_1086 = arith.subf %select_n3A_1079, %sub3A_1085 : vector<2xf32>
    %exp3A_1087 = math.exp %sub3A_1086 : vector<2xf32>
    %reduce_sum3A_1088 = vector.shape_cast %exp3A_1087 : vector<2xf32> to vector<1x2xf32>
    %reduce_sum3A_1089 = arith.constant dense<0.000000e+00> : vector<1xf32>
    %reduce_sum3A_1090 = vector.multi_reduction <add>, %reduce_sum3A_1088, %reduce_sum3A_1089 [1] : vector<1x2xf32> to vector<1xf32>
    %reduce_sum3A_1091 = vector.shape_cast %reduce_sum3A_1090 : vector<1xf32> to vector<1x1xf32>
    %reduce_sum3A_1092 = vector.extract %reduce_sum3A_1091[0, 0] : f32 from vector<1x1xf32>
    %div3A_1093 = vector.broadcast %reduce_sum3A_1092 : f32 to vector<2xf32>
    %div3A_1094 = arith.divf %exp3A_1087, %div3A_1093 : vector<2xf32>
    %broadcast_in_dim3A_1095 = vector.shape_cast %div3A_1094 : vector<2xf32> to vector<2x1xf32>
    %mul3A_1096 = vector.broadcast %broadcast_in_dim3A_1095 : vector<2x1xf32> to vector<2x32xf32>
    %mul3A_1097 = arith.mulf %mul3A_1096, %concatenate3A_951 : vector<2x32xf32>
    %reduce_sum3A_1098 = arith.constant dense<0.000000e+00> : vector<32xf32>
    %reduce_sum3A_1099 = vector.multi_reduction <add>, %mul3A_1097, %reduce_sum3A_1098 [0] : vector<2x32xf32> to vector<32xf32>
    %add3A_1100 = arith.addf %add3A_1051, %reduce_sum3A_1099 : vector<32xf32>
    %get3A_1101 = arith.constant 3 : index
    %get3A_1102 = arith.constant 0 : index
    %get3A_1103 = vector.load %arg6[%get3A_1101, %get3A_1102] : memref<4x64xf32, #tpu.memory_space<vmem>>, vector<1x32xf32>
    %get3A_1104 = vector.shape_cast %get3A_1103 : vector<1x32xf32> to vector<32xf32>
    %broadcast_in_dim3A_1105 = vector.shape_cast %get3A_1104 : vector<32xf32> to vector<1x32xf32>
    %mul3A_1106 = vector.broadcast %broadcast_in_dim3A_1105 : vector<1x32xf32> to vector<2x32xf32>
    %mul3A_1107 = arith.mulf %concatenate3A_951, %mul3A_1106 : vector<2x32xf32>
    %reduce_sum3A_1108 = arith.constant dense<0.000000e+00> : vector<2xf32>
    %reduce_sum3A_1109 = vector.multi_reduction <add>, %mul3A_1107, %reduce_sum3A_1108 [1] : vector<2x32xf32> to vector<2xf32>
    %get3A_1110 = arith.constant 3 : index
    %get3A_1111 = arith.constant 32 : index
    %get3A_1112 = vector.load %arg6[%get3A_1110, %get3A_1111] : memref<4x64xf32, #tpu.memory_space<vmem>>, vector<1x32xf32>
    %get3A_1113 = vector.shape_cast %get3A_1112 : vector<1x32xf32> to vector<32xf32>
    %mul3A_1114 = arith.mulf %select_n3A_940, %get3A_1113 : vector<32xf32>
    %reduce_sum3A_1115 = vector.shape_cast %mul3A_1114 : vector<32xf32> to vector<1x32xf32>
    %reduce_sum3A_1116 = arith.constant dense<0.000000e+00> : vector<1xf32>
    %reduce_sum3A_1117 = vector.multi_reduction <add>, %reduce_sum3A_1115, %reduce_sum3A_1116 [1] : vector<1x32xf32> to vector<1xf32>
    %reduce_sum3A_1118 = vector.shape_cast %reduce_sum3A_1117 : vector<1xf32> to vector<1x1xf32>
    %reduce_sum3A_1119 = vector.extract %reduce_sum3A_1118[0, 0] : f32 from vector<1x1xf32>
    %add3A_1120 = vector.broadcast %reduce_sum3A_1119 : f32 to vector<2xf32>
    %add3A_1121 = arith.addf %reduce_sum3A_1109, %add3A_1120 : vector<2xf32>
    %ge3A_1122 = arith.constant 0.000000e+00 : f32
    %ge3A_1123 = vector.broadcast %ge3A_1122 : f32 to vector<2xf32>
    %ge3A_1124 = arith.cmpf oge, %add3A_1121, %ge3A_1123 : vector<2xf32>
    %mul3A_1125 = arith.constant 2.000000e-01 : f32
    %mul3A_1126 = vector.broadcast %mul3A_1125 : f32 to vector<2xf32>
    %mul3A_1127 = arith.mulf %mul3A_1126, %add3A_1121 : vector<2xf32>
    %select_n3A_1128 = arith.select %ge3A_1124, %add3A_1121, %mul3A_1127 : vector<2xi1>, vector<2xf32>
    %reduce_max3A_1129 = vector.shape_cast %select_n3A_1128 : vector<2xf32> to vector<1x2xf32>
    %reduce_max3A_1130 = arith.constant dense<0xFF800000> : vector<1xf32>
    %reduce_max3A_1131 = vector.multi_reduction <maximumf>, %reduce_max3A_1129, %reduce_max3A_1130 [1] : vector<1x2xf32> to vector<1xf32>
    %reduce_max3A_1132 = vector.shape_cast %reduce_max3A_1131 : vector<1xf32> to vector<1x1xf32>
    %reduce_max3A_1133 = vector.extract %reduce_max3A_1132[0, 0] : f32 from vector<1x1xf32>
    %sub3A_1134 = vector.broadcast %reduce_max3A_1133 : f32 to vector<2xf32>
    %sub3A_1135 = arith.subf %select_n3A_1128, %sub3A_1134 : vector<2xf32>
    %exp3A_1136 = math.exp %sub3A_1135 : vector<2xf32>
    %reduce_sum3A_1137 = vector.shape_cast %exp3A_1136 : vector<2xf32> to vector<1x2xf32>
    %reduce_sum3A_1138 = arith.constant dense<0.000000e+00> : vector<1xf32>
    %reduce_sum3A_1139 = vector.multi_reduction <add>, %reduce_sum3A_1137, %reduce_sum3A_1138 [1] : vector<1x2xf32> to vector<1xf32>
    %reduce_sum3A_1140 = vector.shape_cast %reduce_sum3A_1139 : vector<1xf32> to vector<1x1xf32>
    %reduce_sum3A_1141 = vector.extract %reduce_sum3A_1140[0, 0] : f32 from vector<1x1xf32>
    %div3A_1142 = vector.broadcast %reduce_sum3A_1141 : f32 to vector<2xf32>
    %div3A_1143 = arith.divf %exp3A_1136, %div3A_1142 : vector<2xf32>
    %broadcast_in_dim3A_1144 = vector.shape_cast %div3A_1143 : vector<2xf32> to vector<2x1xf32>
    %mul3A_1145 = vector.broadcast %broadcast_in_dim3A_1144 : vector<2x1xf32> to vector<2x32xf32>
    %mul3A_1146 = arith.mulf %mul3A_1145, %concatenate3A_951 : vector<2x32xf32>
    %reduce_sum3A_1147 = arith.constant dense<0.000000e+00> : vector<32xf32>
    %reduce_sum3A_1148 = vector.multi_reduction <add>, %mul3A_1146, %reduce_sum3A_1147 [0] : vector<2x32xf32> to vector<32xf32>
    %add3A_1149 = arith.addf %add3A_1100, %reduce_sum3A_1148 : vector<32xf32>
    %div3A_1150 = arith.constant 4.000000e+00 : f32
    %div3A_1151 = vector.broadcast %div3A_1150 : f32 to vector<32xf32>
    %div3A_1152 = arith.divf %add3A_1149, %div3A_1151 : vector<32xf32>
    %add3A_1153 = arith.addf %div3A_1152, %add3A_929 : vector<32xf32>
    %gt3A_1154 = arith.constant 0.000000e+00 : f32
    %gt3A_1155 = vector.broadcast %gt3A_1154 : f32 to vector<32xf32>
    %gt3A_1156 = arith.cmpf ogt, %add3A_1153, %gt3A_1155 : vector<32xf32>
    %min3A_1157 = arith.constant 0.000000e+00 : f32
    %min3A_1158 = vector.broadcast %min3A_1157 : f32 to vector<32xf32>
    %min3A_1159 = arith.minimumf %add3A_1153, %min3A_1158 : vector<32xf32>
    %exp3A_1160 = math.exp %min3A_1159 : vector<32xf32>
    %sub3A_1161 = arith.constant 1.000000e+00 : f32
    %sub3A_1162 = vector.broadcast %sub3A_1161 : f32 to vector<32xf32>
    %sub3A_1163 = arith.subf %exp3A_1160, %sub3A_1162 : vector<32xf32>
    %select_n3A_1164 = arith.select %gt3A_1156, %add3A_1153, %sub3A_1163 : vector<32xi1>, vector<32xf32>
    %swap3A_1165 = arith.constant 3 : index
    %swap3A_1166 = arith.constant 0 : index
    %swap3A_1167 = vector.load %arg8[%swap3A_1165, %swap3A_1166] : memref<4x32xf32, #tpu.memory_space<vmem>>, vector<1x32xf32>
    %swap3A_1168 = vector.shape_cast %swap3A_1167 : vector<1x32xf32> to vector<32xf32>
    %swap3A_1169 = vector.shape_cast %select_n3A_1164 : vector<32xf32> to vector<1x32xf32>
    tpu.vector_store %arg8[%swap3A_1165, %swap3A_1166], %swap3A_1169 {strides = array<i32>} : memref<4x32xf32, #tpu.memory_space<vmem>>, vector<1x32xf32>,
    return
  }
}

module attributes {stable_mosaic.version = 14 : i64} {
  func.func @_sample_body(%arg0: i32, %arg1: memref<8x16xi32, #tpu.memory_space<smem>>, %arg2: memref<1x1024x128xf32, #tpu.memory_space<vmem>>, %arg3: memref<32x128xf32, #tpu.memory_space<vmem>>, %arg4: memref<32x8xf32, #tpu.memory_space<vmem>>, %arg5: memref<128x32xf32, #tpu.memory_space<vmem>>, %arg6: memref<128x2xf32, #tpu.memory_space<vmem>>, %arg7: memref<32xf32, #tpu.memory_space<vmem>>, %arg8: memref<1x1x32xf32, #tpu.memory_space<vmem>>, %arg9: memref<1024x33xf32, #tpu.memory_space<vmem>>) attributes {dimension_semantics = [#tpu.dimension_semantics<arbitrary>], iteration_bounds = array<i64: 8>, scalar_prefetch = 0 : i64, scratch_operands = 1 : i64, tpu.core_type = #tpu.core_type<tc>, window_params = [{transform_indices = @transform_0, window_bounds = array<i64: 8, 16>}, {transform_indices = @transform_1, window_bounds = array<i64: 1, 1024, 128>}, {pipeline_mode = #tpu.pipeline_mode<synchronous>, transform_indices = @transform_2, window_bounds = array<i64: 32, 128>}, {pipeline_mode = #tpu.pipeline_mode<synchronous>, transform_indices = @transform_3, window_bounds = array<i64: 32, 8>}, {pipeline_mode = #tpu.pipeline_mode<synchronous>, transform_indices = @transform_4, window_bounds = array<i64: 128, 32>}, {pipeline_mode = #tpu.pipeline_mode<synchronous>, transform_indices = @transform_5, window_bounds = array<i64: 128, 2>}, {pipeline_mode = #tpu.pipeline_mode<synchronous>, transform_indices = @transform_6, window_bounds = array<i64: 32>}, {transform_indices = @transform_7, window_bounds = array<i64: 1, 1, 32>}]} {
    %get3A = arith.index_cast %arg0 : i32 to index
    %get3A_0 = arith.constant 0 : index
    %get3A_1 = memref.load %arg1[%get3A, %get3A_0] : memref<8x16xi32, #tpu.memory_space<smem>>
    %get3A_2 = arith.constant 0 : index
    %get3A_3 = arith.constant 0 : index
    %get3A_4 = arith.constant 0 : index
    %get3A_5 = vector.load %arg2[%get3A_2, %get3A_3, %get3A_4] : memref<1x1024x128xf32, #tpu.memory_space<vmem>>, vector<1x1024x128xf32>
    %get3A_6 = vector.shape_cast %get3A_5 : vector<1x1024x128xf32> to vector<1024x128xf32>
    %slice3A = vector.extract_strided_slice %get3A_6 {offsets = [0, 0], sizes = [1024, 32], strides = [1, 1]} : vector<1024x128xf32> to vector<1024x32xf32>
    %get3A_7 = arith.constant 0 : index
    %get3A_8 = arith.constant 0 : index
    %get3A_9 = arith.constant 0 : index
    %get3A_10 = vector.load %arg2[%get3A_7, %get3A_8, %get3A_9] : memref<1x1024x128xf32, #tpu.memory_space<vmem>>, vector<1x1024x128xf32>
    %get3A_11 = vector.shape_cast %get3A_10 : vector<1x1024x128xf32> to vector<1024x128xf32>
    %slice3A_12 = vector.extract_strided_slice %get3A_11 {offsets = [0, 32], sizes = [1024, 32], strides = [1, 1]} : vector<1024x128xf32> to vector<1024x32xf32>
    %broadcast_in_dim3A = arith.constant 1.000000e+00 : f32
    %broadcast_in_dim3A_13 = vector.broadcast %broadcast_in_dim3A : f32 to vector<1024x1xf32>
    %iota3A = tpu.iota {dimensions = array<i32: 1>} : vector<1x1024xi32>
    %iota3A_14 = vector.shape_cast %iota3A : vector<1x1024xi32> to vector<1024xi32>
    %lt3A = vector.broadcast %get3A_1 : i32 to vector<1024xi32>
    %lt3A_15 = arith.cmpi slt, %iota3A_14, %lt3A : vector<1024xi32>
    %get3A_16 = arith.constant 0 : index
    %get3A_17 = arith.constant 0 : index
    %get3A_18 = vector.load %arg3[%get3A_16, %get3A_17] : memref<32x128xf32, #tpu.memory_space<vmem>>, vector<32x128xf32>
    %dot_general3A = arith.constant dense<0.000000e+00> : vector<1024x128xf32>
    %dot_general3A_19 = tpu.matmul %slice3A, %get3A_18, %dot_general3A {dimension_numbers = #tpu.dot_dimension_numbers<[1], [0], [0], [1], [0, 0, 1, 1], [], []>, transpose_lhs_hint = false} : vector<1024x32xf32>, vector<32x128xf32>, vector<1024x128xf32> -> vector<1024x128xf32>
    %get3A_20 = arith.constant 0 : index
    %get3A_21 = arith.constant 0 : index
    %get3A_22 = vector.load %arg4[%get3A_20, %get3A_21] : memref<32x8xf32, #tpu.memory_space<vmem>>, vector<32x8xf32>
    %dot_general3A_23 = arith.constant dense<0.000000e+00> : vector<1024x8xf32>
    %dot_general3A_24 = tpu.matmul %slice3A, %get3A_22, %dot_general3A_23 {dimension_numbers = #tpu.dot_dimension_numbers<[1], [0], [0], [1], [0, 0, 1, 1], [], []>, transpose_lhs_hint = false} : vector<1024x32xf32>, vector<32x8xf32>, vector<1024x8xf32> -> vector<1024x8xf32>
    %slice3A_25 = vector.extract_strided_slice %dot_general3A_24 {offsets = [0, 0], sizes = [1024, 1], strides = [1, 1]} : vector<1024x8xf32> to vector<1024x1xf32>
    %squeeze3A = vector.shape_cast %slice3A_25 : vector<1024x1xf32> to vector<1024xf32>
    %slice3A_26 = vector.extract_strided_slice %dot_general3A_24 {offsets = [0, 4], sizes = [1024, 1], strides = [1, 1]} : vector<1024x8xf32> to vector<1024x1xf32>
    %squeeze3A_27 = vector.shape_cast %slice3A_26 : vector<1024x1xf32> to vector<1024xf32>
    %jit3A = arith.constant -1.000000e+30 : f32
    %broadcast_in_dim3A_28 = vector.broadcast %jit3A : f32 to vector<1024xf32>
    %select_n3A = arith.select %lt3A_15, %squeeze3A_27, %broadcast_in_dim3A_28 : vector<1024xi1>, vector<1024xf32>
    %reduce_max3A = vector.shape_cast %select_n3A : vector<1024xf32> to vector<1x1024xf32>
    %reduce_max3A_29 = arith.constant dense<0xFF800000> : vector<1xf32>
    %reduce_max3A_30 = vector.multi_reduction <maximumf>, %reduce_max3A, %reduce_max3A_29 [1] : vector<1x1024xf32> to vector<1xf32>
    %reduce_max3A_31 = vector.shape_cast %reduce_max3A_30 : vector<1xf32> to vector<1x1xf32>
    %reduce_max3A_32 = vector.extract %reduce_max3A_31[0, 0] : f32 from vector<1x1xf32>
    %add3A = vector.broadcast %reduce_max3A_32 : f32 to vector<1024xf32>
    %add3A_33 = arith.addf %squeeze3A, %add3A : vector<1024xf32>
    %mul3A = arith.constant 2.000000e-01 : f32
    %mul3A_34 = vector.broadcast %mul3A : f32 to vector<1024xf32>
    %mul3A_35 = arith.mulf %mul3A_34, %add3A_33 : vector<1024xf32>
    %max3A = arith.maximumf %add3A_33, %mul3A_35 : vector<1024xf32>
    %sub3A = arith.subf %add3A_33, %max3A : vector<1024xf32>
    %exp3A = math.exp %sub3A : vector<1024xf32>
    %mul3A_36 = arith.constant 2.000000e-01 : f32
    %mul3A_37 = vector.broadcast %mul3A_36 : f32 to vector<1024xf32>
    %mul3A_38 = arith.mulf %mul3A_37, %add3A_33 : vector<1024xf32>
    %sub3A_39 = arith.subf %mul3A_38, %max3A : vector<1024xf32>
    %exp3A_40 = math.exp %sub3A_39 : vector<1024xf32>
    %sub3A_41 = vector.broadcast %reduce_max3A_32 : f32 to vector<1024xf32>
    %sub3A_42 = arith.subf %squeeze3A_27, %sub3A_41 : vector<1024xf32>
    %exp3A_43 = math.exp %sub3A_42 : vector<1024xf32>
    %jit3A_44 = arith.constant 0.000000e+00 : f32
    %broadcast_in_dim3A_45 = vector.broadcast %jit3A_44 : f32 to vector<1024xf32>
    %select_n3A_46 = arith.select %lt3A_15, %exp3A_43, %broadcast_in_dim3A_45 : vector<1024xi1>, vector<1024xf32>
    %mul3A_47 = arith.constant 2.000000e-01 : f32
    %mul3A_48 = vector.broadcast %mul3A_47 : f32 to vector<1024xf32>
    %mul3A_49 = arith.mulf %mul3A_48, %sub3A_42 : vector<1024xf32>
    %exp3A_50 = math.exp %mul3A_49 : vector<1024xf32>
    %jit3A_51 = arith.constant 0.000000e+00 : f32
    %broadcast_in_dim3A_52 = vector.broadcast %jit3A_51 : f32 to vector<1024xf32>
    %select_n3A_53 = arith.select %lt3A_15, %exp3A_50, %broadcast_in_dim3A_52 : vector<1024xi1>, vector<1024xf32>
    %slice3A_54 = vector.extract_strided_slice %dot_general3A_19 {offsets = [0, 0], sizes = [1024, 32], strides = [1, 1]} : vector<1024x128xf32> to vector<1024x32xf32>
    %concatenate3A = tpu.concatenate %slice3A_54, %broadcast_in_dim3A_13 in 1 : vector<1024x32xf32>, vector<1024x1xf32> -> vector<1024x33xf32>
    %broadcast_in_dim3A_55 = arith.constant 0.000000e+00 : f32
    %broadcast_in_dim3A_56 = vector.broadcast %broadcast_in_dim3A_55 : f32 to vector<1024x33xf32>
    %swap3A = arith.constant 0 : index
    %swap3A_57 = arith.constant 0 : index
    %swap3A_58 = vector.load %arg9[%swap3A, %swap3A_57] : memref<1024x33xf32, #tpu.memory_space<vmem>>, vector<1024x33xf32>
    tpu.vector_store %arg9[%swap3A, %swap3A_57], %broadcast_in_dim3A_56 {strides = array<i32>} : memref<1024x33xf32, #tpu.memory_space<vmem>>, vector<1024x33xf32>,
    %gt3A = arith.constant 0 : i32
    %gt3A_59 = arith.cmpi sgt, %get3A_1, %gt3A : i32
    %gt3A_60 = arith.constant 0 : i32
    %gt3A_61 = arith.cmpi sgt, %get3A_1, %gt3A_60 : i32
    %and3A = arith.andi %gt3A_59, %gt3A_61 : i1
    %convert_element_type3A = arith.extui %and3A : i1 to i32
    %cond3A = arith.constant 0 : i32
    %cond3A_62 = arith.cmpi ne, %convert_element_type3A, %cond3A : i32
    scf.if %cond3A_62 {
      %slice3A_1014 = vector.extract_strided_slice %exp3A {offsets = [0], sizes = [256], strides = [1]} : vector<1024xf32> to vector<256xf32>
      %broadcast_in_dim3A_1015 = vector.shape_cast %slice3A_1014 : vector<256xf32> to vector<256x1xf32>
      %slice3A_1016 = vector.extract_strided_slice %select_n3A_46 {offsets = [0], sizes = [256], strides = [1]} : vector<1024xf32> to vector<256xf32>
      %broadcast_in_dim3A_1017 = vector.shape_cast %slice3A_1016 : vector<256xf32> to vector<1x256xf32>
      %mul3A_1018 = vector.broadcast %broadcast_in_dim3A_1015 : vector<256x1xf32> to vector<256x256xf32>
      %mul3A_1019 = vector.broadcast %broadcast_in_dim3A_1017 : vector<1x256xf32> to vector<256x256xf32>
      %mul3A_1020 = arith.mulf %mul3A_1018, %mul3A_1019 : vector<256x256xf32>
      %slice3A_1021 = vector.extract_strided_slice %exp3A_40 {offsets = [0], sizes = [256], strides = [1]} : vector<1024xf32> to vector<256xf32>
      %broadcast_in_dim3A_1022 = vector.shape_cast %slice3A_1021 : vector<256xf32> to vector<256x1xf32>
      %slice3A_1023 = vector.extract_strided_slice %select_n3A_53 {offsets = [0], sizes = [256], strides = [1]} : vector<1024xf32> to vector<256xf32>
      %broadcast_in_dim3A_1024 = vector.shape_cast %slice3A_1023 : vector<256xf32> to vector<1x256xf32>
      %mul3A_1025 = vector.broadcast %broadcast_in_dim3A_1022 : vector<256x1xf32> to vector<256x256xf32>
      %mul3A_1026 = vector.broadcast %broadcast_in_dim3A_1024 : vector<1x256xf32> to vector<256x256xf32>
      %mul3A_1027 = arith.mulf %mul3A_1025, %mul3A_1026 : vector<256x256xf32>
      %max3A_1028 = arith.maximumf %mul3A_1020, %mul3A_1027 : vector<256x256xf32>
      %slice3A_1029 = vector.extract_strided_slice %concatenate3A {offsets = [0, 0], sizes = [256, 33], strides = [1, 1]} : vector<1024x33xf32> to vector<256x33xf32>
      %dot_general3A_1030 = arith.constant dense<0.000000e+00> : vector<256x33xf32>
      %dot_general3A_1031 = tpu.matmul %max3A_1028, %slice3A_1029, %dot_general3A_1030 {dimension_numbers = #tpu.dot_dimension_numbers<[1], [0], [0], [1], [0, 0, 1, 1], [], []>, transpose_lhs_hint = false} : vector<256x256xf32>, vector<256x33xf32>, vector<256x33xf32> -> vector<256x33xf32>
      %get3A_1032 = arith.constant 0 : index
      %get3A_1033 = arith.constant 0 : index
      %get3A_1034 = vector.load %arg9[%get3A_1032, %get3A_1033] : memref<1024x33xf32, #tpu.memory_space<vmem>>, vector<256x33xf32>
      %add3A_1035 = arith.addf %get3A_1034, %dot_general3A_1031 : vector<256x33xf32>
      %swap3A_1036 = arith.constant 0 : index
      %swap3A_1037 = arith.constant 0 : index
      %swap3A_1038 = vector.load %arg9[%swap3A_1036, %swap3A_1037] : memref<1024x33xf32, #tpu.memory_space<vmem>>, vector<256x33xf32>
      tpu.vector_store %arg9[%swap3A_1036, %swap3A_1037], %add3A_1035 {strides = array<i32>} : memref<1024x33xf32, #tpu.memory_space<vmem>>, vector<256x33xf32>,
    } else {
    }
    %gt3A_63 = arith.constant 0 : i32
    %gt3A_64 = arith.cmpi sgt, %get3A_1, %gt3A_63 : i32
    %gt3A_65 = arith.constant 256 : i32
    %gt3A_66 = arith.cmpi sgt, %get3A_1, %gt3A_65 : i32
    %and3A_67 = arith.andi %gt3A_64, %gt3A_66 : i1
    %convert_element_type3A_68 = arith.extui %and3A_67 : i1 to i32
    %cond3A_69 = arith.constant 0 : i32
    %cond3A_70 = arith.cmpi ne, %convert_element_type3A_68, %cond3A_69 : i32
    scf.if %cond3A_70 {
      %slice3A_1014 = vector.extract_strided_slice %exp3A {offsets = [0], sizes = [256], strides = [1]} : vector<1024xf32> to vector<256xf32>
      %broadcast_in_dim3A_1015 = vector.shape_cast %slice3A_1014 : vector<256xf32> to vector<256x1xf32>
      %slice3A_1016 = vector.extract_strided_slice %select_n3A_46 {offsets = [256], sizes = [256], strides = [1]} : vector<1024xf32> to vector<256xf32>
      %broadcast_in_dim3A_1017 = vector.shape_cast %slice3A_1016 : vector<256xf32> to vector<1x256xf32>
      %mul3A_1018 = vector.broadcast %broadcast_in_dim3A_1015 : vector<256x1xf32> to vector<256x256xf32>
      %mul3A_1019 = vector.broadcast %broadcast_in_dim3A_1017 : vector<1x256xf32> to vector<256x256xf32>
      %mul3A_1020 = arith.mulf %mul3A_1018, %mul3A_1019 : vector<256x256xf32>
      %slice3A_1021 = vector.extract_strided_slice %exp3A_40 {offsets = [0], sizes = [256], strides = [1]} : vector<1024xf32> to vector<256xf32>
      %broadcast_in_dim3A_1022 = vector.shape_cast %slice3A_1021 : vector<256xf32> to vector<256x1xf32>
      %slice3A_1023 = vector.extract_strided_slice %select_n3A_53 {offsets = [256], sizes = [256], strides = [1]} : vector<1024xf32> to vector<256xf32>
      %broadcast_in_dim3A_1024 = vector.shape_cast %slice3A_1023 : vector<256xf32> to vector<1x256xf32>
      %mul3A_1025 = vector.broadcast %broadcast_in_dim3A_1022 : vector<256x1xf32> to vector<256x256xf32>
      %mul3A_1026 = vector.broadcast %broadcast_in_dim3A_1024 : vector<1x256xf32> to vector<256x256xf32>
      %mul3A_1027 = arith.mulf %mul3A_1025, %mul3A_1026 : vector<256x256xf32>
      %max3A_1028 = arith.maximumf %mul3A_1020, %mul3A_1027 : vector<256x256xf32>
      %slice3A_1029 = vector.extract_strided_slice %concatenate3A {offsets = [256, 0], sizes = [256, 33], strides = [1, 1]} : vector<1024x33xf32> to vector<256x33xf32>
      %dot_general3A_1030 = arith.constant dense<0.000000e+00> : vector<256x33xf32>
      %dot_general3A_1031 = tpu.matmul %max3A_1028, %slice3A_1029, %dot_general3A_1030 {dimension_numbers = #tpu.dot_dimension_numbers<[1], [0], [0], [1], [0, 0, 1, 1], [], []>, transpose_lhs_hint = false} : vector<256x256xf32>, vector<256x33xf32>, vector<256x33xf32> -> vector<256x33xf32>
      %get3A_1032 = arith.constant 0 : index
      %get3A_1033 = arith.constant 0 : index
      %get3A_1034 = vector.load %arg9[%get3A_1032, %get3A_1033] : memref<1024x33xf32, #tpu.memory_space<vmem>>, vector<256x33xf32>
      %add3A_1035 = arith.addf %get3A_1034, %dot_general3A_1031 : vector<256x33xf32>
      %swap3A_1036 = arith.constant 0 : index
      %swap3A_1037 = arith.constant 0 : index
      %swap3A_1038 = vector.load %arg9[%swap3A_1036, %swap3A_1037] : memref<1024x33xf32, #tpu.memory_space<vmem>>, vector<256x33xf32>
      tpu.vector_store %arg9[%swap3A_1036, %swap3A_1037], %add3A_1035 {strides = array<i32>} : memref<1024x33xf32, #tpu.memory_space<vmem>>, vector<256x33xf32>,
    } else {
    }
    %gt3A_71 = arith.constant 0 : i32
    %gt3A_72 = arith.cmpi sgt, %get3A_1, %gt3A_71 : i32
    %gt3A_73 = arith.constant 512 : i32
    %gt3A_74 = arith.cmpi sgt, %get3A_1, %gt3A_73 : i32
    %and3A_75 = arith.andi %gt3A_72, %gt3A_74 : i1
    %convert_element_type3A_76 = arith.extui %and3A_75 : i1 to i32
    %cond3A_77 = arith.constant 0 : i32
    %cond3A_78 = arith.cmpi ne, %convert_element_type3A_76, %cond3A_77 : i32
    scf.if %cond3A_78 {
      %slice3A_1014 = vector.extract_strided_slice %exp3A {offsets = [0], sizes = [256], strides = [1]} : vector<1024xf32> to vector<256xf32>
      %broadcast_in_dim3A_1015 = vector.shape_cast %slice3A_1014 : vector<256xf32> to vector<256x1xf32>
      %slice3A_1016 = vector.extract_strided_slice %select_n3A_46 {offsets = [512], sizes = [256], strides = [1]} : vector<1024xf32> to vector<256xf32>
      %broadcast_in_dim3A_1017 = vector.shape_cast %slice3A_1016 : vector<256xf32> to vector<1x256xf32>
      %mul3A_1018 = vector.broadcast %broadcast_in_dim3A_1015 : vector<256x1xf32> to vector<256x256xf32>
      %mul3A_1019 = vector.broadcast %broadcast_in_dim3A_1017 : vector<1x256xf32> to vector<256x256xf32>
      %mul3A_1020 = arith.mulf %mul3A_1018, %mul3A_1019 : vector<256x256xf32>
      %slice3A_1021 = vector.extract_strided_slice %exp3A_40 {offsets = [0], sizes = [256], strides = [1]} : vector<1024xf32> to vector<256xf32>
      %broadcast_in_dim3A_1022 = vector.shape_cast %slice3A_1021 : vector<256xf32> to vector<256x1xf32>
      %slice3A_1023 = vector.extract_strided_slice %select_n3A_53 {offsets = [512], sizes = [256], strides = [1]} : vector<1024xf32> to vector<256xf32>
      %broadcast_in_dim3A_1024 = vector.shape_cast %slice3A_1023 : vector<256xf32> to vector<1x256xf32>
      %mul3A_1025 = vector.broadcast %broadcast_in_dim3A_1022 : vector<256x1xf32> to vector<256x256xf32>
      %mul3A_1026 = vector.broadcast %broadcast_in_dim3A_1024 : vector<1x256xf32> to vector<256x256xf32>
      %mul3A_1027 = arith.mulf %mul3A_1025, %mul3A_1026 : vector<256x256xf32>
      %max3A_1028 = arith.maximumf %mul3A_1020, %mul3A_1027 : vector<256x256xf32>
      %slice3A_1029 = vector.extract_strided_slice %concatenate3A {offsets = [512, 0], sizes = [256, 33], strides = [1, 1]} : vector<1024x33xf32> to vector<256x33xf32>
      %dot_general3A_1030 = arith.constant dense<0.000000e+00> : vector<256x33xf32>
      %dot_general3A_1031 = tpu.matmul %max3A_1028, %slice3A_1029, %dot_general3A_1030 {dimension_numbers = #tpu.dot_dimension_numbers<[1], [0], [0], [1], [0, 0, 1, 1], [], []>, transpose_lhs_hint = false} : vector<256x256xf32>, vector<256x33xf32>, vector<256x33xf32> -> vector<256x33xf32>
      %get3A_1032 = arith.constant 0 : index
      %get3A_1033 = arith.constant 0 : index
      %get3A_1034 = vector.load %arg9[%get3A_1032, %get3A_1033] : memref<1024x33xf32, #tpu.memory_space<vmem>>, vector<256x33xf32>
      %add3A_1035 = arith.addf %get3A_1034, %dot_general3A_1031 : vector<256x33xf32>
      %swap3A_1036 = arith.constant 0 : index
      %swap3A_1037 = arith.constant 0 : index
      %swap3A_1038 = vector.load %arg9[%swap3A_1036, %swap3A_1037] : memref<1024x33xf32, #tpu.memory_space<vmem>>, vector<256x33xf32>
      tpu.vector_store %arg9[%swap3A_1036, %swap3A_1037], %add3A_1035 {strides = array<i32>} : memref<1024x33xf32, #tpu.memory_space<vmem>>, vector<256x33xf32>,
    } else {
    }
    %gt3A_79 = arith.constant 0 : i32
    %gt3A_80 = arith.cmpi sgt, %get3A_1, %gt3A_79 : i32
    %gt3A_81 = arith.constant 768 : i32
    %gt3A_82 = arith.cmpi sgt, %get3A_1, %gt3A_81 : i32
    %and3A_83 = arith.andi %gt3A_80, %gt3A_82 : i1
    %convert_element_type3A_84 = arith.extui %and3A_83 : i1 to i32
    %cond3A_85 = arith.constant 0 : i32
    %cond3A_86 = arith.cmpi ne, %convert_element_type3A_84, %cond3A_85 : i32
    scf.if %cond3A_86 {
      %slice3A_1014 = vector.extract_strided_slice %exp3A {offsets = [0], sizes = [256], strides = [1]} : vector<1024xf32> to vector<256xf32>
      %broadcast_in_dim3A_1015 = vector.shape_cast %slice3A_1014 : vector<256xf32> to vector<256x1xf32>
      %slice3A_1016 = vector.extract_strided_slice %select_n3A_46 {offsets = [768], sizes = [256], strides = [1]} : vector<1024xf32> to vector<256xf32>
      %broadcast_in_dim3A_1017 = vector.shape_cast %slice3A_1016 : vector<256xf32> to vector<1x256xf32>
      %mul3A_1018 = vector.broadcast %broadcast_in_dim3A_1015 : vector<256x1xf32> to vector<256x256xf32>
      %mul3A_1019 = vector.broadcast %broadcast_in_dim3A_1017 : vector<1x256xf32> to vector<256x256xf32>
      %mul3A_1020 = arith.mulf %mul3A_1018, %mul3A_1019 : vector<256x256xf32>
      %slice3A_1021 = vector.extract_strided_slice %exp3A_40 {offsets = [0], sizes = [256], strides = [1]} : vector<1024xf32> to vector<256xf32>
      %broadcast_in_dim3A_1022 = vector.shape_cast %slice3A_1021 : vector<256xf32> to vector<256x1xf32>
      %slice3A_1023 = vector.extract_strided_slice %select_n3A_53 {offsets = [768], sizes = [256], strides = [1]} : vector<1024xf32> to vector<256xf32>
      %broadcast_in_dim3A_1024 = vector.shape_cast %slice3A_1023 : vector<256xf32> to vector<1x256xf32>
      %mul3A_1025 = vector.broadcast %broadcast_in_dim3A_1022 : vector<256x1xf32> to vector<256x256xf32>
      %mul3A_1026 = vector.broadcast %broadcast_in_dim3A_1024 : vector<1x256xf32> to vector<256x256xf32>
      %mul3A_1027 = arith.mulf %mul3A_1025, %mul3A_1026 : vector<256x256xf32>
      %max3A_1028 = arith.maximumf %mul3A_1020, %mul3A_1027 : vector<256x256xf32>
      %slice3A_1029 = vector.extract_strided_slice %concatenate3A {offsets = [768, 0], sizes = [256, 33], strides = [1, 1]} : vector<1024x33xf32> to vector<256x33xf32>
      %dot_general3A_1030 = arith.constant dense<0.000000e+00> : vector<256x33xf32>
      %dot_general3A_1031 = tpu.matmul %max3A_1028, %slice3A_1029, %dot_general3A_1030 {dimension_numbers = #tpu.dot_dimension_numbers<[1], [0], [0], [1], [0, 0, 1, 1], [], []>, transpose_lhs_hint = false} : vector<256x256xf32>, vector<256x33xf32>, vector<256x33xf32> -> vector<256x33xf32>
      %get3A_1032 = arith.constant 0 : index
      %get3A_1033 = arith.constant 0 : index
      %get3A_1034 = vector.load %arg9[%get3A_1032, %get3A_1033] : memref<1024x33xf32, #tpu.memory_space<vmem>>, vector<256x33xf32>
      %add3A_1035 = arith.addf %get3A_1034, %dot_general3A_1031 : vector<256x33xf32>
      %swap3A_1036 = arith.constant 0 : index
      %swap3A_1037 = arith.constant 0 : index
      %swap3A_1038 = vector.load %arg9[%swap3A_1036, %swap3A_1037] : memref<1024x33xf32, #tpu.memory_space<vmem>>, vector<256x33xf32>
      tpu.vector_store %arg9[%swap3A_1036, %swap3A_1037], %add3A_1035 {strides = array<i32>} : memref<1024x33xf32, #tpu.memory_space<vmem>>, vector<256x33xf32>,
    } else {
    }
    %gt3A_87 = arith.constant 256 : i32
    %gt3A_88 = arith.cmpi sgt, %get3A_1, %gt3A_87 : i32
    %gt3A_89 = arith.constant 0 : i32
    %gt3A_90 = arith.cmpi sgt, %get3A_1, %gt3A_89 : i32
    %and3A_91 = arith.andi %gt3A_88, %gt3A_90 : i1
    %convert_element_type3A_92 = arith.extui %and3A_91 : i1 to i32
    %cond3A_93 = arith.constant 0 : i32
    %cond3A_94 = arith.cmpi ne, %convert_element_type3A_92, %cond3A_93 : i32
    scf.if %cond3A_94 {
      %slice3A_1014 = vector.extract_strided_slice %exp3A {offsets = [256], sizes = [256], strides = [1]} : vector<1024xf32> to vector<256xf32>
      %broadcast_in_dim3A_1015 = vector.shape_cast %slice3A_1014 : vector<256xf32> to vector<256x1xf32>
      %slice3A_1016 = vector.extract_strided_slice %select_n3A_46 {offsets = [0], sizes = [256], strides = [1]} : vector<1024xf32> to vector<256xf32>
      %broadcast_in_dim3A_1017 = vector.shape_cast %slice3A_1016 : vector<256xf32> to vector<1x256xf32>
      %mul3A_1018 = vector.broadcast %broadcast_in_dim3A_1015 : vector<256x1xf32> to vector<256x256xf32>
      %mul3A_1019 = vector.broadcast %broadcast_in_dim3A_1017 : vector<1x256xf32> to vector<256x256xf32>
      %mul3A_1020 = arith.mulf %mul3A_1018, %mul3A_1019 : vector<256x256xf32>
      %slice3A_1021 = vector.extract_strided_slice %exp3A_40 {offsets = [256], sizes = [256], strides = [1]} : vector<1024xf32> to vector<256xf32>
      %broadcast_in_dim3A_1022 = vector.shape_cast %slice3A_1021 : vector<256xf32> to vector<256x1xf32>
      %slice3A_1023 = vector.extract_strided_slice %select_n3A_53 {offsets = [0], sizes = [256], strides = [1]} : vector<1024xf32> to vector<256xf32>
      %broadcast_in_dim3A_1024 = vector.shape_cast %slice3A_1023 : vector<256xf32> to vector<1x256xf32>
      %mul3A_1025 = vector.broadcast %broadcast_in_dim3A_1022 : vector<256x1xf32> to vector<256x256xf32>
      %mul3A_1026 = vector.broadcast %broadcast_in_dim3A_1024 : vector<1x256xf32> to vector<256x256xf32>
      %mul3A_1027 = arith.mulf %mul3A_1025, %mul3A_1026 : vector<256x256xf32>
      %max3A_1028 = arith.maximumf %mul3A_1020, %mul3A_1027 : vector<256x256xf32>
      %slice3A_1029 = vector.extract_strided_slice %concatenate3A {offsets = [0, 0], sizes = [256, 33], strides = [1, 1]} : vector<1024x33xf32> to vector<256x33xf32>
      %dot_general3A_1030 = arith.constant dense<0.000000e+00> : vector<256x33xf32>
      %dot_general3A_1031 = tpu.matmul %max3A_1028, %slice3A_1029, %dot_general3A_1030 {dimension_numbers = #tpu.dot_dimension_numbers<[1], [0], [0], [1], [0, 0, 1, 1], [], []>, transpose_lhs_hint = false} : vector<256x256xf32>, vector<256x33xf32>, vector<256x33xf32> -> vector<256x33xf32>
      %get3A_1032 = arith.constant 256 : index
      %get3A_1033 = arith.constant 0 : index
      %get3A_1034 = vector.load %arg9[%get3A_1032, %get3A_1033] : memref<1024x33xf32, #tpu.memory_space<vmem>>, vector<256x33xf32>
      %add3A_1035 = arith.addf %get3A_1034, %dot_general3A_1031 : vector<256x33xf32>
      %swap3A_1036 = arith.constant 256 : index
      %swap3A_1037 = arith.constant 0 : index
      %swap3A_1038 = vector.load %arg9[%swap3A_1036, %swap3A_1037] : memref<1024x33xf32, #tpu.memory_space<vmem>>, vector<256x33xf32>
      tpu.vector_store %arg9[%swap3A_1036, %swap3A_1037], %add3A_1035 {strides = array<i32>} : memref<1024x33xf32, #tpu.memory_space<vmem>>, vector<256x33xf32>,
    } else {
    }
    %gt3A_95 = arith.constant 256 : i32
    %gt3A_96 = arith.cmpi sgt, %get3A_1, %gt3A_95 : i32
    %gt3A_97 = arith.constant 256 : i32
    %gt3A_98 = arith.cmpi sgt, %get3A_1, %gt3A_97 : i32
    %and3A_99 = arith.andi %gt3A_96, %gt3A_98 : i1
    %convert_element_type3A_100 = arith.extui %and3A_99 : i1 to i32
    %cond3A_101 = arith.constant 0 : i32
    %cond3A_102 = arith.cmpi ne, %convert_element_type3A_100, %cond3A_101 : i32
    scf.if %cond3A_102 {
      %slice3A_1014 = vector.extract_strided_slice %exp3A {offsets = [256], sizes = [256], strides = [1]} : vector<1024xf32> to vector<256xf32>
      %broadcast_in_dim3A_1015 = vector.shape_cast %slice3A_1014 : vector<256xf32> to vector<256x1xf32>
      %slice3A_1016 = vector.extract_strided_slice %select_n3A_46 {offsets = [256], sizes = [256], strides = [1]} : vector<1024xf32> to vector<256xf32>
      %broadcast_in_dim3A_1017 = vector.shape_cast %slice3A_1016 : vector<256xf32> to vector<1x256xf32>
      %mul3A_1018 = vector.broadcast %broadcast_in_dim3A_1015 : vector<256x1xf32> to vector<256x256xf32>
      %mul3A_1019 = vector.broadcast %broadcast_in_dim3A_1017 : vector<1x256xf32> to vector<256x256xf32>
      %mul3A_1020 = arith.mulf %mul3A_1018, %mul3A_1019 : vector<256x256xf32>
      %slice3A_1021 = vector.extract_strided_slice %exp3A_40 {offsets = [256], sizes = [256], strides = [1]} : vector<1024xf32> to vector<256xf32>
      %broadcast_in_dim3A_1022 = vector.shape_cast %slice3A_1021 : vector<256xf32> to vector<256x1xf32>
      %slice3A_1023 = vector.extract_strided_slice %select_n3A_53 {offsets = [256], sizes = [256], strides = [1]} : vector<1024xf32> to vector<256xf32>
      %broadcast_in_dim3A_1024 = vector.shape_cast %slice3A_1023 : vector<256xf32> to vector<1x256xf32>
      %mul3A_1025 = vector.broadcast %broadcast_in_dim3A_1022 : vector<256x1xf32> to vector<256x256xf32>
      %mul3A_1026 = vector.broadcast %broadcast_in_dim3A_1024 : vector<1x256xf32> to vector<256x256xf32>
      %mul3A_1027 = arith.mulf %mul3A_1025, %mul3A_1026 : vector<256x256xf32>
      %max3A_1028 = arith.maximumf %mul3A_1020, %mul3A_1027 : vector<256x256xf32>
      %slice3A_1029 = vector.extract_strided_slice %concatenate3A {offsets = [256, 0], sizes = [256, 33], strides = [1, 1]} : vector<1024x33xf32> to vector<256x33xf32>
      %dot_general3A_1030 = arith.constant dense<0.000000e+00> : vector<256x33xf32>
      %dot_general3A_1031 = tpu.matmul %max3A_1028, %slice3A_1029, %dot_general3A_1030 {dimension_numbers = #tpu.dot_dimension_numbers<[1], [0], [0], [1], [0, 0, 1, 1], [], []>, transpose_lhs_hint = false} : vector<256x256xf32>, vector<256x33xf32>, vector<256x33xf32> -> vector<256x33xf32>
      %get3A_1032 = arith.constant 256 : index
      %get3A_1033 = arith.constant 0 : index
      %get3A_1034 = vector.load %arg9[%get3A_1032, %get3A_1033] : memref<1024x33xf32, #tpu.memory_space<vmem>>, vector<256x33xf32>
      %add3A_1035 = arith.addf %get3A_1034, %dot_general3A_1031 : vector<256x33xf32>
      %swap3A_1036 = arith.constant 256 : index
      %swap3A_1037 = arith.constant 0 : index
      %swap3A_1038 = vector.load %arg9[%swap3A_1036, %swap3A_1037] : memref<1024x33xf32, #tpu.memory_space<vmem>>, vector<256x33xf32>
      tpu.vector_store %arg9[%swap3A_1036, %swap3A_1037], %add3A_1035 {strides = array<i32>} : memref<1024x33xf32, #tpu.memory_space<vmem>>, vector<256x33xf32>,
    } else {
    }
    %gt3A_103 = arith.constant 256 : i32
    %gt3A_104 = arith.cmpi sgt, %get3A_1, %gt3A_103 : i32
    %gt3A_105 = arith.constant 512 : i32
    %gt3A_106 = arith.cmpi sgt, %get3A_1, %gt3A_105 : i32
    %and3A_107 = arith.andi %gt3A_104, %gt3A_106 : i1
    %convert_element_type3A_108 = arith.extui %and3A_107 : i1 to i32
    %cond3A_109 = arith.constant 0 : i32
    %cond3A_110 = arith.cmpi ne, %convert_element_type3A_108, %cond3A_109 : i32
    scf.if %cond3A_110 {
      %slice3A_1014 = vector.extract_strided_slice %exp3A {offsets = [256], sizes = [256], strides = [1]} : vector<1024xf32> to vector<256xf32>
      %broadcast_in_dim3A_1015 = vector.shape_cast %slice3A_1014 : vector<256xf32> to vector<256x1xf32>
      %slice3A_1016 = vector.extract_strided_slice %select_n3A_46 {offsets = [512], sizes = [256], strides = [1]} : vector<1024xf32> to vector<256xf32>
      %broadcast_in_dim3A_1017 = vector.shape_cast %slice3A_1016 : vector<256xf32> to vector<1x256xf32>
      %mul3A_1018 = vector.broadcast %broadcast_in_dim3A_1015 : vector<256x1xf32> to vector<256x256xf32>
      %mul3A_1019 = vector.broadcast %broadcast_in_dim3A_1017 : vector<1x256xf32> to vector<256x256xf32>
      %mul3A_1020 = arith.mulf %mul3A_1018, %mul3A_1019 : vector<256x256xf32>
      %slice3A_1021 = vector.extract_strided_slice %exp3A_40 {offsets = [256], sizes = [256], strides = [1]} : vector<1024xf32> to vector<256xf32>
      %broadcast_in_dim3A_1022 = vector.shape_cast %slice3A_1021 : vector<256xf32> to vector<256x1xf32>
      %slice3A_1023 = vector.extract_strided_slice %select_n3A_53 {offsets = [512], sizes = [256], strides = [1]} : vector<1024xf32> to vector<256xf32>
      %broadcast_in_dim3A_1024 = vector.shape_cast %slice3A_1023 : vector<256xf32> to vector<1x256xf32>
      %mul3A_1025 = vector.broadcast %broadcast_in_dim3A_1022 : vector<256x1xf32> to vector<256x256xf32>
      %mul3A_1026 = vector.broadcast %broadcast_in_dim3A_1024 : vector<1x256xf32> to vector<256x256xf32>
      %mul3A_1027 = arith.mulf %mul3A_1025, %mul3A_1026 : vector<256x256xf32>
      %max3A_1028 = arith.maximumf %mul3A_1020, %mul3A_1027 : vector<256x256xf32>
      %slice3A_1029 = vector.extract_strided_slice %concatenate3A {offsets = [512, 0], sizes = [256, 33], strides = [1, 1]} : vector<1024x33xf32> to vector<256x33xf32>
      %dot_general3A_1030 = arith.constant dense<0.000000e+00> : vector<256x33xf32>
      %dot_general3A_1031 = tpu.matmul %max3A_1028, %slice3A_1029, %dot_general3A_1030 {dimension_numbers = #tpu.dot_dimension_numbers<[1], [0], [0], [1], [0, 0, 1, 1], [], []>, transpose_lhs_hint = false} : vector<256x256xf32>, vector<256x33xf32>, vector<256x33xf32> -> vector<256x33xf32>
      %get3A_1032 = arith.constant 256 : index
      %get3A_1033 = arith.constant 0 : index
      %get3A_1034 = vector.load %arg9[%get3A_1032, %get3A_1033] : memref<1024x33xf32, #tpu.memory_space<vmem>>, vector<256x33xf32>
      %add3A_1035 = arith.addf %get3A_1034, %dot_general3A_1031 : vector<256x33xf32>
      %swap3A_1036 = arith.constant 256 : index
      %swap3A_1037 = arith.constant 0 : index
      %swap3A_1038 = vector.load %arg9[%swap3A_1036, %swap3A_1037] : memref<1024x33xf32, #tpu.memory_space<vmem>>, vector<256x33xf32>
      tpu.vector_store %arg9[%swap3A_1036, %swap3A_1037], %add3A_1035 {strides = array<i32>} : memref<1024x33xf32, #tpu.memory_space<vmem>>, vector<256x33xf32>,
    } else {
    }
    %gt3A_111 = arith.constant 256 : i32
    %gt3A_112 = arith.cmpi sgt, %get3A_1, %gt3A_111 : i32
    %gt3A_113 = arith.constant 768 : i32
    %gt3A_114 = arith.cmpi sgt, %get3A_1, %gt3A_113 : i32
    %and3A_115 = arith.andi %gt3A_112, %gt3A_114 : i1
    %convert_element_type3A_116 = arith.extui %and3A_115 : i1 to i32
    %cond3A_117 = arith.constant 0 : i32
    %cond3A_118 = arith.cmpi ne, %convert_element_type3A_116, %cond3A_117 : i32
    scf.if %cond3A_118 {
      %slice3A_1014 = vector.extract_strided_slice %exp3A {offsets = [256], sizes = [256], strides = [1]} : vector<1024xf32> to vector<256xf32>
      %broadcast_in_dim3A_1015 = vector.shape_cast %slice3A_1014 : vector<256xf32> to vector<256x1xf32>
      %slice3A_1016 = vector.extract_strided_slice %select_n3A_46 {offsets = [768], sizes = [256], strides = [1]} : vector<1024xf32> to vector<256xf32>
      %broadcast_in_dim3A_1017 = vector.shape_cast %slice3A_1016 : vector<256xf32> to vector<1x256xf32>
      %mul3A_1018 = vector.broadcast %broadcast_in_dim3A_1015 : vector<256x1xf32> to vector<256x256xf32>
      %mul3A_1019 = vector.broadcast %broadcast_in_dim3A_1017 : vector<1x256xf32> to vector<256x256xf32>
      %mul3A_1020 = arith.mulf %mul3A_1018, %mul3A_1019 : vector<256x256xf32>
      %slice3A_1021 = vector.extract_strided_slice %exp3A_40 {offsets = [256], sizes = [256], strides = [1]} : vector<1024xf32> to vector<256xf32>
      %broadcast_in_dim3A_1022 = vector.shape_cast %slice3A_1021 : vector<256xf32> to vector<256x1xf32>
      %slice3A_1023 = vector.extract_strided_slice %select_n3A_53 {offsets = [768], sizes = [256], strides = [1]} : vector<1024xf32> to vector<256xf32>
      %broadcast_in_dim3A_1024 = vector.shape_cast %slice3A_1023 : vector<256xf32> to vector<1x256xf32>
      %mul3A_1025 = vector.broadcast %broadcast_in_dim3A_1022 : vector<256x1xf32> to vector<256x256xf32>
      %mul3A_1026 = vector.broadcast %broadcast_in_dim3A_1024 : vector<1x256xf32> to vector<256x256xf32>
      %mul3A_1027 = arith.mulf %mul3A_1025, %mul3A_1026 : vector<256x256xf32>
      %max3A_1028 = arith.maximumf %mul3A_1020, %mul3A_1027 : vector<256x256xf32>
      %slice3A_1029 = vector.extract_strided_slice %concatenate3A {offsets = [768, 0], sizes = [256, 33], strides = [1, 1]} : vector<1024x33xf32> to vector<256x33xf32>
      %dot_general3A_1030 = arith.constant dense<0.000000e+00> : vector<256x33xf32>
      %dot_general3A_1031 = tpu.matmul %max3A_1028, %slice3A_1029, %dot_general3A_1030 {dimension_numbers = #tpu.dot_dimension_numbers<[1], [0], [0], [1], [0, 0, 1, 1], [], []>, transpose_lhs_hint = false} : vector<256x256xf32>, vector<256x33xf32>, vector<256x33xf32> -> vector<256x33xf32>
      %get3A_1032 = arith.constant 256 : index
      %get3A_1033 = arith.constant 0 : index
      %get3A_1034 = vector.load %arg9[%get3A_1032, %get3A_1033] : memref<1024x33xf32, #tpu.memory_space<vmem>>, vector<256x33xf32>
      %add3A_1035 = arith.addf %get3A_1034, %dot_general3A_1031 : vector<256x33xf32>
      %swap3A_1036 = arith.constant 256 : index
      %swap3A_1037 = arith.constant 0 : index
      %swap3A_1038 = vector.load %arg9[%swap3A_1036, %swap3A_1037] : memref<1024x33xf32, #tpu.memory_space<vmem>>, vector<256x33xf32>
      tpu.vector_store %arg9[%swap3A_1036, %swap3A_1037], %add3A_1035 {strides = array<i32>} : memref<1024x33xf32, #tpu.memory_space<vmem>>, vector<256x33xf32>,
    } else {
    }
    %gt3A_119 = arith.constant 512 : i32
    %gt3A_120 = arith.cmpi sgt, %get3A_1, %gt3A_119 : i32
    %gt3A_121 = arith.constant 0 : i32
    %gt3A_122 = arith.cmpi sgt, %get3A_1, %gt3A_121 : i32
    %and3A_123 = arith.andi %gt3A_120, %gt3A_122 : i1
    %convert_element_type3A_124 = arith.extui %and3A_123 : i1 to i32
    %cond3A_125 = arith.constant 0 : i32
    %cond3A_126 = arith.cmpi ne, %convert_element_type3A_124, %cond3A_125 : i32
    scf.if %cond3A_126 {
      %slice3A_1014 = vector.extract_strided_slice %exp3A {offsets = [512], sizes = [256], strides = [1]} : vector<1024xf32> to vector<256xf32>
      %broadcast_in_dim3A_1015 = vector.shape_cast %slice3A_1014 : vector<256xf32> to vector<256x1xf32>
      %slice3A_1016 = vector.extract_strided_slice %select_n3A_46 {offsets = [0], sizes = [256], strides = [1]} : vector<1024xf32> to vector<256xf32>
      %broadcast_in_dim3A_1017 = vector.shape_cast %slice3A_1016 : vector<256xf32> to vector<1x256xf32>
      %mul3A_1018 = vector.broadcast %broadcast_in_dim3A_1015 : vector<256x1xf32> to vector<256x256xf32>
      %mul3A_1019 = vector.broadcast %broadcast_in_dim3A_1017 : vector<1x256xf32> to vector<256x256xf32>
      %mul3A_1020 = arith.mulf %mul3A_1018, %mul3A_1019 : vector<256x256xf32>
      %slice3A_1021 = vector.extract_strided_slice %exp3A_40 {offsets = [512], sizes = [256], strides = [1]} : vector<1024xf32> to vector<256xf32>
      %broadcast_in_dim3A_1022 = vector.shape_cast %slice3A_1021 : vector<256xf32> to vector<256x1xf32>
      %slice3A_1023 = vector.extract_strided_slice %select_n3A_53 {offsets = [0], sizes = [256], strides = [1]} : vector<1024xf32> to vector<256xf32>
      %broadcast_in_dim3A_1024 = vector.shape_cast %slice3A_1023 : vector<256xf32> to vector<1x256xf32>
      %mul3A_1025 = vector.broadcast %broadcast_in_dim3A_1022 : vector<256x1xf32> to vector<256x256xf32>
      %mul3A_1026 = vector.broadcast %broadcast_in_dim3A_1024 : vector<1x256xf32> to vector<256x256xf32>
      %mul3A_1027 = arith.mulf %mul3A_1025, %mul3A_1026 : vector<256x256xf32>
      %max3A_1028 = arith.maximumf %mul3A_1020, %mul3A_1027 : vector<256x256xf32>
      %slice3A_1029 = vector.extract_strided_slice %concatenate3A {offsets = [0, 0], sizes = [256, 33], strides = [1, 1]} : vector<1024x33xf32> to vector<256x33xf32>
      %dot_general3A_1030 = arith.constant dense<0.000000e+00> : vector<256x33xf32>
      %dot_general3A_1031 = tpu.matmul %max3A_1028, %slice3A_1029, %dot_general3A_1030 {dimension_numbers = #tpu.dot_dimension_numbers<[1], [0], [0], [1], [0, 0, 1, 1], [], []>, transpose_lhs_hint = false} : vector<256x256xf32>, vector<256x33xf32>, vector<256x33xf32> -> vector<256x33xf32>
      %get3A_1032 = arith.constant 512 : index
      %get3A_1033 = arith.constant 0 : index
      %get3A_1034 = vector.load %arg9[%get3A_1032, %get3A_1033] : memref<1024x33xf32, #tpu.memory_space<vmem>>, vector<256x33xf32>
      %add3A_1035 = arith.addf %get3A_1034, %dot_general3A_1031 : vector<256x33xf32>
      %swap3A_1036 = arith.constant 512 : index
      %swap3A_1037 = arith.constant 0 : index
      %swap3A_1038 = vector.load %arg9[%swap3A_1036, %swap3A_1037] : memref<1024x33xf32, #tpu.memory_space<vmem>>, vector<256x33xf32>
      tpu.vector_store %arg9[%swap3A_1036, %swap3A_1037], %add3A_1035 {strides = array<i32>} : memref<1024x33xf32, #tpu.memory_space<vmem>>, vector<256x33xf32>,
    } else {
    }
    %gt3A_127 = arith.constant 512 : i32
    %gt3A_128 = arith.cmpi sgt, %get3A_1, %gt3A_127 : i32
    %gt3A_129 = arith.constant 256 : i32
    %gt3A_130 = arith.cmpi sgt, %get3A_1, %gt3A_129 : i32
    %and3A_131 = arith.andi %gt3A_128, %gt3A_130 : i1
    %convert_element_type3A_132 = arith.extui %and3A_131 : i1 to i32
    %cond3A_133 = arith.constant 0 : i32
    %cond3A_134 = arith.cmpi ne, %convert_element_type3A_132, %cond3A_133 : i32
    scf.if %cond3A_134 {
      %slice3A_1014 = vector.extract_strided_slice %exp3A {offsets = [512], sizes = [256], strides = [1]} : vector<1024xf32> to vector<256xf32>
      %broadcast_in_dim3A_1015 = vector.shape_cast %slice3A_1014 : vector<256xf32> to vector<256x1xf32>
      %slice3A_1016 = vector.extract_strided_slice %select_n3A_46 {offsets = [256], sizes = [256], strides = [1]} : vector<1024xf32> to vector<256xf32>
      %broadcast_in_dim3A_1017 = vector.shape_cast %slice3A_1016 : vector<256xf32> to vector<1x256xf32>
      %mul3A_1018 = vector.broadcast %broadcast_in_dim3A_1015 : vector<256x1xf32> to vector<256x256xf32>
      %mul3A_1019 = vector.broadcast %broadcast_in_dim3A_1017 : vector<1x256xf32> to vector<256x256xf32>
      %mul3A_1020 = arith.mulf %mul3A_1018, %mul3A_1019 : vector<256x256xf32>
      %slice3A_1021 = vector.extract_strided_slice %exp3A_40 {offsets = [512], sizes = [256], strides = [1]} : vector<1024xf32> to vector<256xf32>
      %broadcast_in_dim3A_1022 = vector.shape_cast %slice3A_1021 : vector<256xf32> to vector<256x1xf32>
      %slice3A_1023 = vector.extract_strided_slice %select_n3A_53 {offsets = [256], sizes = [256], strides = [1]} : vector<1024xf32> to vector<256xf32>
      %broadcast_in_dim3A_1024 = vector.shape_cast %slice3A_1023 : vector<256xf32> to vector<1x256xf32>
      %mul3A_1025 = vector.broadcast %broadcast_in_dim3A_1022 : vector<256x1xf32> to vector<256x256xf32>
      %mul3A_1026 = vector.broadcast %broadcast_in_dim3A_1024 : vector<1x256xf32> to vector<256x256xf32>
      %mul3A_1027 = arith.mulf %mul3A_1025, %mul3A_1026 : vector<256x256xf32>
      %max3A_1028 = arith.maximumf %mul3A_1020, %mul3A_1027 : vector<256x256xf32>
      %slice3A_1029 = vector.extract_strided_slice %concatenate3A {offsets = [256, 0], sizes = [256, 33], strides = [1, 1]} : vector<1024x33xf32> to vector<256x33xf32>
      %dot_general3A_1030 = arith.constant dense<0.000000e+00> : vector<256x33xf32>
      %dot_general3A_1031 = tpu.matmul %max3A_1028, %slice3A_1029, %dot_general3A_1030 {dimension_numbers = #tpu.dot_dimension_numbers<[1], [0], [0], [1], [0, 0, 1, 1], [], []>, transpose_lhs_hint = false} : vector<256x256xf32>, vector<256x33xf32>, vector<256x33xf32> -> vector<256x33xf32>
      %get3A_1032 = arith.constant 512 : index
      %get3A_1033 = arith.constant 0 : index
      %get3A_1034 = vector.load %arg9[%get3A_1032, %get3A_1033] : memref<1024x33xf32, #tpu.memory_space<vmem>>, vector<256x33xf32>
      %add3A_1035 = arith.addf %get3A_1034, %dot_general3A_1031 : vector<256x33xf32>
      %swap3A_1036 = arith.constant 512 : index
      %swap3A_1037 = arith.constant 0 : index
      %swap3A_1038 = vector.load %arg9[%swap3A_1036, %swap3A_1037] : memref<1024x33xf32, #tpu.memory_space<vmem>>, vector<256x33xf32>
      tpu.vector_store %arg9[%swap3A_1036, %swap3A_1037], %add3A_1035 {strides = array<i32>} : memref<1024x33xf32, #tpu.memory_space<vmem>>, vector<256x33xf32>,
    } else {
    }
    %gt3A_135 = arith.constant 512 : i32
    %gt3A_136 = arith.cmpi sgt, %get3A_1, %gt3A_135 : i32
    %gt3A_137 = arith.constant 512 : i32
    %gt3A_138 = arith.cmpi sgt, %get3A_1, %gt3A_137 : i32
    %and3A_139 = arith.andi %gt3A_136, %gt3A_138 : i1
    %convert_element_type3A_140 = arith.extui %and3A_139 : i1 to i32
    %cond3A_141 = arith.constant 0 : i32
    %cond3A_142 = arith.cmpi ne, %convert_element_type3A_140, %cond3A_141 : i32
    scf.if %cond3A_142 {
      %slice3A_1014 = vector.extract_strided_slice %exp3A {offsets = [512], sizes = [256], strides = [1]} : vector<1024xf32> to vector<256xf32>
      %broadcast_in_dim3A_1015 = vector.shape_cast %slice3A_1014 : vector<256xf32> to vector<256x1xf32>
      %slice3A_1016 = vector.extract_strided_slice %select_n3A_46 {offsets = [512], sizes = [256], strides = [1]} : vector<1024xf32> to vector<256xf32>
      %broadcast_in_dim3A_1017 = vector.shape_cast %slice3A_1016 : vector<256xf32> to vector<1x256xf32>
      %mul3A_1018 = vector.broadcast %broadcast_in_dim3A_1015 : vector<256x1xf32> to vector<256x256xf32>
      %mul3A_1019 = vector.broadcast %broadcast_in_dim3A_1017 : vector<1x256xf32> to vector<256x256xf32>
      %mul3A_1020 = arith.mulf %mul3A_1018, %mul3A_1019 : vector<256x256xf32>
      %slice3A_1021 = vector.extract_strided_slice %exp3A_40 {offsets = [512], sizes = [256], strides = [1]} : vector<1024xf32> to vector<256xf32>
      %broadcast_in_dim3A_1022 = vector.shape_cast %slice3A_1021 : vector<256xf32> to vector<256x1xf32>
      %slice3A_1023 = vector.extract_strided_slice %select_n3A_53 {offsets = [512], sizes = [256], strides = [1]} : vector<1024xf32> to vector<256xf32>
      %broadcast_in_dim3A_1024 = vector.shape_cast %slice3A_1023 : vector<256xf32> to vector<1x256xf32>
      %mul3A_1025 = vector.broadcast %broadcast_in_dim3A_1022 : vector<256x1xf32> to vector<256x256xf32>
      %mul3A_1026 = vector.broadcast %broadcast_in_dim3A_1024 : vector<1x256xf32> to vector<256x256xf32>
      %mul3A_1027 = arith.mulf %mul3A_1025, %mul3A_1026 : vector<256x256xf32>
      %max3A_1028 = arith.maximumf %mul3A_1020, %mul3A_1027 : vector<256x256xf32>
      %slice3A_1029 = vector.extract_strided_slice %concatenate3A {offsets = [512, 0], sizes = [256, 33], strides = [1, 1]} : vector<1024x33xf32> to vector<256x33xf32>
      %dot_general3A_1030 = arith.constant dense<0.000000e+00> : vector<256x33xf32>
      %dot_general3A_1031 = tpu.matmul %max3A_1028, %slice3A_1029, %dot_general3A_1030 {dimension_numbers = #tpu.dot_dimension_numbers<[1], [0], [0], [1], [0, 0, 1, 1], [], []>, transpose_lhs_hint = false} : vector<256x256xf32>, vector<256x33xf32>, vector<256x33xf32> -> vector<256x33xf32>
      %get3A_1032 = arith.constant 512 : index
      %get3A_1033 = arith.constant 0 : index
      %get3A_1034 = vector.load %arg9[%get3A_1032, %get3A_1033] : memref<1024x33xf32, #tpu.memory_space<vmem>>, vector<256x33xf32>
      %add3A_1035 = arith.addf %get3A_1034, %dot_general3A_1031 : vector<256x33xf32>
      %swap3A_1036 = arith.constant 512 : index
      %swap3A_1037 = arith.constant 0 : index
      %swap3A_1038 = vector.load %arg9[%swap3A_1036, %swap3A_1037] : memref<1024x33xf32, #tpu.memory_space<vmem>>, vector<256x33xf32>
      tpu.vector_store %arg9[%swap3A_1036, %swap3A_1037], %add3A_1035 {strides = array<i32>} : memref<1024x33xf32, #tpu.memory_space<vmem>>, vector<256x33xf32>,
    } else {
    }
    %gt3A_143 = arith.constant 512 : i32
    %gt3A_144 = arith.cmpi sgt, %get3A_1, %gt3A_143 : i32
    %gt3A_145 = arith.constant 768 : i32
    %gt3A_146 = arith.cmpi sgt, %get3A_1, %gt3A_145 : i32
    %and3A_147 = arith.andi %gt3A_144, %gt3A_146 : i1
    %convert_element_type3A_148 = arith.extui %and3A_147 : i1 to i32
    %cond3A_149 = arith.constant 0 : i32
    %cond3A_150 = arith.cmpi ne, %convert_element_type3A_148, %cond3A_149 : i32
    scf.if %cond3A_150 {
      %slice3A_1014 = vector.extract_strided_slice %exp3A {offsets = [512], sizes = [256], strides = [1]} : vector<1024xf32> to vector<256xf32>
      %broadcast_in_dim3A_1015 = vector.shape_cast %slice3A_1014 : vector<256xf32> to vector<256x1xf32>
      %slice3A_1016 = vector.extract_strided_slice %select_n3A_46 {offsets = [768], sizes = [256], strides = [1]} : vector<1024xf32> to vector<256xf32>
      %broadcast_in_dim3A_1017 = vector.shape_cast %slice3A_1016 : vector<256xf32> to vector<1x256xf32>
      %mul3A_1018 = vector.broadcast %broadcast_in_dim3A_1015 : vector<256x1xf32> to vector<256x256xf32>
      %mul3A_1019 = vector.broadcast %broadcast_in_dim3A_1017 : vector<1x256xf32> to vector<256x256xf32>
      %mul3A_1020 = arith.mulf %mul3A_1018, %mul3A_1019 : vector<256x256xf32>
      %slice3A_1021 = vector.extract_strided_slice %exp3A_40 {offsets = [512], sizes = [256], strides = [1]} : vector<1024xf32> to vector<256xf32>
      %broadcast_in_dim3A_1022 = vector.shape_cast %slice3A_1021 : vector<256xf32> to vector<256x1xf32>
      %slice3A_1023 = vector.extract_strided_slice %select_n3A_53 {offsets = [768], sizes = [256], strides = [1]} : vector<1024xf32> to vector<256xf32>
      %broadcast_in_dim3A_1024 = vector.shape_cast %slice3A_1023 : vector<256xf32> to vector<1x256xf32>
      %mul3A_1025 = vector.broadcast %broadcast_in_dim3A_1022 : vector<256x1xf32> to vector<256x256xf32>
      %mul3A_1026 = vector.broadcast %broadcast_in_dim3A_1024 : vector<1x256xf32> to vector<256x256xf32>
      %mul3A_1027 = arith.mulf %mul3A_1025, %mul3A_1026 : vector<256x256xf32>
      %max3A_1028 = arith.maximumf %mul3A_1020, %mul3A_1027 : vector<256x256xf32>
      %slice3A_1029 = vector.extract_strided_slice %concatenate3A {offsets = [768, 0], sizes = [256, 33], strides = [1, 1]} : vector<1024x33xf32> to vector<256x33xf32>
      %dot_general3A_1030 = arith.constant dense<0.000000e+00> : vector<256x33xf32>
      %dot_general3A_1031 = tpu.matmul %max3A_1028, %slice3A_1029, %dot_general3A_1030 {dimension_numbers = #tpu.dot_dimension_numbers<[1], [0], [0], [1], [0, 0, 1, 1], [], []>, transpose_lhs_hint = false} : vector<256x256xf32>, vector<256x33xf32>, vector<256x33xf32> -> vector<256x33xf32>
      %get3A_1032 = arith.constant 512 : index
      %get3A_1033 = arith.constant 0 : index
      %get3A_1034 = vector.load %arg9[%get3A_1032, %get3A_1033] : memref<1024x33xf32, #tpu.memory_space<vmem>>, vector<256x33xf32>
      %add3A_1035 = arith.addf %get3A_1034, %dot_general3A_1031 : vector<256x33xf32>
      %swap3A_1036 = arith.constant 512 : index
      %swap3A_1037 = arith.constant 0 : index
      %swap3A_1038 = vector.load %arg9[%swap3A_1036, %swap3A_1037] : memref<1024x33xf32, #tpu.memory_space<vmem>>, vector<256x33xf32>
      tpu.vector_store %arg9[%swap3A_1036, %swap3A_1037], %add3A_1035 {strides = array<i32>} : memref<1024x33xf32, #tpu.memory_space<vmem>>, vector<256x33xf32>,
    } else {
    }
    %gt3A_151 = arith.constant 768 : i32
    %gt3A_152 = arith.cmpi sgt, %get3A_1, %gt3A_151 : i32
    %gt3A_153 = arith.constant 0 : i32
    %gt3A_154 = arith.cmpi sgt, %get3A_1, %gt3A_153 : i32
    %and3A_155 = arith.andi %gt3A_152, %gt3A_154 : i1
    %convert_element_type3A_156 = arith.extui %and3A_155 : i1 to i32
    %cond3A_157 = arith.constant 0 : i32
    %cond3A_158 = arith.cmpi ne, %convert_element_type3A_156, %cond3A_157 : i32
    scf.if %cond3A_158 {
      %slice3A_1014 = vector.extract_strided_slice %exp3A {offsets = [768], sizes = [256], strides = [1]} : vector<1024xf32> to vector<256xf32>
      %broadcast_in_dim3A_1015 = vector.shape_cast %slice3A_1014 : vector<256xf32> to vector<256x1xf32>
      %slice3A_1016 = vector.extract_strided_slice %select_n3A_46 {offsets = [0], sizes = [256], strides = [1]} : vector<1024xf32> to vector<256xf32>
      %broadcast_in_dim3A_1017 = vector.shape_cast %slice3A_1016 : vector<256xf32> to vector<1x256xf32>
      %mul3A_1018 = vector.broadcast %broadcast_in_dim3A_1015 : vector<256x1xf32> to vector<256x256xf32>
      %mul3A_1019 = vector.broadcast %broadcast_in_dim3A_1017 : vector<1x256xf32> to vector<256x256xf32>
      %mul3A_1020 = arith.mulf %mul3A_1018, %mul3A_1019 : vector<256x256xf32>
      %slice3A_1021 = vector.extract_strided_slice %exp3A_40 {offsets = [768], sizes = [256], strides = [1]} : vector<1024xf32> to vector<256xf32>
      %broadcast_in_dim3A_1022 = vector.shape_cast %slice3A_1021 : vector<256xf32> to vector<256x1xf32>
      %slice3A_1023 = vector.extract_strided_slice %select_n3A_53 {offsets = [0], sizes = [256], strides = [1]} : vector<1024xf32> to vector<256xf32>
      %broadcast_in_dim3A_1024 = vector.shape_cast %slice3A_1023 : vector<256xf32> to vector<1x256xf32>
      %mul3A_1025 = vector.broadcast %broadcast_in_dim3A_1022 : vector<256x1xf32> to vector<256x256xf32>
      %mul3A_1026 = vector.broadcast %broadcast_in_dim3A_1024 : vector<1x256xf32> to vector<256x256xf32>
      %mul3A_1027 = arith.mulf %mul3A_1025, %mul3A_1026 : vector<256x256xf32>
      %max3A_1028 = arith.maximumf %mul3A_1020, %mul3A_1027 : vector<256x256xf32>
      %slice3A_1029 = vector.extract_strided_slice %concatenate3A {offsets = [0, 0], sizes = [256, 33], strides = [1, 1]} : vector<1024x33xf32> to vector<256x33xf32>
      %dot_general3A_1030 = arith.constant dense<0.000000e+00> : vector<256x33xf32>
      %dot_general3A_1031 = tpu.matmul %max3A_1028, %slice3A_1029, %dot_general3A_1030 {dimension_numbers = #tpu.dot_dimension_numbers<[1], [0], [0], [1], [0, 0, 1, 1], [], []>, transpose_lhs_hint = false} : vector<256x256xf32>, vector<256x33xf32>, vector<256x33xf32> -> vector<256x33xf32>
      %get3A_1032 = arith.constant 768 : index
      %get3A_1033 = arith.constant 0 : index
      %get3A_1034 = vector.load %arg9[%get3A_1032, %get3A_1033] : memref<1024x33xf32, #tpu.memory_space<vmem>>, vector<256x33xf32>
      %add3A_1035 = arith.addf %get3A_1034, %dot_general3A_1031 : vector<256x33xf32>
      %swap3A_1036 = arith.constant 768 : index
      %swap3A_1037 = arith.constant 0 : index
      %swap3A_1038 = vector.load %arg9[%swap3A_1036, %swap3A_1037] : memref<1024x33xf32, #tpu.memory_space<vmem>>, vector<256x33xf32>
      tpu.vector_store %arg9[%swap3A_1036, %swap3A_1037], %add3A_1035 {strides = array<i32>} : memref<1024x33xf32, #tpu.memory_space<vmem>>, vector<256x33xf32>,
    } else {
    }
    %gt3A_159 = arith.constant 768 : i32
    %gt3A_160 = arith.cmpi sgt, %get3A_1, %gt3A_159 : i32
    %gt3A_161 = arith.constant 256 : i32
    %gt3A_162 = arith.cmpi sgt, %get3A_1, %gt3A_161 : i32
    %and3A_163 = arith.andi %gt3A_160, %gt3A_162 : i1
    %convert_element_type3A_164 = arith.extui %and3A_163 : i1 to i32
    %cond3A_165 = arith.constant 0 : i32
    %cond3A_166 = arith.cmpi ne, %convert_element_type3A_164, %cond3A_165 : i32
    scf.if %cond3A_166 {
      %slice3A_1014 = vector.extract_strided_slice %exp3A {offsets = [768], sizes = [256], strides = [1]} : vector<1024xf32> to vector<256xf32>
      %broadcast_in_dim3A_1015 = vector.shape_cast %slice3A_1014 : vector<256xf32> to vector<256x1xf32>
      %slice3A_1016 = vector.extract_strided_slice %select_n3A_46 {offsets = [256], sizes = [256], strides = [1]} : vector<1024xf32> to vector<256xf32>
      %broadcast_in_dim3A_1017 = vector.shape_cast %slice3A_1016 : vector<256xf32> to vector<1x256xf32>
      %mul3A_1018 = vector.broadcast %broadcast_in_dim3A_1015 : vector<256x1xf32> to vector<256x256xf32>
      %mul3A_1019 = vector.broadcast %broadcast_in_dim3A_1017 : vector<1x256xf32> to vector<256x256xf32>
      %mul3A_1020 = arith.mulf %mul3A_1018, %mul3A_1019 : vector<256x256xf32>
      %slice3A_1021 = vector.extract_strided_slice %exp3A_40 {offsets = [768], sizes = [256], strides = [1]} : vector<1024xf32> to vector<256xf32>
      %broadcast_in_dim3A_1022 = vector.shape_cast %slice3A_1021 : vector<256xf32> to vector<256x1xf32>
      %slice3A_1023 = vector.extract_strided_slice %select_n3A_53 {offsets = [256], sizes = [256], strides = [1]} : vector<1024xf32> to vector<256xf32>
      %broadcast_in_dim3A_1024 = vector.shape_cast %slice3A_1023 : vector<256xf32> to vector<1x256xf32>
      %mul3A_1025 = vector.broadcast %broadcast_in_dim3A_1022 : vector<256x1xf32> to vector<256x256xf32>
      %mul3A_1026 = vector.broadcast %broadcast_in_dim3A_1024 : vector<1x256xf32> to vector<256x256xf32>
      %mul3A_1027 = arith.mulf %mul3A_1025, %mul3A_1026 : vector<256x256xf32>
      %max3A_1028 = arith.maximumf %mul3A_1020, %mul3A_1027 : vector<256x256xf32>
      %slice3A_1029 = vector.extract_strided_slice %concatenate3A {offsets = [256, 0], sizes = [256, 33], strides = [1, 1]} : vector<1024x33xf32> to vector<256x33xf32>
      %dot_general3A_1030 = arith.constant dense<0.000000e+00> : vector<256x33xf32>
      %dot_general3A_1031 = tpu.matmul %max3A_1028, %slice3A_1029, %dot_general3A_1030 {dimension_numbers = #tpu.dot_dimension_numbers<[1], [0], [0], [1], [0, 0, 1, 1], [], []>, transpose_lhs_hint = false} : vector<256x256xf32>, vector<256x33xf32>, vector<256x33xf32> -> vector<256x33xf32>
      %get3A_1032 = arith.constant 768 : index
      %get3A_1033 = arith.constant 0 : index
      %get3A_1034 = vector.load %arg9[%get3A_1032, %get3A_1033] : memref<1024x33xf32, #tpu.memory_space<vmem>>, vector<256x33xf32>
      %add3A_1035 = arith.addf %get3A_1034, %dot_general3A_1031 : vector<256x33xf32>
      %swap3A_1036 = arith.constant 768 : index
      %swap3A_1037 = arith.constant 0 : index
      %swap3A_1038 = vector.load %arg9[%swap3A_1036, %swap3A_1037] : memref<1024x33xf32, #tpu.memory_space<vmem>>, vector<256x33xf32>
      tpu.vector_store %arg9[%swap3A_1036, %swap3A_1037], %add3A_1035 {strides = array<i32>} : memref<1024x33xf32, #tpu.memory_space<vmem>>, vector<256x33xf32>,
    } else {
    }
    %gt3A_167 = arith.constant 768 : i32
    %gt3A_168 = arith.cmpi sgt, %get3A_1, %gt3A_167 : i32
    %gt3A_169 = arith.constant 512 : i32
    %gt3A_170 = arith.cmpi sgt, %get3A_1, %gt3A_169 : i32
    %and3A_171 = arith.andi %gt3A_168, %gt3A_170 : i1
    %convert_element_type3A_172 = arith.extui %and3A_171 : i1 to i32
    %cond3A_173 = arith.constant 0 : i32
    %cond3A_174 = arith.cmpi ne, %convert_element_type3A_172, %cond3A_173 : i32
    scf.if %cond3A_174 {
      %slice3A_1014 = vector.extract_strided_slice %exp3A {offsets = [768], sizes = [256], strides = [1]} : vector<1024xf32> to vector<256xf32>
      %broadcast_in_dim3A_1015 = vector.shape_cast %slice3A_1014 : vector<256xf32> to vector<256x1xf32>
      %slice3A_1016 = vector.extract_strided_slice %select_n3A_46 {offsets = [512], sizes = [256], strides = [1]} : vector<1024xf32> to vector<256xf32>
      %broadcast_in_dim3A_1017 = vector.shape_cast %slice3A_1016 : vector<256xf32> to vector<1x256xf32>
      %mul3A_1018 = vector.broadcast %broadcast_in_dim3A_1015 : vector<256x1xf32> to vector<256x256xf32>
      %mul3A_1019 = vector.broadcast %broadcast_in_dim3A_1017 : vector<1x256xf32> to vector<256x256xf32>
      %mul3A_1020 = arith.mulf %mul3A_1018, %mul3A_1019 : vector<256x256xf32>
      %slice3A_1021 = vector.extract_strided_slice %exp3A_40 {offsets = [768], sizes = [256], strides = [1]} : vector<1024xf32> to vector<256xf32>
      %broadcast_in_dim3A_1022 = vector.shape_cast %slice3A_1021 : vector<256xf32> to vector<256x1xf32>
      %slice3A_1023 = vector.extract_strided_slice %select_n3A_53 {offsets = [512], sizes = [256], strides = [1]} : vector<1024xf32> to vector<256xf32>
      %broadcast_in_dim3A_1024 = vector.shape_cast %slice3A_1023 : vector<256xf32> to vector<1x256xf32>
      %mul3A_1025 = vector.broadcast %broadcast_in_dim3A_1022 : vector<256x1xf32> to vector<256x256xf32>
      %mul3A_1026 = vector.broadcast %broadcast_in_dim3A_1024 : vector<1x256xf32> to vector<256x256xf32>
      %mul3A_1027 = arith.mulf %mul3A_1025, %mul3A_1026 : vector<256x256xf32>
      %max3A_1028 = arith.maximumf %mul3A_1020, %mul3A_1027 : vector<256x256xf32>
      %slice3A_1029 = vector.extract_strided_slice %concatenate3A {offsets = [512, 0], sizes = [256, 33], strides = [1, 1]} : vector<1024x33xf32> to vector<256x33xf32>
      %dot_general3A_1030 = arith.constant dense<0.000000e+00> : vector<256x33xf32>
      %dot_general3A_1031 = tpu.matmul %max3A_1028, %slice3A_1029, %dot_general3A_1030 {dimension_numbers = #tpu.dot_dimension_numbers<[1], [0], [0], [1], [0, 0, 1, 1], [], []>, transpose_lhs_hint = false} : vector<256x256xf32>, vector<256x33xf32>, vector<256x33xf32> -> vector<256x33xf32>
      %get3A_1032 = arith.constant 768 : index
      %get3A_1033 = arith.constant 0 : index
      %get3A_1034 = vector.load %arg9[%get3A_1032, %get3A_1033] : memref<1024x33xf32, #tpu.memory_space<vmem>>, vector<256x33xf32>
      %add3A_1035 = arith.addf %get3A_1034, %dot_general3A_1031 : vector<256x33xf32>
      %swap3A_1036 = arith.constant 768 : index
      %swap3A_1037 = arith.constant 0 : index
      %swap3A_1038 = vector.load %arg9[%swap3A_1036, %swap3A_1037] : memref<1024x33xf32, #tpu.memory_space<vmem>>, vector<256x33xf32>
      tpu.vector_store %arg9[%swap3A_1036, %swap3A_1037], %add3A_1035 {strides = array<i32>} : memref<1024x33xf32, #tpu.memory_space<vmem>>, vector<256x33xf32>,
    } else {
    }
    %gt3A_175 = arith.constant 768 : i32
    %gt3A_176 = arith.cmpi sgt, %get3A_1, %gt3A_175 : i32
    %gt3A_177 = arith.constant 768 : i32
    %gt3A_178 = arith.cmpi sgt, %get3A_1, %gt3A_177 : i32
    %and3A_179 = arith.andi %gt3A_176, %gt3A_178 : i1
    %convert_element_type3A_180 = arith.extui %and3A_179 : i1 to i32
    %cond3A_181 = arith.constant 0 : i32
    %cond3A_182 = arith.cmpi ne, %convert_element_type3A_180, %cond3A_181 : i32
    scf.if %cond3A_182 {
      %slice3A_1014 = vector.extract_strided_slice %exp3A {offsets = [768], sizes = [256], strides = [1]} : vector<1024xf32> to vector<256xf32>
      %broadcast_in_dim3A_1015 = vector.shape_cast %slice3A_1014 : vector<256xf32> to vector<256x1xf32>
      %slice3A_1016 = vector.extract_strided_slice %select_n3A_46 {offsets = [768], sizes = [256], strides = [1]} : vector<1024xf32> to vector<256xf32>
      %broadcast_in_dim3A_1017 = vector.shape_cast %slice3A_1016 : vector<256xf32> to vector<1x256xf32>
      %mul3A_1018 = vector.broadcast %broadcast_in_dim3A_1015 : vector<256x1xf32> to vector<256x256xf32>
      %mul3A_1019 = vector.broadcast %broadcast_in_dim3A_1017 : vector<1x256xf32> to vector<256x256xf32>
      %mul3A_1020 = arith.mulf %mul3A_1018, %mul3A_1019 : vector<256x256xf32>
      %slice3A_1021 = vector.extract_strided_slice %exp3A_40 {offsets = [768], sizes = [256], strides = [1]} : vector<1024xf32> to vector<256xf32>
      %broadcast_in_dim3A_1022 = vector.shape_cast %slice3A_1021 : vector<256xf32> to vector<256x1xf32>
      %slice3A_1023 = vector.extract_strided_slice %select_n3A_53 {offsets = [768], sizes = [256], strides = [1]} : vector<1024xf32> to vector<256xf32>
      %broadcast_in_dim3A_1024 = vector.shape_cast %slice3A_1023 : vector<256xf32> to vector<1x256xf32>
      %mul3A_1025 = vector.broadcast %broadcast_in_dim3A_1022 : vector<256x1xf32> to vector<256x256xf32>
      %mul3A_1026 = vector.broadcast %broadcast_in_dim3A_1024 : vector<1x256xf32> to vector<256x256xf32>
      %mul3A_1027 = arith.mulf %mul3A_1025, %mul3A_1026 : vector<256x256xf32>
      %max3A_1028 = arith.maximumf %mul3A_1020, %mul3A_1027 : vector<256x256xf32>
      %slice3A_1029 = vector.extract_strided_slice %concatenate3A {offsets = [768, 0], sizes = [256, 33], strides = [1, 1]} : vector<1024x33xf32> to vector<256x33xf32>
      %dot_general3A_1030 = arith.constant dense<0.000000e+00> : vector<256x33xf32>
      %dot_general3A_1031 = tpu.matmul %max3A_1028, %slice3A_1029, %dot_general3A_1030 {dimension_numbers = #tpu.dot_dimension_numbers<[1], [0], [0], [1], [0, 0, 1, 1], [], []>, transpose_lhs_hint = false} : vector<256x256xf32>, vector<256x33xf32>, vector<256x33xf32> -> vector<256x33xf32>
      %get3A_1032 = arith.constant 768 : index
      %get3A_1033 = arith.constant 0 : index
      %get3A_1034 = vector.load %arg9[%get3A_1032, %get3A_1033] : memref<1024x33xf32, #tpu.memory_space<vmem>>, vector<256x33xf32>
      %add3A_1035 = arith.addf %get3A_1034, %dot_general3A_1031 : vector<256x33xf32>
      %swap3A_1036 = arith.constant 768 : index
      %swap3A_1037 = arith.constant 0 : index
      %swap3A_1038 = vector.load %arg9[%swap3A_1036, %swap3A_1037] : memref<1024x33xf32, #tpu.memory_space<vmem>>, vector<256x33xf32>
      tpu.vector_store %arg9[%swap3A_1036, %swap3A_1037], %add3A_1035 {strides = array<i32>} : memref<1024x33xf32, #tpu.memory_space<vmem>>, vector<256x33xf32>,
    } else {
    }
    %get3A_183 = arith.constant 0 : index
    %get3A_184 = arith.constant 0 : index
    %get3A_185 = vector.load %arg9[%get3A_183, %get3A_184] : memref<1024x33xf32, #tpu.memory_space<vmem>>, vector<1024x33xf32>
    %slice3A_186 = vector.extract_strided_slice %get3A_185 {offsets = [0, 32], sizes = [1024, 1], strides = [1, 1]} : vector<1024x33xf32> to vector<1024x1xf32>
    %max3A_187 = arith.constant 1.000000e-30 : f32
    %max3A_188 = vector.broadcast %max3A_187 : f32 to vector<1024x1xf32>
    %max3A_189 = arith.maximumf %slice3A_186, %max3A_188 : vector<1024x1xf32>
    %slice3A_190 = vector.extract_strided_slice %get3A_185 {offsets = [0, 0], sizes = [1024, 32], strides = [1, 1]} : vector<1024x33xf32> to vector<1024x32xf32>
    %div3A = vector.broadcast %max3A_189 : vector<1024x1xf32> to vector<1024x32xf32>
    %div3A_191 = arith.divf %slice3A_190, %div3A : vector<1024x32xf32>
    %gt3A_192 = arith.constant 0.000000e+00 : f32
    %gt3A_193 = vector.broadcast %gt3A_192 : f32 to vector<1024x32xf32>
    %gt3A_194 = arith.cmpf ogt, %div3A_191, %gt3A_193 : vector<1024x32xf32>
    %min3A = arith.constant 0.000000e+00 : f32
    %min3A_195 = vector.broadcast %min3A : f32 to vector<1024x32xf32>
    %min3A_196 = arith.minimumf %div3A_191, %min3A_195 : vector<1024x32xf32>
    %exp3A_197 = math.exp %min3A_196 : vector<1024x32xf32>
    %sub3A_198 = arith.constant 1.000000e+00 : f32
    %sub3A_199 = vector.broadcast %sub3A_198 : f32 to vector<1024x32xf32>
    %sub3A_200 = arith.subf %exp3A_197, %sub3A_199 : vector<1024x32xf32>
    %select_n3A_201 = arith.select %gt3A_194, %div3A_191, %sub3A_200 : vector<1024x32xi1>, vector<1024x32xf32>
    %slice3A_202 = vector.extract_strided_slice %dot_general3A_24 {offsets = [0, 1], sizes = [1024, 1], strides = [1, 1]} : vector<1024x8xf32> to vector<1024x1xf32>
    %squeeze3A_203 = vector.shape_cast %slice3A_202 : vector<1024x1xf32> to vector<1024xf32>
    %slice3A_204 = vector.extract_strided_slice %dot_general3A_24 {offsets = [0, 5], sizes = [1024, 1], strides = [1, 1]} : vector<1024x8xf32> to vector<1024x1xf32>
    %squeeze3A_205 = vector.shape_cast %slice3A_204 : vector<1024x1xf32> to vector<1024xf32>
    %jit3A_206 = arith.constant -1.000000e+30 : f32
    %broadcast_in_dim3A_207 = vector.broadcast %jit3A_206 : f32 to vector<1024xf32>
    %select_n3A_208 = arith.select %lt3A_15, %squeeze3A_205, %broadcast_in_dim3A_207 : vector<1024xi1>, vector<1024xf32>
    %reduce_max3A_209 = vector.shape_cast %select_n3A_208 : vector<1024xf32> to vector<1x1024xf32>
    %reduce_max3A_210 = arith.constant dense<0xFF800000> : vector<1xf32>
    %reduce_max3A_211 = vector.multi_reduction <maximumf>, %reduce_max3A_209, %reduce_max3A_210 [1] : vector<1x1024xf32> to vector<1xf32>
    %reduce_max3A_212 = vector.shape_cast %reduce_max3A_211 : vector<1xf32> to vector<1x1xf32>
    %reduce_max3A_213 = vector.extract %reduce_max3A_212[0, 0] : f32 from vector<1x1xf32>
    %add3A_214 = vector.broadcast %reduce_max3A_213 : f32 to vector<1024xf32>
    %add3A_215 = arith.addf %squeeze3A_203, %add3A_214 : vector<1024xf32>
    %mul3A_216 = arith.constant 2.000000e-01 : f32
    %mul3A_217 = vector.broadcast %mul3A_216 : f32 to vector<1024xf32>
    %mul3A_218 = arith.mulf %mul3A_217, %add3A_215 : vector<1024xf32>
    %max3A_219 = arith.maximumf %add3A_215, %mul3A_218 : vector<1024xf32>
    %sub3A_220 = arith.subf %add3A_215, %max3A_219 : vector<1024xf32>
    %exp3A_221 = math.exp %sub3A_220 : vector<1024xf32>
    %mul3A_222 = arith.constant 2.000000e-01 : f32
    %mul3A_223 = vector.broadcast %mul3A_222 : f32 to vector<1024xf32>
    %mul3A_224 = arith.mulf %mul3A_223, %add3A_215 : vector<1024xf32>
    %sub3A_225 = arith.subf %mul3A_224, %max3A_219 : vector<1024xf32>
    %exp3A_226 = math.exp %sub3A_225 : vector<1024xf32>
    %sub3A_227 = vector.broadcast %reduce_max3A_213 : f32 to vector<1024xf32>
    %sub3A_228 = arith.subf %squeeze3A_205, %sub3A_227 : vector<1024xf32>
    %exp3A_229 = math.exp %sub3A_228 : vector<1024xf32>
    %jit3A_230 = arith.constant 0.000000e+00 : f32
    %broadcast_in_dim3A_231 = vector.broadcast %jit3A_230 : f32 to vector<1024xf32>
    %select_n3A_232 = arith.select %lt3A_15, %exp3A_229, %broadcast_in_dim3A_231 : vector<1024xi1>, vector<1024xf32>
    %mul3A_233 = arith.constant 2.000000e-01 : f32
    %mul3A_234 = vector.broadcast %mul3A_233 : f32 to vector<1024xf32>
    %mul3A_235 = arith.mulf %mul3A_234, %sub3A_228 : vector<1024xf32>
    %exp3A_236 = math.exp %mul3A_235 : vector<1024xf32>
    %jit3A_237 = arith.constant 0.000000e+00 : f32
    %broadcast_in_dim3A_238 = vector.broadcast %jit3A_237 : f32 to vector<1024xf32>
    %select_n3A_239 = arith.select %lt3A_15, %exp3A_236, %broadcast_in_dim3A_238 : vector<1024xi1>, vector<1024xf32>
    %slice3A_240 = vector.extract_strided_slice %dot_general3A_19 {offsets = [0, 32], sizes = [1024, 32], strides = [1, 1]} : vector<1024x128xf32> to vector<1024x32xf32>
    %concatenate3A_241 = tpu.concatenate %slice3A_240, %broadcast_in_dim3A_13 in 1 : vector<1024x32xf32>, vector<1024x1xf32> -> vector<1024x33xf32>
    %broadcast_in_dim3A_242 = arith.constant 0.000000e+00 : f32
    %broadcast_in_dim3A_243 = vector.broadcast %broadcast_in_dim3A_242 : f32 to vector<1024x33xf32>
    %swap3A_244 = arith.constant 0 : index
    %swap3A_245 = arith.constant 0 : index
    %swap3A_246 = vector.load %arg9[%swap3A_244, %swap3A_245] : memref<1024x33xf32, #tpu.memory_space<vmem>>, vector<1024x33xf32>
    tpu.vector_store %arg9[%swap3A_244, %swap3A_245], %broadcast_in_dim3A_243 {strides = array<i32>} : memref<1024x33xf32, #tpu.memory_space<vmem>>, vector<1024x33xf32>,
    %gt3A_247 = arith.constant 0 : i32
    %gt3A_248 = arith.cmpi sgt, %get3A_1, %gt3A_247 : i32
    %gt3A_249 = arith.constant 0 : i32
    %gt3A_250 = arith.cmpi sgt, %get3A_1, %gt3A_249 : i32
    %and3A_251 = arith.andi %gt3A_248, %gt3A_250 : i1
    %convert_element_type3A_252 = arith.extui %and3A_251 : i1 to i32
    %cond3A_253 = arith.constant 0 : i32
    %cond3A_254 = arith.cmpi ne, %convert_element_type3A_252, %cond3A_253 : i32
    scf.if %cond3A_254 {
      %slice3A_1014 = vector.extract_strided_slice %exp3A_221 {offsets = [0], sizes = [256], strides = [1]} : vector<1024xf32> to vector<256xf32>
      %broadcast_in_dim3A_1015 = vector.shape_cast %slice3A_1014 : vector<256xf32> to vector<256x1xf32>
      %slice3A_1016 = vector.extract_strided_slice %select_n3A_232 {offsets = [0], sizes = [256], strides = [1]} : vector<1024xf32> to vector<256xf32>
      %broadcast_in_dim3A_1017 = vector.shape_cast %slice3A_1016 : vector<256xf32> to vector<1x256xf32>
      %mul3A_1018 = vector.broadcast %broadcast_in_dim3A_1015 : vector<256x1xf32> to vector<256x256xf32>
      %mul3A_1019 = vector.broadcast %broadcast_in_dim3A_1017 : vector<1x256xf32> to vector<256x256xf32>
      %mul3A_1020 = arith.mulf %mul3A_1018, %mul3A_1019 : vector<256x256xf32>
      %slice3A_1021 = vector.extract_strided_slice %exp3A_226 {offsets = [0], sizes = [256], strides = [1]} : vector<1024xf32> to vector<256xf32>
      %broadcast_in_dim3A_1022 = vector.shape_cast %slice3A_1021 : vector<256xf32> to vector<256x1xf32>
      %slice3A_1023 = vector.extract_strided_slice %select_n3A_239 {offsets = [0], sizes = [256], strides = [1]} : vector<1024xf32> to vector<256xf32>
      %broadcast_in_dim3A_1024 = vector.shape_cast %slice3A_1023 : vector<256xf32> to vector<1x256xf32>
      %mul3A_1025 = vector.broadcast %broadcast_in_dim3A_1022 : vector<256x1xf32> to vector<256x256xf32>
      %mul3A_1026 = vector.broadcast %broadcast_in_dim3A_1024 : vector<1x256xf32> to vector<256x256xf32>
      %mul3A_1027 = arith.mulf %mul3A_1025, %mul3A_1026 : vector<256x256xf32>
      %max3A_1028 = arith.maximumf %mul3A_1020, %mul3A_1027 : vector<256x256xf32>
      %slice3A_1029 = vector.extract_strided_slice %concatenate3A_241 {offsets = [0, 0], sizes = [256, 33], strides = [1, 1]} : vector<1024x33xf32> to vector<256x33xf32>
      %dot_general3A_1030 = arith.constant dense<0.000000e+00> : vector<256x33xf32>
      %dot_general3A_1031 = tpu.matmul %max3A_1028, %slice3A_1029, %dot_general3A_1030 {dimension_numbers = #tpu.dot_dimension_numbers<[1], [0], [0], [1], [0, 0, 1, 1], [], []>, transpose_lhs_hint = false} : vector<256x256xf32>, vector<256x33xf32>, vector<256x33xf32> -> vector<256x33xf32>
      %get3A_1032 = arith.constant 0 : index
      %get3A_1033 = arith.constant 0 : index
      %get3A_1034 = vector.load %arg9[%get3A_1032, %get3A_1033] : memref<1024x33xf32, #tpu.memory_space<vmem>>, vector<256x33xf32>
      %add3A_1035 = arith.addf %get3A_1034, %dot_general3A_1031 : vector<256x33xf32>
      %swap3A_1036 = arith.constant 0 : index
      %swap3A_1037 = arith.constant 0 : index
      %swap3A_1038 = vector.load %arg9[%swap3A_1036, %swap3A_1037] : memref<1024x33xf32, #tpu.memory_space<vmem>>, vector<256x33xf32>
      tpu.vector_store %arg9[%swap3A_1036, %swap3A_1037], %add3A_1035 {strides = array<i32>} : memref<1024x33xf32, #tpu.memory_space<vmem>>, vector<256x33xf32>,
    } else {
    }
    %gt3A_255 = arith.constant 0 : i32
    %gt3A_256 = arith.cmpi sgt, %get3A_1, %gt3A_255 : i32
    %gt3A_257 = arith.constant 256 : i32
    %gt3A_258 = arith.cmpi sgt, %get3A_1, %gt3A_257 : i32
    %and3A_259 = arith.andi %gt3A_256, %gt3A_258 : i1
    %convert_element_type3A_260 = arith.extui %and3A_259 : i1 to i32
    %cond3A_261 = arith.constant 0 : i32
    %cond3A_262 = arith.cmpi ne, %convert_element_type3A_260, %cond3A_261 : i32
    scf.if %cond3A_262 {
      %slice3A_1014 = vector.extract_strided_slice %exp3A_221 {offsets = [0], sizes = [256], strides = [1]} : vector<1024xf32> to vector<256xf32>
      %broadcast_in_dim3A_1015 = vector.shape_cast %slice3A_1014 : vector<256xf32> to vector<256x1xf32>
      %slice3A_1016 = vector.extract_strided_slice %select_n3A_232 {offsets = [256], sizes = [256], strides = [1]} : vector<1024xf32> to vector<256xf32>
      %broadcast_in_dim3A_1017 = vector.shape_cast %slice3A_1016 : vector<256xf32> to vector<1x256xf32>
      %mul3A_1018 = vector.broadcast %broadcast_in_dim3A_1015 : vector<256x1xf32> to vector<256x256xf32>
      %mul3A_1019 = vector.broadcast %broadcast_in_dim3A_1017 : vector<1x256xf32> to vector<256x256xf32>
      %mul3A_1020 = arith.mulf %mul3A_1018, %mul3A_1019 : vector<256x256xf32>
      %slice3A_1021 = vector.extract_strided_slice %exp3A_226 {offsets = [0], sizes = [256], strides = [1]} : vector<1024xf32> to vector<256xf32>
      %broadcast_in_dim3A_1022 = vector.shape_cast %slice3A_1021 : vector<256xf32> to vector<256x1xf32>
      %slice3A_1023 = vector.extract_strided_slice %select_n3A_239 {offsets = [256], sizes = [256], strides = [1]} : vector<1024xf32> to vector<256xf32>
      %broadcast_in_dim3A_1024 = vector.shape_cast %slice3A_1023 : vector<256xf32> to vector<1x256xf32>
      %mul3A_1025 = vector.broadcast %broadcast_in_dim3A_1022 : vector<256x1xf32> to vector<256x256xf32>
      %mul3A_1026 = vector.broadcast %broadcast_in_dim3A_1024 : vector<1x256xf32> to vector<256x256xf32>
      %mul3A_1027 = arith.mulf %mul3A_1025, %mul3A_1026 : vector<256x256xf32>
      %max3A_1028 = arith.maximumf %mul3A_1020, %mul3A_1027 : vector<256x256xf32>
      %slice3A_1029 = vector.extract_strided_slice %concatenate3A_241 {offsets = [256, 0], sizes = [256, 33], strides = [1, 1]} : vector<1024x33xf32> to vector<256x33xf32>
      %dot_general3A_1030 = arith.constant dense<0.000000e+00> : vector<256x33xf32>
      %dot_general3A_1031 = tpu.matmul %max3A_1028, %slice3A_1029, %dot_general3A_1030 {dimension_numbers = #tpu.dot_dimension_numbers<[1], [0], [0], [1], [0, 0, 1, 1], [], []>, transpose_lhs_hint = false} : vector<256x256xf32>, vector<256x33xf32>, vector<256x33xf32> -> vector<256x33xf32>
      %get3A_1032 = arith.constant 0 : index
      %get3A_1033 = arith.constant 0 : index
      %get3A_1034 = vector.load %arg9[%get3A_1032, %get3A_1033] : memref<1024x33xf32, #tpu.memory_space<vmem>>, vector<256x33xf32>
      %add3A_1035 = arith.addf %get3A_1034, %dot_general3A_1031 : vector<256x33xf32>
      %swap3A_1036 = arith.constant 0 : index
      %swap3A_1037 = arith.constant 0 : index
      %swap3A_1038 = vector.load %arg9[%swap3A_1036, %swap3A_1037] : memref<1024x33xf32, #tpu.memory_space<vmem>>, vector<256x33xf32>
      tpu.vector_store %arg9[%swap3A_1036, %swap3A_1037], %add3A_1035 {strides = array<i32>} : memref<1024x33xf32, #tpu.memory_space<vmem>>, vector<256x33xf32>,
    } else {
    }
    %gt3A_263 = arith.constant 0 : i32
    %gt3A_264 = arith.cmpi sgt, %get3A_1, %gt3A_263 : i32
    %gt3A_265 = arith.constant 512 : i32
    %gt3A_266 = arith.cmpi sgt, %get3A_1, %gt3A_265 : i32
    %and3A_267 = arith.andi %gt3A_264, %gt3A_266 : i1
    %convert_element_type3A_268 = arith.extui %and3A_267 : i1 to i32
    %cond3A_269 = arith.constant 0 : i32
    %cond3A_270 = arith.cmpi ne, %convert_element_type3A_268, %cond3A_269 : i32
    scf.if %cond3A_270 {
      %slice3A_1014 = vector.extract_strided_slice %exp3A_221 {offsets = [0], sizes = [256], strides = [1]} : vector<1024xf32> to vector<256xf32>
      %broadcast_in_dim3A_1015 = vector.shape_cast %slice3A_1014 : vector<256xf32> to vector<256x1xf32>
      %slice3A_1016 = vector.extract_strided_slice %select_n3A_232 {offsets = [512], sizes = [256], strides = [1]} : vector<1024xf32> to vector<256xf32>
      %broadcast_in_dim3A_1017 = vector.shape_cast %slice3A_1016 : vector<256xf32> to vector<1x256xf32>
      %mul3A_1018 = vector.broadcast %broadcast_in_dim3A_1015 : vector<256x1xf32> to vector<256x256xf32>
      %mul3A_1019 = vector.broadcast %broadcast_in_dim3A_1017 : vector<1x256xf32> to vector<256x256xf32>
      %mul3A_1020 = arith.mulf %mul3A_1018, %mul3A_1019 : vector<256x256xf32>
      %slice3A_1021 = vector.extract_strided_slice %exp3A_226 {offsets = [0], sizes = [256], strides = [1]} : vector<1024xf32> to vector<256xf32>
      %broadcast_in_dim3A_1022 = vector.shape_cast %slice3A_1021 : vector<256xf32> to vector<256x1xf32>
      %slice3A_1023 = vector.extract_strided_slice %select_n3A_239 {offsets = [512], sizes = [256], strides = [1]} : vector<1024xf32> to vector<256xf32>
      %broadcast_in_dim3A_1024 = vector.shape_cast %slice3A_1023 : vector<256xf32> to vector<1x256xf32>
      %mul3A_1025 = vector.broadcast %broadcast_in_dim3A_1022 : vector<256x1xf32> to vector<256x256xf32>
      %mul3A_1026 = vector.broadcast %broadcast_in_dim3A_1024 : vector<1x256xf32> to vector<256x256xf32>
      %mul3A_1027 = arith.mulf %mul3A_1025, %mul3A_1026 : vector<256x256xf32>
      %max3A_1028 = arith.maximumf %mul3A_1020, %mul3A_1027 : vector<256x256xf32>
      %slice3A_1029 = vector.extract_strided_slice %concatenate3A_241 {offsets = [512, 0], sizes = [256, 33], strides = [1, 1]} : vector<1024x33xf32> to vector<256x33xf32>
      %dot_general3A_1030 = arith.constant dense<0.000000e+00> : vector<256x33xf32>
      %dot_general3A_1031 = tpu.matmul %max3A_1028, %slice3A_1029, %dot_general3A_1030 {dimension_numbers = #tpu.dot_dimension_numbers<[1], [0], [0], [1], [0, 0, 1, 1], [], []>, transpose_lhs_hint = false} : vector<256x256xf32>, vector<256x33xf32>, vector<256x33xf32> -> vector<256x33xf32>
      %get3A_1032 = arith.constant 0 : index
      %get3A_1033 = arith.constant 0 : index
      %get3A_1034 = vector.load %arg9[%get3A_1032, %get3A_1033] : memref<1024x33xf32, #tpu.memory_space<vmem>>, vector<256x33xf32>
      %add3A_1035 = arith.addf %get3A_1034, %dot_general3A_1031 : vector<256x33xf32>
      %swap3A_1036 = arith.constant 0 : index
      %swap3A_1037 = arith.constant 0 : index
      %swap3A_1038 = vector.load %arg9[%swap3A_1036, %swap3A_1037] : memref<1024x33xf32, #tpu.memory_space<vmem>>, vector<256x33xf32>
      tpu.vector_store %arg9[%swap3A_1036, %swap3A_1037], %add3A_1035 {strides = array<i32>} : memref<1024x33xf32, #tpu.memory_space<vmem>>, vector<256x33xf32>,
    } else {
    }
    %gt3A_271 = arith.constant 0 : i32
    %gt3A_272 = arith.cmpi sgt, %get3A_1, %gt3A_271 : i32
    %gt3A_273 = arith.constant 768 : i32
    %gt3A_274 = arith.cmpi sgt, %get3A_1, %gt3A_273 : i32
    %and3A_275 = arith.andi %gt3A_272, %gt3A_274 : i1
    %convert_element_type3A_276 = arith.extui %and3A_275 : i1 to i32
    %cond3A_277 = arith.constant 0 : i32
    %cond3A_278 = arith.cmpi ne, %convert_element_type3A_276, %cond3A_277 : i32
    scf.if %cond3A_278 {
      %slice3A_1014 = vector.extract_strided_slice %exp3A_221 {offsets = [0], sizes = [256], strides = [1]} : vector<1024xf32> to vector<256xf32>
      %broadcast_in_dim3A_1015 = vector.shape_cast %slice3A_1014 : vector<256xf32> to vector<256x1xf32>
      %slice3A_1016 = vector.extract_strided_slice %select_n3A_232 {offsets = [768], sizes = [256], strides = [1]} : vector<1024xf32> to vector<256xf32>
      %broadcast_in_dim3A_1017 = vector.shape_cast %slice3A_1016 : vector<256xf32> to vector<1x256xf32>
      %mul3A_1018 = vector.broadcast %broadcast_in_dim3A_1015 : vector<256x1xf32> to vector<256x256xf32>
      %mul3A_1019 = vector.broadcast %broadcast_in_dim3A_1017 : vector<1x256xf32> to vector<256x256xf32>
      %mul3A_1020 = arith.mulf %mul3A_1018, %mul3A_1019 : vector<256x256xf32>
      %slice3A_1021 = vector.extract_strided_slice %exp3A_226 {offsets = [0], sizes = [256], strides = [1]} : vector<1024xf32> to vector<256xf32>
      %broadcast_in_dim3A_1022 = vector.shape_cast %slice3A_1021 : vector<256xf32> to vector<256x1xf32>
      %slice3A_1023 = vector.extract_strided_slice %select_n3A_239 {offsets = [768], sizes = [256], strides = [1]} : vector<1024xf32> to vector<256xf32>
      %broadcast_in_dim3A_1024 = vector.shape_cast %slice3A_1023 : vector<256xf32> to vector<1x256xf32>
      %mul3A_1025 = vector.broadcast %broadcast_in_dim3A_1022 : vector<256x1xf32> to vector<256x256xf32>
      %mul3A_1026 = vector.broadcast %broadcast_in_dim3A_1024 : vector<1x256xf32> to vector<256x256xf32>
      %mul3A_1027 = arith.mulf %mul3A_1025, %mul3A_1026 : vector<256x256xf32>
      %max3A_1028 = arith.maximumf %mul3A_1020, %mul3A_1027 : vector<256x256xf32>
      %slice3A_1029 = vector.extract_strided_slice %concatenate3A_241 {offsets = [768, 0], sizes = [256, 33], strides = [1, 1]} : vector<1024x33xf32> to vector<256x33xf32>
      %dot_general3A_1030 = arith.constant dense<0.000000e+00> : vector<256x33xf32>
      %dot_general3A_1031 = tpu.matmul %max3A_1028, %slice3A_1029, %dot_general3A_1030 {dimension_numbers = #tpu.dot_dimension_numbers<[1], [0], [0], [1], [0, 0, 1, 1], [], []>, transpose_lhs_hint = false} : vector<256x256xf32>, vector<256x33xf32>, vector<256x33xf32> -> vector<256x33xf32>
      %get3A_1032 = arith.constant 0 : index
      %get3A_1033 = arith.constant 0 : index
      %get3A_1034 = vector.load %arg9[%get3A_1032, %get3A_1033] : memref<1024x33xf32, #tpu.memory_space<vmem>>, vector<256x33xf32>
      %add3A_1035 = arith.addf %get3A_1034, %dot_general3A_1031 : vector<256x33xf32>
      %swap3A_1036 = arith.constant 0 : index
      %swap3A_1037 = arith.constant 0 : index
      %swap3A_1038 = vector.load %arg9[%swap3A_1036, %swap3A_1037] : memref<1024x33xf32, #tpu.memory_space<vmem>>, vector<256x33xf32>
      tpu.vector_store %arg9[%swap3A_1036, %swap3A_1037], %add3A_1035 {strides = array<i32>} : memref<1024x33xf32, #tpu.memory_space<vmem>>, vector<256x33xf32>,
    } else {
    }
    %gt3A_279 = arith.constant 256 : i32
    %gt3A_280 = arith.cmpi sgt, %get3A_1, %gt3A_279 : i32
    %gt3A_281 = arith.constant 0 : i32
    %gt3A_282 = arith.cmpi sgt, %get3A_1, %gt3A_281 : i32
    %and3A_283 = arith.andi %gt3A_280, %gt3A_282 : i1
    %convert_element_type3A_284 = arith.extui %and3A_283 : i1 to i32
    %cond3A_285 = arith.constant 0 : i32
    %cond3A_286 = arith.cmpi ne, %convert_element_type3A_284, %cond3A_285 : i32
    scf.if %cond3A_286 {
      %slice3A_1014 = vector.extract_strided_slice %exp3A_221 {offsets = [256], sizes = [256], strides = [1]} : vector<1024xf32> to vector<256xf32>
      %broadcast_in_dim3A_1015 = vector.shape_cast %slice3A_1014 : vector<256xf32> to vector<256x1xf32>
      %slice3A_1016 = vector.extract_strided_slice %select_n3A_232 {offsets = [0], sizes = [256], strides = [1]} : vector<1024xf32> to vector<256xf32>
      %broadcast_in_dim3A_1017 = vector.shape_cast %slice3A_1016 : vector<256xf32> to vector<1x256xf32>
      %mul3A_1018 = vector.broadcast %broadcast_in_dim3A_1015 : vector<256x1xf32> to vector<256x256xf32>
      %mul3A_1019 = vector.broadcast %broadcast_in_dim3A_1017 : vector<1x256xf32> to vector<256x256xf32>
      %mul3A_1020 = arith.mulf %mul3A_1018, %mul3A_1019 : vector<256x256xf32>
      %slice3A_1021 = vector.extract_strided_slice %exp3A_226 {offsets = [256], sizes = [256], strides = [1]} : vector<1024xf32> to vector<256xf32>
      %broadcast_in_dim3A_1022 = vector.shape_cast %slice3A_1021 : vector<256xf32> to vector<256x1xf32>
      %slice3A_1023 = vector.extract_strided_slice %select_n3A_239 {offsets = [0], sizes = [256], strides = [1]} : vector<1024xf32> to vector<256xf32>
      %broadcast_in_dim3A_1024 = vector.shape_cast %slice3A_1023 : vector<256xf32> to vector<1x256xf32>
      %mul3A_1025 = vector.broadcast %broadcast_in_dim3A_1022 : vector<256x1xf32> to vector<256x256xf32>
      %mul3A_1026 = vector.broadcast %broadcast_in_dim3A_1024 : vector<1x256xf32> to vector<256x256xf32>
      %mul3A_1027 = arith.mulf %mul3A_1025, %mul3A_1026 : vector<256x256xf32>
      %max3A_1028 = arith.maximumf %mul3A_1020, %mul3A_1027 : vector<256x256xf32>
      %slice3A_1029 = vector.extract_strided_slice %concatenate3A_241 {offsets = [0, 0], sizes = [256, 33], strides = [1, 1]} : vector<1024x33xf32> to vector<256x33xf32>
      %dot_general3A_1030 = arith.constant dense<0.000000e+00> : vector<256x33xf32>
      %dot_general3A_1031 = tpu.matmul %max3A_1028, %slice3A_1029, %dot_general3A_1030 {dimension_numbers = #tpu.dot_dimension_numbers<[1], [0], [0], [1], [0, 0, 1, 1], [], []>, transpose_lhs_hint = false} : vector<256x256xf32>, vector<256x33xf32>, vector<256x33xf32> -> vector<256x33xf32>
      %get3A_1032 = arith.constant 256 : index
      %get3A_1033 = arith.constant 0 : index
      %get3A_1034 = vector.load %arg9[%get3A_1032, %get3A_1033] : memref<1024x33xf32, #tpu.memory_space<vmem>>, vector<256x33xf32>
      %add3A_1035 = arith.addf %get3A_1034, %dot_general3A_1031 : vector<256x33xf32>
      %swap3A_1036 = arith.constant 256 : index
      %swap3A_1037 = arith.constant 0 : index
      %swap3A_1038 = vector.load %arg9[%swap3A_1036, %swap3A_1037] : memref<1024x33xf32, #tpu.memory_space<vmem>>, vector<256x33xf32>
      tpu.vector_store %arg9[%swap3A_1036, %swap3A_1037], %add3A_1035 {strides = array<i32>} : memref<1024x33xf32, #tpu.memory_space<vmem>>, vector<256x33xf32>,
    } else {
    }
    %gt3A_287 = arith.constant 256 : i32
    %gt3A_288 = arith.cmpi sgt, %get3A_1, %gt3A_287 : i32
    %gt3A_289 = arith.constant 256 : i32
    %gt3A_290 = arith.cmpi sgt, %get3A_1, %gt3A_289 : i32
    %and3A_291 = arith.andi %gt3A_288, %gt3A_290 : i1
    %convert_element_type3A_292 = arith.extui %and3A_291 : i1 to i32
    %cond3A_293 = arith.constant 0 : i32
    %cond3A_294 = arith.cmpi ne, %convert_element_type3A_292, %cond3A_293 : i32
    scf.if %cond3A_294 {
      %slice3A_1014 = vector.extract_strided_slice %exp3A_221 {offsets = [256], sizes = [256], strides = [1]} : vector<1024xf32> to vector<256xf32>
      %broadcast_in_dim3A_1015 = vector.shape_cast %slice3A_1014 : vector<256xf32> to vector<256x1xf32>
      %slice3A_1016 = vector.extract_strided_slice %select_n3A_232 {offsets = [256], sizes = [256], strides = [1]} : vector<1024xf32> to vector<256xf32>
      %broadcast_in_dim3A_1017 = vector.shape_cast %slice3A_1016 : vector<256xf32> to vector<1x256xf32>
      %mul3A_1018 = vector.broadcast %broadcast_in_dim3A_1015 : vector<256x1xf32> to vector<256x256xf32>
      %mul3A_1019 = vector.broadcast %broadcast_in_dim3A_1017 : vector<1x256xf32> to vector<256x256xf32>
      %mul3A_1020 = arith.mulf %mul3A_1018, %mul3A_1019 : vector<256x256xf32>
      %slice3A_1021 = vector.extract_strided_slice %exp3A_226 {offsets = [256], sizes = [256], strides = [1]} : vector<1024xf32> to vector<256xf32>
      %broadcast_in_dim3A_1022 = vector.shape_cast %slice3A_1021 : vector<256xf32> to vector<256x1xf32>
      %slice3A_1023 = vector.extract_strided_slice %select_n3A_239 {offsets = [256], sizes = [256], strides = [1]} : vector<1024xf32> to vector<256xf32>
      %broadcast_in_dim3A_1024 = vector.shape_cast %slice3A_1023 : vector<256xf32> to vector<1x256xf32>
      %mul3A_1025 = vector.broadcast %broadcast_in_dim3A_1022 : vector<256x1xf32> to vector<256x256xf32>
      %mul3A_1026 = vector.broadcast %broadcast_in_dim3A_1024 : vector<1x256xf32> to vector<256x256xf32>
      %mul3A_1027 = arith.mulf %mul3A_1025, %mul3A_1026 : vector<256x256xf32>
      %max3A_1028 = arith.maximumf %mul3A_1020, %mul3A_1027 : vector<256x256xf32>
      %slice3A_1029 = vector.extract_strided_slice %concatenate3A_241 {offsets = [256, 0], sizes = [256, 33], strides = [1, 1]} : vector<1024x33xf32> to vector<256x33xf32>
      %dot_general3A_1030 = arith.constant dense<0.000000e+00> : vector<256x33xf32>
      %dot_general3A_1031 = tpu.matmul %max3A_1028, %slice3A_1029, %dot_general3A_1030 {dimension_numbers = #tpu.dot_dimension_numbers<[1], [0], [0], [1], [0, 0, 1, 1], [], []>, transpose_lhs_hint = false} : vector<256x256xf32>, vector<256x33xf32>, vector<256x33xf32> -> vector<256x33xf32>
      %get3A_1032 = arith.constant 256 : index
      %get3A_1033 = arith.constant 0 : index
      %get3A_1034 = vector.load %arg9[%get3A_1032, %get3A_1033] : memref<1024x33xf32, #tpu.memory_space<vmem>>, vector<256x33xf32>
      %add3A_1035 = arith.addf %get3A_1034, %dot_general3A_1031 : vector<256x33xf32>
      %swap3A_1036 = arith.constant 256 : index
      %swap3A_1037 = arith.constant 0 : index
      %swap3A_1038 = vector.load %arg9[%swap3A_1036, %swap3A_1037] : memref<1024x33xf32, #tpu.memory_space<vmem>>, vector<256x33xf32>
      tpu.vector_store %arg9[%swap3A_1036, %swap3A_1037], %add3A_1035 {strides = array<i32>} : memref<1024x33xf32, #tpu.memory_space<vmem>>, vector<256x33xf32>,
    } else {
    }
    %gt3A_295 = arith.constant 256 : i32
    %gt3A_296 = arith.cmpi sgt, %get3A_1, %gt3A_295 : i32
    %gt3A_297 = arith.constant 512 : i32
    %gt3A_298 = arith.cmpi sgt, %get3A_1, %gt3A_297 : i32
    %and3A_299 = arith.andi %gt3A_296, %gt3A_298 : i1
    %convert_element_type3A_300 = arith.extui %and3A_299 : i1 to i32
    %cond3A_301 = arith.constant 0 : i32
    %cond3A_302 = arith.cmpi ne, %convert_element_type3A_300, %cond3A_301 : i32
    scf.if %cond3A_302 {
      %slice3A_1014 = vector.extract_strided_slice %exp3A_221 {offsets = [256], sizes = [256], strides = [1]} : vector<1024xf32> to vector<256xf32>
      %broadcast_in_dim3A_1015 = vector.shape_cast %slice3A_1014 : vector<256xf32> to vector<256x1xf32>
      %slice3A_1016 = vector.extract_strided_slice %select_n3A_232 {offsets = [512], sizes = [256], strides = [1]} : vector<1024xf32> to vector<256xf32>
      %broadcast_in_dim3A_1017 = vector.shape_cast %slice3A_1016 : vector<256xf32> to vector<1x256xf32>
      %mul3A_1018 = vector.broadcast %broadcast_in_dim3A_1015 : vector<256x1xf32> to vector<256x256xf32>
      %mul3A_1019 = vector.broadcast %broadcast_in_dim3A_1017 : vector<1x256xf32> to vector<256x256xf32>
      %mul3A_1020 = arith.mulf %mul3A_1018, %mul3A_1019 : vector<256x256xf32>
      %slice3A_1021 = vector.extract_strided_slice %exp3A_226 {offsets = [256], sizes = [256], strides = [1]} : vector<1024xf32> to vector<256xf32>
      %broadcast_in_dim3A_1022 = vector.shape_cast %slice3A_1021 : vector<256xf32> to vector<256x1xf32>
      %slice3A_1023 = vector.extract_strided_slice %select_n3A_239 {offsets = [512], sizes = [256], strides = [1]} : vector<1024xf32> to vector<256xf32>
      %broadcast_in_dim3A_1024 = vector.shape_cast %slice3A_1023 : vector<256xf32> to vector<1x256xf32>
      %mul3A_1025 = vector.broadcast %broadcast_in_dim3A_1022 : vector<256x1xf32> to vector<256x256xf32>
      %mul3A_1026 = vector.broadcast %broadcast_in_dim3A_1024 : vector<1x256xf32> to vector<256x256xf32>
      %mul3A_1027 = arith.mulf %mul3A_1025, %mul3A_1026 : vector<256x256xf32>
      %max3A_1028 = arith.maximumf %mul3A_1020, %mul3A_1027 : vector<256x256xf32>
      %slice3A_1029 = vector.extract_strided_slice %concatenate3A_241 {offsets = [512, 0], sizes = [256, 33], strides = [1, 1]} : vector<1024x33xf32> to vector<256x33xf32>
      %dot_general3A_1030 = arith.constant dense<0.000000e+00> : vector<256x33xf32>
      %dot_general3A_1031 = tpu.matmul %max3A_1028, %slice3A_1029, %dot_general3A_1030 {dimension_numbers = #tpu.dot_dimension_numbers<[1], [0], [0], [1], [0, 0, 1, 1], [], []>, transpose_lhs_hint = false} : vector<256x256xf32>, vector<256x33xf32>, vector<256x33xf32> -> vector<256x33xf32>
      %get3A_1032 = arith.constant 256 : index
      %get3A_1033 = arith.constant 0 : index
      %get3A_1034 = vector.load %arg9[%get3A_1032, %get3A_1033] : memref<1024x33xf32, #tpu.memory_space<vmem>>, vector<256x33xf32>
      %add3A_1035 = arith.addf %get3A_1034, %dot_general3A_1031 : vector<256x33xf32>
      %swap3A_1036 = arith.constant 256 : index
      %swap3A_1037 = arith.constant 0 : index
      %swap3A_1038 = vector.load %arg9[%swap3A_1036, %swap3A_1037] : memref<1024x33xf32, #tpu.memory_space<vmem>>, vector<256x33xf32>
      tpu.vector_store %arg9[%swap3A_1036, %swap3A_1037], %add3A_1035 {strides = array<i32>} : memref<1024x33xf32, #tpu.memory_space<vmem>>, vector<256x33xf32>,
    } else {
    }
    %gt3A_303 = arith.constant 256 : i32
    %gt3A_304 = arith.cmpi sgt, %get3A_1, %gt3A_303 : i32
    %gt3A_305 = arith.constant 768 : i32
    %gt3A_306 = arith.cmpi sgt, %get3A_1, %gt3A_305 : i32
    %and3A_307 = arith.andi %gt3A_304, %gt3A_306 : i1
    %convert_element_type3A_308 = arith.extui %and3A_307 : i1 to i32
    %cond3A_309 = arith.constant 0 : i32
    %cond3A_310 = arith.cmpi ne, %convert_element_type3A_308, %cond3A_309 : i32
    scf.if %cond3A_310 {
      %slice3A_1014 = vector.extract_strided_slice %exp3A_221 {offsets = [256], sizes = [256], strides = [1]} : vector<1024xf32> to vector<256xf32>
      %broadcast_in_dim3A_1015 = vector.shape_cast %slice3A_1014 : vector<256xf32> to vector<256x1xf32>
      %slice3A_1016 = vector.extract_strided_slice %select_n3A_232 {offsets = [768], sizes = [256], strides = [1]} : vector<1024xf32> to vector<256xf32>
      %broadcast_in_dim3A_1017 = vector.shape_cast %slice3A_1016 : vector<256xf32> to vector<1x256xf32>
      %mul3A_1018 = vector.broadcast %broadcast_in_dim3A_1015 : vector<256x1xf32> to vector<256x256xf32>
      %mul3A_1019 = vector.broadcast %broadcast_in_dim3A_1017 : vector<1x256xf32> to vector<256x256xf32>
      %mul3A_1020 = arith.mulf %mul3A_1018, %mul3A_1019 : vector<256x256xf32>
      %slice3A_1021 = vector.extract_strided_slice %exp3A_226 {offsets = [256], sizes = [256], strides = [1]} : vector<1024xf32> to vector<256xf32>
      %broadcast_in_dim3A_1022 = vector.shape_cast %slice3A_1021 : vector<256xf32> to vector<256x1xf32>
      %slice3A_1023 = vector.extract_strided_slice %select_n3A_239 {offsets = [768], sizes = [256], strides = [1]} : vector<1024xf32> to vector<256xf32>
      %broadcast_in_dim3A_1024 = vector.shape_cast %slice3A_1023 : vector<256xf32> to vector<1x256xf32>
      %mul3A_1025 = vector.broadcast %broadcast_in_dim3A_1022 : vector<256x1xf32> to vector<256x256xf32>
      %mul3A_1026 = vector.broadcast %broadcast_in_dim3A_1024 : vector<1x256xf32> to vector<256x256xf32>
      %mul3A_1027 = arith.mulf %mul3A_1025, %mul3A_1026 : vector<256x256xf32>
      %max3A_1028 = arith.maximumf %mul3A_1020, %mul3A_1027 : vector<256x256xf32>
      %slice3A_1029 = vector.extract_strided_slice %concatenate3A_241 {offsets = [768, 0], sizes = [256, 33], strides = [1, 1]} : vector<1024x33xf32> to vector<256x33xf32>
      %dot_general3A_1030 = arith.constant dense<0.000000e+00> : vector<256x33xf32>
      %dot_general3A_1031 = tpu.matmul %max3A_1028, %slice3A_1029, %dot_general3A_1030 {dimension_numbers = #tpu.dot_dimension_numbers<[1], [0], [0], [1], [0, 0, 1, 1], [], []>, transpose_lhs_hint = false} : vector<256x256xf32>, vector<256x33xf32>, vector<256x33xf32> -> vector<256x33xf32>
      %get3A_1032 = arith.constant 256 : index
      %get3A_1033 = arith.constant 0 : index
      %get3A_1034 = vector.load %arg9[%get3A_1032, %get3A_1033] : memref<1024x33xf32, #tpu.memory_space<vmem>>, vector<256x33xf32>
      %add3A_1035 = arith.addf %get3A_1034, %dot_general3A_1031 : vector<256x33xf32>
      %swap3A_1036 = arith.constant 256 : index
      %swap3A_1037 = arith.constant 0 : index
      %swap3A_1038 = vector.load %arg9[%swap3A_1036, %swap3A_1037] : memref<1024x33xf32, #tpu.memory_space<vmem>>, vector<256x33xf32>
      tpu.vector_store %arg9[%swap3A_1036, %swap3A_1037], %add3A_1035 {strides = array<i32>} : memref<1024x33xf32, #tpu.memory_space<vmem>>, vector<256x33xf32>,
    } else {
    }
    %gt3A_311 = arith.constant 512 : i32
    %gt3A_312 = arith.cmpi sgt, %get3A_1, %gt3A_311 : i32
    %gt3A_313 = arith.constant 0 : i32
    %gt3A_314 = arith.cmpi sgt, %get3A_1, %gt3A_313 : i32
    %and3A_315 = arith.andi %gt3A_312, %gt3A_314 : i1
    %convert_element_type3A_316 = arith.extui %and3A_315 : i1 to i32
    %cond3A_317 = arith.constant 0 : i32
    %cond3A_318 = arith.cmpi ne, %convert_element_type3A_316, %cond3A_317 : i32
    scf.if %cond3A_318 {
      %slice3A_1014 = vector.extract_strided_slice %exp3A_221 {offsets = [512], sizes = [256], strides = [1]} : vector<1024xf32> to vector<256xf32>
      %broadcast_in_dim3A_1015 = vector.shape_cast %slice3A_1014 : vector<256xf32> to vector<256x1xf32>
      %slice3A_1016 = vector.extract_strided_slice %select_n3A_232 {offsets = [0], sizes = [256], strides = [1]} : vector<1024xf32> to vector<256xf32>
      %broadcast_in_dim3A_1017 = vector.shape_cast %slice3A_1016 : vector<256xf32> to vector<1x256xf32>
      %mul3A_1018 = vector.broadcast %broadcast_in_dim3A_1015 : vector<256x1xf32> to vector<256x256xf32>
      %mul3A_1019 = vector.broadcast %broadcast_in_dim3A_1017 : vector<1x256xf32> to vector<256x256xf32>
      %mul3A_1020 = arith.mulf %mul3A_1018, %mul3A_1019 : vector<256x256xf32>
      %slice3A_1021 = vector.extract_strided_slice %exp3A_226 {offsets = [512], sizes = [256], strides = [1]} : vector<1024xf32> to vector<256xf32>
      %broadcast_in_dim3A_1022 = vector.shape_cast %slice3A_1021 : vector<256xf32> to vector<256x1xf32>
      %slice3A_1023 = vector.extract_strided_slice %select_n3A_239 {offsets = [0], sizes = [256], strides = [1]} : vector<1024xf32> to vector<256xf32>
      %broadcast_in_dim3A_1024 = vector.shape_cast %slice3A_1023 : vector<256xf32> to vector<1x256xf32>
      %mul3A_1025 = vector.broadcast %broadcast_in_dim3A_1022 : vector<256x1xf32> to vector<256x256xf32>
      %mul3A_1026 = vector.broadcast %broadcast_in_dim3A_1024 : vector<1x256xf32> to vector<256x256xf32>
      %mul3A_1027 = arith.mulf %mul3A_1025, %mul3A_1026 : vector<256x256xf32>
      %max3A_1028 = arith.maximumf %mul3A_1020, %mul3A_1027 : vector<256x256xf32>
      %slice3A_1029 = vector.extract_strided_slice %concatenate3A_241 {offsets = [0, 0], sizes = [256, 33], strides = [1, 1]} : vector<1024x33xf32> to vector<256x33xf32>
      %dot_general3A_1030 = arith.constant dense<0.000000e+00> : vector<256x33xf32>
      %dot_general3A_1031 = tpu.matmul %max3A_1028, %slice3A_1029, %dot_general3A_1030 {dimension_numbers = #tpu.dot_dimension_numbers<[1], [0], [0], [1], [0, 0, 1, 1], [], []>, transpose_lhs_hint = false} : vector<256x256xf32>, vector<256x33xf32>, vector<256x33xf32> -> vector<256x33xf32>
      %get3A_1032 = arith.constant 512 : index
      %get3A_1033 = arith.constant 0 : index
      %get3A_1034 = vector.load %arg9[%get3A_1032, %get3A_1033] : memref<1024x33xf32, #tpu.memory_space<vmem>>, vector<256x33xf32>
      %add3A_1035 = arith.addf %get3A_1034, %dot_general3A_1031 : vector<256x33xf32>
      %swap3A_1036 = arith.constant 512 : index
      %swap3A_1037 = arith.constant 0 : index
      %swap3A_1038 = vector.load %arg9[%swap3A_1036, %swap3A_1037] : memref<1024x33xf32, #tpu.memory_space<vmem>>, vector<256x33xf32>
      tpu.vector_store %arg9[%swap3A_1036, %swap3A_1037], %add3A_1035 {strides = array<i32>} : memref<1024x33xf32, #tpu.memory_space<vmem>>, vector<256x33xf32>,
    } else {
    }
    %gt3A_319 = arith.constant 512 : i32
    %gt3A_320 = arith.cmpi sgt, %get3A_1, %gt3A_319 : i32
    %gt3A_321 = arith.constant 256 : i32
    %gt3A_322 = arith.cmpi sgt, %get3A_1, %gt3A_321 : i32
    %and3A_323 = arith.andi %gt3A_320, %gt3A_322 : i1
    %convert_element_type3A_324 = arith.extui %and3A_323 : i1 to i32
    %cond3A_325 = arith.constant 0 : i32
    %cond3A_326 = arith.cmpi ne, %convert_element_type3A_324, %cond3A_325 : i32
    scf.if %cond3A_326 {
      %slice3A_1014 = vector.extract_strided_slice %exp3A_221 {offsets = [512], sizes = [256], strides = [1]} : vector<1024xf32> to vector<256xf32>
      %broadcast_in_dim3A_1015 = vector.shape_cast %slice3A_1014 : vector<256xf32> to vector<256x1xf32>
      %slice3A_1016 = vector.extract_strided_slice %select_n3A_232 {offsets = [256], sizes = [256], strides = [1]} : vector<1024xf32> to vector<256xf32>
      %broadcast_in_dim3A_1017 = vector.shape_cast %slice3A_1016 : vector<256xf32> to vector<1x256xf32>
      %mul3A_1018 = vector.broadcast %broadcast_in_dim3A_1015 : vector<256x1xf32> to vector<256x256xf32>
      %mul3A_1019 = vector.broadcast %broadcast_in_dim3A_1017 : vector<1x256xf32> to vector<256x256xf32>
      %mul3A_1020 = arith.mulf %mul3A_1018, %mul3A_1019 : vector<256x256xf32>
      %slice3A_1021 = vector.extract_strided_slice %exp3A_226 {offsets = [512], sizes = [256], strides = [1]} : vector<1024xf32> to vector<256xf32>
      %broadcast_in_dim3A_1022 = vector.shape_cast %slice3A_1021 : vector<256xf32> to vector<256x1xf32>
      %slice3A_1023 = vector.extract_strided_slice %select_n3A_239 {offsets = [256], sizes = [256], strides = [1]} : vector<1024xf32> to vector<256xf32>
      %broadcast_in_dim3A_1024 = vector.shape_cast %slice3A_1023 : vector<256xf32> to vector<1x256xf32>
      %mul3A_1025 = vector.broadcast %broadcast_in_dim3A_1022 : vector<256x1xf32> to vector<256x256xf32>
      %mul3A_1026 = vector.broadcast %broadcast_in_dim3A_1024 : vector<1x256xf32> to vector<256x256xf32>
      %mul3A_1027 = arith.mulf %mul3A_1025, %mul3A_1026 : vector<256x256xf32>
      %max3A_1028 = arith.maximumf %mul3A_1020, %mul3A_1027 : vector<256x256xf32>
      %slice3A_1029 = vector.extract_strided_slice %concatenate3A_241 {offsets = [256, 0], sizes = [256, 33], strides = [1, 1]} : vector<1024x33xf32> to vector<256x33xf32>
      %dot_general3A_1030 = arith.constant dense<0.000000e+00> : vector<256x33xf32>
      %dot_general3A_1031 = tpu.matmul %max3A_1028, %slice3A_1029, %dot_general3A_1030 {dimension_numbers = #tpu.dot_dimension_numbers<[1], [0], [0], [1], [0, 0, 1, 1], [], []>, transpose_lhs_hint = false} : vector<256x256xf32>, vector<256x33xf32>, vector<256x33xf32> -> vector<256x33xf32>
      %get3A_1032 = arith.constant 512 : index
      %get3A_1033 = arith.constant 0 : index
      %get3A_1034 = vector.load %arg9[%get3A_1032, %get3A_1033] : memref<1024x33xf32, #tpu.memory_space<vmem>>, vector<256x33xf32>
      %add3A_1035 = arith.addf %get3A_1034, %dot_general3A_1031 : vector<256x33xf32>
      %swap3A_1036 = arith.constant 512 : index
      %swap3A_1037 = arith.constant 0 : index
      %swap3A_1038 = vector.load %arg9[%swap3A_1036, %swap3A_1037] : memref<1024x33xf32, #tpu.memory_space<vmem>>, vector<256x33xf32>
      tpu.vector_store %arg9[%swap3A_1036, %swap3A_1037], %add3A_1035 {strides = array<i32>} : memref<1024x33xf32, #tpu.memory_space<vmem>>, vector<256x33xf32>,
    } else {
    }
    %gt3A_327 = arith.constant 512 : i32
    %gt3A_328 = arith.cmpi sgt, %get3A_1, %gt3A_327 : i32
    %gt3A_329 = arith.constant 512 : i32
    %gt3A_330 = arith.cmpi sgt, %get3A_1, %gt3A_329 : i32
    %and3A_331 = arith.andi %gt3A_328, %gt3A_330 : i1
    %convert_element_type3A_332 = arith.extui %and3A_331 : i1 to i32
    %cond3A_333 = arith.constant 0 : i32
    %cond3A_334 = arith.cmpi ne, %convert_element_type3A_332, %cond3A_333 : i32
    scf.if %cond3A_334 {
      %slice3A_1014 = vector.extract_strided_slice %exp3A_221 {offsets = [512], sizes = [256], strides = [1]} : vector<1024xf32> to vector<256xf32>
      %broadcast_in_dim3A_1015 = vector.shape_cast %slice3A_1014 : vector<256xf32> to vector<256x1xf32>
      %slice3A_1016 = vector.extract_strided_slice %select_n3A_232 {offsets = [512], sizes = [256], strides = [1]} : vector<1024xf32> to vector<256xf32>
      %broadcast_in_dim3A_1017 = vector.shape_cast %slice3A_1016 : vector<256xf32> to vector<1x256xf32>
      %mul3A_1018 = vector.broadcast %broadcast_in_dim3A_1015 : vector<256x1xf32> to vector<256x256xf32>
      %mul3A_1019 = vector.broadcast %broadcast_in_dim3A_1017 : vector<1x256xf32> to vector<256x256xf32>
      %mul3A_1020 = arith.mulf %mul3A_1018, %mul3A_1019 : vector<256x256xf32>
      %slice3A_1021 = vector.extract_strided_slice %exp3A_226 {offsets = [512], sizes = [256], strides = [1]} : vector<1024xf32> to vector<256xf32>
      %broadcast_in_dim3A_1022 = vector.shape_cast %slice3A_1021 : vector<256xf32> to vector<256x1xf32>
      %slice3A_1023 = vector.extract_strided_slice %select_n3A_239 {offsets = [512], sizes = [256], strides = [1]} : vector<1024xf32> to vector<256xf32>
      %broadcast_in_dim3A_1024 = vector.shape_cast %slice3A_1023 : vector<256xf32> to vector<1x256xf32>
      %mul3A_1025 = vector.broadcast %broadcast_in_dim3A_1022 : vector<256x1xf32> to vector<256x256xf32>
      %mul3A_1026 = vector.broadcast %broadcast_in_dim3A_1024 : vector<1x256xf32> to vector<256x256xf32>
      %mul3A_1027 = arith.mulf %mul3A_1025, %mul3A_1026 : vector<256x256xf32>
      %max3A_1028 = arith.maximumf %mul3A_1020, %mul3A_1027 : vector<256x256xf32>
      %slice3A_1029 = vector.extract_strided_slice %concatenate3A_241 {offsets = [512, 0], sizes = [256, 33], strides = [1, 1]} : vector<1024x33xf32> to vector<256x33xf32>
      %dot_general3A_1030 = arith.constant dense<0.000000e+00> : vector<256x33xf32>
      %dot_general3A_1031 = tpu.matmul %max3A_1028, %slice3A_1029, %dot_general3A_1030 {dimension_numbers = #tpu.dot_dimension_numbers<[1], [0], [0], [1], [0, 0, 1, 1], [], []>, transpose_lhs_hint = false} : vector<256x256xf32>, vector<256x33xf32>, vector<256x33xf32> -> vector<256x33xf32>
      %get3A_1032 = arith.constant 512 : index
      %get3A_1033 = arith.constant 0 : index
      %get3A_1034 = vector.load %arg9[%get3A_1032, %get3A_1033] : memref<1024x33xf32, #tpu.memory_space<vmem>>, vector<256x33xf32>
      %add3A_1035 = arith.addf %get3A_1034, %dot_general3A_1031 : vector<256x33xf32>
      %swap3A_1036 = arith.constant 512 : index
      %swap3A_1037 = arith.constant 0 : index
      %swap3A_1038 = vector.load %arg9[%swap3A_1036, %swap3A_1037] : memref<1024x33xf32, #tpu.memory_space<vmem>>, vector<256x33xf32>
      tpu.vector_store %arg9[%swap3A_1036, %swap3A_1037], %add3A_1035 {strides = array<i32>} : memref<1024x33xf32, #tpu.memory_space<vmem>>, vector<256x33xf32>,
    } else {
    }
    %gt3A_335 = arith.constant 512 : i32
    %gt3A_336 = arith.cmpi sgt, %get3A_1, %gt3A_335 : i32
    %gt3A_337 = arith.constant 768 : i32
    %gt3A_338 = arith.cmpi sgt, %get3A_1, %gt3A_337 : i32
    %and3A_339 = arith.andi %gt3A_336, %gt3A_338 : i1
    %convert_element_type3A_340 = arith.extui %and3A_339 : i1 to i32
    %cond3A_341 = arith.constant 0 : i32
    %cond3A_342 = arith.cmpi ne, %convert_element_type3A_340, %cond3A_341 : i32
    scf.if %cond3A_342 {
      %slice3A_1014 = vector.extract_strided_slice %exp3A_221 {offsets = [512], sizes = [256], strides = [1]} : vector<1024xf32> to vector<256xf32>
      %broadcast_in_dim3A_1015 = vector.shape_cast %slice3A_1014 : vector<256xf32> to vector<256x1xf32>
      %slice3A_1016 = vector.extract_strided_slice %select_n3A_232 {offsets = [768], sizes = [256], strides = [1]} : vector<1024xf32> to vector<256xf32>
      %broadcast_in_dim3A_1017 = vector.shape_cast %slice3A_1016 : vector<256xf32> to vector<1x256xf32>
      %mul3A_1018 = vector.broadcast %broadcast_in_dim3A_1015 : vector<256x1xf32> to vector<256x256xf32>
      %mul3A_1019 = vector.broadcast %broadcast_in_dim3A_1017 : vector<1x256xf32> to vector<256x256xf32>
      %mul3A_1020 = arith.mulf %mul3A_1018, %mul3A_1019 : vector<256x256xf32>
      %slice3A_1021 = vector.extract_strided_slice %exp3A_226 {offsets = [512], sizes = [256], strides = [1]} : vector<1024xf32> to vector<256xf32>
      %broadcast_in_dim3A_1022 = vector.shape_cast %slice3A_1021 : vector<256xf32> to vector<256x1xf32>
      %slice3A_1023 = vector.extract_strided_slice %select_n3A_239 {offsets = [768], sizes = [256], strides = [1]} : vector<1024xf32> to vector<256xf32>
      %broadcast_in_dim3A_1024 = vector.shape_cast %slice3A_1023 : vector<256xf32> to vector<1x256xf32>
      %mul3A_1025 = vector.broadcast %broadcast_in_dim3A_1022 : vector<256x1xf32> to vector<256x256xf32>
      %mul3A_1026 = vector.broadcast %broadcast_in_dim3A_1024 : vector<1x256xf32> to vector<256x256xf32>
      %mul3A_1027 = arith.mulf %mul3A_1025, %mul3A_1026 : vector<256x256xf32>
      %max3A_1028 = arith.maximumf %mul3A_1020, %mul3A_1027 : vector<256x256xf32>
      %slice3A_1029 = vector.extract_strided_slice %concatenate3A_241 {offsets = [768, 0], sizes = [256, 33], strides = [1, 1]} : vector<1024x33xf32> to vector<256x33xf32>
      %dot_general3A_1030 = arith.constant dense<0.000000e+00> : vector<256x33xf32>
      %dot_general3A_1031 = tpu.matmul %max3A_1028, %slice3A_1029, %dot_general3A_1030 {dimension_numbers = #tpu.dot_dimension_numbers<[1], [0], [0], [1], [0, 0, 1, 1], [], []>, transpose_lhs_hint = false} : vector<256x256xf32>, vector<256x33xf32>, vector<256x33xf32> -> vector<256x33xf32>
      %get3A_1032 = arith.constant 512 : index
      %get3A_1033 = arith.constant 0 : index
      %get3A_1034 = vector.load %arg9[%get3A_1032, %get3A_1033] : memref<1024x33xf32, #tpu.memory_space<vmem>>, vector<256x33xf32>
      %add3A_1035 = arith.addf %get3A_1034, %dot_general3A_1031 : vector<256x33xf32>
      %swap3A_1036 = arith.constant 512 : index
      %swap3A_1037 = arith.constant 0 : index
      %swap3A_1038 = vector.load %arg9[%swap3A_1036, %swap3A_1037] : memref<1024x33xf32, #tpu.memory_space<vmem>>, vector<256x33xf32>
      tpu.vector_store %arg9[%swap3A_1036, %swap3A_1037], %add3A_1035 {strides = array<i32>} : memref<1024x33xf32, #tpu.memory_space<vmem>>, vector<256x33xf32>,
    } else {
    }
    %gt3A_343 = arith.constant 768 : i32
    %gt3A_344 = arith.cmpi sgt, %get3A_1, %gt3A_343 : i32
    %gt3A_345 = arith.constant 0 : i32
    %gt3A_346 = arith.cmpi sgt, %get3A_1, %gt3A_345 : i32
    %and3A_347 = arith.andi %gt3A_344, %gt3A_346 : i1
    %convert_element_type3A_348 = arith.extui %and3A_347 : i1 to i32
    %cond3A_349 = arith.constant 0 : i32
    %cond3A_350 = arith.cmpi ne, %convert_element_type3A_348, %cond3A_349 : i32
    scf.if %cond3A_350 {
      %slice3A_1014 = vector.extract_strided_slice %exp3A_221 {offsets = [768], sizes = [256], strides = [1]} : vector<1024xf32> to vector<256xf32>
      %broadcast_in_dim3A_1015 = vector.shape_cast %slice3A_1014 : vector<256xf32> to vector<256x1xf32>
      %slice3A_1016 = vector.extract_strided_slice %select_n3A_232 {offsets = [0], sizes = [256], strides = [1]} : vector<1024xf32> to vector<256xf32>
      %broadcast_in_dim3A_1017 = vector.shape_cast %slice3A_1016 : vector<256xf32> to vector<1x256xf32>
      %mul3A_1018 = vector.broadcast %broadcast_in_dim3A_1015 : vector<256x1xf32> to vector<256x256xf32>
      %mul3A_1019 = vector.broadcast %broadcast_in_dim3A_1017 : vector<1x256xf32> to vector<256x256xf32>
      %mul3A_1020 = arith.mulf %mul3A_1018, %mul3A_1019 : vector<256x256xf32>
      %slice3A_1021 = vector.extract_strided_slice %exp3A_226 {offsets = [768], sizes = [256], strides = [1]} : vector<1024xf32> to vector<256xf32>
      %broadcast_in_dim3A_1022 = vector.shape_cast %slice3A_1021 : vector<256xf32> to vector<256x1xf32>
      %slice3A_1023 = vector.extract_strided_slice %select_n3A_239 {offsets = [0], sizes = [256], strides = [1]} : vector<1024xf32> to vector<256xf32>
      %broadcast_in_dim3A_1024 = vector.shape_cast %slice3A_1023 : vector<256xf32> to vector<1x256xf32>
      %mul3A_1025 = vector.broadcast %broadcast_in_dim3A_1022 : vector<256x1xf32> to vector<256x256xf32>
      %mul3A_1026 = vector.broadcast %broadcast_in_dim3A_1024 : vector<1x256xf32> to vector<256x256xf32>
      %mul3A_1027 = arith.mulf %mul3A_1025, %mul3A_1026 : vector<256x256xf32>
      %max3A_1028 = arith.maximumf %mul3A_1020, %mul3A_1027 : vector<256x256xf32>
      %slice3A_1029 = vector.extract_strided_slice %concatenate3A_241 {offsets = [0, 0], sizes = [256, 33], strides = [1, 1]} : vector<1024x33xf32> to vector<256x33xf32>
      %dot_general3A_1030 = arith.constant dense<0.000000e+00> : vector<256x33xf32>
      %dot_general3A_1031 = tpu.matmul %max3A_1028, %slice3A_1029, %dot_general3A_1030 {dimension_numbers = #tpu.dot_dimension_numbers<[1], [0], [0], [1], [0, 0, 1, 1], [], []>, transpose_lhs_hint = false} : vector<256x256xf32>, vector<256x33xf32>, vector<256x33xf32> -> vector<256x33xf32>
      %get3A_1032 = arith.constant 768 : index
      %get3A_1033 = arith.constant 0 : index
      %get3A_1034 = vector.load %arg9[%get3A_1032, %get3A_1033] : memref<1024x33xf32, #tpu.memory_space<vmem>>, vector<256x33xf32>
      %add3A_1035 = arith.addf %get3A_1034, %dot_general3A_1031 : vector<256x33xf32>
      %swap3A_1036 = arith.constant 768 : index
      %swap3A_1037 = arith.constant 0 : index
      %swap3A_1038 = vector.load %arg9[%swap3A_1036, %swap3A_1037] : memref<1024x33xf32, #tpu.memory_space<vmem>>, vector<256x33xf32>
      tpu.vector_store %arg9[%swap3A_1036, %swap3A_1037], %add3A_1035 {strides = array<i32>} : memref<1024x33xf32, #tpu.memory_space<vmem>>, vector<256x33xf32>,
    } else {
    }
    %gt3A_351 = arith.constant 768 : i32
    %gt3A_352 = arith.cmpi sgt, %get3A_1, %gt3A_351 : i32
    %gt3A_353 = arith.constant 256 : i32
    %gt3A_354 = arith.cmpi sgt, %get3A_1, %gt3A_353 : i32
    %and3A_355 = arith.andi %gt3A_352, %gt3A_354 : i1
    %convert_element_type3A_356 = arith.extui %and3A_355 : i1 to i32
    %cond3A_357 = arith.constant 0 : i32
    %cond3A_358 = arith.cmpi ne, %convert_element_type3A_356, %cond3A_357 : i32
    scf.if %cond3A_358 {
      %slice3A_1014 = vector.extract_strided_slice %exp3A_221 {offsets = [768], sizes = [256], strides = [1]} : vector<1024xf32> to vector<256xf32>
      %broadcast_in_dim3A_1015 = vector.shape_cast %slice3A_1014 : vector<256xf32> to vector<256x1xf32>
      %slice3A_1016 = vector.extract_strided_slice %select_n3A_232 {offsets = [256], sizes = [256], strides = [1]} : vector<1024xf32> to vector<256xf32>
      %broadcast_in_dim3A_1017 = vector.shape_cast %slice3A_1016 : vector<256xf32> to vector<1x256xf32>
      %mul3A_1018 = vector.broadcast %broadcast_in_dim3A_1015 : vector<256x1xf32> to vector<256x256xf32>
      %mul3A_1019 = vector.broadcast %broadcast_in_dim3A_1017 : vector<1x256xf32> to vector<256x256xf32>
      %mul3A_1020 = arith.mulf %mul3A_1018, %mul3A_1019 : vector<256x256xf32>
      %slice3A_1021 = vector.extract_strided_slice %exp3A_226 {offsets = [768], sizes = [256], strides = [1]} : vector<1024xf32> to vector<256xf32>
      %broadcast_in_dim3A_1022 = vector.shape_cast %slice3A_1021 : vector<256xf32> to vector<256x1xf32>
      %slice3A_1023 = vector.extract_strided_slice %select_n3A_239 {offsets = [256], sizes = [256], strides = [1]} : vector<1024xf32> to vector<256xf32>
      %broadcast_in_dim3A_1024 = vector.shape_cast %slice3A_1023 : vector<256xf32> to vector<1x256xf32>
      %mul3A_1025 = vector.broadcast %broadcast_in_dim3A_1022 : vector<256x1xf32> to vector<256x256xf32>
      %mul3A_1026 = vector.broadcast %broadcast_in_dim3A_1024 : vector<1x256xf32> to vector<256x256xf32>
      %mul3A_1027 = arith.mulf %mul3A_1025, %mul3A_1026 : vector<256x256xf32>
      %max3A_1028 = arith.maximumf %mul3A_1020, %mul3A_1027 : vector<256x256xf32>
      %slice3A_1029 = vector.extract_strided_slice %concatenate3A_241 {offsets = [256, 0], sizes = [256, 33], strides = [1, 1]} : vector<1024x33xf32> to vector<256x33xf32>
      %dot_general3A_1030 = arith.constant dense<0.000000e+00> : vector<256x33xf32>
      %dot_general3A_1031 = tpu.matmul %max3A_1028, %slice3A_1029, %dot_general3A_1030 {dimension_numbers = #tpu.dot_dimension_numbers<[1], [0], [0], [1], [0, 0, 1, 1], [], []>, transpose_lhs_hint = false} : vector<256x256xf32>, vector<256x33xf32>, vector<256x33xf32> -> vector<256x33xf32>
      %get3A_1032 = arith.constant 768 : index
      %get3A_1033 = arith.constant 0 : index
      %get3A_1034 = vector.load %arg9[%get3A_1032, %get3A_1033] : memref<1024x33xf32, #tpu.memory_space<vmem>>, vector<256x33xf32>
      %add3A_1035 = arith.addf %get3A_1034, %dot_general3A_1031 : vector<256x33xf32>
      %swap3A_1036 = arith.constant 768 : index
      %swap3A_1037 = arith.constant 0 : index
      %swap3A_1038 = vector.load %arg9[%swap3A_1036, %swap3A_1037] : memref<1024x33xf32, #tpu.memory_space<vmem>>, vector<256x33xf32>
      tpu.vector_store %arg9[%swap3A_1036, %swap3A_1037], %add3A_1035 {strides = array<i32>} : memref<1024x33xf32, #tpu.memory_space<vmem>>, vector<256x33xf32>,
    } else {
    }
    %gt3A_359 = arith.constant 768 : i32
    %gt3A_360 = arith.cmpi sgt, %get3A_1, %gt3A_359 : i32
    %gt3A_361 = arith.constant 512 : i32
    %gt3A_362 = arith.cmpi sgt, %get3A_1, %gt3A_361 : i32
    %and3A_363 = arith.andi %gt3A_360, %gt3A_362 : i1
    %convert_element_type3A_364 = arith.extui %and3A_363 : i1 to i32
    %cond3A_365 = arith.constant 0 : i32
    %cond3A_366 = arith.cmpi ne, %convert_element_type3A_364, %cond3A_365 : i32
    scf.if %cond3A_366 {
      %slice3A_1014 = vector.extract_strided_slice %exp3A_221 {offsets = [768], sizes = [256], strides = [1]} : vector<1024xf32> to vector<256xf32>
      %broadcast_in_dim3A_1015 = vector.shape_cast %slice3A_1014 : vector<256xf32> to vector<256x1xf32>
      %slice3A_1016 = vector.extract_strided_slice %select_n3A_232 {offsets = [512], sizes = [256], strides = [1]} : vector<1024xf32> to vector<256xf32>
      %broadcast_in_dim3A_1017 = vector.shape_cast %slice3A_1016 : vector<256xf32> to vector<1x256xf32>
      %mul3A_1018 = vector.broadcast %broadcast_in_dim3A_1015 : vector<256x1xf32> to vector<256x256xf32>
      %mul3A_1019 = vector.broadcast %broadcast_in_dim3A_1017 : vector<1x256xf32> to vector<256x256xf32>
      %mul3A_1020 = arith.mulf %mul3A_1018, %mul3A_1019 : vector<256x256xf32>
      %slice3A_1021 = vector.extract_strided_slice %exp3A_226 {offsets = [768], sizes = [256], strides = [1]} : vector<1024xf32> to vector<256xf32>
      %broadcast_in_dim3A_1022 = vector.shape_cast %slice3A_1021 : vector<256xf32> to vector<256x1xf32>
      %slice3A_1023 = vector.extract_strided_slice %select_n3A_239 {offsets = [512], sizes = [256], strides = [1]} : vector<1024xf32> to vector<256xf32>
      %broadcast_in_dim3A_1024 = vector.shape_cast %slice3A_1023 : vector<256xf32> to vector<1x256xf32>
      %mul3A_1025 = vector.broadcast %broadcast_in_dim3A_1022 : vector<256x1xf32> to vector<256x256xf32>
      %mul3A_1026 = vector.broadcast %broadcast_in_dim3A_1024 : vector<1x256xf32> to vector<256x256xf32>
      %mul3A_1027 = arith.mulf %mul3A_1025, %mul3A_1026 : vector<256x256xf32>
      %max3A_1028 = arith.maximumf %mul3A_1020, %mul3A_1027 : vector<256x256xf32>
      %slice3A_1029 = vector.extract_strided_slice %concatenate3A_241 {offsets = [512, 0], sizes = [256, 33], strides = [1, 1]} : vector<1024x33xf32> to vector<256x33xf32>
      %dot_general3A_1030 = arith.constant dense<0.000000e+00> : vector<256x33xf32>
      %dot_general3A_1031 = tpu.matmul %max3A_1028, %slice3A_1029, %dot_general3A_1030 {dimension_numbers = #tpu.dot_dimension_numbers<[1], [0], [0], [1], [0, 0, 1, 1], [], []>, transpose_lhs_hint = false} : vector<256x256xf32>, vector<256x33xf32>, vector<256x33xf32> -> vector<256x33xf32>
      %get3A_1032 = arith.constant 768 : index
      %get3A_1033 = arith.constant 0 : index
      %get3A_1034 = vector.load %arg9[%get3A_1032, %get3A_1033] : memref<1024x33xf32, #tpu.memory_space<vmem>>, vector<256x33xf32>
      %add3A_1035 = arith.addf %get3A_1034, %dot_general3A_1031 : vector<256x33xf32>
      %swap3A_1036 = arith.constant 768 : index
      %swap3A_1037 = arith.constant 0 : index
      %swap3A_1038 = vector.load %arg9[%swap3A_1036, %swap3A_1037] : memref<1024x33xf32, #tpu.memory_space<vmem>>, vector<256x33xf32>
      tpu.vector_store %arg9[%swap3A_1036, %swap3A_1037], %add3A_1035 {strides = array<i32>} : memref<1024x33xf32, #tpu.memory_space<vmem>>, vector<256x33xf32>,
    } else {
    }
    %gt3A_367 = arith.constant 768 : i32
    %gt3A_368 = arith.cmpi sgt, %get3A_1, %gt3A_367 : i32
    %gt3A_369 = arith.constant 768 : i32
    %gt3A_370 = arith.cmpi sgt, %get3A_1, %gt3A_369 : i32
    %and3A_371 = arith.andi %gt3A_368, %gt3A_370 : i1
    %convert_element_type3A_372 = arith.extui %and3A_371 : i1 to i32
    %cond3A_373 = arith.constant 0 : i32
    %cond3A_374 = arith.cmpi ne, %convert_element_type3A_372, %cond3A_373 : i32
    scf.if %cond3A_374 {
      %slice3A_1014 = vector.extract_strided_slice %exp3A_221 {offsets = [768], sizes = [256], strides = [1]} : vector<1024xf32> to vector<256xf32>
      %broadcast_in_dim3A_1015 = vector.shape_cast %slice3A_1014 : vector<256xf32> to vector<256x1xf32>
      %slice3A_1016 = vector.extract_strided_slice %select_n3A_232 {offsets = [768], sizes = [256], strides = [1]} : vector<1024xf32> to vector<256xf32>
      %broadcast_in_dim3A_1017 = vector.shape_cast %slice3A_1016 : vector<256xf32> to vector<1x256xf32>
      %mul3A_1018 = vector.broadcast %broadcast_in_dim3A_1015 : vector<256x1xf32> to vector<256x256xf32>
      %mul3A_1019 = vector.broadcast %broadcast_in_dim3A_1017 : vector<1x256xf32> to vector<256x256xf32>
      %mul3A_1020 = arith.mulf %mul3A_1018, %mul3A_1019 : vector<256x256xf32>
      %slice3A_1021 = vector.extract_strided_slice %exp3A_226 {offsets = [768], sizes = [256], strides = [1]} : vector<1024xf32> to vector<256xf32>
      %broadcast_in_dim3A_1022 = vector.shape_cast %slice3A_1021 : vector<256xf32> to vector<256x1xf32>
      %slice3A_1023 = vector.extract_strided_slice %select_n3A_239 {offsets = [768], sizes = [256], strides = [1]} : vector<1024xf32> to vector<256xf32>
      %broadcast_in_dim3A_1024 = vector.shape_cast %slice3A_1023 : vector<256xf32> to vector<1x256xf32>
      %mul3A_1025 = vector.broadcast %broadcast_in_dim3A_1022 : vector<256x1xf32> to vector<256x256xf32>
      %mul3A_1026 = vector.broadcast %broadcast_in_dim3A_1024 : vector<1x256xf32> to vector<256x256xf32>
      %mul3A_1027 = arith.mulf %mul3A_1025, %mul3A_1026 : vector<256x256xf32>
      %max3A_1028 = arith.maximumf %mul3A_1020, %mul3A_1027 : vector<256x256xf32>
      %slice3A_1029 = vector.extract_strided_slice %concatenate3A_241 {offsets = [768, 0], sizes = [256, 33], strides = [1, 1]} : vector<1024x33xf32> to vector<256x33xf32>
      %dot_general3A_1030 = arith.constant dense<0.000000e+00> : vector<256x33xf32>
      %dot_general3A_1031 = tpu.matmul %max3A_1028, %slice3A_1029, %dot_general3A_1030 {dimension_numbers = #tpu.dot_dimension_numbers<[1], [0], [0], [1], [0, 0, 1, 1], [], []>, transpose_lhs_hint = false} : vector<256x256xf32>, vector<256x33xf32>, vector<256x33xf32> -> vector<256x33xf32>
      %get3A_1032 = arith.constant 768 : index
      %get3A_1033 = arith.constant 0 : index
      %get3A_1034 = vector.load %arg9[%get3A_1032, %get3A_1033] : memref<1024x33xf32, #tpu.memory_space<vmem>>, vector<256x33xf32>
      %add3A_1035 = arith.addf %get3A_1034, %dot_general3A_1031 : vector<256x33xf32>
      %swap3A_1036 = arith.constant 768 : index
      %swap3A_1037 = arith.constant 0 : index
      %swap3A_1038 = vector.load %arg9[%swap3A_1036, %swap3A_1037] : memref<1024x33xf32, #tpu.memory_space<vmem>>, vector<256x33xf32>
      tpu.vector_store %arg9[%swap3A_1036, %swap3A_1037], %add3A_1035 {strides = array<i32>} : memref<1024x33xf32, #tpu.memory_space<vmem>>, vector<256x33xf32>,
    } else {
    }
    %get3A_375 = arith.constant 0 : index
    %get3A_376 = arith.constant 0 : index
    %get3A_377 = vector.load %arg9[%get3A_375, %get3A_376] : memref<1024x33xf32, #tpu.memory_space<vmem>>, vector<1024x33xf32>
    %slice3A_378 = vector.extract_strided_slice %get3A_377 {offsets = [0, 32], sizes = [1024, 1], strides = [1, 1]} : vector<1024x33xf32> to vector<1024x1xf32>
    %max3A_379 = arith.constant 1.000000e-30 : f32
    %max3A_380 = vector.broadcast %max3A_379 : f32 to vector<1024x1xf32>
    %max3A_381 = arith.maximumf %slice3A_378, %max3A_380 : vector<1024x1xf32>
    %slice3A_382 = vector.extract_strided_slice %get3A_377 {offsets = [0, 0], sizes = [1024, 32], strides = [1, 1]} : vector<1024x33xf32> to vector<1024x32xf32>
    %div3A_383 = vector.broadcast %max3A_381 : vector<1024x1xf32> to vector<1024x32xf32>
    %div3A_384 = arith.divf %slice3A_382, %div3A_383 : vector<1024x32xf32>
    %gt3A_385 = arith.constant 0.000000e+00 : f32
    %gt3A_386 = vector.broadcast %gt3A_385 : f32 to vector<1024x32xf32>
    %gt3A_387 = arith.cmpf ogt, %div3A_384, %gt3A_386 : vector<1024x32xf32>
    %min3A_388 = arith.constant 0.000000e+00 : f32
    %min3A_389 = vector.broadcast %min3A_388 : f32 to vector<1024x32xf32>
    %min3A_390 = arith.minimumf %div3A_384, %min3A_389 : vector<1024x32xf32>
    %exp3A_391 = math.exp %min3A_390 : vector<1024x32xf32>
    %sub3A_392 = arith.constant 1.000000e+00 : f32
    %sub3A_393 = vector.broadcast %sub3A_392 : f32 to vector<1024x32xf32>
    %sub3A_394 = arith.subf %exp3A_391, %sub3A_393 : vector<1024x32xf32>
    %select_n3A_395 = arith.select %gt3A_387, %div3A_384, %sub3A_394 : vector<1024x32xi1>, vector<1024x32xf32>
    %slice3A_396 = vector.extract_strided_slice %dot_general3A_24 {offsets = [0, 2], sizes = [1024, 1], strides = [1, 1]} : vector<1024x8xf32> to vector<1024x1xf32>
    %squeeze3A_397 = vector.shape_cast %slice3A_396 : vector<1024x1xf32> to vector<1024xf32>
    %slice3A_398 = vector.extract_strided_slice %dot_general3A_24 {offsets = [0, 6], sizes = [1024, 1], strides = [1, 1]} : vector<1024x8xf32> to vector<1024x1xf32>
    %squeeze3A_399 = vector.shape_cast %slice3A_398 : vector<1024x1xf32> to vector<1024xf32>
    %jit3A_400 = arith.constant -1.000000e+30 : f32
    %broadcast_in_dim3A_401 = vector.broadcast %jit3A_400 : f32 to vector<1024xf32>
    %select_n3A_402 = arith.select %lt3A_15, %squeeze3A_399, %broadcast_in_dim3A_401 : vector<1024xi1>, vector<1024xf32>
    %reduce_max3A_403 = vector.shape_cast %select_n3A_402 : vector<1024xf32> to vector<1x1024xf32>
    %reduce_max3A_404 = arith.constant dense<0xFF800000> : vector<1xf32>
    %reduce_max3A_405 = vector.multi_reduction <maximumf>, %reduce_max3A_403, %reduce_max3A_404 [1] : vector<1x1024xf32> to vector<1xf32>
    %reduce_max3A_406 = vector.shape_cast %reduce_max3A_405 : vector<1xf32> to vector<1x1xf32>
    %reduce_max3A_407 = vector.extract %reduce_max3A_406[0, 0] : f32 from vector<1x1xf32>
    %add3A_408 = vector.broadcast %reduce_max3A_407 : f32 to vector<1024xf32>
    %add3A_409 = arith.addf %squeeze3A_397, %add3A_408 : vector<1024xf32>
    %mul3A_410 = arith.constant 2.000000e-01 : f32
    %mul3A_411 = vector.broadcast %mul3A_410 : f32 to vector<1024xf32>
    %mul3A_412 = arith.mulf %mul3A_411, %add3A_409 : vector<1024xf32>
    %max3A_413 = arith.maximumf %add3A_409, %mul3A_412 : vector<1024xf32>
    %sub3A_414 = arith.subf %add3A_409, %max3A_413 : vector<1024xf32>
    %exp3A_415 = math.exp %sub3A_414 : vector<1024xf32>
    %mul3A_416 = arith.constant 2.000000e-01 : f32
    %mul3A_417 = vector.broadcast %mul3A_416 : f32 to vector<1024xf32>
    %mul3A_418 = arith.mulf %mul3A_417, %add3A_409 : vector<1024xf32>
    %sub3A_419 = arith.subf %mul3A_418, %max3A_413 : vector<1024xf32>
    %exp3A_420 = math.exp %sub3A_419 : vector<1024xf32>
    %sub3A_421 = vector.broadcast %reduce_max3A_407 : f32 to vector<1024xf32>
    %sub3A_422 = arith.subf %squeeze3A_399, %sub3A_421 : vector<1024xf32>
    %exp3A_423 = math.exp %sub3A_422 : vector<1024xf32>
    %jit3A_424 = arith.constant 0.000000e+00 : f32
    %broadcast_in_dim3A_425 = vector.broadcast %jit3A_424 : f32 to vector<1024xf32>
    %select_n3A_426 = arith.select %lt3A_15, %exp3A_423, %broadcast_in_dim3A_425 : vector<1024xi1>, vector<1024xf32>
    %mul3A_427 = arith.constant 2.000000e-01 : f32
    %mul3A_428 = vector.broadcast %mul3A_427 : f32 to vector<1024xf32>
    %mul3A_429 = arith.mulf %mul3A_428, %sub3A_422 : vector<1024xf32>
    %exp3A_430 = math.exp %mul3A_429 : vector<1024xf32>
    %jit3A_431 = arith.constant 0.000000e+00 : f32
    %broadcast_in_dim3A_432 = vector.broadcast %jit3A_431 : f32 to vector<1024xf32>
    %select_n3A_433 = arith.select %lt3A_15, %exp3A_430, %broadcast_in_dim3A_432 : vector<1024xi1>, vector<1024xf32>
    %slice3A_434 = vector.extract_strided_slice %dot_general3A_19 {offsets = [0, 64], sizes = [1024, 32], strides = [1, 1]} : vector<1024x128xf32> to vector<1024x32xf32>
    %concatenate3A_435 = tpu.concatenate %slice3A_434, %broadcast_in_dim3A_13 in 1 : vector<1024x32xf32>, vector<1024x1xf32> -> vector<1024x33xf32>
    %broadcast_in_dim3A_436 = arith.constant 0.000000e+00 : f32
    %broadcast_in_dim3A_437 = vector.broadcast %broadcast_in_dim3A_436 : f32 to vector<1024x33xf32>
    %swap3A_438 = arith.constant 0 : index
    %swap3A_439 = arith.constant 0 : index
    %swap3A_440 = vector.load %arg9[%swap3A_438, %swap3A_439] : memref<1024x33xf32, #tpu.memory_space<vmem>>, vector<1024x33xf32>
    tpu.vector_store %arg9[%swap3A_438, %swap3A_439], %broadcast_in_dim3A_437 {strides = array<i32>} : memref<1024x33xf32, #tpu.memory_space<vmem>>, vector<1024x33xf32>,
    %gt3A_441 = arith.constant 0 : i32
    %gt3A_442 = arith.cmpi sgt, %get3A_1, %gt3A_441 : i32
    %gt3A_443 = arith.constant 0 : i32
    %gt3A_444 = arith.cmpi sgt, %get3A_1, %gt3A_443 : i32
    %and3A_445 = arith.andi %gt3A_442, %gt3A_444 : i1
    %convert_element_type3A_446 = arith.extui %and3A_445 : i1 to i32
    %cond3A_447 = arith.constant 0 : i32
    %cond3A_448 = arith.cmpi ne, %convert_element_type3A_446, %cond3A_447 : i32
    scf.if %cond3A_448 {
      %slice3A_1014 = vector.extract_strided_slice %exp3A_415 {offsets = [0], sizes = [256], strides = [1]} : vector<1024xf32> to vector<256xf32>
      %broadcast_in_dim3A_1015 = vector.shape_cast %slice3A_1014 : vector<256xf32> to vector<256x1xf32>
      %slice3A_1016 = vector.extract_strided_slice %select_n3A_426 {offsets = [0], sizes = [256], strides = [1]} : vector<1024xf32> to vector<256xf32>
      %broadcast_in_dim3A_1017 = vector.shape_cast %slice3A_1016 : vector<256xf32> to vector<1x256xf32>
      %mul3A_1018 = vector.broadcast %broadcast_in_dim3A_1015 : vector<256x1xf32> to vector<256x256xf32>
      %mul3A_1019 = vector.broadcast %broadcast_in_dim3A_1017 : vector<1x256xf32> to vector<256x256xf32>
      %mul3A_1020 = arith.mulf %mul3A_1018, %mul3A_1019 : vector<256x256xf32>
      %slice3A_1021 = vector.extract_strided_slice %exp3A_420 {offsets = [0], sizes = [256], strides = [1]} : vector<1024xf32> to vector<256xf32>
      %broadcast_in_dim3A_1022 = vector.shape_cast %slice3A_1021 : vector<256xf32> to vector<256x1xf32>
      %slice3A_1023 = vector.extract_strided_slice %select_n3A_433 {offsets = [0], sizes = [256], strides = [1]} : vector<1024xf32> to vector<256xf32>
      %broadcast_in_dim3A_1024 = vector.shape_cast %slice3A_1023 : vector<256xf32> to vector<1x256xf32>
      %mul3A_1025 = vector.broadcast %broadcast_in_dim3A_1022 : vector<256x1xf32> to vector<256x256xf32>
      %mul3A_1026 = vector.broadcast %broadcast_in_dim3A_1024 : vector<1x256xf32> to vector<256x256xf32>
      %mul3A_1027 = arith.mulf %mul3A_1025, %mul3A_1026 : vector<256x256xf32>
      %max3A_1028 = arith.maximumf %mul3A_1020, %mul3A_1027 : vector<256x256xf32>
      %slice3A_1029 = vector.extract_strided_slice %concatenate3A_435 {offsets = [0, 0], sizes = [256, 33], strides = [1, 1]} : vector<1024x33xf32> to vector<256x33xf32>
      %dot_general3A_1030 = arith.constant dense<0.000000e+00> : vector<256x33xf32>
      %dot_general3A_1031 = tpu.matmul %max3A_1028, %slice3A_1029, %dot_general3A_1030 {dimension_numbers = #tpu.dot_dimension_numbers<[1], [0], [0], [1], [0, 0, 1, 1], [], []>, transpose_lhs_hint = false} : vector<256x256xf32>, vector<256x33xf32>, vector<256x33xf32> -> vector<256x33xf32>
      %get3A_1032 = arith.constant 0 : index
      %get3A_1033 = arith.constant 0 : index
      %get3A_1034 = vector.load %arg9[%get3A_1032, %get3A_1033] : memref<1024x33xf32, #tpu.memory_space<vmem>>, vector<256x33xf32>
      %add3A_1035 = arith.addf %get3A_1034, %dot_general3A_1031 : vector<256x33xf32>
      %swap3A_1036 = arith.constant 0 : index
      %swap3A_1037 = arith.constant 0 : index
      %swap3A_1038 = vector.load %arg9[%swap3A_1036, %swap3A_1037] : memref<1024x33xf32, #tpu.memory_space<vmem>>, vector<256x33xf32>
      tpu.vector_store %arg9[%swap3A_1036, %swap3A_1037], %add3A_1035 {strides = array<i32>} : memref<1024x33xf32, #tpu.memory_space<vmem>>, vector<256x33xf32>,
    } else {
    }
    %gt3A_449 = arith.constant 0 : i32
    %gt3A_450 = arith.cmpi sgt, %get3A_1, %gt3A_449 : i32
    %gt3A_451 = arith.constant 256 : i32
    %gt3A_452 = arith.cmpi sgt, %get3A_1, %gt3A_451 : i32
    %and3A_453 = arith.andi %gt3A_450, %gt3A_452 : i1
    %convert_element_type3A_454 = arith.extui %and3A_453 : i1 to i32
    %cond3A_455 = arith.constant 0 : i32
    %cond3A_456 = arith.cmpi ne, %convert_element_type3A_454, %cond3A_455 : i32
    scf.if %cond3A_456 {
      %slice3A_1014 = vector.extract_strided_slice %exp3A_415 {offsets = [0], sizes = [256], strides = [1]} : vector<1024xf32> to vector<256xf32>
      %broadcast_in_dim3A_1015 = vector.shape_cast %slice3A_1014 : vector<256xf32> to vector<256x1xf32>
      %slice3A_1016 = vector.extract_strided_slice %select_n3A_426 {offsets = [256], sizes = [256], strides = [1]} : vector<1024xf32> to vector<256xf32>
      %broadcast_in_dim3A_1017 = vector.shape_cast %slice3A_1016 : vector<256xf32> to vector<1x256xf32>
      %mul3A_1018 = vector.broadcast %broadcast_in_dim3A_1015 : vector<256x1xf32> to vector<256x256xf32>
      %mul3A_1019 = vector.broadcast %broadcast_in_dim3A_1017 : vector<1x256xf32> to vector<256x256xf32>
      %mul3A_1020 = arith.mulf %mul3A_1018, %mul3A_1019 : vector<256x256xf32>
      %slice3A_1021 = vector.extract_strided_slice %exp3A_420 {offsets = [0], sizes = [256], strides = [1]} : vector<1024xf32> to vector<256xf32>
      %broadcast_in_dim3A_1022 = vector.shape_cast %slice3A_1021 : vector<256xf32> to vector<256x1xf32>
      %slice3A_1023 = vector.extract_strided_slice %select_n3A_433 {offsets = [256], sizes = [256], strides = [1]} : vector<1024xf32> to vector<256xf32>
      %broadcast_in_dim3A_1024 = vector.shape_cast %slice3A_1023 : vector<256xf32> to vector<1x256xf32>
      %mul3A_1025 = vector.broadcast %broadcast_in_dim3A_1022 : vector<256x1xf32> to vector<256x256xf32>
      %mul3A_1026 = vector.broadcast %broadcast_in_dim3A_1024 : vector<1x256xf32> to vector<256x256xf32>
      %mul3A_1027 = arith.mulf %mul3A_1025, %mul3A_1026 : vector<256x256xf32>
      %max3A_1028 = arith.maximumf %mul3A_1020, %mul3A_1027 : vector<256x256xf32>
      %slice3A_1029 = vector.extract_strided_slice %concatenate3A_435 {offsets = [256, 0], sizes = [256, 33], strides = [1, 1]} : vector<1024x33xf32> to vector<256x33xf32>
      %dot_general3A_1030 = arith.constant dense<0.000000e+00> : vector<256x33xf32>
      %dot_general3A_1031 = tpu.matmul %max3A_1028, %slice3A_1029, %dot_general3A_1030 {dimension_numbers = #tpu.dot_dimension_numbers<[1], [0], [0], [1], [0, 0, 1, 1], [], []>, transpose_lhs_hint = false} : vector<256x256xf32>, vector<256x33xf32>, vector<256x33xf32> -> vector<256x33xf32>
      %get3A_1032 = arith.constant 0 : index
      %get3A_1033 = arith.constant 0 : index
      %get3A_1034 = vector.load %arg9[%get3A_1032, %get3A_1033] : memref<1024x33xf32, #tpu.memory_space<vmem>>, vector<256x33xf32>
      %add3A_1035 = arith.addf %get3A_1034, %dot_general3A_1031 : vector<256x33xf32>
      %swap3A_1036 = arith.constant 0 : index
      %swap3A_1037 = arith.constant 0 : index
      %swap3A_1038 = vector.load %arg9[%swap3A_1036, %swap3A_1037] : memref<1024x33xf32, #tpu.memory_space<vmem>>, vector<256x33xf32>
      tpu.vector_store %arg9[%swap3A_1036, %swap3A_1037], %add3A_1035 {strides = array<i32>} : memref<1024x33xf32, #tpu.memory_space<vmem>>, vector<256x33xf32>,
    } else {
    }
    %gt3A_457 = arith.constant 0 : i32
    %gt3A_458 = arith.cmpi sgt, %get3A_1, %gt3A_457 : i32
    %gt3A_459 = arith.constant 512 : i32
    %gt3A_460 = arith.cmpi sgt, %get3A_1, %gt3A_459 : i32
    %and3A_461 = arith.andi %gt3A_458, %gt3A_460 : i1
    %convert_element_type3A_462 = arith.extui %and3A_461 : i1 to i32
    %cond3A_463 = arith.constant 0 : i32
    %cond3A_464 = arith.cmpi ne, %convert_element_type3A_462, %cond3A_463 : i32
    scf.if %cond3A_464 {
      %slice3A_1014 = vector.extract_strided_slice %exp3A_415 {offsets = [0], sizes = [256], strides = [1]} : vector<1024xf32> to vector<256xf32>
      %broadcast_in_dim3A_1015 = vector.shape_cast %slice3A_1014 : vector<256xf32> to vector<256x1xf32>
      %slice3A_1016 = vector.extract_strided_slice %select_n3A_426 {offsets = [512], sizes = [256], strides = [1]} : vector<1024xf32> to vector<256xf32>
      %broadcast_in_dim3A_1017 = vector.shape_cast %slice3A_1016 : vector<256xf32> to vector<1x256xf32>
      %mul3A_1018 = vector.broadcast %broadcast_in_dim3A_1015 : vector<256x1xf32> to vector<256x256xf32>
      %mul3A_1019 = vector.broadcast %broadcast_in_dim3A_1017 : vector<1x256xf32> to vector<256x256xf32>
      %mul3A_1020 = arith.mulf %mul3A_1018, %mul3A_1019 : vector<256x256xf32>
      %slice3A_1021 = vector.extract_strided_slice %exp3A_420 {offsets = [0], sizes = [256], strides = [1]} : vector<1024xf32> to vector<256xf32>
      %broadcast_in_dim3A_1022 = vector.shape_cast %slice3A_1021 : vector<256xf32> to vector<256x1xf32>
      %slice3A_1023 = vector.extract_strided_slice %select_n3A_433 {offsets = [512], sizes = [256], strides = [1]} : vector<1024xf32> to vector<256xf32>
      %broadcast_in_dim3A_1024 = vector.shape_cast %slice3A_1023 : vector<256xf32> to vector<1x256xf32>
      %mul3A_1025 = vector.broadcast %broadcast_in_dim3A_1022 : vector<256x1xf32> to vector<256x256xf32>
      %mul3A_1026 = vector.broadcast %broadcast_in_dim3A_1024 : vector<1x256xf32> to vector<256x256xf32>
      %mul3A_1027 = arith.mulf %mul3A_1025, %mul3A_1026 : vector<256x256xf32>
      %max3A_1028 = arith.maximumf %mul3A_1020, %mul3A_1027 : vector<256x256xf32>
      %slice3A_1029 = vector.extract_strided_slice %concatenate3A_435 {offsets = [512, 0], sizes = [256, 33], strides = [1, 1]} : vector<1024x33xf32> to vector<256x33xf32>
      %dot_general3A_1030 = arith.constant dense<0.000000e+00> : vector<256x33xf32>
      %dot_general3A_1031 = tpu.matmul %max3A_1028, %slice3A_1029, %dot_general3A_1030 {dimension_numbers = #tpu.dot_dimension_numbers<[1], [0], [0], [1], [0, 0, 1, 1], [], []>, transpose_lhs_hint = false} : vector<256x256xf32>, vector<256x33xf32>, vector<256x33xf32> -> vector<256x33xf32>
      %get3A_1032 = arith.constant 0 : index
      %get3A_1033 = arith.constant 0 : index
      %get3A_1034 = vector.load %arg9[%get3A_1032, %get3A_1033] : memref<1024x33xf32, #tpu.memory_space<vmem>>, vector<256x33xf32>
      %add3A_1035 = arith.addf %get3A_1034, %dot_general3A_1031 : vector<256x33xf32>
      %swap3A_1036 = arith.constant 0 : index
      %swap3A_1037 = arith.constant 0 : index
      %swap3A_1038 = vector.load %arg9[%swap3A_1036, %swap3A_1037] : memref<1024x33xf32, #tpu.memory_space<vmem>>, vector<256x33xf32>
      tpu.vector_store %arg9[%swap3A_1036, %swap3A_1037], %add3A_1035 {strides = array<i32>} : memref<1024x33xf32, #tpu.memory_space<vmem>>, vector<256x33xf32>,
    } else {
    }
    %gt3A_465 = arith.constant 0 : i32
    %gt3A_466 = arith.cmpi sgt, %get3A_1, %gt3A_465 : i32
    %gt3A_467 = arith.constant 768 : i32
    %gt3A_468 = arith.cmpi sgt, %get3A_1, %gt3A_467 : i32
    %and3A_469 = arith.andi %gt3A_466, %gt3A_468 : i1
    %convert_element_type3A_470 = arith.extui %and3A_469 : i1 to i32
    %cond3A_471 = arith.constant 0 : i32
    %cond3A_472 = arith.cmpi ne, %convert_element_type3A_470, %cond3A_471 : i32
    scf.if %cond3A_472 {
      %slice3A_1014 = vector.extract_strided_slice %exp3A_415 {offsets = [0], sizes = [256], strides = [1]} : vector<1024xf32> to vector<256xf32>
      %broadcast_in_dim3A_1015 = vector.shape_cast %slice3A_1014 : vector<256xf32> to vector<256x1xf32>
      %slice3A_1016 = vector.extract_strided_slice %select_n3A_426 {offsets = [768], sizes = [256], strides = [1]} : vector<1024xf32> to vector<256xf32>
      %broadcast_in_dim3A_1017 = vector.shape_cast %slice3A_1016 : vector<256xf32> to vector<1x256xf32>
      %mul3A_1018 = vector.broadcast %broadcast_in_dim3A_1015 : vector<256x1xf32> to vector<256x256xf32>
      %mul3A_1019 = vector.broadcast %broadcast_in_dim3A_1017 : vector<1x256xf32> to vector<256x256xf32>
      %mul3A_1020 = arith.mulf %mul3A_1018, %mul3A_1019 : vector<256x256xf32>
      %slice3A_1021 = vector.extract_strided_slice %exp3A_420 {offsets = [0], sizes = [256], strides = [1]} : vector<1024xf32> to vector<256xf32>
      %broadcast_in_dim3A_1022 = vector.shape_cast %slice3A_1021 : vector<256xf32> to vector<256x1xf32>
      %slice3A_1023 = vector.extract_strided_slice %select_n3A_433 {offsets = [768], sizes = [256], strides = [1]} : vector<1024xf32> to vector<256xf32>
      %broadcast_in_dim3A_1024 = vector.shape_cast %slice3A_1023 : vector<256xf32> to vector<1x256xf32>
      %mul3A_1025 = vector.broadcast %broadcast_in_dim3A_1022 : vector<256x1xf32> to vector<256x256xf32>
      %mul3A_1026 = vector.broadcast %broadcast_in_dim3A_1024 : vector<1x256xf32> to vector<256x256xf32>
      %mul3A_1027 = arith.mulf %mul3A_1025, %mul3A_1026 : vector<256x256xf32>
      %max3A_1028 = arith.maximumf %mul3A_1020, %mul3A_1027 : vector<256x256xf32>
      %slice3A_1029 = vector.extract_strided_slice %concatenate3A_435 {offsets = [768, 0], sizes = [256, 33], strides = [1, 1]} : vector<1024x33xf32> to vector<256x33xf32>
      %dot_general3A_1030 = arith.constant dense<0.000000e+00> : vector<256x33xf32>
      %dot_general3A_1031 = tpu.matmul %max3A_1028, %slice3A_1029, %dot_general3A_1030 {dimension_numbers = #tpu.dot_dimension_numbers<[1], [0], [0], [1], [0, 0, 1, 1], [], []>, transpose_lhs_hint = false} : vector<256x256xf32>, vector<256x33xf32>, vector<256x33xf32> -> vector<256x33xf32>
      %get3A_1032 = arith.constant 0 : index
      %get3A_1033 = arith.constant 0 : index
      %get3A_1034 = vector.load %arg9[%get3A_1032, %get3A_1033] : memref<1024x33xf32, #tpu.memory_space<vmem>>, vector<256x33xf32>
      %add3A_1035 = arith.addf %get3A_1034, %dot_general3A_1031 : vector<256x33xf32>
      %swap3A_1036 = arith.constant 0 : index
      %swap3A_1037 = arith.constant 0 : index
      %swap3A_1038 = vector.load %arg9[%swap3A_1036, %swap3A_1037] : memref<1024x33xf32, #tpu.memory_space<vmem>>, vector<256x33xf32>
      tpu.vector_store %arg9[%swap3A_1036, %swap3A_1037], %add3A_1035 {strides = array<i32>} : memref<1024x33xf32, #tpu.memory_space<vmem>>, vector<256x33xf32>,
    } else {
    }
    %gt3A_473 = arith.constant 256 : i32
    %gt3A_474 = arith.cmpi sgt, %get3A_1, %gt3A_473 : i32
    %gt3A_475 = arith.constant 0 : i32
    %gt3A_476 = arith.cmpi sgt, %get3A_1, %gt3A_475 : i32
    %and3A_477 = arith.andi %gt3A_474, %gt3A_476 : i1
    %convert_element_type3A_478 = arith.extui %and3A_477 : i1 to i32
    %cond3A_479 = arith.constant 0 : i32
    %cond3A_480 = arith.cmpi ne, %convert_element_type3A_478, %cond3A_479 : i32
    scf.if %cond3A_480 {
      %slice3A_1014 = vector.extract_strided_slice %exp3A_415 {offsets = [256], sizes = [256], strides = [1]} : vector<1024xf32> to vector<256xf32>
      %broadcast_in_dim3A_1015 = vector.shape_cast %slice3A_1014 : vector<256xf32> to vector<256x1xf32>
      %slice3A_1016 = vector.extract_strided_slice %select_n3A_426 {offsets = [0], sizes = [256], strides = [1]} : vector<1024xf32> to vector<256xf32>
      %broadcast_in_dim3A_1017 = vector.shape_cast %slice3A_1016 : vector<256xf32> to vector<1x256xf32>
      %mul3A_1018 = vector.broadcast %broadcast_in_dim3A_1015 : vector<256x1xf32> to vector<256x256xf32>
      %mul3A_1019 = vector.broadcast %broadcast_in_dim3A_1017 : vector<1x256xf32> to vector<256x256xf32>
      %mul3A_1020 = arith.mulf %mul3A_1018, %mul3A_1019 : vector<256x256xf32>
      %slice3A_1021 = vector.extract_strided_slice %exp3A_420 {offsets = [256], sizes = [256], strides = [1]} : vector<1024xf32> to vector<256xf32>
      %broadcast_in_dim3A_1022 = vector.shape_cast %slice3A_1021 : vector<256xf32> to vector<256x1xf32>
      %slice3A_1023 = vector.extract_strided_slice %select_n3A_433 {offsets = [0], sizes = [256], strides = [1]} : vector<1024xf32> to vector<256xf32>
      %broadcast_in_dim3A_1024 = vector.shape_cast %slice3A_1023 : vector<256xf32> to vector<1x256xf32>
      %mul3A_1025 = vector.broadcast %broadcast_in_dim3A_1022 : vector<256x1xf32> to vector<256x256xf32>
      %mul3A_1026 = vector.broadcast %broadcast_in_dim3A_1024 : vector<1x256xf32> to vector<256x256xf32>
      %mul3A_1027 = arith.mulf %mul3A_1025, %mul3A_1026 : vector<256x256xf32>
      %max3A_1028 = arith.maximumf %mul3A_1020, %mul3A_1027 : vector<256x256xf32>
      %slice3A_1029 = vector.extract_strided_slice %concatenate3A_435 {offsets = [0, 0], sizes = [256, 33], strides = [1, 1]} : vector<1024x33xf32> to vector<256x33xf32>
      %dot_general3A_1030 = arith.constant dense<0.000000e+00> : vector<256x33xf32>
      %dot_general3A_1031 = tpu.matmul %max3A_1028, %slice3A_1029, %dot_general3A_1030 {dimension_numbers = #tpu.dot_dimension_numbers<[1], [0], [0], [1], [0, 0, 1, 1], [], []>, transpose_lhs_hint = false} : vector<256x256xf32>, vector<256x33xf32>, vector<256x33xf32> -> vector<256x33xf32>
      %get3A_1032 = arith.constant 256 : index
      %get3A_1033 = arith.constant 0 : index
      %get3A_1034 = vector.load %arg9[%get3A_1032, %get3A_1033] : memref<1024x33xf32, #tpu.memory_space<vmem>>, vector<256x33xf32>
      %add3A_1035 = arith.addf %get3A_1034, %dot_general3A_1031 : vector<256x33xf32>
      %swap3A_1036 = arith.constant 256 : index
      %swap3A_1037 = arith.constant 0 : index
      %swap3A_1038 = vector.load %arg9[%swap3A_1036, %swap3A_1037] : memref<1024x33xf32, #tpu.memory_space<vmem>>, vector<256x33xf32>
      tpu.vector_store %arg9[%swap3A_1036, %swap3A_1037], %add3A_1035 {strides = array<i32>} : memref<1024x33xf32, #tpu.memory_space<vmem>>, vector<256x33xf32>,
    } else {
    }
    %gt3A_481 = arith.constant 256 : i32
    %gt3A_482 = arith.cmpi sgt, %get3A_1, %gt3A_481 : i32
    %gt3A_483 = arith.constant 256 : i32
    %gt3A_484 = arith.cmpi sgt, %get3A_1, %gt3A_483 : i32
    %and3A_485 = arith.andi %gt3A_482, %gt3A_484 : i1
    %convert_element_type3A_486 = arith.extui %and3A_485 : i1 to i32
    %cond3A_487 = arith.constant 0 : i32
    %cond3A_488 = arith.cmpi ne, %convert_element_type3A_486, %cond3A_487 : i32
    scf.if %cond3A_488 {
      %slice3A_1014 = vector.extract_strided_slice %exp3A_415 {offsets = [256], sizes = [256], strides = [1]} : vector<1024xf32> to vector<256xf32>
      %broadcast_in_dim3A_1015 = vector.shape_cast %slice3A_1014 : vector<256xf32> to vector<256x1xf32>
      %slice3A_1016 = vector.extract_strided_slice %select_n3A_426 {offsets = [256], sizes = [256], strides = [1]} : vector<1024xf32> to vector<256xf32>
      %broadcast_in_dim3A_1017 = vector.shape_cast %slice3A_1016 : vector<256xf32> to vector<1x256xf32>
      %mul3A_1018 = vector.broadcast %broadcast_in_dim3A_1015 : vector<256x1xf32> to vector<256x256xf32>
      %mul3A_1019 = vector.broadcast %broadcast_in_dim3A_1017 : vector<1x256xf32> to vector<256x256xf32>
      %mul3A_1020 = arith.mulf %mul3A_1018, %mul3A_1019 : vector<256x256xf32>
      %slice3A_1021 = vector.extract_strided_slice %exp3A_420 {offsets = [256], sizes = [256], strides = [1]} : vector<1024xf32> to vector<256xf32>
      %broadcast_in_dim3A_1022 = vector.shape_cast %slice3A_1021 : vector<256xf32> to vector<256x1xf32>
      %slice3A_1023 = vector.extract_strided_slice %select_n3A_433 {offsets = [256], sizes = [256], strides = [1]} : vector<1024xf32> to vector<256xf32>
      %broadcast_in_dim3A_1024 = vector.shape_cast %slice3A_1023 : vector<256xf32> to vector<1x256xf32>
      %mul3A_1025 = vector.broadcast %broadcast_in_dim3A_1022 : vector<256x1xf32> to vector<256x256xf32>
      %mul3A_1026 = vector.broadcast %broadcast_in_dim3A_1024 : vector<1x256xf32> to vector<256x256xf32>
      %mul3A_1027 = arith.mulf %mul3A_1025, %mul3A_1026 : vector<256x256xf32>
      %max3A_1028 = arith.maximumf %mul3A_1020, %mul3A_1027 : vector<256x256xf32>
      %slice3A_1029 = vector.extract_strided_slice %concatenate3A_435 {offsets = [256, 0], sizes = [256, 33], strides = [1, 1]} : vector<1024x33xf32> to vector<256x33xf32>
      %dot_general3A_1030 = arith.constant dense<0.000000e+00> : vector<256x33xf32>
      %dot_general3A_1031 = tpu.matmul %max3A_1028, %slice3A_1029, %dot_general3A_1030 {dimension_numbers = #tpu.dot_dimension_numbers<[1], [0], [0], [1], [0, 0, 1, 1], [], []>, transpose_lhs_hint = false} : vector<256x256xf32>, vector<256x33xf32>, vector<256x33xf32> -> vector<256x33xf32>
      %get3A_1032 = arith.constant 256 : index
      %get3A_1033 = arith.constant 0 : index
      %get3A_1034 = vector.load %arg9[%get3A_1032, %get3A_1033] : memref<1024x33xf32, #tpu.memory_space<vmem>>, vector<256x33xf32>
      %add3A_1035 = arith.addf %get3A_1034, %dot_general3A_1031 : vector<256x33xf32>
      %swap3A_1036 = arith.constant 256 : index
      %swap3A_1037 = arith.constant 0 : index
      %swap3A_1038 = vector.load %arg9[%swap3A_1036, %swap3A_1037] : memref<1024x33xf32, #tpu.memory_space<vmem>>, vector<256x33xf32>
      tpu.vector_store %arg9[%swap3A_1036, %swap3A_1037], %add3A_1035 {strides = array<i32>} : memref<1024x33xf32, #tpu.memory_space<vmem>>, vector<256x33xf32>,
    } else {
    }
    %gt3A_489 = arith.constant 256 : i32
    %gt3A_490 = arith.cmpi sgt, %get3A_1, %gt3A_489 : i32
    %gt3A_491 = arith.constant 512 : i32
    %gt3A_492 = arith.cmpi sgt, %get3A_1, %gt3A_491 : i32
    %and3A_493 = arith.andi %gt3A_490, %gt3A_492 : i1
    %convert_element_type3A_494 = arith.extui %and3A_493 : i1 to i32
    %cond3A_495 = arith.constant 0 : i32
    %cond3A_496 = arith.cmpi ne, %convert_element_type3A_494, %cond3A_495 : i32
    scf.if %cond3A_496 {
      %slice3A_1014 = vector.extract_strided_slice %exp3A_415 {offsets = [256], sizes = [256], strides = [1]} : vector<1024xf32> to vector<256xf32>
      %broadcast_in_dim3A_1015 = vector.shape_cast %slice3A_1014 : vector<256xf32> to vector<256x1xf32>
      %slice3A_1016 = vector.extract_strided_slice %select_n3A_426 {offsets = [512], sizes = [256], strides = [1]} : vector<1024xf32> to vector<256xf32>
      %broadcast_in_dim3A_1017 = vector.shape_cast %slice3A_1016 : vector<256xf32> to vector<1x256xf32>
      %mul3A_1018 = vector.broadcast %broadcast_in_dim3A_1015 : vector<256x1xf32> to vector<256x256xf32>
      %mul3A_1019 = vector.broadcast %broadcast_in_dim3A_1017 : vector<1x256xf32> to vector<256x256xf32>
      %mul3A_1020 = arith.mulf %mul3A_1018, %mul3A_1019 : vector<256x256xf32>
      %slice3A_1021 = vector.extract_strided_slice %exp3A_420 {offsets = [256], sizes = [256], strides = [1]} : vector<1024xf32> to vector<256xf32>
      %broadcast_in_dim3A_1022 = vector.shape_cast %slice3A_1021 : vector<256xf32> to vector<256x1xf32>
      %slice3A_1023 = vector.extract_strided_slice %select_n3A_433 {offsets = [512], sizes = [256], strides = [1]} : vector<1024xf32> to vector<256xf32>
      %broadcast_in_dim3A_1024 = vector.shape_cast %slice3A_1023 : vector<256xf32> to vector<1x256xf32>
      %mul3A_1025 = vector.broadcast %broadcast_in_dim3A_1022 : vector<256x1xf32> to vector<256x256xf32>
      %mul3A_1026 = vector.broadcast %broadcast_in_dim3A_1024 : vector<1x256xf32> to vector<256x256xf32>
      %mul3A_1027 = arith.mulf %mul3A_1025, %mul3A_1026 : vector<256x256xf32>
      %max3A_1028 = arith.maximumf %mul3A_1020, %mul3A_1027 : vector<256x256xf32>
      %slice3A_1029 = vector.extract_strided_slice %concatenate3A_435 {offsets = [512, 0], sizes = [256, 33], strides = [1, 1]} : vector<1024x33xf32> to vector<256x33xf32>
      %dot_general3A_1030 = arith.constant dense<0.000000e+00> : vector<256x33xf32>
      %dot_general3A_1031 = tpu.matmul %max3A_1028, %slice3A_1029, %dot_general3A_1030 {dimension_numbers = #tpu.dot_dimension_numbers<[1], [0], [0], [1], [0, 0, 1, 1], [], []>, transpose_lhs_hint = false} : vector<256x256xf32>, vector<256x33xf32>, vector<256x33xf32> -> vector<256x33xf32>
      %get3A_1032 = arith.constant 256 : index
      %get3A_1033 = arith.constant 0 : index
      %get3A_1034 = vector.load %arg9[%get3A_1032, %get3A_1033] : memref<1024x33xf32, #tpu.memory_space<vmem>>, vector<256x33xf32>
      %add3A_1035 = arith.addf %get3A_1034, %dot_general3A_1031 : vector<256x33xf32>
      %swap3A_1036 = arith.constant 256 : index
      %swap3A_1037 = arith.constant 0 : index
      %swap3A_1038 = vector.load %arg9[%swap3A_1036, %swap3A_1037] : memref<1024x33xf32, #tpu.memory_space<vmem>>, vector<256x33xf32>
      tpu.vector_store %arg9[%swap3A_1036, %swap3A_1037], %add3A_1035 {strides = array<i32>} : memref<1024x33xf32, #tpu.memory_space<vmem>>, vector<256x33xf32>,
    } else {
    }
    %gt3A_497 = arith.constant 256 : i32
    %gt3A_498 = arith.cmpi sgt, %get3A_1, %gt3A_497 : i32
    %gt3A_499 = arith.constant 768 : i32
    %gt3A_500 = arith.cmpi sgt, %get3A_1, %gt3A_499 : i32
    %and3A_501 = arith.andi %gt3A_498, %gt3A_500 : i1
    %convert_element_type3A_502 = arith.extui %and3A_501 : i1 to i32
    %cond3A_503 = arith.constant 0 : i32
    %cond3A_504 = arith.cmpi ne, %convert_element_type3A_502, %cond3A_503 : i32
    scf.if %cond3A_504 {
      %slice3A_1014 = vector.extract_strided_slice %exp3A_415 {offsets = [256], sizes = [256], strides = [1]} : vector<1024xf32> to vector<256xf32>
      %broadcast_in_dim3A_1015 = vector.shape_cast %slice3A_1014 : vector<256xf32> to vector<256x1xf32>
      %slice3A_1016 = vector.extract_strided_slice %select_n3A_426 {offsets = [768], sizes = [256], strides = [1]} : vector<1024xf32> to vector<256xf32>
      %broadcast_in_dim3A_1017 = vector.shape_cast %slice3A_1016 : vector<256xf32> to vector<1x256xf32>
      %mul3A_1018 = vector.broadcast %broadcast_in_dim3A_1015 : vector<256x1xf32> to vector<256x256xf32>
      %mul3A_1019 = vector.broadcast %broadcast_in_dim3A_1017 : vector<1x256xf32> to vector<256x256xf32>
      %mul3A_1020 = arith.mulf %mul3A_1018, %mul3A_1019 : vector<256x256xf32>
      %slice3A_1021 = vector.extract_strided_slice %exp3A_420 {offsets = [256], sizes = [256], strides = [1]} : vector<1024xf32> to vector<256xf32>
      %broadcast_in_dim3A_1022 = vector.shape_cast %slice3A_1021 : vector<256xf32> to vector<256x1xf32>
      %slice3A_1023 = vector.extract_strided_slice %select_n3A_433 {offsets = [768], sizes = [256], strides = [1]} : vector<1024xf32> to vector<256xf32>
      %broadcast_in_dim3A_1024 = vector.shape_cast %slice3A_1023 : vector<256xf32> to vector<1x256xf32>
      %mul3A_1025 = vector.broadcast %broadcast_in_dim3A_1022 : vector<256x1xf32> to vector<256x256xf32>
      %mul3A_1026 = vector.broadcast %broadcast_in_dim3A_1024 : vector<1x256xf32> to vector<256x256xf32>
      %mul3A_1027 = arith.mulf %mul3A_1025, %mul3A_1026 : vector<256x256xf32>
      %max3A_1028 = arith.maximumf %mul3A_1020, %mul3A_1027 : vector<256x256xf32>
      %slice3A_1029 = vector.extract_strided_slice %concatenate3A_435 {offsets = [768, 0], sizes = [256, 33], strides = [1, 1]} : vector<1024x33xf32> to vector<256x33xf32>
      %dot_general3A_1030 = arith.constant dense<0.000000e+00> : vector<256x33xf32>
      %dot_general3A_1031 = tpu.matmul %max3A_1028, %slice3A_1029, %dot_general3A_1030 {dimension_numbers = #tpu.dot_dimension_numbers<[1], [0], [0], [1], [0, 0, 1, 1], [], []>, transpose_lhs_hint = false} : vector<256x256xf32>, vector<256x33xf32>, vector<256x33xf32> -> vector<256x33xf32>
      %get3A_1032 = arith.constant 256 : index
      %get3A_1033 = arith.constant 0 : index
      %get3A_1034 = vector.load %arg9[%get3A_1032, %get3A_1033] : memref<1024x33xf32, #tpu.memory_space<vmem>>, vector<256x33xf32>
      %add3A_1035 = arith.addf %get3A_1034, %dot_general3A_1031 : vector<256x33xf32>
      %swap3A_1036 = arith.constant 256 : index
      %swap3A_1037 = arith.constant 0 : index
      %swap3A_1038 = vector.load %arg9[%swap3A_1036, %swap3A_1037] : memref<1024x33xf32, #tpu.memory_space<vmem>>, vector<256x33xf32>
      tpu.vector_store %arg9[%swap3A_1036, %swap3A_1037], %add3A_1035 {strides = array<i32>} : memref<1024x33xf32, #tpu.memory_space<vmem>>, vector<256x33xf32>,
    } else {
    }
    %gt3A_505 = arith.constant 512 : i32
    %gt3A_506 = arith.cmpi sgt, %get3A_1, %gt3A_505 : i32
    %gt3A_507 = arith.constant 0 : i32
    %gt3A_508 = arith.cmpi sgt, %get3A_1, %gt3A_507 : i32
    %and3A_509 = arith.andi %gt3A_506, %gt3A_508 : i1
    %convert_element_type3A_510 = arith.extui %and3A_509 : i1 to i32
    %cond3A_511 = arith.constant 0 : i32
    %cond3A_512 = arith.cmpi ne, %convert_element_type3A_510, %cond3A_511 : i32
    scf.if %cond3A_512 {
      %slice3A_1014 = vector.extract_strided_slice %exp3A_415 {offsets = [512], sizes = [256], strides = [1]} : vector<1024xf32> to vector<256xf32>
      %broadcast_in_dim3A_1015 = vector.shape_cast %slice3A_1014 : vector<256xf32> to vector<256x1xf32>
      %slice3A_1016 = vector.extract_strided_slice %select_n3A_426 {offsets = [0], sizes = [256], strides = [1]} : vector<1024xf32> to vector<256xf32>
      %broadcast_in_dim3A_1017 = vector.shape_cast %slice3A_1016 : vector<256xf32> to vector<1x256xf32>
      %mul3A_1018 = vector.broadcast %broadcast_in_dim3A_1015 : vector<256x1xf32> to vector<256x256xf32>
      %mul3A_1019 = vector.broadcast %broadcast_in_dim3A_1017 : vector<1x256xf32> to vector<256x256xf32>
      %mul3A_1020 = arith.mulf %mul3A_1018, %mul3A_1019 : vector<256x256xf32>
      %slice3A_1021 = vector.extract_strided_slice %exp3A_420 {offsets = [512], sizes = [256], strides = [1]} : vector<1024xf32> to vector<256xf32>
      %broadcast_in_dim3A_1022 = vector.shape_cast %slice3A_1021 : vector<256xf32> to vector<256x1xf32>
      %slice3A_1023 = vector.extract_strided_slice %select_n3A_433 {offsets = [0], sizes = [256], strides = [1]} : vector<1024xf32> to vector<256xf32>
      %broadcast_in_dim3A_1024 = vector.shape_cast %slice3A_1023 : vector<256xf32> to vector<1x256xf32>
      %mul3A_1025 = vector.broadcast %broadcast_in_dim3A_1022 : vector<256x1xf32> to vector<256x256xf32>
      %mul3A_1026 = vector.broadcast %broadcast_in_dim3A_1024 : vector<1x256xf32> to vector<256x256xf32>
      %mul3A_1027 = arith.mulf %mul3A_1025, %mul3A_1026 : vector<256x256xf32>
      %max3A_1028 = arith.maximumf %mul3A_1020, %mul3A_1027 : vector<256x256xf32>
      %slice3A_1029 = vector.extract_strided_slice %concatenate3A_435 {offsets = [0, 0], sizes = [256, 33], strides = [1, 1]} : vector<1024x33xf32> to vector<256x33xf32>
      %dot_general3A_1030 = arith.constant dense<0.000000e+00> : vector<256x33xf32>
      %dot_general3A_1031 = tpu.matmul %max3A_1028, %slice3A_1029, %dot_general3A_1030 {dimension_numbers = #tpu.dot_dimension_numbers<[1], [0], [0], [1], [0, 0, 1, 1], [], []>, transpose_lhs_hint = false} : vector<256x256xf32>, vector<256x33xf32>, vector<256x33xf32> -> vector<256x33xf32>
      %get3A_1032 = arith.constant 512 : index
      %get3A_1033 = arith.constant 0 : index
      %get3A_1034 = vector.load %arg9[%get3A_1032, %get3A_1033] : memref<1024x33xf32, #tpu.memory_space<vmem>>, vector<256x33xf32>
      %add3A_1035 = arith.addf %get3A_1034, %dot_general3A_1031 : vector<256x33xf32>
      %swap3A_1036 = arith.constant 512 : index
      %swap3A_1037 = arith.constant 0 : index
      %swap3A_1038 = vector.load %arg9[%swap3A_1036, %swap3A_1037] : memref<1024x33xf32, #tpu.memory_space<vmem>>, vector<256x33xf32>
      tpu.vector_store %arg9[%swap3A_1036, %swap3A_1037], %add3A_1035 {strides = array<i32>} : memref<1024x33xf32, #tpu.memory_space<vmem>>, vector<256x33xf32>,
    } else {
    }
    %gt3A_513 = arith.constant 512 : i32
    %gt3A_514 = arith.cmpi sgt, %get3A_1, %gt3A_513 : i32
    %gt3A_515 = arith.constant 256 : i32
    %gt3A_516 = arith.cmpi sgt, %get3A_1, %gt3A_515 : i32
    %and3A_517 = arith.andi %gt3A_514, %gt3A_516 : i1
    %convert_element_type3A_518 = arith.extui %and3A_517 : i1 to i32
    %cond3A_519 = arith.constant 0 : i32
    %cond3A_520 = arith.cmpi ne, %convert_element_type3A_518, %cond3A_519 : i32
    scf.if %cond3A_520 {
      %slice3A_1014 = vector.extract_strided_slice %exp3A_415 {offsets = [512], sizes = [256], strides = [1]} : vector<1024xf32> to vector<256xf32>
      %broadcast_in_dim3A_1015 = vector.shape_cast %slice3A_1014 : vector<256xf32> to vector<256x1xf32>
      %slice3A_1016 = vector.extract_strided_slice %select_n3A_426 {offsets = [256], sizes = [256], strides = [1]} : vector<1024xf32> to vector<256xf32>
      %broadcast_in_dim3A_1017 = vector.shape_cast %slice3A_1016 : vector<256xf32> to vector<1x256xf32>
      %mul3A_1018 = vector.broadcast %broadcast_in_dim3A_1015 : vector<256x1xf32> to vector<256x256xf32>
      %mul3A_1019 = vector.broadcast %broadcast_in_dim3A_1017 : vector<1x256xf32> to vector<256x256xf32>
      %mul3A_1020 = arith.mulf %mul3A_1018, %mul3A_1019 : vector<256x256xf32>
      %slice3A_1021 = vector.extract_strided_slice %exp3A_420 {offsets = [512], sizes = [256], strides = [1]} : vector<1024xf32> to vector<256xf32>
      %broadcast_in_dim3A_1022 = vector.shape_cast %slice3A_1021 : vector<256xf32> to vector<256x1xf32>
      %slice3A_1023 = vector.extract_strided_slice %select_n3A_433 {offsets = [256], sizes = [256], strides = [1]} : vector<1024xf32> to vector<256xf32>
      %broadcast_in_dim3A_1024 = vector.shape_cast %slice3A_1023 : vector<256xf32> to vector<1x256xf32>
      %mul3A_1025 = vector.broadcast %broadcast_in_dim3A_1022 : vector<256x1xf32> to vector<256x256xf32>
      %mul3A_1026 = vector.broadcast %broadcast_in_dim3A_1024 : vector<1x256xf32> to vector<256x256xf32>
      %mul3A_1027 = arith.mulf %mul3A_1025, %mul3A_1026 : vector<256x256xf32>
      %max3A_1028 = arith.maximumf %mul3A_1020, %mul3A_1027 : vector<256x256xf32>
      %slice3A_1029 = vector.extract_strided_slice %concatenate3A_435 {offsets = [256, 0], sizes = [256, 33], strides = [1, 1]} : vector<1024x33xf32> to vector<256x33xf32>
      %dot_general3A_1030 = arith.constant dense<0.000000e+00> : vector<256x33xf32>
      %dot_general3A_1031 = tpu.matmul %max3A_1028, %slice3A_1029, %dot_general3A_1030 {dimension_numbers = #tpu.dot_dimension_numbers<[1], [0], [0], [1], [0, 0, 1, 1], [], []>, transpose_lhs_hint = false} : vector<256x256xf32>, vector<256x33xf32>, vector<256x33xf32> -> vector<256x33xf32>
      %get3A_1032 = arith.constant 512 : index
      %get3A_1033 = arith.constant 0 : index
      %get3A_1034 = vector.load %arg9[%get3A_1032, %get3A_1033] : memref<1024x33xf32, #tpu.memory_space<vmem>>, vector<256x33xf32>
      %add3A_1035 = arith.addf %get3A_1034, %dot_general3A_1031 : vector<256x33xf32>
      %swap3A_1036 = arith.constant 512 : index
      %swap3A_1037 = arith.constant 0 : index
      %swap3A_1038 = vector.load %arg9[%swap3A_1036, %swap3A_1037] : memref<1024x33xf32, #tpu.memory_space<vmem>>, vector<256x33xf32>
      tpu.vector_store %arg9[%swap3A_1036, %swap3A_1037], %add3A_1035 {strides = array<i32>} : memref<1024x33xf32, #tpu.memory_space<vmem>>, vector<256x33xf32>,
    } else {
    }
    %gt3A_521 = arith.constant 512 : i32
    %gt3A_522 = arith.cmpi sgt, %get3A_1, %gt3A_521 : i32
    %gt3A_523 = arith.constant 512 : i32
    %gt3A_524 = arith.cmpi sgt, %get3A_1, %gt3A_523 : i32
    %and3A_525 = arith.andi %gt3A_522, %gt3A_524 : i1
    %convert_element_type3A_526 = arith.extui %and3A_525 : i1 to i32
    %cond3A_527 = arith.constant 0 : i32
    %cond3A_528 = arith.cmpi ne, %convert_element_type3A_526, %cond3A_527 : i32
    scf.if %cond3A_528 {
      %slice3A_1014 = vector.extract_strided_slice %exp3A_415 {offsets = [512], sizes = [256], strides = [1]} : vector<1024xf32> to vector<256xf32>
      %broadcast_in_dim3A_1015 = vector.shape_cast %slice3A_1014 : vector<256xf32> to vector<256x1xf32>
      %slice3A_1016 = vector.extract_strided_slice %select_n3A_426 {offsets = [512], sizes = [256], strides = [1]} : vector<1024xf32> to vector<256xf32>
      %broadcast_in_dim3A_1017 = vector.shape_cast %slice3A_1016 : vector<256xf32> to vector<1x256xf32>
      %mul3A_1018 = vector.broadcast %broadcast_in_dim3A_1015 : vector<256x1xf32> to vector<256x256xf32>
      %mul3A_1019 = vector.broadcast %broadcast_in_dim3A_1017 : vector<1x256xf32> to vector<256x256xf32>
      %mul3A_1020 = arith.mulf %mul3A_1018, %mul3A_1019 : vector<256x256xf32>
      %slice3A_1021 = vector.extract_strided_slice %exp3A_420 {offsets = [512], sizes = [256], strides = [1]} : vector<1024xf32> to vector<256xf32>
      %broadcast_in_dim3A_1022 = vector.shape_cast %slice3A_1021 : vector<256xf32> to vector<256x1xf32>
      %slice3A_1023 = vector.extract_strided_slice %select_n3A_433 {offsets = [512], sizes = [256], strides = [1]} : vector<1024xf32> to vector<256xf32>
      %broadcast_in_dim3A_1024 = vector.shape_cast %slice3A_1023 : vector<256xf32> to vector<1x256xf32>
      %mul3A_1025 = vector.broadcast %broadcast_in_dim3A_1022 : vector<256x1xf32> to vector<256x256xf32>
      %mul3A_1026 = vector.broadcast %broadcast_in_dim3A_1024 : vector<1x256xf32> to vector<256x256xf32>
      %mul3A_1027 = arith.mulf %mul3A_1025, %mul3A_1026 : vector<256x256xf32>
      %max3A_1028 = arith.maximumf %mul3A_1020, %mul3A_1027 : vector<256x256xf32>
      %slice3A_1029 = vector.extract_strided_slice %concatenate3A_435 {offsets = [512, 0], sizes = [256, 33], strides = [1, 1]} : vector<1024x33xf32> to vector<256x33xf32>
      %dot_general3A_1030 = arith.constant dense<0.000000e+00> : vector<256x33xf32>
      %dot_general3A_1031 = tpu.matmul %max3A_1028, %slice3A_1029, %dot_general3A_1030 {dimension_numbers = #tpu.dot_dimension_numbers<[1], [0], [0], [1], [0, 0, 1, 1], [], []>, transpose_lhs_hint = false} : vector<256x256xf32>, vector<256x33xf32>, vector<256x33xf32> -> vector<256x33xf32>
      %get3A_1032 = arith.constant 512 : index
      %get3A_1033 = arith.constant 0 : index
      %get3A_1034 = vector.load %arg9[%get3A_1032, %get3A_1033] : memref<1024x33xf32, #tpu.memory_space<vmem>>, vector<256x33xf32>
      %add3A_1035 = arith.addf %get3A_1034, %dot_general3A_1031 : vector<256x33xf32>
      %swap3A_1036 = arith.constant 512 : index
      %swap3A_1037 = arith.constant 0 : index
      %swap3A_1038 = vector.load %arg9[%swap3A_1036, %swap3A_1037] : memref<1024x33xf32, #tpu.memory_space<vmem>>, vector<256x33xf32>
      tpu.vector_store %arg9[%swap3A_1036, %swap3A_1037], %add3A_1035 {strides = array<i32>} : memref<1024x33xf32, #tpu.memory_space<vmem>>, vector<256x33xf32>,
    } else {
    }
    %gt3A_529 = arith.constant 512 : i32
    %gt3A_530 = arith.cmpi sgt, %get3A_1, %gt3A_529 : i32
    %gt3A_531 = arith.constant 768 : i32
    %gt3A_532 = arith.cmpi sgt, %get3A_1, %gt3A_531 : i32
    %and3A_533 = arith.andi %gt3A_530, %gt3A_532 : i1
    %convert_element_type3A_534 = arith.extui %and3A_533 : i1 to i32
    %cond3A_535 = arith.constant 0 : i32
    %cond3A_536 = arith.cmpi ne, %convert_element_type3A_534, %cond3A_535 : i32
    scf.if %cond3A_536 {
      %slice3A_1014 = vector.extract_strided_slice %exp3A_415 {offsets = [512], sizes = [256], strides = [1]} : vector<1024xf32> to vector<256xf32>
      %broadcast_in_dim3A_1015 = vector.shape_cast %slice3A_1014 : vector<256xf32> to vector<256x1xf32>
      %slice3A_1016 = vector.extract_strided_slice %select_n3A_426 {offsets = [768], sizes = [256], strides = [1]} : vector<1024xf32> to vector<256xf32>
      %broadcast_in_dim3A_1017 = vector.shape_cast %slice3A_1016 : vector<256xf32> to vector<1x256xf32>
      %mul3A_1018 = vector.broadcast %broadcast_in_dim3A_1015 : vector<256x1xf32> to vector<256x256xf32>
      %mul3A_1019 = vector.broadcast %broadcast_in_dim3A_1017 : vector<1x256xf32> to vector<256x256xf32>
      %mul3A_1020 = arith.mulf %mul3A_1018, %mul3A_1019 : vector<256x256xf32>
      %slice3A_1021 = vector.extract_strided_slice %exp3A_420 {offsets = [512], sizes = [256], strides = [1]} : vector<1024xf32> to vector<256xf32>
      %broadcast_in_dim3A_1022 = vector.shape_cast %slice3A_1021 : vector<256xf32> to vector<256x1xf32>
      %slice3A_1023 = vector.extract_strided_slice %select_n3A_433 {offsets = [768], sizes = [256], strides = [1]} : vector<1024xf32> to vector<256xf32>
      %broadcast_in_dim3A_1024 = vector.shape_cast %slice3A_1023 : vector<256xf32> to vector<1x256xf32>
      %mul3A_1025 = vector.broadcast %broadcast_in_dim3A_1022 : vector<256x1xf32> to vector<256x256xf32>
      %mul3A_1026 = vector.broadcast %broadcast_in_dim3A_1024 : vector<1x256xf32> to vector<256x256xf32>
      %mul3A_1027 = arith.mulf %mul3A_1025, %mul3A_1026 : vector<256x256xf32>
      %max3A_1028 = arith.maximumf %mul3A_1020, %mul3A_1027 : vector<256x256xf32>
      %slice3A_1029 = vector.extract_strided_slice %concatenate3A_435 {offsets = [768, 0], sizes = [256, 33], strides = [1, 1]} : vector<1024x33xf32> to vector<256x33xf32>
      %dot_general3A_1030 = arith.constant dense<0.000000e+00> : vector<256x33xf32>
      %dot_general3A_1031 = tpu.matmul %max3A_1028, %slice3A_1029, %dot_general3A_1030 {dimension_numbers = #tpu.dot_dimension_numbers<[1], [0], [0], [1], [0, 0, 1, 1], [], []>, transpose_lhs_hint = false} : vector<256x256xf32>, vector<256x33xf32>, vector<256x33xf32> -> vector<256x33xf32>
      %get3A_1032 = arith.constant 512 : index
      %get3A_1033 = arith.constant 0 : index
      %get3A_1034 = vector.load %arg9[%get3A_1032, %get3A_1033] : memref<1024x33xf32, #tpu.memory_space<vmem>>, vector<256x33xf32>
      %add3A_1035 = arith.addf %get3A_1034, %dot_general3A_1031 : vector<256x33xf32>
      %swap3A_1036 = arith.constant 512 : index
      %swap3A_1037 = arith.constant 0 : index
      %swap3A_1038 = vector.load %arg9[%swap3A_1036, %swap3A_1037] : memref<1024x33xf32, #tpu.memory_space<vmem>>, vector<256x33xf32>
      tpu.vector_store %arg9[%swap3A_1036, %swap3A_1037], %add3A_1035 {strides = array<i32>} : memref<1024x33xf32, #tpu.memory_space<vmem>>, vector<256x33xf32>,
    } else {
    }
    %gt3A_537 = arith.constant 768 : i32
    %gt3A_538 = arith.cmpi sgt, %get3A_1, %gt3A_537 : i32
    %gt3A_539 = arith.constant 0 : i32
    %gt3A_540 = arith.cmpi sgt, %get3A_1, %gt3A_539 : i32
    %and3A_541 = arith.andi %gt3A_538, %gt3A_540 : i1
    %convert_element_type3A_542 = arith.extui %and3A_541 : i1 to i32
    %cond3A_543 = arith.constant 0 : i32
    %cond3A_544 = arith.cmpi ne, %convert_element_type3A_542, %cond3A_543 : i32
    scf.if %cond3A_544 {
      %slice3A_1014 = vector.extract_strided_slice %exp3A_415 {offsets = [768], sizes = [256], strides = [1]} : vector<1024xf32> to vector<256xf32>
      %broadcast_in_dim3A_1015 = vector.shape_cast %slice3A_1014 : vector<256xf32> to vector<256x1xf32>
      %slice3A_1016 = vector.extract_strided_slice %select_n3A_426 {offsets = [0], sizes = [256], strides = [1]} : vector<1024xf32> to vector<256xf32>
      %broadcast_in_dim3A_1017 = vector.shape_cast %slice3A_1016 : vector<256xf32> to vector<1x256xf32>
      %mul3A_1018 = vector.broadcast %broadcast_in_dim3A_1015 : vector<256x1xf32> to vector<256x256xf32>
      %mul3A_1019 = vector.broadcast %broadcast_in_dim3A_1017 : vector<1x256xf32> to vector<256x256xf32>
      %mul3A_1020 = arith.mulf %mul3A_1018, %mul3A_1019 : vector<256x256xf32>
      %slice3A_1021 = vector.extract_strided_slice %exp3A_420 {offsets = [768], sizes = [256], strides = [1]} : vector<1024xf32> to vector<256xf32>
      %broadcast_in_dim3A_1022 = vector.shape_cast %slice3A_1021 : vector<256xf32> to vector<256x1xf32>
      %slice3A_1023 = vector.extract_strided_slice %select_n3A_433 {offsets = [0], sizes = [256], strides = [1]} : vector<1024xf32> to vector<256xf32>
      %broadcast_in_dim3A_1024 = vector.shape_cast %slice3A_1023 : vector<256xf32> to vector<1x256xf32>
      %mul3A_1025 = vector.broadcast %broadcast_in_dim3A_1022 : vector<256x1xf32> to vector<256x256xf32>
      %mul3A_1026 = vector.broadcast %broadcast_in_dim3A_1024 : vector<1x256xf32> to vector<256x256xf32>
      %mul3A_1027 = arith.mulf %mul3A_1025, %mul3A_1026 : vector<256x256xf32>
      %max3A_1028 = arith.maximumf %mul3A_1020, %mul3A_1027 : vector<256x256xf32>
      %slice3A_1029 = vector.extract_strided_slice %concatenate3A_435 {offsets = [0, 0], sizes = [256, 33], strides = [1, 1]} : vector<1024x33xf32> to vector<256x33xf32>
      %dot_general3A_1030 = arith.constant dense<0.000000e+00> : vector<256x33xf32>
      %dot_general3A_1031 = tpu.matmul %max3A_1028, %slice3A_1029, %dot_general3A_1030 {dimension_numbers = #tpu.dot_dimension_numbers<[1], [0], [0], [1], [0, 0, 1, 1], [], []>, transpose_lhs_hint = false} : vector<256x256xf32>, vector<256x33xf32>, vector<256x33xf32> -> vector<256x33xf32>
      %get3A_1032 = arith.constant 768 : index
      %get3A_1033 = arith.constant 0 : index
      %get3A_1034 = vector.load %arg9[%get3A_1032, %get3A_1033] : memref<1024x33xf32, #tpu.memory_space<vmem>>, vector<256x33xf32>
      %add3A_1035 = arith.addf %get3A_1034, %dot_general3A_1031 : vector<256x33xf32>
      %swap3A_1036 = arith.constant 768 : index
      %swap3A_1037 = arith.constant 0 : index
      %swap3A_1038 = vector.load %arg9[%swap3A_1036, %swap3A_1037] : memref<1024x33xf32, #tpu.memory_space<vmem>>, vector<256x33xf32>
      tpu.vector_store %arg9[%swap3A_1036, %swap3A_1037], %add3A_1035 {strides = array<i32>} : memref<1024x33xf32, #tpu.memory_space<vmem>>, vector<256x33xf32>,
    } else {
    }
    %gt3A_545 = arith.constant 768 : i32
    %gt3A_546 = arith.cmpi sgt, %get3A_1, %gt3A_545 : i32
    %gt3A_547 = arith.constant 256 : i32
    %gt3A_548 = arith.cmpi sgt, %get3A_1, %gt3A_547 : i32
    %and3A_549 = arith.andi %gt3A_546, %gt3A_548 : i1
    %convert_element_type3A_550 = arith.extui %and3A_549 : i1 to i32
    %cond3A_551 = arith.constant 0 : i32
    %cond3A_552 = arith.cmpi ne, %convert_element_type3A_550, %cond3A_551 : i32
    scf.if %cond3A_552 {
      %slice3A_1014 = vector.extract_strided_slice %exp3A_415 {offsets = [768], sizes = [256], strides = [1]} : vector<1024xf32> to vector<256xf32>
      %broadcast_in_dim3A_1015 = vector.shape_cast %slice3A_1014 : vector<256xf32> to vector<256x1xf32>
      %slice3A_1016 = vector.extract_strided_slice %select_n3A_426 {offsets = [256], sizes = [256], strides = [1]} : vector<1024xf32> to vector<256xf32>
      %broadcast_in_dim3A_1017 = vector.shape_cast %slice3A_1016 : vector<256xf32> to vector<1x256xf32>
      %mul3A_1018 = vector.broadcast %broadcast_in_dim3A_1015 : vector<256x1xf32> to vector<256x256xf32>
      %mul3A_1019 = vector.broadcast %broadcast_in_dim3A_1017 : vector<1x256xf32> to vector<256x256xf32>
      %mul3A_1020 = arith.mulf %mul3A_1018, %mul3A_1019 : vector<256x256xf32>
      %slice3A_1021 = vector.extract_strided_slice %exp3A_420 {offsets = [768], sizes = [256], strides = [1]} : vector<1024xf32> to vector<256xf32>
      %broadcast_in_dim3A_1022 = vector.shape_cast %slice3A_1021 : vector<256xf32> to vector<256x1xf32>
      %slice3A_1023 = vector.extract_strided_slice %select_n3A_433 {offsets = [256], sizes = [256], strides = [1]} : vector<1024xf32> to vector<256xf32>
      %broadcast_in_dim3A_1024 = vector.shape_cast %slice3A_1023 : vector<256xf32> to vector<1x256xf32>
      %mul3A_1025 = vector.broadcast %broadcast_in_dim3A_1022 : vector<256x1xf32> to vector<256x256xf32>
      %mul3A_1026 = vector.broadcast %broadcast_in_dim3A_1024 : vector<1x256xf32> to vector<256x256xf32>
      %mul3A_1027 = arith.mulf %mul3A_1025, %mul3A_1026 : vector<256x256xf32>
      %max3A_1028 = arith.maximumf %mul3A_1020, %mul3A_1027 : vector<256x256xf32>
      %slice3A_1029 = vector.extract_strided_slice %concatenate3A_435 {offsets = [256, 0], sizes = [256, 33], strides = [1, 1]} : vector<1024x33xf32> to vector<256x33xf32>
      %dot_general3A_1030 = arith.constant dense<0.000000e+00> : vector<256x33xf32>
      %dot_general3A_1031 = tpu.matmul %max3A_1028, %slice3A_1029, %dot_general3A_1030 {dimension_numbers = #tpu.dot_dimension_numbers<[1], [0], [0], [1], [0, 0, 1, 1], [], []>, transpose_lhs_hint = false} : vector<256x256xf32>, vector<256x33xf32>, vector<256x33xf32> -> vector<256x33xf32>
      %get3A_1032 = arith.constant 768 : index
      %get3A_1033 = arith.constant 0 : index
      %get3A_1034 = vector.load %arg9[%get3A_1032, %get3A_1033] : memref<1024x33xf32, #tpu.memory_space<vmem>>, vector<256x33xf32>
      %add3A_1035 = arith.addf %get3A_1034, %dot_general3A_1031 : vector<256x33xf32>
      %swap3A_1036 = arith.constant 768 : index
      %swap3A_1037 = arith.constant 0 : index
      %swap3A_1038 = vector.load %arg9[%swap3A_1036, %swap3A_1037] : memref<1024x33xf32, #tpu.memory_space<vmem>>, vector<256x33xf32>
      tpu.vector_store %arg9[%swap3A_1036, %swap3A_1037], %add3A_1035 {strides = array<i32>} : memref<1024x33xf32, #tpu.memory_space<vmem>>, vector<256x33xf32>,
    } else {
    }
    %gt3A_553 = arith.constant 768 : i32
    %gt3A_554 = arith.cmpi sgt, %get3A_1, %gt3A_553 : i32
    %gt3A_555 = arith.constant 512 : i32
    %gt3A_556 = arith.cmpi sgt, %get3A_1, %gt3A_555 : i32
    %and3A_557 = arith.andi %gt3A_554, %gt3A_556 : i1
    %convert_element_type3A_558 = arith.extui %and3A_557 : i1 to i32
    %cond3A_559 = arith.constant 0 : i32
    %cond3A_560 = arith.cmpi ne, %convert_element_type3A_558, %cond3A_559 : i32
    scf.if %cond3A_560 {
      %slice3A_1014 = vector.extract_strided_slice %exp3A_415 {offsets = [768], sizes = [256], strides = [1]} : vector<1024xf32> to vector<256xf32>
      %broadcast_in_dim3A_1015 = vector.shape_cast %slice3A_1014 : vector<256xf32> to vector<256x1xf32>
      %slice3A_1016 = vector.extract_strided_slice %select_n3A_426 {offsets = [512], sizes = [256], strides = [1]} : vector<1024xf32> to vector<256xf32>
      %broadcast_in_dim3A_1017 = vector.shape_cast %slice3A_1016 : vector<256xf32> to vector<1x256xf32>
      %mul3A_1018 = vector.broadcast %broadcast_in_dim3A_1015 : vector<256x1xf32> to vector<256x256xf32>
      %mul3A_1019 = vector.broadcast %broadcast_in_dim3A_1017 : vector<1x256xf32> to vector<256x256xf32>
      %mul3A_1020 = arith.mulf %mul3A_1018, %mul3A_1019 : vector<256x256xf32>
      %slice3A_1021 = vector.extract_strided_slice %exp3A_420 {offsets = [768], sizes = [256], strides = [1]} : vector<1024xf32> to vector<256xf32>
      %broadcast_in_dim3A_1022 = vector.shape_cast %slice3A_1021 : vector<256xf32> to vector<256x1xf32>
      %slice3A_1023 = vector.extract_strided_slice %select_n3A_433 {offsets = [512], sizes = [256], strides = [1]} : vector<1024xf32> to vector<256xf32>
      %broadcast_in_dim3A_1024 = vector.shape_cast %slice3A_1023 : vector<256xf32> to vector<1x256xf32>
      %mul3A_1025 = vector.broadcast %broadcast_in_dim3A_1022 : vector<256x1xf32> to vector<256x256xf32>
      %mul3A_1026 = vector.broadcast %broadcast_in_dim3A_1024 : vector<1x256xf32> to vector<256x256xf32>
      %mul3A_1027 = arith.mulf %mul3A_1025, %mul3A_1026 : vector<256x256xf32>
      %max3A_1028 = arith.maximumf %mul3A_1020, %mul3A_1027 : vector<256x256xf32>
      %slice3A_1029 = vector.extract_strided_slice %concatenate3A_435 {offsets = [512, 0], sizes = [256, 33], strides = [1, 1]} : vector<1024x33xf32> to vector<256x33xf32>
      %dot_general3A_1030 = arith.constant dense<0.000000e+00> : vector<256x33xf32>
      %dot_general3A_1031 = tpu.matmul %max3A_1028, %slice3A_1029, %dot_general3A_1030 {dimension_numbers = #tpu.dot_dimension_numbers<[1], [0], [0], [1], [0, 0, 1, 1], [], []>, transpose_lhs_hint = false} : vector<256x256xf32>, vector<256x33xf32>, vector<256x33xf32> -> vector<256x33xf32>
      %get3A_1032 = arith.constant 768 : index
      %get3A_1033 = arith.constant 0 : index
      %get3A_1034 = vector.load %arg9[%get3A_1032, %get3A_1033] : memref<1024x33xf32, #tpu.memory_space<vmem>>, vector<256x33xf32>
      %add3A_1035 = arith.addf %get3A_1034, %dot_general3A_1031 : vector<256x33xf32>
      %swap3A_1036 = arith.constant 768 : index
      %swap3A_1037 = arith.constant 0 : index
      %swap3A_1038 = vector.load %arg9[%swap3A_1036, %swap3A_1037] : memref<1024x33xf32, #tpu.memory_space<vmem>>, vector<256x33xf32>
      tpu.vector_store %arg9[%swap3A_1036, %swap3A_1037], %add3A_1035 {strides = array<i32>} : memref<1024x33xf32, #tpu.memory_space<vmem>>, vector<256x33xf32>,
    } else {
    }
    %gt3A_561 = arith.constant 768 : i32
    %gt3A_562 = arith.cmpi sgt, %get3A_1, %gt3A_561 : i32
    %gt3A_563 = arith.constant 768 : i32
    %gt3A_564 = arith.cmpi sgt, %get3A_1, %gt3A_563 : i32
    %and3A_565 = arith.andi %gt3A_562, %gt3A_564 : i1
    %convert_element_type3A_566 = arith.extui %and3A_565 : i1 to i32
    %cond3A_567 = arith.constant 0 : i32
    %cond3A_568 = arith.cmpi ne, %convert_element_type3A_566, %cond3A_567 : i32
    scf.if %cond3A_568 {
      %slice3A_1014 = vector.extract_strided_slice %exp3A_415 {offsets = [768], sizes = [256], strides = [1]} : vector<1024xf32> to vector<256xf32>
      %broadcast_in_dim3A_1015 = vector.shape_cast %slice3A_1014 : vector<256xf32> to vector<256x1xf32>
      %slice3A_1016 = vector.extract_strided_slice %select_n3A_426 {offsets = [768], sizes = [256], strides = [1]} : vector<1024xf32> to vector<256xf32>
      %broadcast_in_dim3A_1017 = vector.shape_cast %slice3A_1016 : vector<256xf32> to vector<1x256xf32>
      %mul3A_1018 = vector.broadcast %broadcast_in_dim3A_1015 : vector<256x1xf32> to vector<256x256xf32>
      %mul3A_1019 = vector.broadcast %broadcast_in_dim3A_1017 : vector<1x256xf32> to vector<256x256xf32>
      %mul3A_1020 = arith.mulf %mul3A_1018, %mul3A_1019 : vector<256x256xf32>
      %slice3A_1021 = vector.extract_strided_slice %exp3A_420 {offsets = [768], sizes = [256], strides = [1]} : vector<1024xf32> to vector<256xf32>
      %broadcast_in_dim3A_1022 = vector.shape_cast %slice3A_1021 : vector<256xf32> to vector<256x1xf32>
      %slice3A_1023 = vector.extract_strided_slice %select_n3A_433 {offsets = [768], sizes = [256], strides = [1]} : vector<1024xf32> to vector<256xf32>
      %broadcast_in_dim3A_1024 = vector.shape_cast %slice3A_1023 : vector<256xf32> to vector<1x256xf32>
      %mul3A_1025 = vector.broadcast %broadcast_in_dim3A_1022 : vector<256x1xf32> to vector<256x256xf32>
      %mul3A_1026 = vector.broadcast %broadcast_in_dim3A_1024 : vector<1x256xf32> to vector<256x256xf32>
      %mul3A_1027 = arith.mulf %mul3A_1025, %mul3A_1026 : vector<256x256xf32>
      %max3A_1028 = arith.maximumf %mul3A_1020, %mul3A_1027 : vector<256x256xf32>
      %slice3A_1029 = vector.extract_strided_slice %concatenate3A_435 {offsets = [768, 0], sizes = [256, 33], strides = [1, 1]} : vector<1024x33xf32> to vector<256x33xf32>
      %dot_general3A_1030 = arith.constant dense<0.000000e+00> : vector<256x33xf32>
      %dot_general3A_1031 = tpu.matmul %max3A_1028, %slice3A_1029, %dot_general3A_1030 {dimension_numbers = #tpu.dot_dimension_numbers<[1], [0], [0], [1], [0, 0, 1, 1], [], []>, transpose_lhs_hint = false} : vector<256x256xf32>, vector<256x33xf32>, vector<256x33xf32> -> vector<256x33xf32>
      %get3A_1032 = arith.constant 768 : index
      %get3A_1033 = arith.constant 0 : index
      %get3A_1034 = vector.load %arg9[%get3A_1032, %get3A_1033] : memref<1024x33xf32, #tpu.memory_space<vmem>>, vector<256x33xf32>
      %add3A_1035 = arith.addf %get3A_1034, %dot_general3A_1031 : vector<256x33xf32>
      %swap3A_1036 = arith.constant 768 : index
      %swap3A_1037 = arith.constant 0 : index
      %swap3A_1038 = vector.load %arg9[%swap3A_1036, %swap3A_1037] : memref<1024x33xf32, #tpu.memory_space<vmem>>, vector<256x33xf32>
      tpu.vector_store %arg9[%swap3A_1036, %swap3A_1037], %add3A_1035 {strides = array<i32>} : memref<1024x33xf32, #tpu.memory_space<vmem>>, vector<256x33xf32>,
    } else {
    }
    %get3A_569 = arith.constant 0 : index
    %get3A_570 = arith.constant 0 : index
    %get3A_571 = vector.load %arg9[%get3A_569, %get3A_570] : memref<1024x33xf32, #tpu.memory_space<vmem>>, vector<1024x33xf32>
    %slice3A_572 = vector.extract_strided_slice %get3A_571 {offsets = [0, 32], sizes = [1024, 1], strides = [1, 1]} : vector<1024x33xf32> to vector<1024x1xf32>
    %max3A_573 = arith.constant 1.000000e-30 : f32
    %max3A_574 = vector.broadcast %max3A_573 : f32 to vector<1024x1xf32>
    %max3A_575 = arith.maximumf %slice3A_572, %max3A_574 : vector<1024x1xf32>
    %slice3A_576 = vector.extract_strided_slice %get3A_571 {offsets = [0, 0], sizes = [1024, 32], strides = [1, 1]} : vector<1024x33xf32> to vector<1024x32xf32>
    %div3A_577 = vector.broadcast %max3A_575 : vector<1024x1xf32> to vector<1024x32xf32>
    %div3A_578 = arith.divf %slice3A_576, %div3A_577 : vector<1024x32xf32>
    %gt3A_579 = arith.constant 0.000000e+00 : f32
    %gt3A_580 = vector.broadcast %gt3A_579 : f32 to vector<1024x32xf32>
    %gt3A_581 = arith.cmpf ogt, %div3A_578, %gt3A_580 : vector<1024x32xf32>
    %min3A_582 = arith.constant 0.000000e+00 : f32
    %min3A_583 = vector.broadcast %min3A_582 : f32 to vector<1024x32xf32>
    %min3A_584 = arith.minimumf %div3A_578, %min3A_583 : vector<1024x32xf32>
    %exp3A_585 = math.exp %min3A_584 : vector<1024x32xf32>
    %sub3A_586 = arith.constant 1.000000e+00 : f32
    %sub3A_587 = vector.broadcast %sub3A_586 : f32 to vector<1024x32xf32>
    %sub3A_588 = arith.subf %exp3A_585, %sub3A_587 : vector<1024x32xf32>
    %select_n3A_589 = arith.select %gt3A_581, %div3A_578, %sub3A_588 : vector<1024x32xi1>, vector<1024x32xf32>
    %slice3A_590 = vector.extract_strided_slice %dot_general3A_24 {offsets = [0, 3], sizes = [1024, 1], strides = [1, 1]} : vector<1024x8xf32> to vector<1024x1xf32>
    %squeeze3A_591 = vector.shape_cast %slice3A_590 : vector<1024x1xf32> to vector<1024xf32>
    %slice3A_592 = vector.extract_strided_slice %dot_general3A_24 {offsets = [0, 7], sizes = [1024, 1], strides = [1, 1]} : vector<1024x8xf32> to vector<1024x1xf32>
    %squeeze3A_593 = vector.shape_cast %slice3A_592 : vector<1024x1xf32> to vector<1024xf32>
    %jit3A_594 = arith.constant -1.000000e+30 : f32
    %broadcast_in_dim3A_595 = vector.broadcast %jit3A_594 : f32 to vector<1024xf32>
    %select_n3A_596 = arith.select %lt3A_15, %squeeze3A_593, %broadcast_in_dim3A_595 : vector<1024xi1>, vector<1024xf32>
    %reduce_max3A_597 = vector.shape_cast %select_n3A_596 : vector<1024xf32> to vector<1x1024xf32>
    %reduce_max3A_598 = arith.constant dense<0xFF800000> : vector<1xf32>
    %reduce_max3A_599 = vector.multi_reduction <maximumf>, %reduce_max3A_597, %reduce_max3A_598 [1] : vector<1x1024xf32> to vector<1xf32>
    %reduce_max3A_600 = vector.shape_cast %reduce_max3A_599 : vector<1xf32> to vector<1x1xf32>
    %reduce_max3A_601 = vector.extract %reduce_max3A_600[0, 0] : f32 from vector<1x1xf32>
    %add3A_602 = vector.broadcast %reduce_max3A_601 : f32 to vector<1024xf32>
    %add3A_603 = arith.addf %squeeze3A_591, %add3A_602 : vector<1024xf32>
    %mul3A_604 = arith.constant 2.000000e-01 : f32
    %mul3A_605 = vector.broadcast %mul3A_604 : f32 to vector<1024xf32>
    %mul3A_606 = arith.mulf %mul3A_605, %add3A_603 : vector<1024xf32>
    %max3A_607 = arith.maximumf %add3A_603, %mul3A_606 : vector<1024xf32>
    %sub3A_608 = arith.subf %add3A_603, %max3A_607 : vector<1024xf32>
    %exp3A_609 = math.exp %sub3A_608 : vector<1024xf32>
    %mul3A_610 = arith.constant 2.000000e-01 : f32
    %mul3A_611 = vector.broadcast %mul3A_610 : f32 to vector<1024xf32>
    %mul3A_612 = arith.mulf %mul3A_611, %add3A_603 : vector<1024xf32>
    %sub3A_613 = arith.subf %mul3A_612, %max3A_607 : vector<1024xf32>
    %exp3A_614 = math.exp %sub3A_613 : vector<1024xf32>
    %sub3A_615 = vector.broadcast %reduce_max3A_601 : f32 to vector<1024xf32>
    %sub3A_616 = arith.subf %squeeze3A_593, %sub3A_615 : vector<1024xf32>
    %exp3A_617 = math.exp %sub3A_616 : vector<1024xf32>
    %jit3A_618 = arith.constant 0.000000e+00 : f32
    %broadcast_in_dim3A_619 = vector.broadcast %jit3A_618 : f32 to vector<1024xf32>
    %select_n3A_620 = arith.select %lt3A_15, %exp3A_617, %broadcast_in_dim3A_619 : vector<1024xi1>, vector<1024xf32>
    %mul3A_621 = arith.constant 2.000000e-01 : f32
    %mul3A_622 = vector.broadcast %mul3A_621 : f32 to vector<1024xf32>
    %mul3A_623 = arith.mulf %mul3A_622, %sub3A_616 : vector<1024xf32>
    %exp3A_624 = math.exp %mul3A_623 : vector<1024xf32>
    %jit3A_625 = arith.constant 0.000000e+00 : f32
    %broadcast_in_dim3A_626 = vector.broadcast %jit3A_625 : f32 to vector<1024xf32>
    %select_n3A_627 = arith.select %lt3A_15, %exp3A_624, %broadcast_in_dim3A_626 : vector<1024xi1>, vector<1024xf32>
    %slice3A_628 = vector.extract_strided_slice %dot_general3A_19 {offsets = [0, 96], sizes = [1024, 32], strides = [1, 1]} : vector<1024x128xf32> to vector<1024x32xf32>
    %concatenate3A_629 = tpu.concatenate %slice3A_628, %broadcast_in_dim3A_13 in 1 : vector<1024x32xf32>, vector<1024x1xf32> -> vector<1024x33xf32>
    %broadcast_in_dim3A_630 = arith.constant 0.000000e+00 : f32
    %broadcast_in_dim3A_631 = vector.broadcast %broadcast_in_dim3A_630 : f32 to vector<1024x33xf32>
    %swap3A_632 = arith.constant 0 : index
    %swap3A_633 = arith.constant 0 : index
    %swap3A_634 = vector.load %arg9[%swap3A_632, %swap3A_633] : memref<1024x33xf32, #tpu.memory_space<vmem>>, vector<1024x33xf32>
    tpu.vector_store %arg9[%swap3A_632, %swap3A_633], %broadcast_in_dim3A_631 {strides = array<i32>} : memref<1024x33xf32, #tpu.memory_space<vmem>>, vector<1024x33xf32>,
    %gt3A_635 = arith.constant 0 : i32
    %gt3A_636 = arith.cmpi sgt, %get3A_1, %gt3A_635 : i32
    %gt3A_637 = arith.constant 0 : i32
    %gt3A_638 = arith.cmpi sgt, %get3A_1, %gt3A_637 : i32
    %and3A_639 = arith.andi %gt3A_636, %gt3A_638 : i1
    %convert_element_type3A_640 = arith.extui %and3A_639 : i1 to i32
    %cond3A_641 = arith.constant 0 : i32
    %cond3A_642 = arith.cmpi ne, %convert_element_type3A_640, %cond3A_641 : i32
    scf.if %cond3A_642 {
      %slice3A_1014 = vector.extract_strided_slice %exp3A_609 {offsets = [0], sizes = [256], strides = [1]} : vector<1024xf32> to vector<256xf32>
      %broadcast_in_dim3A_1015 = vector.shape_cast %slice3A_1014 : vector<256xf32> to vector<256x1xf32>
      %slice3A_1016 = vector.extract_strided_slice %select_n3A_620 {offsets = [0], sizes = [256], strides = [1]} : vector<1024xf32> to vector<256xf32>
      %broadcast_in_dim3A_1017 = vector.shape_cast %slice3A_1016 : vector<256xf32> to vector<1x256xf32>
      %mul3A_1018 = vector.broadcast %broadcast_in_dim3A_1015 : vector<256x1xf32> to vector<256x256xf32>
      %mul3A_1019 = vector.broadcast %broadcast_in_dim3A_1017 : vector<1x256xf32> to vector<256x256xf32>
      %mul3A_1020 = arith.mulf %mul3A_1018, %mul3A_1019 : vector<256x256xf32>
      %slice3A_1021 = vector.extract_strided_slice %exp3A_614 {offsets = [0], sizes = [256], strides = [1]} : vector<1024xf32> to vector<256xf32>
      %broadcast_in_dim3A_1022 = vector.shape_cast %slice3A_1021 : vector<256xf32> to vector<256x1xf32>
      %slice3A_1023 = vector.extract_strided_slice %select_n3A_627 {offsets = [0], sizes = [256], strides = [1]} : vector<1024xf32> to vector<256xf32>
      %broadcast_in_dim3A_1024 = vector.shape_cast %slice3A_1023 : vector<256xf32> to vector<1x256xf32>
      %mul3A_1025 = vector.broadcast %broadcast_in_dim3A_1022 : vector<256x1xf32> to vector<256x256xf32>
      %mul3A_1026 = vector.broadcast %broadcast_in_dim3A_1024 : vector<1x256xf32> to vector<256x256xf32>
      %mul3A_1027 = arith.mulf %mul3A_1025, %mul3A_1026 : vector<256x256xf32>
      %max3A_1028 = arith.maximumf %mul3A_1020, %mul3A_1027 : vector<256x256xf32>
      %slice3A_1029 = vector.extract_strided_slice %concatenate3A_629 {offsets = [0, 0], sizes = [256, 33], strides = [1, 1]} : vector<1024x33xf32> to vector<256x33xf32>
      %dot_general3A_1030 = arith.constant dense<0.000000e+00> : vector<256x33xf32>
      %dot_general3A_1031 = tpu.matmul %max3A_1028, %slice3A_1029, %dot_general3A_1030 {dimension_numbers = #tpu.dot_dimension_numbers<[1], [0], [0], [1], [0, 0, 1, 1], [], []>, transpose_lhs_hint = false} : vector<256x256xf32>, vector<256x33xf32>, vector<256x33xf32> -> vector<256x33xf32>
      %get3A_1032 = arith.constant 0 : index
      %get3A_1033 = arith.constant 0 : index
      %get3A_1034 = vector.load %arg9[%get3A_1032, %get3A_1033] : memref<1024x33xf32, #tpu.memory_space<vmem>>, vector<256x33xf32>
      %add3A_1035 = arith.addf %get3A_1034, %dot_general3A_1031 : vector<256x33xf32>
      %swap3A_1036 = arith.constant 0 : index
      %swap3A_1037 = arith.constant 0 : index
      %swap3A_1038 = vector.load %arg9[%swap3A_1036, %swap3A_1037] : memref<1024x33xf32, #tpu.memory_space<vmem>>, vector<256x33xf32>
      tpu.vector_store %arg9[%swap3A_1036, %swap3A_1037], %add3A_1035 {strides = array<i32>} : memref<1024x33xf32, #tpu.memory_space<vmem>>, vector<256x33xf32>,
    } else {
    }
    %gt3A_643 = arith.constant 0 : i32
    %gt3A_644 = arith.cmpi sgt, %get3A_1, %gt3A_643 : i32
    %gt3A_645 = arith.constant 256 : i32
    %gt3A_646 = arith.cmpi sgt, %get3A_1, %gt3A_645 : i32
    %and3A_647 = arith.andi %gt3A_644, %gt3A_646 : i1
    %convert_element_type3A_648 = arith.extui %and3A_647 : i1 to i32
    %cond3A_649 = arith.constant 0 : i32
    %cond3A_650 = arith.cmpi ne, %convert_element_type3A_648, %cond3A_649 : i32
    scf.if %cond3A_650 {
      %slice3A_1014 = vector.extract_strided_slice %exp3A_609 {offsets = [0], sizes = [256], strides = [1]} : vector<1024xf32> to vector<256xf32>
      %broadcast_in_dim3A_1015 = vector.shape_cast %slice3A_1014 : vector<256xf32> to vector<256x1xf32>
      %slice3A_1016 = vector.extract_strided_slice %select_n3A_620 {offsets = [256], sizes = [256], strides = [1]} : vector<1024xf32> to vector<256xf32>
      %broadcast_in_dim3A_1017 = vector.shape_cast %slice3A_1016 : vector<256xf32> to vector<1x256xf32>
      %mul3A_1018 = vector.broadcast %broadcast_in_dim3A_1015 : vector<256x1xf32> to vector<256x256xf32>
      %mul3A_1019 = vector.broadcast %broadcast_in_dim3A_1017 : vector<1x256xf32> to vector<256x256xf32>
      %mul3A_1020 = arith.mulf %mul3A_1018, %mul3A_1019 : vector<256x256xf32>
      %slice3A_1021 = vector.extract_strided_slice %exp3A_614 {offsets = [0], sizes = [256], strides = [1]} : vector<1024xf32> to vector<256xf32>
      %broadcast_in_dim3A_1022 = vector.shape_cast %slice3A_1021 : vector<256xf32> to vector<256x1xf32>
      %slice3A_1023 = vector.extract_strided_slice %select_n3A_627 {offsets = [256], sizes = [256], strides = [1]} : vector<1024xf32> to vector<256xf32>
      %broadcast_in_dim3A_1024 = vector.shape_cast %slice3A_1023 : vector<256xf32> to vector<1x256xf32>
      %mul3A_1025 = vector.broadcast %broadcast_in_dim3A_1022 : vector<256x1xf32> to vector<256x256xf32>
      %mul3A_1026 = vector.broadcast %broadcast_in_dim3A_1024 : vector<1x256xf32> to vector<256x256xf32>
      %mul3A_1027 = arith.mulf %mul3A_1025, %mul3A_1026 : vector<256x256xf32>
      %max3A_1028 = arith.maximumf %mul3A_1020, %mul3A_1027 : vector<256x256xf32>
      %slice3A_1029 = vector.extract_strided_slice %concatenate3A_629 {offsets = [256, 0], sizes = [256, 33], strides = [1, 1]} : vector<1024x33xf32> to vector<256x33xf32>
      %dot_general3A_1030 = arith.constant dense<0.000000e+00> : vector<256x33xf32>
      %dot_general3A_1031 = tpu.matmul %max3A_1028, %slice3A_1029, %dot_general3A_1030 {dimension_numbers = #tpu.dot_dimension_numbers<[1], [0], [0], [1], [0, 0, 1, 1], [], []>, transpose_lhs_hint = false} : vector<256x256xf32>, vector<256x33xf32>, vector<256x33xf32> -> vector<256x33xf32>
      %get3A_1032 = arith.constant 0 : index
      %get3A_1033 = arith.constant 0 : index
      %get3A_1034 = vector.load %arg9[%get3A_1032, %get3A_1033] : memref<1024x33xf32, #tpu.memory_space<vmem>>, vector<256x33xf32>
      %add3A_1035 = arith.addf %get3A_1034, %dot_general3A_1031 : vector<256x33xf32>
      %swap3A_1036 = arith.constant 0 : index
      %swap3A_1037 = arith.constant 0 : index
      %swap3A_1038 = vector.load %arg9[%swap3A_1036, %swap3A_1037] : memref<1024x33xf32, #tpu.memory_space<vmem>>, vector<256x33xf32>
      tpu.vector_store %arg9[%swap3A_1036, %swap3A_1037], %add3A_1035 {strides = array<i32>} : memref<1024x33xf32, #tpu.memory_space<vmem>>, vector<256x33xf32>,
    } else {
    }
    %gt3A_651 = arith.constant 0 : i32
    %gt3A_652 = arith.cmpi sgt, %get3A_1, %gt3A_651 : i32
    %gt3A_653 = arith.constant 512 : i32
    %gt3A_654 = arith.cmpi sgt, %get3A_1, %gt3A_653 : i32
    %and3A_655 = arith.andi %gt3A_652, %gt3A_654 : i1
    %convert_element_type3A_656 = arith.extui %and3A_655 : i1 to i32
    %cond3A_657 = arith.constant 0 : i32
    %cond3A_658 = arith.cmpi ne, %convert_element_type3A_656, %cond3A_657 : i32
    scf.if %cond3A_658 {
      %slice3A_1014 = vector.extract_strided_slice %exp3A_609 {offsets = [0], sizes = [256], strides = [1]} : vector<1024xf32> to vector<256xf32>
      %broadcast_in_dim3A_1015 = vector.shape_cast %slice3A_1014 : vector<256xf32> to vector<256x1xf32>
      %slice3A_1016 = vector.extract_strided_slice %select_n3A_620 {offsets = [512], sizes = [256], strides = [1]} : vector<1024xf32> to vector<256xf32>
      %broadcast_in_dim3A_1017 = vector.shape_cast %slice3A_1016 : vector<256xf32> to vector<1x256xf32>
      %mul3A_1018 = vector.broadcast %broadcast_in_dim3A_1015 : vector<256x1xf32> to vector<256x256xf32>
      %mul3A_1019 = vector.broadcast %broadcast_in_dim3A_1017 : vector<1x256xf32> to vector<256x256xf32>
      %mul3A_1020 = arith.mulf %mul3A_1018, %mul3A_1019 : vector<256x256xf32>
      %slice3A_1021 = vector.extract_strided_slice %exp3A_614 {offsets = [0], sizes = [256], strides = [1]} : vector<1024xf32> to vector<256xf32>
      %broadcast_in_dim3A_1022 = vector.shape_cast %slice3A_1021 : vector<256xf32> to vector<256x1xf32>
      %slice3A_1023 = vector.extract_strided_slice %select_n3A_627 {offsets = [512], sizes = [256], strides = [1]} : vector<1024xf32> to vector<256xf32>
      %broadcast_in_dim3A_1024 = vector.shape_cast %slice3A_1023 : vector<256xf32> to vector<1x256xf32>
      %mul3A_1025 = vector.broadcast %broadcast_in_dim3A_1022 : vector<256x1xf32> to vector<256x256xf32>
      %mul3A_1026 = vector.broadcast %broadcast_in_dim3A_1024 : vector<1x256xf32> to vector<256x256xf32>
      %mul3A_1027 = arith.mulf %mul3A_1025, %mul3A_1026 : vector<256x256xf32>
      %max3A_1028 = arith.maximumf %mul3A_1020, %mul3A_1027 : vector<256x256xf32>
      %slice3A_1029 = vector.extract_strided_slice %concatenate3A_629 {offsets = [512, 0], sizes = [256, 33], strides = [1, 1]} : vector<1024x33xf32> to vector<256x33xf32>
      %dot_general3A_1030 = arith.constant dense<0.000000e+00> : vector<256x33xf32>
      %dot_general3A_1031 = tpu.matmul %max3A_1028, %slice3A_1029, %dot_general3A_1030 {dimension_numbers = #tpu.dot_dimension_numbers<[1], [0], [0], [1], [0, 0, 1, 1], [], []>, transpose_lhs_hint = false} : vector<256x256xf32>, vector<256x33xf32>, vector<256x33xf32> -> vector<256x33xf32>
      %get3A_1032 = arith.constant 0 : index
      %get3A_1033 = arith.constant 0 : index
      %get3A_1034 = vector.load %arg9[%get3A_1032, %get3A_1033] : memref<1024x33xf32, #tpu.memory_space<vmem>>, vector<256x33xf32>
      %add3A_1035 = arith.addf %get3A_1034, %dot_general3A_1031 : vector<256x33xf32>
      %swap3A_1036 = arith.constant 0 : index
      %swap3A_1037 = arith.constant 0 : index
      %swap3A_1038 = vector.load %arg9[%swap3A_1036, %swap3A_1037] : memref<1024x33xf32, #tpu.memory_space<vmem>>, vector<256x33xf32>
      tpu.vector_store %arg9[%swap3A_1036, %swap3A_1037], %add3A_1035 {strides = array<i32>} : memref<1024x33xf32, #tpu.memory_space<vmem>>, vector<256x33xf32>,
    } else {
    }
    %gt3A_659 = arith.constant 0 : i32
    %gt3A_660 = arith.cmpi sgt, %get3A_1, %gt3A_659 : i32
    %gt3A_661 = arith.constant 768 : i32
    %gt3A_662 = arith.cmpi sgt, %get3A_1, %gt3A_661 : i32
    %and3A_663 = arith.andi %gt3A_660, %gt3A_662 : i1
    %convert_element_type3A_664 = arith.extui %and3A_663 : i1 to i32
    %cond3A_665 = arith.constant 0 : i32
    %cond3A_666 = arith.cmpi ne, %convert_element_type3A_664, %cond3A_665 : i32
    scf.if %cond3A_666 {
      %slice3A_1014 = vector.extract_strided_slice %exp3A_609 {offsets = [0], sizes = [256], strides = [1]} : vector<1024xf32> to vector<256xf32>
      %broadcast_in_dim3A_1015 = vector.shape_cast %slice3A_1014 : vector<256xf32> to vector<256x1xf32>
      %slice3A_1016 = vector.extract_strided_slice %select_n3A_620 {offsets = [768], sizes = [256], strides = [1]} : vector<1024xf32> to vector<256xf32>
      %broadcast_in_dim3A_1017 = vector.shape_cast %slice3A_1016 : vector<256xf32> to vector<1x256xf32>
      %mul3A_1018 = vector.broadcast %broadcast_in_dim3A_1015 : vector<256x1xf32> to vector<256x256xf32>
      %mul3A_1019 = vector.broadcast %broadcast_in_dim3A_1017 : vector<1x256xf32> to vector<256x256xf32>
      %mul3A_1020 = arith.mulf %mul3A_1018, %mul3A_1019 : vector<256x256xf32>
      %slice3A_1021 = vector.extract_strided_slice %exp3A_614 {offsets = [0], sizes = [256], strides = [1]} : vector<1024xf32> to vector<256xf32>
      %broadcast_in_dim3A_1022 = vector.shape_cast %slice3A_1021 : vector<256xf32> to vector<256x1xf32>
      %slice3A_1023 = vector.extract_strided_slice %select_n3A_627 {offsets = [768], sizes = [256], strides = [1]} : vector<1024xf32> to vector<256xf32>
      %broadcast_in_dim3A_1024 = vector.shape_cast %slice3A_1023 : vector<256xf32> to vector<1x256xf32>
      %mul3A_1025 = vector.broadcast %broadcast_in_dim3A_1022 : vector<256x1xf32> to vector<256x256xf32>
      %mul3A_1026 = vector.broadcast %broadcast_in_dim3A_1024 : vector<1x256xf32> to vector<256x256xf32>
      %mul3A_1027 = arith.mulf %mul3A_1025, %mul3A_1026 : vector<256x256xf32>
      %max3A_1028 = arith.maximumf %mul3A_1020, %mul3A_1027 : vector<256x256xf32>
      %slice3A_1029 = vector.extract_strided_slice %concatenate3A_629 {offsets = [768, 0], sizes = [256, 33], strides = [1, 1]} : vector<1024x33xf32> to vector<256x33xf32>
      %dot_general3A_1030 = arith.constant dense<0.000000e+00> : vector<256x33xf32>
      %dot_general3A_1031 = tpu.matmul %max3A_1028, %slice3A_1029, %dot_general3A_1030 {dimension_numbers = #tpu.dot_dimension_numbers<[1], [0], [0], [1], [0, 0, 1, 1], [], []>, transpose_lhs_hint = false} : vector<256x256xf32>, vector<256x33xf32>, vector<256x33xf32> -> vector<256x33xf32>
      %get3A_1032 = arith.constant 0 : index
      %get3A_1033 = arith.constant 0 : index
      %get3A_1034 = vector.load %arg9[%get3A_1032, %get3A_1033] : memref<1024x33xf32, #tpu.memory_space<vmem>>, vector<256x33xf32>
      %add3A_1035 = arith.addf %get3A_1034, %dot_general3A_1031 : vector<256x33xf32>
      %swap3A_1036 = arith.constant 0 : index
      %swap3A_1037 = arith.constant 0 : index
      %swap3A_1038 = vector.load %arg9[%swap3A_1036, %swap3A_1037] : memref<1024x33xf32, #tpu.memory_space<vmem>>, vector<256x33xf32>
      tpu.vector_store %arg9[%swap3A_1036, %swap3A_1037], %add3A_1035 {strides = array<i32>} : memref<1024x33xf32, #tpu.memory_space<vmem>>, vector<256x33xf32>,
    } else {
    }
    %gt3A_667 = arith.constant 256 : i32
    %gt3A_668 = arith.cmpi sgt, %get3A_1, %gt3A_667 : i32
    %gt3A_669 = arith.constant 0 : i32
    %gt3A_670 = arith.cmpi sgt, %get3A_1, %gt3A_669 : i32
    %and3A_671 = arith.andi %gt3A_668, %gt3A_670 : i1
    %convert_element_type3A_672 = arith.extui %and3A_671 : i1 to i32
    %cond3A_673 = arith.constant 0 : i32
    %cond3A_674 = arith.cmpi ne, %convert_element_type3A_672, %cond3A_673 : i32
    scf.if %cond3A_674 {
      %slice3A_1014 = vector.extract_strided_slice %exp3A_609 {offsets = [256], sizes = [256], strides = [1]} : vector<1024xf32> to vector<256xf32>
      %broadcast_in_dim3A_1015 = vector.shape_cast %slice3A_1014 : vector<256xf32> to vector<256x1xf32>
      %slice3A_1016 = vector.extract_strided_slice %select_n3A_620 {offsets = [0], sizes = [256], strides = [1]} : vector<1024xf32> to vector<256xf32>
      %broadcast_in_dim3A_1017 = vector.shape_cast %slice3A_1016 : vector<256xf32> to vector<1x256xf32>
      %mul3A_1018 = vector.broadcast %broadcast_in_dim3A_1015 : vector<256x1xf32> to vector<256x256xf32>
      %mul3A_1019 = vector.broadcast %broadcast_in_dim3A_1017 : vector<1x256xf32> to vector<256x256xf32>
      %mul3A_1020 = arith.mulf %mul3A_1018, %mul3A_1019 : vector<256x256xf32>
      %slice3A_1021 = vector.extract_strided_slice %exp3A_614 {offsets = [256], sizes = [256], strides = [1]} : vector<1024xf32> to vector<256xf32>
      %broadcast_in_dim3A_1022 = vector.shape_cast %slice3A_1021 : vector<256xf32> to vector<256x1xf32>
      %slice3A_1023 = vector.extract_strided_slice %select_n3A_627 {offsets = [0], sizes = [256], strides = [1]} : vector<1024xf32> to vector<256xf32>
      %broadcast_in_dim3A_1024 = vector.shape_cast %slice3A_1023 : vector<256xf32> to vector<1x256xf32>
      %mul3A_1025 = vector.broadcast %broadcast_in_dim3A_1022 : vector<256x1xf32> to vector<256x256xf32>
      %mul3A_1026 = vector.broadcast %broadcast_in_dim3A_1024 : vector<1x256xf32> to vector<256x256xf32>
      %mul3A_1027 = arith.mulf %mul3A_1025, %mul3A_1026 : vector<256x256xf32>
      %max3A_1028 = arith.maximumf %mul3A_1020, %mul3A_1027 : vector<256x256xf32>
      %slice3A_1029 = vector.extract_strided_slice %concatenate3A_629 {offsets = [0, 0], sizes = [256, 33], strides = [1, 1]} : vector<1024x33xf32> to vector<256x33xf32>
      %dot_general3A_1030 = arith.constant dense<0.000000e+00> : vector<256x33xf32>
      %dot_general3A_1031 = tpu.matmul %max3A_1028, %slice3A_1029, %dot_general3A_1030 {dimension_numbers = #tpu.dot_dimension_numbers<[1], [0], [0], [1], [0, 0, 1, 1], [], []>, transpose_lhs_hint = false} : vector<256x256xf32>, vector<256x33xf32>, vector<256x33xf32> -> vector<256x33xf32>
      %get3A_1032 = arith.constant 256 : index
      %get3A_1033 = arith.constant 0 : index
      %get3A_1034 = vector.load %arg9[%get3A_1032, %get3A_1033] : memref<1024x33xf32, #tpu.memory_space<vmem>>, vector<256x33xf32>
      %add3A_1035 = arith.addf %get3A_1034, %dot_general3A_1031 : vector<256x33xf32>
      %swap3A_1036 = arith.constant 256 : index
      %swap3A_1037 = arith.constant 0 : index
      %swap3A_1038 = vector.load %arg9[%swap3A_1036, %swap3A_1037] : memref<1024x33xf32, #tpu.memory_space<vmem>>, vector<256x33xf32>
      tpu.vector_store %arg9[%swap3A_1036, %swap3A_1037], %add3A_1035 {strides = array<i32>} : memref<1024x33xf32, #tpu.memory_space<vmem>>, vector<256x33xf32>,
    } else {
    }
    %gt3A_675 = arith.constant 256 : i32
    %gt3A_676 = arith.cmpi sgt, %get3A_1, %gt3A_675 : i32
    %gt3A_677 = arith.constant 256 : i32
    %gt3A_678 = arith.cmpi sgt, %get3A_1, %gt3A_677 : i32
    %and3A_679 = arith.andi %gt3A_676, %gt3A_678 : i1
    %convert_element_type3A_680 = arith.extui %and3A_679 : i1 to i32
    %cond3A_681 = arith.constant 0 : i32
    %cond3A_682 = arith.cmpi ne, %convert_element_type3A_680, %cond3A_681 : i32
    scf.if %cond3A_682 {
      %slice3A_1014 = vector.extract_strided_slice %exp3A_609 {offsets = [256], sizes = [256], strides = [1]} : vector<1024xf32> to vector<256xf32>
      %broadcast_in_dim3A_1015 = vector.shape_cast %slice3A_1014 : vector<256xf32> to vector<256x1xf32>
      %slice3A_1016 = vector.extract_strided_slice %select_n3A_620 {offsets = [256], sizes = [256], strides = [1]} : vector<1024xf32> to vector<256xf32>
      %broadcast_in_dim3A_1017 = vector.shape_cast %slice3A_1016 : vector<256xf32> to vector<1x256xf32>
      %mul3A_1018 = vector.broadcast %broadcast_in_dim3A_1015 : vector<256x1xf32> to vector<256x256xf32>
      %mul3A_1019 = vector.broadcast %broadcast_in_dim3A_1017 : vector<1x256xf32> to vector<256x256xf32>
      %mul3A_1020 = arith.mulf %mul3A_1018, %mul3A_1019 : vector<256x256xf32>
      %slice3A_1021 = vector.extract_strided_slice %exp3A_614 {offsets = [256], sizes = [256], strides = [1]} : vector<1024xf32> to vector<256xf32>
      %broadcast_in_dim3A_1022 = vector.shape_cast %slice3A_1021 : vector<256xf32> to vector<256x1xf32>
      %slice3A_1023 = vector.extract_strided_slice %select_n3A_627 {offsets = [256], sizes = [256], strides = [1]} : vector<1024xf32> to vector<256xf32>
      %broadcast_in_dim3A_1024 = vector.shape_cast %slice3A_1023 : vector<256xf32> to vector<1x256xf32>
      %mul3A_1025 = vector.broadcast %broadcast_in_dim3A_1022 : vector<256x1xf32> to vector<256x256xf32>
      %mul3A_1026 = vector.broadcast %broadcast_in_dim3A_1024 : vector<1x256xf32> to vector<256x256xf32>
      %mul3A_1027 = arith.mulf %mul3A_1025, %mul3A_1026 : vector<256x256xf32>
      %max3A_1028 = arith.maximumf %mul3A_1020, %mul3A_1027 : vector<256x256xf32>
      %slice3A_1029 = vector.extract_strided_slice %concatenate3A_629 {offsets = [256, 0], sizes = [256, 33], strides = [1, 1]} : vector<1024x33xf32> to vector<256x33xf32>
      %dot_general3A_1030 = arith.constant dense<0.000000e+00> : vector<256x33xf32>
      %dot_general3A_1031 = tpu.matmul %max3A_1028, %slice3A_1029, %dot_general3A_1030 {dimension_numbers = #tpu.dot_dimension_numbers<[1], [0], [0], [1], [0, 0, 1, 1], [], []>, transpose_lhs_hint = false} : vector<256x256xf32>, vector<256x33xf32>, vector<256x33xf32> -> vector<256x33xf32>
      %get3A_1032 = arith.constant 256 : index
      %get3A_1033 = arith.constant 0 : index
      %get3A_1034 = vector.load %arg9[%get3A_1032, %get3A_1033] : memref<1024x33xf32, #tpu.memory_space<vmem>>, vector<256x33xf32>
      %add3A_1035 = arith.addf %get3A_1034, %dot_general3A_1031 : vector<256x33xf32>
      %swap3A_1036 = arith.constant 256 : index
      %swap3A_1037 = arith.constant 0 : index
      %swap3A_1038 = vector.load %arg9[%swap3A_1036, %swap3A_1037] : memref<1024x33xf32, #tpu.memory_space<vmem>>, vector<256x33xf32>
      tpu.vector_store %arg9[%swap3A_1036, %swap3A_1037], %add3A_1035 {strides = array<i32>} : memref<1024x33xf32, #tpu.memory_space<vmem>>, vector<256x33xf32>,
    } else {
    }
    %gt3A_683 = arith.constant 256 : i32
    %gt3A_684 = arith.cmpi sgt, %get3A_1, %gt3A_683 : i32
    %gt3A_685 = arith.constant 512 : i32
    %gt3A_686 = arith.cmpi sgt, %get3A_1, %gt3A_685 : i32
    %and3A_687 = arith.andi %gt3A_684, %gt3A_686 : i1
    %convert_element_type3A_688 = arith.extui %and3A_687 : i1 to i32
    %cond3A_689 = arith.constant 0 : i32
    %cond3A_690 = arith.cmpi ne, %convert_element_type3A_688, %cond3A_689 : i32
    scf.if %cond3A_690 {
      %slice3A_1014 = vector.extract_strided_slice %exp3A_609 {offsets = [256], sizes = [256], strides = [1]} : vector<1024xf32> to vector<256xf32>
      %broadcast_in_dim3A_1015 = vector.shape_cast %slice3A_1014 : vector<256xf32> to vector<256x1xf32>
      %slice3A_1016 = vector.extract_strided_slice %select_n3A_620 {offsets = [512], sizes = [256], strides = [1]} : vector<1024xf32> to vector<256xf32>
      %broadcast_in_dim3A_1017 = vector.shape_cast %slice3A_1016 : vector<256xf32> to vector<1x256xf32>
      %mul3A_1018 = vector.broadcast %broadcast_in_dim3A_1015 : vector<256x1xf32> to vector<256x256xf32>
      %mul3A_1019 = vector.broadcast %broadcast_in_dim3A_1017 : vector<1x256xf32> to vector<256x256xf32>
      %mul3A_1020 = arith.mulf %mul3A_1018, %mul3A_1019 : vector<256x256xf32>
      %slice3A_1021 = vector.extract_strided_slice %exp3A_614 {offsets = [256], sizes = [256], strides = [1]} : vector<1024xf32> to vector<256xf32>
      %broadcast_in_dim3A_1022 = vector.shape_cast %slice3A_1021 : vector<256xf32> to vector<256x1xf32>
      %slice3A_1023 = vector.extract_strided_slice %select_n3A_627 {offsets = [512], sizes = [256], strides = [1]} : vector<1024xf32> to vector<256xf32>
      %broadcast_in_dim3A_1024 = vector.shape_cast %slice3A_1023 : vector<256xf32> to vector<1x256xf32>
      %mul3A_1025 = vector.broadcast %broadcast_in_dim3A_1022 : vector<256x1xf32> to vector<256x256xf32>
      %mul3A_1026 = vector.broadcast %broadcast_in_dim3A_1024 : vector<1x256xf32> to vector<256x256xf32>
      %mul3A_1027 = arith.mulf %mul3A_1025, %mul3A_1026 : vector<256x256xf32>
      %max3A_1028 = arith.maximumf %mul3A_1020, %mul3A_1027 : vector<256x256xf32>
      %slice3A_1029 = vector.extract_strided_slice %concatenate3A_629 {offsets = [512, 0], sizes = [256, 33], strides = [1, 1]} : vector<1024x33xf32> to vector<256x33xf32>
      %dot_general3A_1030 = arith.constant dense<0.000000e+00> : vector<256x33xf32>
      %dot_general3A_1031 = tpu.matmul %max3A_1028, %slice3A_1029, %dot_general3A_1030 {dimension_numbers = #tpu.dot_dimension_numbers<[1], [0], [0], [1], [0, 0, 1, 1], [], []>, transpose_lhs_hint = false} : vector<256x256xf32>, vector<256x33xf32>, vector<256x33xf32> -> vector<256x33xf32>
      %get3A_1032 = arith.constant 256 : index
      %get3A_1033 = arith.constant 0 : index
      %get3A_1034 = vector.load %arg9[%get3A_1032, %get3A_1033] : memref<1024x33xf32, #tpu.memory_space<vmem>>, vector<256x33xf32>
      %add3A_1035 = arith.addf %get3A_1034, %dot_general3A_1031 : vector<256x33xf32>
      %swap3A_1036 = arith.constant 256 : index
      %swap3A_1037 = arith.constant 0 : index
      %swap3A_1038 = vector.load %arg9[%swap3A_1036, %swap3A_1037] : memref<1024x33xf32, #tpu.memory_space<vmem>>, vector<256x33xf32>
      tpu.vector_store %arg9[%swap3A_1036, %swap3A_1037], %add3A_1035 {strides = array<i32>} : memref<1024x33xf32, #tpu.memory_space<vmem>>, vector<256x33xf32>,
    } else {
    }
    %gt3A_691 = arith.constant 256 : i32
    %gt3A_692 = arith.cmpi sgt, %get3A_1, %gt3A_691 : i32
    %gt3A_693 = arith.constant 768 : i32
    %gt3A_694 = arith.cmpi sgt, %get3A_1, %gt3A_693 : i32
    %and3A_695 = arith.andi %gt3A_692, %gt3A_694 : i1
    %convert_element_type3A_696 = arith.extui %and3A_695 : i1 to i32
    %cond3A_697 = arith.constant 0 : i32
    %cond3A_698 = arith.cmpi ne, %convert_element_type3A_696, %cond3A_697 : i32
    scf.if %cond3A_698 {
      %slice3A_1014 = vector.extract_strided_slice %exp3A_609 {offsets = [256], sizes = [256], strides = [1]} : vector<1024xf32> to vector<256xf32>
      %broadcast_in_dim3A_1015 = vector.shape_cast %slice3A_1014 : vector<256xf32> to vector<256x1xf32>
      %slice3A_1016 = vector.extract_strided_slice %select_n3A_620 {offsets = [768], sizes = [256], strides = [1]} : vector<1024xf32> to vector<256xf32>
      %broadcast_in_dim3A_1017 = vector.shape_cast %slice3A_1016 : vector<256xf32> to vector<1x256xf32>
      %mul3A_1018 = vector.broadcast %broadcast_in_dim3A_1015 : vector<256x1xf32> to vector<256x256xf32>
      %mul3A_1019 = vector.broadcast %broadcast_in_dim3A_1017 : vector<1x256xf32> to vector<256x256xf32>
      %mul3A_1020 = arith.mulf %mul3A_1018, %mul3A_1019 : vector<256x256xf32>
      %slice3A_1021 = vector.extract_strided_slice %exp3A_614 {offsets = [256], sizes = [256], strides = [1]} : vector<1024xf32> to vector<256xf32>
      %broadcast_in_dim3A_1022 = vector.shape_cast %slice3A_1021 : vector<256xf32> to vector<256x1xf32>
      %slice3A_1023 = vector.extract_strided_slice %select_n3A_627 {offsets = [768], sizes = [256], strides = [1]} : vector<1024xf32> to vector<256xf32>
      %broadcast_in_dim3A_1024 = vector.shape_cast %slice3A_1023 : vector<256xf32> to vector<1x256xf32>
      %mul3A_1025 = vector.broadcast %broadcast_in_dim3A_1022 : vector<256x1xf32> to vector<256x256xf32>
      %mul3A_1026 = vector.broadcast %broadcast_in_dim3A_1024 : vector<1x256xf32> to vector<256x256xf32>
      %mul3A_1027 = arith.mulf %mul3A_1025, %mul3A_1026 : vector<256x256xf32>
      %max3A_1028 = arith.maximumf %mul3A_1020, %mul3A_1027 : vector<256x256xf32>
      %slice3A_1029 = vector.extract_strided_slice %concatenate3A_629 {offsets = [768, 0], sizes = [256, 33], strides = [1, 1]} : vector<1024x33xf32> to vector<256x33xf32>
      %dot_general3A_1030 = arith.constant dense<0.000000e+00> : vector<256x33xf32>
      %dot_general3A_1031 = tpu.matmul %max3A_1028, %slice3A_1029, %dot_general3A_1030 {dimension_numbers = #tpu.dot_dimension_numbers<[1], [0], [0], [1], [0, 0, 1, 1], [], []>, transpose_lhs_hint = false} : vector<256x256xf32>, vector<256x33xf32>, vector<256x33xf32> -> vector<256x33xf32>
      %get3A_1032 = arith.constant 256 : index
      %get3A_1033 = arith.constant 0 : index
      %get3A_1034 = vector.load %arg9[%get3A_1032, %get3A_1033] : memref<1024x33xf32, #tpu.memory_space<vmem>>, vector<256x33xf32>
      %add3A_1035 = arith.addf %get3A_1034, %dot_general3A_1031 : vector<256x33xf32>
      %swap3A_1036 = arith.constant 256 : index
      %swap3A_1037 = arith.constant 0 : index
      %swap3A_1038 = vector.load %arg9[%swap3A_1036, %swap3A_1037] : memref<1024x33xf32, #tpu.memory_space<vmem>>, vector<256x33xf32>
      tpu.vector_store %arg9[%swap3A_1036, %swap3A_1037], %add3A_1035 {strides = array<i32>} : memref<1024x33xf32, #tpu.memory_space<vmem>>, vector<256x33xf32>,
    } else {
    }
    %gt3A_699 = arith.constant 512 : i32
    %gt3A_700 = arith.cmpi sgt, %get3A_1, %gt3A_699 : i32
    %gt3A_701 = arith.constant 0 : i32
    %gt3A_702 = arith.cmpi sgt, %get3A_1, %gt3A_701 : i32
    %and3A_703 = arith.andi %gt3A_700, %gt3A_702 : i1
    %convert_element_type3A_704 = arith.extui %and3A_703 : i1 to i32
    %cond3A_705 = arith.constant 0 : i32
    %cond3A_706 = arith.cmpi ne, %convert_element_type3A_704, %cond3A_705 : i32
    scf.if %cond3A_706 {
      %slice3A_1014 = vector.extract_strided_slice %exp3A_609 {offsets = [512], sizes = [256], strides = [1]} : vector<1024xf32> to vector<256xf32>
      %broadcast_in_dim3A_1015 = vector.shape_cast %slice3A_1014 : vector<256xf32> to vector<256x1xf32>
      %slice3A_1016 = vector.extract_strided_slice %select_n3A_620 {offsets = [0], sizes = [256], strides = [1]} : vector<1024xf32> to vector<256xf32>
      %broadcast_in_dim3A_1017 = vector.shape_cast %slice3A_1016 : vector<256xf32> to vector<1x256xf32>
      %mul3A_1018 = vector.broadcast %broadcast_in_dim3A_1015 : vector<256x1xf32> to vector<256x256xf32>
      %mul3A_1019 = vector.broadcast %broadcast_in_dim3A_1017 : vector<1x256xf32> to vector<256x256xf32>
      %mul3A_1020 = arith.mulf %mul3A_1018, %mul3A_1019 : vector<256x256xf32>
      %slice3A_1021 = vector.extract_strided_slice %exp3A_614 {offsets = [512], sizes = [256], strides = [1]} : vector<1024xf32> to vector<256xf32>
      %broadcast_in_dim3A_1022 = vector.shape_cast %slice3A_1021 : vector<256xf32> to vector<256x1xf32>
      %slice3A_1023 = vector.extract_strided_slice %select_n3A_627 {offsets = [0], sizes = [256], strides = [1]} : vector<1024xf32> to vector<256xf32>
      %broadcast_in_dim3A_1024 = vector.shape_cast %slice3A_1023 : vector<256xf32> to vector<1x256xf32>
      %mul3A_1025 = vector.broadcast %broadcast_in_dim3A_1022 : vector<256x1xf32> to vector<256x256xf32>
      %mul3A_1026 = vector.broadcast %broadcast_in_dim3A_1024 : vector<1x256xf32> to vector<256x256xf32>
      %mul3A_1027 = arith.mulf %mul3A_1025, %mul3A_1026 : vector<256x256xf32>
      %max3A_1028 = arith.maximumf %mul3A_1020, %mul3A_1027 : vector<256x256xf32>
      %slice3A_1029 = vector.extract_strided_slice %concatenate3A_629 {offsets = [0, 0], sizes = [256, 33], strides = [1, 1]} : vector<1024x33xf32> to vector<256x33xf32>
      %dot_general3A_1030 = arith.constant dense<0.000000e+00> : vector<256x33xf32>
      %dot_general3A_1031 = tpu.matmul %max3A_1028, %slice3A_1029, %dot_general3A_1030 {dimension_numbers = #tpu.dot_dimension_numbers<[1], [0], [0], [1], [0, 0, 1, 1], [], []>, transpose_lhs_hint = false} : vector<256x256xf32>, vector<256x33xf32>, vector<256x33xf32> -> vector<256x33xf32>
      %get3A_1032 = arith.constant 512 : index
      %get3A_1033 = arith.constant 0 : index
      %get3A_1034 = vector.load %arg9[%get3A_1032, %get3A_1033] : memref<1024x33xf32, #tpu.memory_space<vmem>>, vector<256x33xf32>
      %add3A_1035 = arith.addf %get3A_1034, %dot_general3A_1031 : vector<256x33xf32>
      %swap3A_1036 = arith.constant 512 : index
      %swap3A_1037 = arith.constant 0 : index
      %swap3A_1038 = vector.load %arg9[%swap3A_1036, %swap3A_1037] : memref<1024x33xf32, #tpu.memory_space<vmem>>, vector<256x33xf32>
      tpu.vector_store %arg9[%swap3A_1036, %swap3A_1037], %add3A_1035 {strides = array<i32>} : memref<1024x33xf32, #tpu.memory_space<vmem>>, vector<256x33xf32>,
    } else {
    }
    %gt3A_707 = arith.constant 512 : i32
    %gt3A_708 = arith.cmpi sgt, %get3A_1, %gt3A_707 : i32
    %gt3A_709 = arith.constant 256 : i32
    %gt3A_710 = arith.cmpi sgt, %get3A_1, %gt3A_709 : i32
    %and3A_711 = arith.andi %gt3A_708, %gt3A_710 : i1
    %convert_element_type3A_712 = arith.extui %and3A_711 : i1 to i32
    %cond3A_713 = arith.constant 0 : i32
    %cond3A_714 = arith.cmpi ne, %convert_element_type3A_712, %cond3A_713 : i32
    scf.if %cond3A_714 {
      %slice3A_1014 = vector.extract_strided_slice %exp3A_609 {offsets = [512], sizes = [256], strides = [1]} : vector<1024xf32> to vector<256xf32>
      %broadcast_in_dim3A_1015 = vector.shape_cast %slice3A_1014 : vector<256xf32> to vector<256x1xf32>
      %slice3A_1016 = vector.extract_strided_slice %select_n3A_620 {offsets = [256], sizes = [256], strides = [1]} : vector<1024xf32> to vector<256xf32>
      %broadcast_in_dim3A_1017 = vector.shape_cast %slice3A_1016 : vector<256xf32> to vector<1x256xf32>
      %mul3A_1018 = vector.broadcast %broadcast_in_dim3A_1015 : vector<256x1xf32> to vector<256x256xf32>
      %mul3A_1019 = vector.broadcast %broadcast_in_dim3A_1017 : vector<1x256xf32> to vector<256x256xf32>
      %mul3A_1020 = arith.mulf %mul3A_1018, %mul3A_1019 : vector<256x256xf32>
      %slice3A_1021 = vector.extract_strided_slice %exp3A_614 {offsets = [512], sizes = [256], strides = [1]} : vector<1024xf32> to vector<256xf32>
      %broadcast_in_dim3A_1022 = vector.shape_cast %slice3A_1021 : vector<256xf32> to vector<256x1xf32>
      %slice3A_1023 = vector.extract_strided_slice %select_n3A_627 {offsets = [256], sizes = [256], strides = [1]} : vector<1024xf32> to vector<256xf32>
      %broadcast_in_dim3A_1024 = vector.shape_cast %slice3A_1023 : vector<256xf32> to vector<1x256xf32>
      %mul3A_1025 = vector.broadcast %broadcast_in_dim3A_1022 : vector<256x1xf32> to vector<256x256xf32>
      %mul3A_1026 = vector.broadcast %broadcast_in_dim3A_1024 : vector<1x256xf32> to vector<256x256xf32>
      %mul3A_1027 = arith.mulf %mul3A_1025, %mul3A_1026 : vector<256x256xf32>
      %max3A_1028 = arith.maximumf %mul3A_1020, %mul3A_1027 : vector<256x256xf32>
      %slice3A_1029 = vector.extract_strided_slice %concatenate3A_629 {offsets = [256, 0], sizes = [256, 33], strides = [1, 1]} : vector<1024x33xf32> to vector<256x33xf32>
      %dot_general3A_1030 = arith.constant dense<0.000000e+00> : vector<256x33xf32>
      %dot_general3A_1031 = tpu.matmul %max3A_1028, %slice3A_1029, %dot_general3A_1030 {dimension_numbers = #tpu.dot_dimension_numbers<[1], [0], [0], [1], [0, 0, 1, 1], [], []>, transpose_lhs_hint = false} : vector<256x256xf32>, vector<256x33xf32>, vector<256x33xf32> -> vector<256x33xf32>
      %get3A_1032 = arith.constant 512 : index
      %get3A_1033 = arith.constant 0 : index
      %get3A_1034 = vector.load %arg9[%get3A_1032, %get3A_1033] : memref<1024x33xf32, #tpu.memory_space<vmem>>, vector<256x33xf32>
      %add3A_1035 = arith.addf %get3A_1034, %dot_general3A_1031 : vector<256x33xf32>
      %swap3A_1036 = arith.constant 512 : index
      %swap3A_1037 = arith.constant 0 : index
      %swap3A_1038 = vector.load %arg9[%swap3A_1036, %swap3A_1037] : memref<1024x33xf32, #tpu.memory_space<vmem>>, vector<256x33xf32>
      tpu.vector_store %arg9[%swap3A_1036, %swap3A_1037], %add3A_1035 {strides = array<i32>} : memref<1024x33xf32, #tpu.memory_space<vmem>>, vector<256x33xf32>,
    } else {
    }
    %gt3A_715 = arith.constant 512 : i32
    %gt3A_716 = arith.cmpi sgt, %get3A_1, %gt3A_715 : i32
    %gt3A_717 = arith.constant 512 : i32
    %gt3A_718 = arith.cmpi sgt, %get3A_1, %gt3A_717 : i32
    %and3A_719 = arith.andi %gt3A_716, %gt3A_718 : i1
    %convert_element_type3A_720 = arith.extui %and3A_719 : i1 to i32
    %cond3A_721 = arith.constant 0 : i32
    %cond3A_722 = arith.cmpi ne, %convert_element_type3A_720, %cond3A_721 : i32
    scf.if %cond3A_722 {
      %slice3A_1014 = vector.extract_strided_slice %exp3A_609 {offsets = [512], sizes = [256], strides = [1]} : vector<1024xf32> to vector<256xf32>
      %broadcast_in_dim3A_1015 = vector.shape_cast %slice3A_1014 : vector<256xf32> to vector<256x1xf32>
      %slice3A_1016 = vector.extract_strided_slice %select_n3A_620 {offsets = [512], sizes = [256], strides = [1]} : vector<1024xf32> to vector<256xf32>
      %broadcast_in_dim3A_1017 = vector.shape_cast %slice3A_1016 : vector<256xf32> to vector<1x256xf32>
      %mul3A_1018 = vector.broadcast %broadcast_in_dim3A_1015 : vector<256x1xf32> to vector<256x256xf32>
      %mul3A_1019 = vector.broadcast %broadcast_in_dim3A_1017 : vector<1x256xf32> to vector<256x256xf32>
      %mul3A_1020 = arith.mulf %mul3A_1018, %mul3A_1019 : vector<256x256xf32>
      %slice3A_1021 = vector.extract_strided_slice %exp3A_614 {offsets = [512], sizes = [256], strides = [1]} : vector<1024xf32> to vector<256xf32>
      %broadcast_in_dim3A_1022 = vector.shape_cast %slice3A_1021 : vector<256xf32> to vector<256x1xf32>
      %slice3A_1023 = vector.extract_strided_slice %select_n3A_627 {offsets = [512], sizes = [256], strides = [1]} : vector<1024xf32> to vector<256xf32>
      %broadcast_in_dim3A_1024 = vector.shape_cast %slice3A_1023 : vector<256xf32> to vector<1x256xf32>
      %mul3A_1025 = vector.broadcast %broadcast_in_dim3A_1022 : vector<256x1xf32> to vector<256x256xf32>
      %mul3A_1026 = vector.broadcast %broadcast_in_dim3A_1024 : vector<1x256xf32> to vector<256x256xf32>
      %mul3A_1027 = arith.mulf %mul3A_1025, %mul3A_1026 : vector<256x256xf32>
      %max3A_1028 = arith.maximumf %mul3A_1020, %mul3A_1027 : vector<256x256xf32>
      %slice3A_1029 = vector.extract_strided_slice %concatenate3A_629 {offsets = [512, 0], sizes = [256, 33], strides = [1, 1]} : vector<1024x33xf32> to vector<256x33xf32>
      %dot_general3A_1030 = arith.constant dense<0.000000e+00> : vector<256x33xf32>
      %dot_general3A_1031 = tpu.matmul %max3A_1028, %slice3A_1029, %dot_general3A_1030 {dimension_numbers = #tpu.dot_dimension_numbers<[1], [0], [0], [1], [0, 0, 1, 1], [], []>, transpose_lhs_hint = false} : vector<256x256xf32>, vector<256x33xf32>, vector<256x33xf32> -> vector<256x33xf32>
      %get3A_1032 = arith.constant 512 : index
      %get3A_1033 = arith.constant 0 : index
      %get3A_1034 = vector.load %arg9[%get3A_1032, %get3A_1033] : memref<1024x33xf32, #tpu.memory_space<vmem>>, vector<256x33xf32>
      %add3A_1035 = arith.addf %get3A_1034, %dot_general3A_1031 : vector<256x33xf32>
      %swap3A_1036 = arith.constant 512 : index
      %swap3A_1037 = arith.constant 0 : index
      %swap3A_1038 = vector.load %arg9[%swap3A_1036, %swap3A_1037] : memref<1024x33xf32, #tpu.memory_space<vmem>>, vector<256x33xf32>
      tpu.vector_store %arg9[%swap3A_1036, %swap3A_1037], %add3A_1035 {strides = array<i32>} : memref<1024x33xf32, #tpu.memory_space<vmem>>, vector<256x33xf32>,
    } else {
    }
    %gt3A_723 = arith.constant 512 : i32
    %gt3A_724 = arith.cmpi sgt, %get3A_1, %gt3A_723 : i32
    %gt3A_725 = arith.constant 768 : i32
    %gt3A_726 = arith.cmpi sgt, %get3A_1, %gt3A_725 : i32
    %and3A_727 = arith.andi %gt3A_724, %gt3A_726 : i1
    %convert_element_type3A_728 = arith.extui %and3A_727 : i1 to i32
    %cond3A_729 = arith.constant 0 : i32
    %cond3A_730 = arith.cmpi ne, %convert_element_type3A_728, %cond3A_729 : i32
    scf.if %cond3A_730 {
      %slice3A_1014 = vector.extract_strided_slice %exp3A_609 {offsets = [512], sizes = [256], strides = [1]} : vector<1024xf32> to vector<256xf32>
      %broadcast_in_dim3A_1015 = vector.shape_cast %slice3A_1014 : vector<256xf32> to vector<256x1xf32>
      %slice3A_1016 = vector.extract_strided_slice %select_n3A_620 {offsets = [768], sizes = [256], strides = [1]} : vector<1024xf32> to vector<256xf32>
      %broadcast_in_dim3A_1017 = vector.shape_cast %slice3A_1016 : vector<256xf32> to vector<1x256xf32>
      %mul3A_1018 = vector.broadcast %broadcast_in_dim3A_1015 : vector<256x1xf32> to vector<256x256xf32>
      %mul3A_1019 = vector.broadcast %broadcast_in_dim3A_1017 : vector<1x256xf32> to vector<256x256xf32>
      %mul3A_1020 = arith.mulf %mul3A_1018, %mul3A_1019 : vector<256x256xf32>
      %slice3A_1021 = vector.extract_strided_slice %exp3A_614 {offsets = [512], sizes = [256], strides = [1]} : vector<1024xf32> to vector<256xf32>
      %broadcast_in_dim3A_1022 = vector.shape_cast %slice3A_1021 : vector<256xf32> to vector<256x1xf32>
      %slice3A_1023 = vector.extract_strided_slice %select_n3A_627 {offsets = [768], sizes = [256], strides = [1]} : vector<1024xf32> to vector<256xf32>
      %broadcast_in_dim3A_1024 = vector.shape_cast %slice3A_1023 : vector<256xf32> to vector<1x256xf32>
      %mul3A_1025 = vector.broadcast %broadcast_in_dim3A_1022 : vector<256x1xf32> to vector<256x256xf32>
      %mul3A_1026 = vector.broadcast %broadcast_in_dim3A_1024 : vector<1x256xf32> to vector<256x256xf32>
      %mul3A_1027 = arith.mulf %mul3A_1025, %mul3A_1026 : vector<256x256xf32>
      %max3A_1028 = arith.maximumf %mul3A_1020, %mul3A_1027 : vector<256x256xf32>
      %slice3A_1029 = vector.extract_strided_slice %concatenate3A_629 {offsets = [768, 0], sizes = [256, 33], strides = [1, 1]} : vector<1024x33xf32> to vector<256x33xf32>
      %dot_general3A_1030 = arith.constant dense<0.000000e+00> : vector<256x33xf32>
      %dot_general3A_1031 = tpu.matmul %max3A_1028, %slice3A_1029, %dot_general3A_1030 {dimension_numbers = #tpu.dot_dimension_numbers<[1], [0], [0], [1], [0, 0, 1, 1], [], []>, transpose_lhs_hint = false} : vector<256x256xf32>, vector<256x33xf32>, vector<256x33xf32> -> vector<256x33xf32>
      %get3A_1032 = arith.constant 512 : index
      %get3A_1033 = arith.constant 0 : index
      %get3A_1034 = vector.load %arg9[%get3A_1032, %get3A_1033] : memref<1024x33xf32, #tpu.memory_space<vmem>>, vector<256x33xf32>
      %add3A_1035 = arith.addf %get3A_1034, %dot_general3A_1031 : vector<256x33xf32>
      %swap3A_1036 = arith.constant 512 : index
      %swap3A_1037 = arith.constant 0 : index
      %swap3A_1038 = vector.load %arg9[%swap3A_1036, %swap3A_1037] : memref<1024x33xf32, #tpu.memory_space<vmem>>, vector<256x33xf32>
      tpu.vector_store %arg9[%swap3A_1036, %swap3A_1037], %add3A_1035 {strides = array<i32>} : memref<1024x33xf32, #tpu.memory_space<vmem>>, vector<256x33xf32>,
    } else {
    }
    %gt3A_731 = arith.constant 768 : i32
    %gt3A_732 = arith.cmpi sgt, %get3A_1, %gt3A_731 : i32
    %gt3A_733 = arith.constant 0 : i32
    %gt3A_734 = arith.cmpi sgt, %get3A_1, %gt3A_733 : i32
    %and3A_735 = arith.andi %gt3A_732, %gt3A_734 : i1
    %convert_element_type3A_736 = arith.extui %and3A_735 : i1 to i32
    %cond3A_737 = arith.constant 0 : i32
    %cond3A_738 = arith.cmpi ne, %convert_element_type3A_736, %cond3A_737 : i32
    scf.if %cond3A_738 {
      %slice3A_1014 = vector.extract_strided_slice %exp3A_609 {offsets = [768], sizes = [256], strides = [1]} : vector<1024xf32> to vector<256xf32>
      %broadcast_in_dim3A_1015 = vector.shape_cast %slice3A_1014 : vector<256xf32> to vector<256x1xf32>
      %slice3A_1016 = vector.extract_strided_slice %select_n3A_620 {offsets = [0], sizes = [256], strides = [1]} : vector<1024xf32> to vector<256xf32>
      %broadcast_in_dim3A_1017 = vector.shape_cast %slice3A_1016 : vector<256xf32> to vector<1x256xf32>
      %mul3A_1018 = vector.broadcast %broadcast_in_dim3A_1015 : vector<256x1xf32> to vector<256x256xf32>
      %mul3A_1019 = vector.broadcast %broadcast_in_dim3A_1017 : vector<1x256xf32> to vector<256x256xf32>
      %mul3A_1020 = arith.mulf %mul3A_1018, %mul3A_1019 : vector<256x256xf32>
      %slice3A_1021 = vector.extract_strided_slice %exp3A_614 {offsets = [768], sizes = [256], strides = [1]} : vector<1024xf32> to vector<256xf32>
      %broadcast_in_dim3A_1022 = vector.shape_cast %slice3A_1021 : vector<256xf32> to vector<256x1xf32>
      %slice3A_1023 = vector.extract_strided_slice %select_n3A_627 {offsets = [0], sizes = [256], strides = [1]} : vector<1024xf32> to vector<256xf32>
      %broadcast_in_dim3A_1024 = vector.shape_cast %slice3A_1023 : vector<256xf32> to vector<1x256xf32>
      %mul3A_1025 = vector.broadcast %broadcast_in_dim3A_1022 : vector<256x1xf32> to vector<256x256xf32>
      %mul3A_1026 = vector.broadcast %broadcast_in_dim3A_1024 : vector<1x256xf32> to vector<256x256xf32>
      %mul3A_1027 = arith.mulf %mul3A_1025, %mul3A_1026 : vector<256x256xf32>
      %max3A_1028 = arith.maximumf %mul3A_1020, %mul3A_1027 : vector<256x256xf32>
      %slice3A_1029 = vector.extract_strided_slice %concatenate3A_629 {offsets = [0, 0], sizes = [256, 33], strides = [1, 1]} : vector<1024x33xf32> to vector<256x33xf32>
      %dot_general3A_1030 = arith.constant dense<0.000000e+00> : vector<256x33xf32>
      %dot_general3A_1031 = tpu.matmul %max3A_1028, %slice3A_1029, %dot_general3A_1030 {dimension_numbers = #tpu.dot_dimension_numbers<[1], [0], [0], [1], [0, 0, 1, 1], [], []>, transpose_lhs_hint = false} : vector<256x256xf32>, vector<256x33xf32>, vector<256x33xf32> -> vector<256x33xf32>
      %get3A_1032 = arith.constant 768 : index
      %get3A_1033 = arith.constant 0 : index
      %get3A_1034 = vector.load %arg9[%get3A_1032, %get3A_1033] : memref<1024x33xf32, #tpu.memory_space<vmem>>, vector<256x33xf32>
      %add3A_1035 = arith.addf %get3A_1034, %dot_general3A_1031 : vector<256x33xf32>
      %swap3A_1036 = arith.constant 768 : index
      %swap3A_1037 = arith.constant 0 : index
      %swap3A_1038 = vector.load %arg9[%swap3A_1036, %swap3A_1037] : memref<1024x33xf32, #tpu.memory_space<vmem>>, vector<256x33xf32>
      tpu.vector_store %arg9[%swap3A_1036, %swap3A_1037], %add3A_1035 {strides = array<i32>} : memref<1024x33xf32, #tpu.memory_space<vmem>>, vector<256x33xf32>,
    } else {
    }
    %gt3A_739 = arith.constant 768 : i32
    %gt3A_740 = arith.cmpi sgt, %get3A_1, %gt3A_739 : i32
    %gt3A_741 = arith.constant 256 : i32
    %gt3A_742 = arith.cmpi sgt, %get3A_1, %gt3A_741 : i32
    %and3A_743 = arith.andi %gt3A_740, %gt3A_742 : i1
    %convert_element_type3A_744 = arith.extui %and3A_743 : i1 to i32
    %cond3A_745 = arith.constant 0 : i32
    %cond3A_746 = arith.cmpi ne, %convert_element_type3A_744, %cond3A_745 : i32
    scf.if %cond3A_746 {
      %slice3A_1014 = vector.extract_strided_slice %exp3A_609 {offsets = [768], sizes = [256], strides = [1]} : vector<1024xf32> to vector<256xf32>
      %broadcast_in_dim3A_1015 = vector.shape_cast %slice3A_1014 : vector<256xf32> to vector<256x1xf32>
      %slice3A_1016 = vector.extract_strided_slice %select_n3A_620 {offsets = [256], sizes = [256], strides = [1]} : vector<1024xf32> to vector<256xf32>
      %broadcast_in_dim3A_1017 = vector.shape_cast %slice3A_1016 : vector<256xf32> to vector<1x256xf32>
      %mul3A_1018 = vector.broadcast %broadcast_in_dim3A_1015 : vector<256x1xf32> to vector<256x256xf32>
      %mul3A_1019 = vector.broadcast %broadcast_in_dim3A_1017 : vector<1x256xf32> to vector<256x256xf32>
      %mul3A_1020 = arith.mulf %mul3A_1018, %mul3A_1019 : vector<256x256xf32>
      %slice3A_1021 = vector.extract_strided_slice %exp3A_614 {offsets = [768], sizes = [256], strides = [1]} : vector<1024xf32> to vector<256xf32>
      %broadcast_in_dim3A_1022 = vector.shape_cast %slice3A_1021 : vector<256xf32> to vector<256x1xf32>
      %slice3A_1023 = vector.extract_strided_slice %select_n3A_627 {offsets = [256], sizes = [256], strides = [1]} : vector<1024xf32> to vector<256xf32>
      %broadcast_in_dim3A_1024 = vector.shape_cast %slice3A_1023 : vector<256xf32> to vector<1x256xf32>
      %mul3A_1025 = vector.broadcast %broadcast_in_dim3A_1022 : vector<256x1xf32> to vector<256x256xf32>
      %mul3A_1026 = vector.broadcast %broadcast_in_dim3A_1024 : vector<1x256xf32> to vector<256x256xf32>
      %mul3A_1027 = arith.mulf %mul3A_1025, %mul3A_1026 : vector<256x256xf32>
      %max3A_1028 = arith.maximumf %mul3A_1020, %mul3A_1027 : vector<256x256xf32>
      %slice3A_1029 = vector.extract_strided_slice %concatenate3A_629 {offsets = [256, 0], sizes = [256, 33], strides = [1, 1]} : vector<1024x33xf32> to vector<256x33xf32>
      %dot_general3A_1030 = arith.constant dense<0.000000e+00> : vector<256x33xf32>
      %dot_general3A_1031 = tpu.matmul %max3A_1028, %slice3A_1029, %dot_general3A_1030 {dimension_numbers = #tpu.dot_dimension_numbers<[1], [0], [0], [1], [0, 0, 1, 1], [], []>, transpose_lhs_hint = false} : vector<256x256xf32>, vector<256x33xf32>, vector<256x33xf32> -> vector<256x33xf32>
      %get3A_1032 = arith.constant 768 : index
      %get3A_1033 = arith.constant 0 : index
      %get3A_1034 = vector.load %arg9[%get3A_1032, %get3A_1033] : memref<1024x33xf32, #tpu.memory_space<vmem>>, vector<256x33xf32>
      %add3A_1035 = arith.addf %get3A_1034, %dot_general3A_1031 : vector<256x33xf32>
      %swap3A_1036 = arith.constant 768 : index
      %swap3A_1037 = arith.constant 0 : index
      %swap3A_1038 = vector.load %arg9[%swap3A_1036, %swap3A_1037] : memref<1024x33xf32, #tpu.memory_space<vmem>>, vector<256x33xf32>
      tpu.vector_store %arg9[%swap3A_1036, %swap3A_1037], %add3A_1035 {strides = array<i32>} : memref<1024x33xf32, #tpu.memory_space<vmem>>, vector<256x33xf32>,
    } else {
    }
    %gt3A_747 = arith.constant 768 : i32
    %gt3A_748 = arith.cmpi sgt, %get3A_1, %gt3A_747 : i32
    %gt3A_749 = arith.constant 512 : i32
    %gt3A_750 = arith.cmpi sgt, %get3A_1, %gt3A_749 : i32
    %and3A_751 = arith.andi %gt3A_748, %gt3A_750 : i1
    %convert_element_type3A_752 = arith.extui %and3A_751 : i1 to i32
    %cond3A_753 = arith.constant 0 : i32
    %cond3A_754 = arith.cmpi ne, %convert_element_type3A_752, %cond3A_753 : i32
    scf.if %cond3A_754 {
      %slice3A_1014 = vector.extract_strided_slice %exp3A_609 {offsets = [768], sizes = [256], strides = [1]} : vector<1024xf32> to vector<256xf32>
      %broadcast_in_dim3A_1015 = vector.shape_cast %slice3A_1014 : vector<256xf32> to vector<256x1xf32>
      %slice3A_1016 = vector.extract_strided_slice %select_n3A_620 {offsets = [512], sizes = [256], strides = [1]} : vector<1024xf32> to vector<256xf32>
      %broadcast_in_dim3A_1017 = vector.shape_cast %slice3A_1016 : vector<256xf32> to vector<1x256xf32>
      %mul3A_1018 = vector.broadcast %broadcast_in_dim3A_1015 : vector<256x1xf32> to vector<256x256xf32>
      %mul3A_1019 = vector.broadcast %broadcast_in_dim3A_1017 : vector<1x256xf32> to vector<256x256xf32>
      %mul3A_1020 = arith.mulf %mul3A_1018, %mul3A_1019 : vector<256x256xf32>
      %slice3A_1021 = vector.extract_strided_slice %exp3A_614 {offsets = [768], sizes = [256], strides = [1]} : vector<1024xf32> to vector<256xf32>
      %broadcast_in_dim3A_1022 = vector.shape_cast %slice3A_1021 : vector<256xf32> to vector<256x1xf32>
      %slice3A_1023 = vector.extract_strided_slice %select_n3A_627 {offsets = [512], sizes = [256], strides = [1]} : vector<1024xf32> to vector<256xf32>
      %broadcast_in_dim3A_1024 = vector.shape_cast %slice3A_1023 : vector<256xf32> to vector<1x256xf32>
      %mul3A_1025 = vector.broadcast %broadcast_in_dim3A_1022 : vector<256x1xf32> to vector<256x256xf32>
      %mul3A_1026 = vector.broadcast %broadcast_in_dim3A_1024 : vector<1x256xf32> to vector<256x256xf32>
      %mul3A_1027 = arith.mulf %mul3A_1025, %mul3A_1026 : vector<256x256xf32>
      %max3A_1028 = arith.maximumf %mul3A_1020, %mul3A_1027 : vector<256x256xf32>
      %slice3A_1029 = vector.extract_strided_slice %concatenate3A_629 {offsets = [512, 0], sizes = [256, 33], strides = [1, 1]} : vector<1024x33xf32> to vector<256x33xf32>
      %dot_general3A_1030 = arith.constant dense<0.000000e+00> : vector<256x33xf32>
      %dot_general3A_1031 = tpu.matmul %max3A_1028, %slice3A_1029, %dot_general3A_1030 {dimension_numbers = #tpu.dot_dimension_numbers<[1], [0], [0], [1], [0, 0, 1, 1], [], []>, transpose_lhs_hint = false} : vector<256x256xf32>, vector<256x33xf32>, vector<256x33xf32> -> vector<256x33xf32>
      %get3A_1032 = arith.constant 768 : index
      %get3A_1033 = arith.constant 0 : index
      %get3A_1034 = vector.load %arg9[%get3A_1032, %get3A_1033] : memref<1024x33xf32, #tpu.memory_space<vmem>>, vector<256x33xf32>
      %add3A_1035 = arith.addf %get3A_1034, %dot_general3A_1031 : vector<256x33xf32>
      %swap3A_1036 = arith.constant 768 : index
      %swap3A_1037 = arith.constant 0 : index
      %swap3A_1038 = vector.load %arg9[%swap3A_1036, %swap3A_1037] : memref<1024x33xf32, #tpu.memory_space<vmem>>, vector<256x33xf32>
      tpu.vector_store %arg9[%swap3A_1036, %swap3A_1037], %add3A_1035 {strides = array<i32>} : memref<1024x33xf32, #tpu.memory_space<vmem>>, vector<256x33xf32>,
    } else {
    }
    %gt3A_755 = arith.constant 768 : i32
    %gt3A_756 = arith.cmpi sgt, %get3A_1, %gt3A_755 : i32
    %gt3A_757 = arith.constant 768 : i32
    %gt3A_758 = arith.cmpi sgt, %get3A_1, %gt3A_757 : i32
    %and3A_759 = arith.andi %gt3A_756, %gt3A_758 : i1
    %convert_element_type3A_760 = arith.extui %and3A_759 : i1 to i32
    %cond3A_761 = arith.constant 0 : i32
    %cond3A_762 = arith.cmpi ne, %convert_element_type3A_760, %cond3A_761 : i32
    scf.if %cond3A_762 {
      %slice3A_1014 = vector.extract_strided_slice %exp3A_609 {offsets = [768], sizes = [256], strides = [1]} : vector<1024xf32> to vector<256xf32>
      %broadcast_in_dim3A_1015 = vector.shape_cast %slice3A_1014 : vector<256xf32> to vector<256x1xf32>
      %slice3A_1016 = vector.extract_strided_slice %select_n3A_620 {offsets = [768], sizes = [256], strides = [1]} : vector<1024xf32> to vector<256xf32>
      %broadcast_in_dim3A_1017 = vector.shape_cast %slice3A_1016 : vector<256xf32> to vector<1x256xf32>
      %mul3A_1018 = vector.broadcast %broadcast_in_dim3A_1015 : vector<256x1xf32> to vector<256x256xf32>
      %mul3A_1019 = vector.broadcast %broadcast_in_dim3A_1017 : vector<1x256xf32> to vector<256x256xf32>
      %mul3A_1020 = arith.mulf %mul3A_1018, %mul3A_1019 : vector<256x256xf32>
      %slice3A_1021 = vector.extract_strided_slice %exp3A_614 {offsets = [768], sizes = [256], strides = [1]} : vector<1024xf32> to vector<256xf32>
      %broadcast_in_dim3A_1022 = vector.shape_cast %slice3A_1021 : vector<256xf32> to vector<256x1xf32>
      %slice3A_1023 = vector.extract_strided_slice %select_n3A_627 {offsets = [768], sizes = [256], strides = [1]} : vector<1024xf32> to vector<256xf32>
      %broadcast_in_dim3A_1024 = vector.shape_cast %slice3A_1023 : vector<256xf32> to vector<1x256xf32>
      %mul3A_1025 = vector.broadcast %broadcast_in_dim3A_1022 : vector<256x1xf32> to vector<256x256xf32>
      %mul3A_1026 = vector.broadcast %broadcast_in_dim3A_1024 : vector<1x256xf32> to vector<256x256xf32>
      %mul3A_1027 = arith.mulf %mul3A_1025, %mul3A_1026 : vector<256x256xf32>
      %max3A_1028 = arith.maximumf %mul3A_1020, %mul3A_1027 : vector<256x256xf32>
      %slice3A_1029 = vector.extract_strided_slice %concatenate3A_629 {offsets = [768, 0], sizes = [256, 33], strides = [1, 1]} : vector<1024x33xf32> to vector<256x33xf32>
      %dot_general3A_1030 = arith.constant dense<0.000000e+00> : vector<256x33xf32>
      %dot_general3A_1031 = tpu.matmul %max3A_1028, %slice3A_1029, %dot_general3A_1030 {dimension_numbers = #tpu.dot_dimension_numbers<[1], [0], [0], [1], [0, 0, 1, 1], [], []>, transpose_lhs_hint = false} : vector<256x256xf32>, vector<256x33xf32>, vector<256x33xf32> -> vector<256x33xf32>
      %get3A_1032 = arith.constant 768 : index
      %get3A_1033 = arith.constant 0 : index
      %get3A_1034 = vector.load %arg9[%get3A_1032, %get3A_1033] : memref<1024x33xf32, #tpu.memory_space<vmem>>, vector<256x33xf32>
      %add3A_1035 = arith.addf %get3A_1034, %dot_general3A_1031 : vector<256x33xf32>
      %swap3A_1036 = arith.constant 768 : index
      %swap3A_1037 = arith.constant 0 : index
      %swap3A_1038 = vector.load %arg9[%swap3A_1036, %swap3A_1037] : memref<1024x33xf32, #tpu.memory_space<vmem>>, vector<256x33xf32>
      tpu.vector_store %arg9[%swap3A_1036, %swap3A_1037], %add3A_1035 {strides = array<i32>} : memref<1024x33xf32, #tpu.memory_space<vmem>>, vector<256x33xf32>,
    } else {
    }
    %get3A_763 = arith.constant 0 : index
    %get3A_764 = arith.constant 0 : index
    %get3A_765 = vector.load %arg9[%get3A_763, %get3A_764] : memref<1024x33xf32, #tpu.memory_space<vmem>>, vector<1024x33xf32>
    %slice3A_766 = vector.extract_strided_slice %get3A_765 {offsets = [0, 32], sizes = [1024, 1], strides = [1, 1]} : vector<1024x33xf32> to vector<1024x1xf32>
    %max3A_767 = arith.constant 1.000000e-30 : f32
    %max3A_768 = vector.broadcast %max3A_767 : f32 to vector<1024x1xf32>
    %max3A_769 = arith.maximumf %slice3A_766, %max3A_768 : vector<1024x1xf32>
    %slice3A_770 = vector.extract_strided_slice %get3A_765 {offsets = [0, 0], sizes = [1024, 32], strides = [1, 1]} : vector<1024x33xf32> to vector<1024x32xf32>
    %div3A_771 = vector.broadcast %max3A_769 : vector<1024x1xf32> to vector<1024x32xf32>
    %div3A_772 = arith.divf %slice3A_770, %div3A_771 : vector<1024x32xf32>
    %gt3A_773 = arith.constant 0.000000e+00 : f32
    %gt3A_774 = vector.broadcast %gt3A_773 : f32 to vector<1024x32xf32>
    %gt3A_775 = arith.cmpf ogt, %div3A_772, %gt3A_774 : vector<1024x32xf32>
    %min3A_776 = arith.constant 0.000000e+00 : f32
    %min3A_777 = vector.broadcast %min3A_776 : f32 to vector<1024x32xf32>
    %min3A_778 = arith.minimumf %div3A_772, %min3A_777 : vector<1024x32xf32>
    %exp3A_779 = math.exp %min3A_778 : vector<1024x32xf32>
    %sub3A_780 = arith.constant 1.000000e+00 : f32
    %sub3A_781 = vector.broadcast %sub3A_780 : f32 to vector<1024x32xf32>
    %sub3A_782 = arith.subf %exp3A_779, %sub3A_781 : vector<1024x32xf32>
    %select_n3A_783 = arith.select %gt3A_775, %div3A_772, %sub3A_782 : vector<1024x32xi1>, vector<1024x32xf32>
    %concatenate3A_784 = tpu.concatenate %select_n3A_201, %select_n3A_395, %select_n3A_589, %select_n3A_783 in 1 : vector<1024x32xf32>, vector<1024x32xf32>, vector<1024x32xf32>, vector<1024x32xf32> -> vector<1024x128xf32>
    %get3A_785 = arith.constant 0 : index
    %get3A_786 = arith.constant 0 : index
    %get3A_787 = vector.load %arg5[%get3A_785, %get3A_786] : memref<128x32xf32, #tpu.memory_space<vmem>>, vector<128x32xf32>
    %dot_general3A_788 = arith.constant dense<0.000000e+00> : vector<1024x32xf32>
    %dot_general3A_789 = tpu.matmul %concatenate3A_784, %get3A_787, %dot_general3A_788 {dimension_numbers = #tpu.dot_dimension_numbers<[1], [0], [0], [1], [0, 0, 1, 1], [], []>, transpose_lhs_hint = false} : vector<1024x128xf32>, vector<128x32xf32>, vector<1024x32xf32> -> vector<1024x32xf32>
    %concatenate3A_790 = tpu.concatenate %dot_general3A_789, %broadcast_in_dim3A_13 in 1 : vector<1024x32xf32>, vector<1024x1xf32> -> vector<1024x33xf32>
    %get3A_791 = arith.constant 0 : index
    %get3A_792 = arith.constant 0 : index
    %get3A_793 = vector.load %arg6[%get3A_791, %get3A_792] : memref<128x2xf32, #tpu.memory_space<vmem>>, vector<128x2xf32>
    %dot_general3A_794 = arith.constant dense<0.000000e+00> : vector<1024x2xf32>
    %dot_general3A_795 = tpu.matmul %concatenate3A_784, %get3A_793, %dot_general3A_794 {dimension_numbers = #tpu.dot_dimension_numbers<[1], [0], [0], [1], [0, 0, 1, 1], [], []>, transpose_lhs_hint = false} : vector<1024x128xf32>, vector<128x2xf32>, vector<1024x2xf32> -> vector<1024x2xf32>
    %slice3A_796 = vector.extract_strided_slice %dot_general3A_795 {offsets = [0, 0], sizes = [1024, 1], strides = [1, 1]} : vector<1024x2xf32> to vector<1024x1xf32>
    %squeeze3A_797 = vector.shape_cast %slice3A_796 : vector<1024x1xf32> to vector<1024xf32>
    %slice3A_798 = vector.extract_strided_slice %dot_general3A_795 {offsets = [0, 1], sizes = [1024, 1], strides = [1, 1]} : vector<1024x2xf32> to vector<1024x1xf32>
    %squeeze3A_799 = vector.shape_cast %slice3A_798 : vector<1024x1xf32> to vector<1024xf32>
    %jit3A_800 = arith.constant -1.000000e+30 : f32
    %broadcast_in_dim3A_801 = vector.broadcast %jit3A_800 : f32 to vector<1024xf32>
    %select_n3A_802 = arith.select %lt3A_15, %squeeze3A_799, %broadcast_in_dim3A_801 : vector<1024xi1>, vector<1024xf32>
    %reduce_max3A_803 = vector.shape_cast %select_n3A_802 : vector<1024xf32> to vector<1x1024xf32>
    %reduce_max3A_804 = arith.constant dense<0xFF800000> : vector<1xf32>
    %reduce_max3A_805 = vector.multi_reduction <maximumf>, %reduce_max3A_803, %reduce_max3A_804 [1] : vector<1x1024xf32> to vector<1xf32>
    %reduce_max3A_806 = vector.shape_cast %reduce_max3A_805 : vector<1xf32> to vector<1x1xf32>
    %reduce_max3A_807 = vector.extract %reduce_max3A_806[0, 0] : f32 from vector<1x1xf32>
    %add3A_808 = vector.broadcast %reduce_max3A_807 : f32 to vector<1024xf32>
    %add3A_809 = arith.addf %squeeze3A_797, %add3A_808 : vector<1024xf32>
    %mul3A_810 = arith.constant 2.000000e-01 : f32
    %mul3A_811 = vector.broadcast %mul3A_810 : f32 to vector<1024xf32>
    %mul3A_812 = arith.mulf %mul3A_811, %add3A_809 : vector<1024xf32>
    %max3A_813 = arith.maximumf %add3A_809, %mul3A_812 : vector<1024xf32>
    %sub3A_814 = arith.subf %add3A_809, %max3A_813 : vector<1024xf32>
    %exp3A_815 = math.exp %sub3A_814 : vector<1024xf32>
    %mul3A_816 = arith.constant 2.000000e-01 : f32
    %mul3A_817 = vector.broadcast %mul3A_816 : f32 to vector<1024xf32>
    %mul3A_818 = arith.mulf %mul3A_817, %add3A_809 : vector<1024xf32>
    %sub3A_819 = arith.subf %mul3A_818, %max3A_813 : vector<1024xf32>
    %exp3A_820 = math.exp %sub3A_819 : vector<1024xf32>
    %sub3A_821 = vector.broadcast %reduce_max3A_807 : f32 to vector<1024xf32>
    %sub3A_822 = arith.subf %squeeze3A_799, %sub3A_821 : vector<1024xf32>
    %exp3A_823 = math.exp %sub3A_822 : vector<1024xf32>
    %jit3A_824 = arith.constant 0.000000e+00 : f32
    %broadcast_in_dim3A_825 = vector.broadcast %jit3A_824 : f32 to vector<1024xf32>
    %select_n3A_826 = arith.select %lt3A_15, %exp3A_823, %broadcast_in_dim3A_825 : vector<1024xi1>, vector<1024xf32>
    %mul3A_827 = arith.constant 2.000000e-01 : f32
    %mul3A_828 = vector.broadcast %mul3A_827 : f32 to vector<1024xf32>
    %mul3A_829 = arith.mulf %mul3A_828, %sub3A_822 : vector<1024xf32>
    %exp3A_830 = math.exp %mul3A_829 : vector<1024xf32>
    %jit3A_831 = arith.constant 0.000000e+00 : f32
    %broadcast_in_dim3A_832 = vector.broadcast %jit3A_831 : f32 to vector<1024xf32>
    %select_n3A_833 = arith.select %lt3A_15, %exp3A_830, %broadcast_in_dim3A_832 : vector<1024xi1>, vector<1024xf32>
    %broadcast_in_dim3A_834 = arith.constant 0.000000e+00 : f32
    %broadcast_in_dim3A_835 = vector.broadcast %broadcast_in_dim3A_834 : f32 to vector<1024x33xf32>
    %swap3A_836 = arith.constant 0 : index
    %swap3A_837 = arith.constant 0 : index
    %swap3A_838 = vector.load %arg9[%swap3A_836, %swap3A_837] : memref<1024x33xf32, #tpu.memory_space<vmem>>, vector<1024x33xf32>
    tpu.vector_store %arg9[%swap3A_836, %swap3A_837], %broadcast_in_dim3A_835 {strides = array<i32>} : memref<1024x33xf32, #tpu.memory_space<vmem>>, vector<1024x33xf32>,
    %gt3A_839 = arith.constant 0 : i32
    %gt3A_840 = arith.cmpi sgt, %get3A_1, %gt3A_839 : i32
    %gt3A_841 = arith.constant 0 : i32
    %gt3A_842 = arith.cmpi sgt, %get3A_1, %gt3A_841 : i32
    %and3A_843 = arith.andi %gt3A_840, %gt3A_842 : i1
    %convert_element_type3A_844 = arith.extui %and3A_843 : i1 to i32
    %cond3A_845 = arith.constant 0 : i32
    %cond3A_846 = arith.cmpi ne, %convert_element_type3A_844, %cond3A_845 : i32
    scf.if %cond3A_846 {
      %slice3A_1014 = vector.extract_strided_slice %exp3A_815 {offsets = [0], sizes = [256], strides = [1]} : vector<1024xf32> to vector<256xf32>
      %broadcast_in_dim3A_1015 = vector.shape_cast %slice3A_1014 : vector<256xf32> to vector<256x1xf32>
      %slice3A_1016 = vector.extract_strided_slice %select_n3A_826 {offsets = [0], sizes = [256], strides = [1]} : vector<1024xf32> to vector<256xf32>
      %broadcast_in_dim3A_1017 = vector.shape_cast %slice3A_1016 : vector<256xf32> to vector<1x256xf32>
      %mul3A_1018 = vector.broadcast %broadcast_in_dim3A_1015 : vector<256x1xf32> to vector<256x256xf32>
      %mul3A_1019 = vector.broadcast %broadcast_in_dim3A_1017 : vector<1x256xf32> to vector<256x256xf32>
      %mul3A_1020 = arith.mulf %mul3A_1018, %mul3A_1019 : vector<256x256xf32>
      %slice3A_1021 = vector.extract_strided_slice %exp3A_820 {offsets = [0], sizes = [256], strides = [1]} : vector<1024xf32> to vector<256xf32>
      %broadcast_in_dim3A_1022 = vector.shape_cast %slice3A_1021 : vector<256xf32> to vector<256x1xf32>
      %slice3A_1023 = vector.extract_strided_slice %select_n3A_833 {offsets = [0], sizes = [256], strides = [1]} : vector<1024xf32> to vector<256xf32>
      %broadcast_in_dim3A_1024 = vector.shape_cast %slice3A_1023 : vector<256xf32> to vector<1x256xf32>
      %mul3A_1025 = vector.broadcast %broadcast_in_dim3A_1022 : vector<256x1xf32> to vector<256x256xf32>
      %mul3A_1026 = vector.broadcast %broadcast_in_dim3A_1024 : vector<1x256xf32> to vector<256x256xf32>
      %mul3A_1027 = arith.mulf %mul3A_1025, %mul3A_1026 : vector<256x256xf32>
      %max3A_1028 = arith.maximumf %mul3A_1020, %mul3A_1027 : vector<256x256xf32>
      %slice3A_1029 = vector.extract_strided_slice %concatenate3A_790 {offsets = [0, 0], sizes = [256, 33], strides = [1, 1]} : vector<1024x33xf32> to vector<256x33xf32>
      %dot_general3A_1030 = arith.constant dense<0.000000e+00> : vector<256x33xf32>
      %dot_general3A_1031 = tpu.matmul %max3A_1028, %slice3A_1029, %dot_general3A_1030 {dimension_numbers = #tpu.dot_dimension_numbers<[1], [0], [0], [1], [0, 0, 1, 1], [], []>, transpose_lhs_hint = false} : vector<256x256xf32>, vector<256x33xf32>, vector<256x33xf32> -> vector<256x33xf32>
      %get3A_1032 = arith.constant 0 : index
      %get3A_1033 = arith.constant 0 : index
      %get3A_1034 = vector.load %arg9[%get3A_1032, %get3A_1033] : memref<1024x33xf32, #tpu.memory_space<vmem>>, vector<256x33xf32>
      %add3A_1035 = arith.addf %get3A_1034, %dot_general3A_1031 : vector<256x33xf32>
      %swap3A_1036 = arith.constant 0 : index
      %swap3A_1037 = arith.constant 0 : index
      %swap3A_1038 = vector.load %arg9[%swap3A_1036, %swap3A_1037] : memref<1024x33xf32, #tpu.memory_space<vmem>>, vector<256x33xf32>
      tpu.vector_store %arg9[%swap3A_1036, %swap3A_1037], %add3A_1035 {strides = array<i32>} : memref<1024x33xf32, #tpu.memory_space<vmem>>, vector<256x33xf32>,
    } else {
    }
    %gt3A_847 = arith.constant 0 : i32
    %gt3A_848 = arith.cmpi sgt, %get3A_1, %gt3A_847 : i32
    %gt3A_849 = arith.constant 256 : i32
    %gt3A_850 = arith.cmpi sgt, %get3A_1, %gt3A_849 : i32
    %and3A_851 = arith.andi %gt3A_848, %gt3A_850 : i1
    %convert_element_type3A_852 = arith.extui %and3A_851 : i1 to i32
    %cond3A_853 = arith.constant 0 : i32
    %cond3A_854 = arith.cmpi ne, %convert_element_type3A_852, %cond3A_853 : i32
    scf.if %cond3A_854 {
      %slice3A_1014 = vector.extract_strided_slice %exp3A_815 {offsets = [0], sizes = [256], strides = [1]} : vector<1024xf32> to vector<256xf32>
      %broadcast_in_dim3A_1015 = vector.shape_cast %slice3A_1014 : vector<256xf32> to vector<256x1xf32>
      %slice3A_1016 = vector.extract_strided_slice %select_n3A_826 {offsets = [256], sizes = [256], strides = [1]} : vector<1024xf32> to vector<256xf32>
      %broadcast_in_dim3A_1017 = vector.shape_cast %slice3A_1016 : vector<256xf32> to vector<1x256xf32>
      %mul3A_1018 = vector.broadcast %broadcast_in_dim3A_1015 : vector<256x1xf32> to vector<256x256xf32>
      %mul3A_1019 = vector.broadcast %broadcast_in_dim3A_1017 : vector<1x256xf32> to vector<256x256xf32>
      %mul3A_1020 = arith.mulf %mul3A_1018, %mul3A_1019 : vector<256x256xf32>
      %slice3A_1021 = vector.extract_strided_slice %exp3A_820 {offsets = [0], sizes = [256], strides = [1]} : vector<1024xf32> to vector<256xf32>
      %broadcast_in_dim3A_1022 = vector.shape_cast %slice3A_1021 : vector<256xf32> to vector<256x1xf32>
      %slice3A_1023 = vector.extract_strided_slice %select_n3A_833 {offsets = [256], sizes = [256], strides = [1]} : vector<1024xf32> to vector<256xf32>
      %broadcast_in_dim3A_1024 = vector.shape_cast %slice3A_1023 : vector<256xf32> to vector<1x256xf32>
      %mul3A_1025 = vector.broadcast %broadcast_in_dim3A_1022 : vector<256x1xf32> to vector<256x256xf32>
      %mul3A_1026 = vector.broadcast %broadcast_in_dim3A_1024 : vector<1x256xf32> to vector<256x256xf32>
      %mul3A_1027 = arith.mulf %mul3A_1025, %mul3A_1026 : vector<256x256xf32>
      %max3A_1028 = arith.maximumf %mul3A_1020, %mul3A_1027 : vector<256x256xf32>
      %slice3A_1029 = vector.extract_strided_slice %concatenate3A_790 {offsets = [256, 0], sizes = [256, 33], strides = [1, 1]} : vector<1024x33xf32> to vector<256x33xf32>
      %dot_general3A_1030 = arith.constant dense<0.000000e+00> : vector<256x33xf32>
      %dot_general3A_1031 = tpu.matmul %max3A_1028, %slice3A_1029, %dot_general3A_1030 {dimension_numbers = #tpu.dot_dimension_numbers<[1], [0], [0], [1], [0, 0, 1, 1], [], []>, transpose_lhs_hint = false} : vector<256x256xf32>, vector<256x33xf32>, vector<256x33xf32> -> vector<256x33xf32>
      %get3A_1032 = arith.constant 0 : index
      %get3A_1033 = arith.constant 0 : index
      %get3A_1034 = vector.load %arg9[%get3A_1032, %get3A_1033] : memref<1024x33xf32, #tpu.memory_space<vmem>>, vector<256x33xf32>
      %add3A_1035 = arith.addf %get3A_1034, %dot_general3A_1031 : vector<256x33xf32>
      %swap3A_1036 = arith.constant 0 : index
      %swap3A_1037 = arith.constant 0 : index
      %swap3A_1038 = vector.load %arg9[%swap3A_1036, %swap3A_1037] : memref<1024x33xf32, #tpu.memory_space<vmem>>, vector<256x33xf32>
      tpu.vector_store %arg9[%swap3A_1036, %swap3A_1037], %add3A_1035 {strides = array<i32>} : memref<1024x33xf32, #tpu.memory_space<vmem>>, vector<256x33xf32>,
    } else {
    }
    %gt3A_855 = arith.constant 0 : i32
    %gt3A_856 = arith.cmpi sgt, %get3A_1, %gt3A_855 : i32
    %gt3A_857 = arith.constant 512 : i32
    %gt3A_858 = arith.cmpi sgt, %get3A_1, %gt3A_857 : i32
    %and3A_859 = arith.andi %gt3A_856, %gt3A_858 : i1
    %convert_element_type3A_860 = arith.extui %and3A_859 : i1 to i32
    %cond3A_861 = arith.constant 0 : i32
    %cond3A_862 = arith.cmpi ne, %convert_element_type3A_860, %cond3A_861 : i32
    scf.if %cond3A_862 {
      %slice3A_1014 = vector.extract_strided_slice %exp3A_815 {offsets = [0], sizes = [256], strides = [1]} : vector<1024xf32> to vector<256xf32>
      %broadcast_in_dim3A_1015 = vector.shape_cast %slice3A_1014 : vector<256xf32> to vector<256x1xf32>
      %slice3A_1016 = vector.extract_strided_slice %select_n3A_826 {offsets = [512], sizes = [256], strides = [1]} : vector<1024xf32> to vector<256xf32>
      %broadcast_in_dim3A_1017 = vector.shape_cast %slice3A_1016 : vector<256xf32> to vector<1x256xf32>
      %mul3A_1018 = vector.broadcast %broadcast_in_dim3A_1015 : vector<256x1xf32> to vector<256x256xf32>
      %mul3A_1019 = vector.broadcast %broadcast_in_dim3A_1017 : vector<1x256xf32> to vector<256x256xf32>
      %mul3A_1020 = arith.mulf %mul3A_1018, %mul3A_1019 : vector<256x256xf32>
      %slice3A_1021 = vector.extract_strided_slice %exp3A_820 {offsets = [0], sizes = [256], strides = [1]} : vector<1024xf32> to vector<256xf32>
      %broadcast_in_dim3A_1022 = vector.shape_cast %slice3A_1021 : vector<256xf32> to vector<256x1xf32>
      %slice3A_1023 = vector.extract_strided_slice %select_n3A_833 {offsets = [512], sizes = [256], strides = [1]} : vector<1024xf32> to vector<256xf32>
      %broadcast_in_dim3A_1024 = vector.shape_cast %slice3A_1023 : vector<256xf32> to vector<1x256xf32>
      %mul3A_1025 = vector.broadcast %broadcast_in_dim3A_1022 : vector<256x1xf32> to vector<256x256xf32>
      %mul3A_1026 = vector.broadcast %broadcast_in_dim3A_1024 : vector<1x256xf32> to vector<256x256xf32>
      %mul3A_1027 = arith.mulf %mul3A_1025, %mul3A_1026 : vector<256x256xf32>
      %max3A_1028 = arith.maximumf %mul3A_1020, %mul3A_1027 : vector<256x256xf32>
      %slice3A_1029 = vector.extract_strided_slice %concatenate3A_790 {offsets = [512, 0], sizes = [256, 33], strides = [1, 1]} : vector<1024x33xf32> to vector<256x33xf32>
      %dot_general3A_1030 = arith.constant dense<0.000000e+00> : vector<256x33xf32>
      %dot_general3A_1031 = tpu.matmul %max3A_1028, %slice3A_1029, %dot_general3A_1030 {dimension_numbers = #tpu.dot_dimension_numbers<[1], [0], [0], [1], [0, 0, 1, 1], [], []>, transpose_lhs_hint = false} : vector<256x256xf32>, vector<256x33xf32>, vector<256x33xf32> -> vector<256x33xf32>
      %get3A_1032 = arith.constant 0 : index
      %get3A_1033 = arith.constant 0 : index
      %get3A_1034 = vector.load %arg9[%get3A_1032, %get3A_1033] : memref<1024x33xf32, #tpu.memory_space<vmem>>, vector<256x33xf32>
      %add3A_1035 = arith.addf %get3A_1034, %dot_general3A_1031 : vector<256x33xf32>
      %swap3A_1036 = arith.constant 0 : index
      %swap3A_1037 = arith.constant 0 : index
      %swap3A_1038 = vector.load %arg9[%swap3A_1036, %swap3A_1037] : memref<1024x33xf32, #tpu.memory_space<vmem>>, vector<256x33xf32>
      tpu.vector_store %arg9[%swap3A_1036, %swap3A_1037], %add3A_1035 {strides = array<i32>} : memref<1024x33xf32, #tpu.memory_space<vmem>>, vector<256x33xf32>,
    } else {
    }
    %gt3A_863 = arith.constant 0 : i32
    %gt3A_864 = arith.cmpi sgt, %get3A_1, %gt3A_863 : i32
    %gt3A_865 = arith.constant 768 : i32
    %gt3A_866 = arith.cmpi sgt, %get3A_1, %gt3A_865 : i32
    %and3A_867 = arith.andi %gt3A_864, %gt3A_866 : i1
    %convert_element_type3A_868 = arith.extui %and3A_867 : i1 to i32
    %cond3A_869 = arith.constant 0 : i32
    %cond3A_870 = arith.cmpi ne, %convert_element_type3A_868, %cond3A_869 : i32
    scf.if %cond3A_870 {
      %slice3A_1014 = vector.extract_strided_slice %exp3A_815 {offsets = [0], sizes = [256], strides = [1]} : vector<1024xf32> to vector<256xf32>
      %broadcast_in_dim3A_1015 = vector.shape_cast %slice3A_1014 : vector<256xf32> to vector<256x1xf32>
      %slice3A_1016 = vector.extract_strided_slice %select_n3A_826 {offsets = [768], sizes = [256], strides = [1]} : vector<1024xf32> to vector<256xf32>
      %broadcast_in_dim3A_1017 = vector.shape_cast %slice3A_1016 : vector<256xf32> to vector<1x256xf32>
      %mul3A_1018 = vector.broadcast %broadcast_in_dim3A_1015 : vector<256x1xf32> to vector<256x256xf32>
      %mul3A_1019 = vector.broadcast %broadcast_in_dim3A_1017 : vector<1x256xf32> to vector<256x256xf32>
      %mul3A_1020 = arith.mulf %mul3A_1018, %mul3A_1019 : vector<256x256xf32>
      %slice3A_1021 = vector.extract_strided_slice %exp3A_820 {offsets = [0], sizes = [256], strides = [1]} : vector<1024xf32> to vector<256xf32>
      %broadcast_in_dim3A_1022 = vector.shape_cast %slice3A_1021 : vector<256xf32> to vector<256x1xf32>
      %slice3A_1023 = vector.extract_strided_slice %select_n3A_833 {offsets = [768], sizes = [256], strides = [1]} : vector<1024xf32> to vector<256xf32>
      %broadcast_in_dim3A_1024 = vector.shape_cast %slice3A_1023 : vector<256xf32> to vector<1x256xf32>
      %mul3A_1025 = vector.broadcast %broadcast_in_dim3A_1022 : vector<256x1xf32> to vector<256x256xf32>
      %mul3A_1026 = vector.broadcast %broadcast_in_dim3A_1024 : vector<1x256xf32> to vector<256x256xf32>
      %mul3A_1027 = arith.mulf %mul3A_1025, %mul3A_1026 : vector<256x256xf32>
      %max3A_1028 = arith.maximumf %mul3A_1020, %mul3A_1027 : vector<256x256xf32>
      %slice3A_1029 = vector.extract_strided_slice %concatenate3A_790 {offsets = [768, 0], sizes = [256, 33], strides = [1, 1]} : vector<1024x33xf32> to vector<256x33xf32>
      %dot_general3A_1030 = arith.constant dense<0.000000e+00> : vector<256x33xf32>
      %dot_general3A_1031 = tpu.matmul %max3A_1028, %slice3A_1029, %dot_general3A_1030 {dimension_numbers = #tpu.dot_dimension_numbers<[1], [0], [0], [1], [0, 0, 1, 1], [], []>, transpose_lhs_hint = false} : vector<256x256xf32>, vector<256x33xf32>, vector<256x33xf32> -> vector<256x33xf32>
      %get3A_1032 = arith.constant 0 : index
      %get3A_1033 = arith.constant 0 : index
      %get3A_1034 = vector.load %arg9[%get3A_1032, %get3A_1033] : memref<1024x33xf32, #tpu.memory_space<vmem>>, vector<256x33xf32>
      %add3A_1035 = arith.addf %get3A_1034, %dot_general3A_1031 : vector<256x33xf32>
      %swap3A_1036 = arith.constant 0 : index
      %swap3A_1037 = arith.constant 0 : index
      %swap3A_1038 = vector.load %arg9[%swap3A_1036, %swap3A_1037] : memref<1024x33xf32, #tpu.memory_space<vmem>>, vector<256x33xf32>
      tpu.vector_store %arg9[%swap3A_1036, %swap3A_1037], %add3A_1035 {strides = array<i32>} : memref<1024x33xf32, #tpu.memory_space<vmem>>, vector<256x33xf32>,
    } else {
    }
    %gt3A_871 = arith.constant 256 : i32
    %gt3A_872 = arith.cmpi sgt, %get3A_1, %gt3A_871 : i32
    %gt3A_873 = arith.constant 0 : i32
    %gt3A_874 = arith.cmpi sgt, %get3A_1, %gt3A_873 : i32
    %and3A_875 = arith.andi %gt3A_872, %gt3A_874 : i1
    %convert_element_type3A_876 = arith.extui %and3A_875 : i1 to i32
    %cond3A_877 = arith.constant 0 : i32
    %cond3A_878 = arith.cmpi ne, %convert_element_type3A_876, %cond3A_877 : i32
    scf.if %cond3A_878 {
      %slice3A_1014 = vector.extract_strided_slice %exp3A_815 {offsets = [256], sizes = [256], strides = [1]} : vector<1024xf32> to vector<256xf32>
      %broadcast_in_dim3A_1015 = vector.shape_cast %slice3A_1014 : vector<256xf32> to vector<256x1xf32>
      %slice3A_1016 = vector.extract_strided_slice %select_n3A_826 {offsets = [0], sizes = [256], strides = [1]} : vector<1024xf32> to vector<256xf32>
      %broadcast_in_dim3A_1017 = vector.shape_cast %slice3A_1016 : vector<256xf32> to vector<1x256xf32>
      %mul3A_1018 = vector.broadcast %broadcast_in_dim3A_1015 : vector<256x1xf32> to vector<256x256xf32>
      %mul3A_1019 = vector.broadcast %broadcast_in_dim3A_1017 : vector<1x256xf32> to vector<256x256xf32>
      %mul3A_1020 = arith.mulf %mul3A_1018, %mul3A_1019 : vector<256x256xf32>
      %slice3A_1021 = vector.extract_strided_slice %exp3A_820 {offsets = [256], sizes = [256], strides = [1]} : vector<1024xf32> to vector<256xf32>
      %broadcast_in_dim3A_1022 = vector.shape_cast %slice3A_1021 : vector<256xf32> to vector<256x1xf32>
      %slice3A_1023 = vector.extract_strided_slice %select_n3A_833 {offsets = [0], sizes = [256], strides = [1]} : vector<1024xf32> to vector<256xf32>
      %broadcast_in_dim3A_1024 = vector.shape_cast %slice3A_1023 : vector<256xf32> to vector<1x256xf32>
      %mul3A_1025 = vector.broadcast %broadcast_in_dim3A_1022 : vector<256x1xf32> to vector<256x256xf32>
      %mul3A_1026 = vector.broadcast %broadcast_in_dim3A_1024 : vector<1x256xf32> to vector<256x256xf32>
      %mul3A_1027 = arith.mulf %mul3A_1025, %mul3A_1026 : vector<256x256xf32>
      %max3A_1028 = arith.maximumf %mul3A_1020, %mul3A_1027 : vector<256x256xf32>
      %slice3A_1029 = vector.extract_strided_slice %concatenate3A_790 {offsets = [0, 0], sizes = [256, 33], strides = [1, 1]} : vector<1024x33xf32> to vector<256x33xf32>
      %dot_general3A_1030 = arith.constant dense<0.000000e+00> : vector<256x33xf32>
      %dot_general3A_1031 = tpu.matmul %max3A_1028, %slice3A_1029, %dot_general3A_1030 {dimension_numbers = #tpu.dot_dimension_numbers<[1], [0], [0], [1], [0, 0, 1, 1], [], []>, transpose_lhs_hint = false} : vector<256x256xf32>, vector<256x33xf32>, vector<256x33xf32> -> vector<256x33xf32>
      %get3A_1032 = arith.constant 256 : index
      %get3A_1033 = arith.constant 0 : index
      %get3A_1034 = vector.load %arg9[%get3A_1032, %get3A_1033] : memref<1024x33xf32, #tpu.memory_space<vmem>>, vector<256x33xf32>
      %add3A_1035 = arith.addf %get3A_1034, %dot_general3A_1031 : vector<256x33xf32>
      %swap3A_1036 = arith.constant 256 : index
      %swap3A_1037 = arith.constant 0 : index
      %swap3A_1038 = vector.load %arg9[%swap3A_1036, %swap3A_1037] : memref<1024x33xf32, #tpu.memory_space<vmem>>, vector<256x33xf32>
      tpu.vector_store %arg9[%swap3A_1036, %swap3A_1037], %add3A_1035 {strides = array<i32>} : memref<1024x33xf32, #tpu.memory_space<vmem>>, vector<256x33xf32>,
    } else {
    }
    %gt3A_879 = arith.constant 256 : i32
    %gt3A_880 = arith.cmpi sgt, %get3A_1, %gt3A_879 : i32
    %gt3A_881 = arith.constant 256 : i32
    %gt3A_882 = arith.cmpi sgt, %get3A_1, %gt3A_881 : i32
    %and3A_883 = arith.andi %gt3A_880, %gt3A_882 : i1
    %convert_element_type3A_884 = arith.extui %and3A_883 : i1 to i32
    %cond3A_885 = arith.constant 0 : i32
    %cond3A_886 = arith.cmpi ne, %convert_element_type3A_884, %cond3A_885 : i32
    scf.if %cond3A_886 {
      %slice3A_1014 = vector.extract_strided_slice %exp3A_815 {offsets = [256], sizes = [256], strides = [1]} : vector<1024xf32> to vector<256xf32>
      %broadcast_in_dim3A_1015 = vector.shape_cast %slice3A_1014 : vector<256xf32> to vector<256x1xf32>
      %slice3A_1016 = vector.extract_strided_slice %select_n3A_826 {offsets = [256], sizes = [256], strides = [1]} : vector<1024xf32> to vector<256xf32>
      %broadcast_in_dim3A_1017 = vector.shape_cast %slice3A_1016 : vector<256xf32> to vector<1x256xf32>
      %mul3A_1018 = vector.broadcast %broadcast_in_dim3A_1015 : vector<256x1xf32> to vector<256x256xf32>
      %mul3A_1019 = vector.broadcast %broadcast_in_dim3A_1017 : vector<1x256xf32> to vector<256x256xf32>
      %mul3A_1020 = arith.mulf %mul3A_1018, %mul3A_1019 : vector<256x256xf32>
      %slice3A_1021 = vector.extract_strided_slice %exp3A_820 {offsets = [256], sizes = [256], strides = [1]} : vector<1024xf32> to vector<256xf32>
      %broadcast_in_dim3A_1022 = vector.shape_cast %slice3A_1021 : vector<256xf32> to vector<256x1xf32>
      %slice3A_1023 = vector.extract_strided_slice %select_n3A_833 {offsets = [256], sizes = [256], strides = [1]} : vector<1024xf32> to vector<256xf32>
      %broadcast_in_dim3A_1024 = vector.shape_cast %slice3A_1023 : vector<256xf32> to vector<1x256xf32>
      %mul3A_1025 = vector.broadcast %broadcast_in_dim3A_1022 : vector<256x1xf32> to vector<256x256xf32>
      %mul3A_1026 = vector.broadcast %broadcast_in_dim3A_1024 : vector<1x256xf32> to vector<256x256xf32>
      %mul3A_1027 = arith.mulf %mul3A_1025, %mul3A_1026 : vector<256x256xf32>
      %max3A_1028 = arith.maximumf %mul3A_1020, %mul3A_1027 : vector<256x256xf32>
      %slice3A_1029 = vector.extract_strided_slice %concatenate3A_790 {offsets = [256, 0], sizes = [256, 33], strides = [1, 1]} : vector<1024x33xf32> to vector<256x33xf32>
      %dot_general3A_1030 = arith.constant dense<0.000000e+00> : vector<256x33xf32>
      %dot_general3A_1031 = tpu.matmul %max3A_1028, %slice3A_1029, %dot_general3A_1030 {dimension_numbers = #tpu.dot_dimension_numbers<[1], [0], [0], [1], [0, 0, 1, 1], [], []>, transpose_lhs_hint = false} : vector<256x256xf32>, vector<256x33xf32>, vector<256x33xf32> -> vector<256x33xf32>
      %get3A_1032 = arith.constant 256 : index
      %get3A_1033 = arith.constant 0 : index
      %get3A_1034 = vector.load %arg9[%get3A_1032, %get3A_1033] : memref<1024x33xf32, #tpu.memory_space<vmem>>, vector<256x33xf32>
      %add3A_1035 = arith.addf %get3A_1034, %dot_general3A_1031 : vector<256x33xf32>
      %swap3A_1036 = arith.constant 256 : index
      %swap3A_1037 = arith.constant 0 : index
      %swap3A_1038 = vector.load %arg9[%swap3A_1036, %swap3A_1037] : memref<1024x33xf32, #tpu.memory_space<vmem>>, vector<256x33xf32>
      tpu.vector_store %arg9[%swap3A_1036, %swap3A_1037], %add3A_1035 {strides = array<i32>} : memref<1024x33xf32, #tpu.memory_space<vmem>>, vector<256x33xf32>,
    } else {
    }
    %gt3A_887 = arith.constant 256 : i32
    %gt3A_888 = arith.cmpi sgt, %get3A_1, %gt3A_887 : i32
    %gt3A_889 = arith.constant 512 : i32
    %gt3A_890 = arith.cmpi sgt, %get3A_1, %gt3A_889 : i32
    %and3A_891 = arith.andi %gt3A_888, %gt3A_890 : i1
    %convert_element_type3A_892 = arith.extui %and3A_891 : i1 to i32
    %cond3A_893 = arith.constant 0 : i32
    %cond3A_894 = arith.cmpi ne, %convert_element_type3A_892, %cond3A_893 : i32
    scf.if %cond3A_894 {
      %slice3A_1014 = vector.extract_strided_slice %exp3A_815 {offsets = [256], sizes = [256], strides = [1]} : vector<1024xf32> to vector<256xf32>
      %broadcast_in_dim3A_1015 = vector.shape_cast %slice3A_1014 : vector<256xf32> to vector<256x1xf32>
      %slice3A_1016 = vector.extract_strided_slice %select_n3A_826 {offsets = [512], sizes = [256], strides = [1]} : vector<1024xf32> to vector<256xf32>
      %broadcast_in_dim3A_1017 = vector.shape_cast %slice3A_1016 : vector<256xf32> to vector<1x256xf32>
      %mul3A_1018 = vector.broadcast %broadcast_in_dim3A_1015 : vector<256x1xf32> to vector<256x256xf32>
      %mul3A_1019 = vector.broadcast %broadcast_in_dim3A_1017 : vector<1x256xf32> to vector<256x256xf32>
      %mul3A_1020 = arith.mulf %mul3A_1018, %mul3A_1019 : vector<256x256xf32>
      %slice3A_1021 = vector.extract_strided_slice %exp3A_820 {offsets = [256], sizes = [256], strides = [1]} : vector<1024xf32> to vector<256xf32>
      %broadcast_in_dim3A_1022 = vector.shape_cast %slice3A_1021 : vector<256xf32> to vector<256x1xf32>
      %slice3A_1023 = vector.extract_strided_slice %select_n3A_833 {offsets = [512], sizes = [256], strides = [1]} : vector<1024xf32> to vector<256xf32>
      %broadcast_in_dim3A_1024 = vector.shape_cast %slice3A_1023 : vector<256xf32> to vector<1x256xf32>
      %mul3A_1025 = vector.broadcast %broadcast_in_dim3A_1022 : vector<256x1xf32> to vector<256x256xf32>
      %mul3A_1026 = vector.broadcast %broadcast_in_dim3A_1024 : vector<1x256xf32> to vector<256x256xf32>
      %mul3A_1027 = arith.mulf %mul3A_1025, %mul3A_1026 : vector<256x256xf32>
      %max3A_1028 = arith.maximumf %mul3A_1020, %mul3A_1027 : vector<256x256xf32>
      %slice3A_1029 = vector.extract_strided_slice %concatenate3A_790 {offsets = [512, 0], sizes = [256, 33], strides = [1, 1]} : vector<1024x33xf32> to vector<256x33xf32>
      %dot_general3A_1030 = arith.constant dense<0.000000e+00> : vector<256x33xf32>
      %dot_general3A_1031 = tpu.matmul %max3A_1028, %slice3A_1029, %dot_general3A_1030 {dimension_numbers = #tpu.dot_dimension_numbers<[1], [0], [0], [1], [0, 0, 1, 1], [], []>, transpose_lhs_hint = false} : vector<256x256xf32>, vector<256x33xf32>, vector<256x33xf32> -> vector<256x33xf32>
      %get3A_1032 = arith.constant 256 : index
      %get3A_1033 = arith.constant 0 : index
      %get3A_1034 = vector.load %arg9[%get3A_1032, %get3A_1033] : memref<1024x33xf32, #tpu.memory_space<vmem>>, vector<256x33xf32>
      %add3A_1035 = arith.addf %get3A_1034, %dot_general3A_1031 : vector<256x33xf32>
      %swap3A_1036 = arith.constant 256 : index
      %swap3A_1037 = arith.constant 0 : index
      %swap3A_1038 = vector.load %arg9[%swap3A_1036, %swap3A_1037] : memref<1024x33xf32, #tpu.memory_space<vmem>>, vector<256x33xf32>
      tpu.vector_store %arg9[%swap3A_1036, %swap3A_1037], %add3A_1035 {strides = array<i32>} : memref<1024x33xf32, #tpu.memory_space<vmem>>, vector<256x33xf32>,
    } else {
    }
    %gt3A_895 = arith.constant 256 : i32
    %gt3A_896 = arith.cmpi sgt, %get3A_1, %gt3A_895 : i32
    %gt3A_897 = arith.constant 768 : i32
    %gt3A_898 = arith.cmpi sgt, %get3A_1, %gt3A_897 : i32
    %and3A_899 = arith.andi %gt3A_896, %gt3A_898 : i1
    %convert_element_type3A_900 = arith.extui %and3A_899 : i1 to i32
    %cond3A_901 = arith.constant 0 : i32
    %cond3A_902 = arith.cmpi ne, %convert_element_type3A_900, %cond3A_901 : i32
    scf.if %cond3A_902 {
      %slice3A_1014 = vector.extract_strided_slice %exp3A_815 {offsets = [256], sizes = [256], strides = [1]} : vector<1024xf32> to vector<256xf32>
      %broadcast_in_dim3A_1015 = vector.shape_cast %slice3A_1014 : vector<256xf32> to vector<256x1xf32>
      %slice3A_1016 = vector.extract_strided_slice %select_n3A_826 {offsets = [768], sizes = [256], strides = [1]} : vector<1024xf32> to vector<256xf32>
      %broadcast_in_dim3A_1017 = vector.shape_cast %slice3A_1016 : vector<256xf32> to vector<1x256xf32>
      %mul3A_1018 = vector.broadcast %broadcast_in_dim3A_1015 : vector<256x1xf32> to vector<256x256xf32>
      %mul3A_1019 = vector.broadcast %broadcast_in_dim3A_1017 : vector<1x256xf32> to vector<256x256xf32>
      %mul3A_1020 = arith.mulf %mul3A_1018, %mul3A_1019 : vector<256x256xf32>
      %slice3A_1021 = vector.extract_strided_slice %exp3A_820 {offsets = [256], sizes = [256], strides = [1]} : vector<1024xf32> to vector<256xf32>
      %broadcast_in_dim3A_1022 = vector.shape_cast %slice3A_1021 : vector<256xf32> to vector<256x1xf32>
      %slice3A_1023 = vector.extract_strided_slice %select_n3A_833 {offsets = [768], sizes = [256], strides = [1]} : vector<1024xf32> to vector<256xf32>
      %broadcast_in_dim3A_1024 = vector.shape_cast %slice3A_1023 : vector<256xf32> to vector<1x256xf32>
      %mul3A_1025 = vector.broadcast %broadcast_in_dim3A_1022 : vector<256x1xf32> to vector<256x256xf32>
      %mul3A_1026 = vector.broadcast %broadcast_in_dim3A_1024 : vector<1x256xf32> to vector<256x256xf32>
      %mul3A_1027 = arith.mulf %mul3A_1025, %mul3A_1026 : vector<256x256xf32>
      %max3A_1028 = arith.maximumf %mul3A_1020, %mul3A_1027 : vector<256x256xf32>
      %slice3A_1029 = vector.extract_strided_slice %concatenate3A_790 {offsets = [768, 0], sizes = [256, 33], strides = [1, 1]} : vector<1024x33xf32> to vector<256x33xf32>
      %dot_general3A_1030 = arith.constant dense<0.000000e+00> : vector<256x33xf32>
      %dot_general3A_1031 = tpu.matmul %max3A_1028, %slice3A_1029, %dot_general3A_1030 {dimension_numbers = #tpu.dot_dimension_numbers<[1], [0], [0], [1], [0, 0, 1, 1], [], []>, transpose_lhs_hint = false} : vector<256x256xf32>, vector<256x33xf32>, vector<256x33xf32> -> vector<256x33xf32>
      %get3A_1032 = arith.constant 256 : index
      %get3A_1033 = arith.constant 0 : index
      %get3A_1034 = vector.load %arg9[%get3A_1032, %get3A_1033] : memref<1024x33xf32, #tpu.memory_space<vmem>>, vector<256x33xf32>
      %add3A_1035 = arith.addf %get3A_1034, %dot_general3A_1031 : vector<256x33xf32>
      %swap3A_1036 = arith.constant 256 : index
      %swap3A_1037 = arith.constant 0 : index
      %swap3A_1038 = vector.load %arg9[%swap3A_1036, %swap3A_1037] : memref<1024x33xf32, #tpu.memory_space<vmem>>, vector<256x33xf32>
      tpu.vector_store %arg9[%swap3A_1036, %swap3A_1037], %add3A_1035 {strides = array<i32>} : memref<1024x33xf32, #tpu.memory_space<vmem>>, vector<256x33xf32>,
    } else {
    }
    %gt3A_903 = arith.constant 512 : i32
    %gt3A_904 = arith.cmpi sgt, %get3A_1, %gt3A_903 : i32
    %gt3A_905 = arith.constant 0 : i32
    %gt3A_906 = arith.cmpi sgt, %get3A_1, %gt3A_905 : i32
    %and3A_907 = arith.andi %gt3A_904, %gt3A_906 : i1
    %convert_element_type3A_908 = arith.extui %and3A_907 : i1 to i32
    %cond3A_909 = arith.constant 0 : i32
    %cond3A_910 = arith.cmpi ne, %convert_element_type3A_908, %cond3A_909 : i32
    scf.if %cond3A_910 {
      %slice3A_1014 = vector.extract_strided_slice %exp3A_815 {offsets = [512], sizes = [256], strides = [1]} : vector<1024xf32> to vector<256xf32>
      %broadcast_in_dim3A_1015 = vector.shape_cast %slice3A_1014 : vector<256xf32> to vector<256x1xf32>
      %slice3A_1016 = vector.extract_strided_slice %select_n3A_826 {offsets = [0], sizes = [256], strides = [1]} : vector<1024xf32> to vector<256xf32>
      %broadcast_in_dim3A_1017 = vector.shape_cast %slice3A_1016 : vector<256xf32> to vector<1x256xf32>
      %mul3A_1018 = vector.broadcast %broadcast_in_dim3A_1015 : vector<256x1xf32> to vector<256x256xf32>
      %mul3A_1019 = vector.broadcast %broadcast_in_dim3A_1017 : vector<1x256xf32> to vector<256x256xf32>
      %mul3A_1020 = arith.mulf %mul3A_1018, %mul3A_1019 : vector<256x256xf32>
      %slice3A_1021 = vector.extract_strided_slice %exp3A_820 {offsets = [512], sizes = [256], strides = [1]} : vector<1024xf32> to vector<256xf32>
      %broadcast_in_dim3A_1022 = vector.shape_cast %slice3A_1021 : vector<256xf32> to vector<256x1xf32>
      %slice3A_1023 = vector.extract_strided_slice %select_n3A_833 {offsets = [0], sizes = [256], strides = [1]} : vector<1024xf32> to vector<256xf32>
      %broadcast_in_dim3A_1024 = vector.shape_cast %slice3A_1023 : vector<256xf32> to vector<1x256xf32>
      %mul3A_1025 = vector.broadcast %broadcast_in_dim3A_1022 : vector<256x1xf32> to vector<256x256xf32>
      %mul3A_1026 = vector.broadcast %broadcast_in_dim3A_1024 : vector<1x256xf32> to vector<256x256xf32>
      %mul3A_1027 = arith.mulf %mul3A_1025, %mul3A_1026 : vector<256x256xf32>
      %max3A_1028 = arith.maximumf %mul3A_1020, %mul3A_1027 : vector<256x256xf32>
      %slice3A_1029 = vector.extract_strided_slice %concatenate3A_790 {offsets = [0, 0], sizes = [256, 33], strides = [1, 1]} : vector<1024x33xf32> to vector<256x33xf32>
      %dot_general3A_1030 = arith.constant dense<0.000000e+00> : vector<256x33xf32>
      %dot_general3A_1031 = tpu.matmul %max3A_1028, %slice3A_1029, %dot_general3A_1030 {dimension_numbers = #tpu.dot_dimension_numbers<[1], [0], [0], [1], [0, 0, 1, 1], [], []>, transpose_lhs_hint = false} : vector<256x256xf32>, vector<256x33xf32>, vector<256x33xf32> -> vector<256x33xf32>
      %get3A_1032 = arith.constant 512 : index
      %get3A_1033 = arith.constant 0 : index
      %get3A_1034 = vector.load %arg9[%get3A_1032, %get3A_1033] : memref<1024x33xf32, #tpu.memory_space<vmem>>, vector<256x33xf32>
      %add3A_1035 = arith.addf %get3A_1034, %dot_general3A_1031 : vector<256x33xf32>
      %swap3A_1036 = arith.constant 512 : index
      %swap3A_1037 = arith.constant 0 : index
      %swap3A_1038 = vector.load %arg9[%swap3A_1036, %swap3A_1037] : memref<1024x33xf32, #tpu.memory_space<vmem>>, vector<256x33xf32>
      tpu.vector_store %arg9[%swap3A_1036, %swap3A_1037], %add3A_1035 {strides = array<i32>} : memref<1024x33xf32, #tpu.memory_space<vmem>>, vector<256x33xf32>,
    } else {
    }
    %gt3A_911 = arith.constant 512 : i32
    %gt3A_912 = arith.cmpi sgt, %get3A_1, %gt3A_911 : i32
    %gt3A_913 = arith.constant 256 : i32
    %gt3A_914 = arith.cmpi sgt, %get3A_1, %gt3A_913 : i32
    %and3A_915 = arith.andi %gt3A_912, %gt3A_914 : i1
    %convert_element_type3A_916 = arith.extui %and3A_915 : i1 to i32
    %cond3A_917 = arith.constant 0 : i32
    %cond3A_918 = arith.cmpi ne, %convert_element_type3A_916, %cond3A_917 : i32
    scf.if %cond3A_918 {
      %slice3A_1014 = vector.extract_strided_slice %exp3A_815 {offsets = [512], sizes = [256], strides = [1]} : vector<1024xf32> to vector<256xf32>
      %broadcast_in_dim3A_1015 = vector.shape_cast %slice3A_1014 : vector<256xf32> to vector<256x1xf32>
      %slice3A_1016 = vector.extract_strided_slice %select_n3A_826 {offsets = [256], sizes = [256], strides = [1]} : vector<1024xf32> to vector<256xf32>
      %broadcast_in_dim3A_1017 = vector.shape_cast %slice3A_1016 : vector<256xf32> to vector<1x256xf32>
      %mul3A_1018 = vector.broadcast %broadcast_in_dim3A_1015 : vector<256x1xf32> to vector<256x256xf32>
      %mul3A_1019 = vector.broadcast %broadcast_in_dim3A_1017 : vector<1x256xf32> to vector<256x256xf32>
      %mul3A_1020 = arith.mulf %mul3A_1018, %mul3A_1019 : vector<256x256xf32>
      %slice3A_1021 = vector.extract_strided_slice %exp3A_820 {offsets = [512], sizes = [256], strides = [1]} : vector<1024xf32> to vector<256xf32>
      %broadcast_in_dim3A_1022 = vector.shape_cast %slice3A_1021 : vector<256xf32> to vector<256x1xf32>
      %slice3A_1023 = vector.extract_strided_slice %select_n3A_833 {offsets = [256], sizes = [256], strides = [1]} : vector<1024xf32> to vector<256xf32>
      %broadcast_in_dim3A_1024 = vector.shape_cast %slice3A_1023 : vector<256xf32> to vector<1x256xf32>
      %mul3A_1025 = vector.broadcast %broadcast_in_dim3A_1022 : vector<256x1xf32> to vector<256x256xf32>
      %mul3A_1026 = vector.broadcast %broadcast_in_dim3A_1024 : vector<1x256xf32> to vector<256x256xf32>
      %mul3A_1027 = arith.mulf %mul3A_1025, %mul3A_1026 : vector<256x256xf32>
      %max3A_1028 = arith.maximumf %mul3A_1020, %mul3A_1027 : vector<256x256xf32>
      %slice3A_1029 = vector.extract_strided_slice %concatenate3A_790 {offsets = [256, 0], sizes = [256, 33], strides = [1, 1]} : vector<1024x33xf32> to vector<256x33xf32>
      %dot_general3A_1030 = arith.constant dense<0.000000e+00> : vector<256x33xf32>
      %dot_general3A_1031 = tpu.matmul %max3A_1028, %slice3A_1029, %dot_general3A_1030 {dimension_numbers = #tpu.dot_dimension_numbers<[1], [0], [0], [1], [0, 0, 1, 1], [], []>, transpose_lhs_hint = false} : vector<256x256xf32>, vector<256x33xf32>, vector<256x33xf32> -> vector<256x33xf32>
      %get3A_1032 = arith.constant 512 : index
      %get3A_1033 = arith.constant 0 : index
      %get3A_1034 = vector.load %arg9[%get3A_1032, %get3A_1033] : memref<1024x33xf32, #tpu.memory_space<vmem>>, vector<256x33xf32>
      %add3A_1035 = arith.addf %get3A_1034, %dot_general3A_1031 : vector<256x33xf32>
      %swap3A_1036 = arith.constant 512 : index
      %swap3A_1037 = arith.constant 0 : index
      %swap3A_1038 = vector.load %arg9[%swap3A_1036, %swap3A_1037] : memref<1024x33xf32, #tpu.memory_space<vmem>>, vector<256x33xf32>
      tpu.vector_store %arg9[%swap3A_1036, %swap3A_1037], %add3A_1035 {strides = array<i32>} : memref<1024x33xf32, #tpu.memory_space<vmem>>, vector<256x33xf32>,
    } else {
    }
    %gt3A_919 = arith.constant 512 : i32
    %gt3A_920 = arith.cmpi sgt, %get3A_1, %gt3A_919 : i32
    %gt3A_921 = arith.constant 512 : i32
    %gt3A_922 = arith.cmpi sgt, %get3A_1, %gt3A_921 : i32
    %and3A_923 = arith.andi %gt3A_920, %gt3A_922 : i1
    %convert_element_type3A_924 = arith.extui %and3A_923 : i1 to i32
    %cond3A_925 = arith.constant 0 : i32
    %cond3A_926 = arith.cmpi ne, %convert_element_type3A_924, %cond3A_925 : i32
    scf.if %cond3A_926 {
      %slice3A_1014 = vector.extract_strided_slice %exp3A_815 {offsets = [512], sizes = [256], strides = [1]} : vector<1024xf32> to vector<256xf32>
      %broadcast_in_dim3A_1015 = vector.shape_cast %slice3A_1014 : vector<256xf32> to vector<256x1xf32>
      %slice3A_1016 = vector.extract_strided_slice %select_n3A_826 {offsets = [512], sizes = [256], strides = [1]} : vector<1024xf32> to vector<256xf32>
      %broadcast_in_dim3A_1017 = vector.shape_cast %slice3A_1016 : vector<256xf32> to vector<1x256xf32>
      %mul3A_1018 = vector.broadcast %broadcast_in_dim3A_1015 : vector<256x1xf32> to vector<256x256xf32>
      %mul3A_1019 = vector.broadcast %broadcast_in_dim3A_1017 : vector<1x256xf32> to vector<256x256xf32>
      %mul3A_1020 = arith.mulf %mul3A_1018, %mul3A_1019 : vector<256x256xf32>
      %slice3A_1021 = vector.extract_strided_slice %exp3A_820 {offsets = [512], sizes = [256], strides = [1]} : vector<1024xf32> to vector<256xf32>
      %broadcast_in_dim3A_1022 = vector.shape_cast %slice3A_1021 : vector<256xf32> to vector<256x1xf32>
      %slice3A_1023 = vector.extract_strided_slice %select_n3A_833 {offsets = [512], sizes = [256], strides = [1]} : vector<1024xf32> to vector<256xf32>
      %broadcast_in_dim3A_1024 = vector.shape_cast %slice3A_1023 : vector<256xf32> to vector<1x256xf32>
      %mul3A_1025 = vector.broadcast %broadcast_in_dim3A_1022 : vector<256x1xf32> to vector<256x256xf32>
      %mul3A_1026 = vector.broadcast %broadcast_in_dim3A_1024 : vector<1x256xf32> to vector<256x256xf32>
      %mul3A_1027 = arith.mulf %mul3A_1025, %mul3A_1026 : vector<256x256xf32>
      %max3A_1028 = arith.maximumf %mul3A_1020, %mul3A_1027 : vector<256x256xf32>
      %slice3A_1029 = vector.extract_strided_slice %concatenate3A_790 {offsets = [512, 0], sizes = [256, 33], strides = [1, 1]} : vector<1024x33xf32> to vector<256x33xf32>
      %dot_general3A_1030 = arith.constant dense<0.000000e+00> : vector<256x33xf32>
      %dot_general3A_1031 = tpu.matmul %max3A_1028, %slice3A_1029, %dot_general3A_1030 {dimension_numbers = #tpu.dot_dimension_numbers<[1], [0], [0], [1], [0, 0, 1, 1], [], []>, transpose_lhs_hint = false} : vector<256x256xf32>, vector<256x33xf32>, vector<256x33xf32> -> vector<256x33xf32>
      %get3A_1032 = arith.constant 512 : index
      %get3A_1033 = arith.constant 0 : index
      %get3A_1034 = vector.load %arg9[%get3A_1032, %get3A_1033] : memref<1024x33xf32, #tpu.memory_space<vmem>>, vector<256x33xf32>
      %add3A_1035 = arith.addf %get3A_1034, %dot_general3A_1031 : vector<256x33xf32>
      %swap3A_1036 = arith.constant 512 : index
      %swap3A_1037 = arith.constant 0 : index
      %swap3A_1038 = vector.load %arg9[%swap3A_1036, %swap3A_1037] : memref<1024x33xf32, #tpu.memory_space<vmem>>, vector<256x33xf32>
      tpu.vector_store %arg9[%swap3A_1036, %swap3A_1037], %add3A_1035 {strides = array<i32>} : memref<1024x33xf32, #tpu.memory_space<vmem>>, vector<256x33xf32>,
    } else {
    }
    %gt3A_927 = arith.constant 512 : i32
    %gt3A_928 = arith.cmpi sgt, %get3A_1, %gt3A_927 : i32
    %gt3A_929 = arith.constant 768 : i32
    %gt3A_930 = arith.cmpi sgt, %get3A_1, %gt3A_929 : i32
    %and3A_931 = arith.andi %gt3A_928, %gt3A_930 : i1
    %convert_element_type3A_932 = arith.extui %and3A_931 : i1 to i32
    %cond3A_933 = arith.constant 0 : i32
    %cond3A_934 = arith.cmpi ne, %convert_element_type3A_932, %cond3A_933 : i32
    scf.if %cond3A_934 {
      %slice3A_1014 = vector.extract_strided_slice %exp3A_815 {offsets = [512], sizes = [256], strides = [1]} : vector<1024xf32> to vector<256xf32>
      %broadcast_in_dim3A_1015 = vector.shape_cast %slice3A_1014 : vector<256xf32> to vector<256x1xf32>
      %slice3A_1016 = vector.extract_strided_slice %select_n3A_826 {offsets = [768], sizes = [256], strides = [1]} : vector<1024xf32> to vector<256xf32>
      %broadcast_in_dim3A_1017 = vector.shape_cast %slice3A_1016 : vector<256xf32> to vector<1x256xf32>
      %mul3A_1018 = vector.broadcast %broadcast_in_dim3A_1015 : vector<256x1xf32> to vector<256x256xf32>
      %mul3A_1019 = vector.broadcast %broadcast_in_dim3A_1017 : vector<1x256xf32> to vector<256x256xf32>
      %mul3A_1020 = arith.mulf %mul3A_1018, %mul3A_1019 : vector<256x256xf32>
      %slice3A_1021 = vector.extract_strided_slice %exp3A_820 {offsets = [512], sizes = [256], strides = [1]} : vector<1024xf32> to vector<256xf32>
      %broadcast_in_dim3A_1022 = vector.shape_cast %slice3A_1021 : vector<256xf32> to vector<256x1xf32>
      %slice3A_1023 = vector.extract_strided_slice %select_n3A_833 {offsets = [768], sizes = [256], strides = [1]} : vector<1024xf32> to vector<256xf32>
      %broadcast_in_dim3A_1024 = vector.shape_cast %slice3A_1023 : vector<256xf32> to vector<1x256xf32>
      %mul3A_1025 = vector.broadcast %broadcast_in_dim3A_1022 : vector<256x1xf32> to vector<256x256xf32>
      %mul3A_1026 = vector.broadcast %broadcast_in_dim3A_1024 : vector<1x256xf32> to vector<256x256xf32>
      %mul3A_1027 = arith.mulf %mul3A_1025, %mul3A_1026 : vector<256x256xf32>
      %max3A_1028 = arith.maximumf %mul3A_1020, %mul3A_1027 : vector<256x256xf32>
      %slice3A_1029 = vector.extract_strided_slice %concatenate3A_790 {offsets = [768, 0], sizes = [256, 33], strides = [1, 1]} : vector<1024x33xf32> to vector<256x33xf32>
      %dot_general3A_1030 = arith.constant dense<0.000000e+00> : vector<256x33xf32>
      %dot_general3A_1031 = tpu.matmul %max3A_1028, %slice3A_1029, %dot_general3A_1030 {dimension_numbers = #tpu.dot_dimension_numbers<[1], [0], [0], [1], [0, 0, 1, 1], [], []>, transpose_lhs_hint = false} : vector<256x256xf32>, vector<256x33xf32>, vector<256x33xf32> -> vector<256x33xf32>
      %get3A_1032 = arith.constant 512 : index
      %get3A_1033 = arith.constant 0 : index
      %get3A_1034 = vector.load %arg9[%get3A_1032, %get3A_1033] : memref<1024x33xf32, #tpu.memory_space<vmem>>, vector<256x33xf32>
      %add3A_1035 = arith.addf %get3A_1034, %dot_general3A_1031 : vector<256x33xf32>
      %swap3A_1036 = arith.constant 512 : index
      %swap3A_1037 = arith.constant 0 : index
      %swap3A_1038 = vector.load %arg9[%swap3A_1036, %swap3A_1037] : memref<1024x33xf32, #tpu.memory_space<vmem>>, vector<256x33xf32>
      tpu.vector_store %arg9[%swap3A_1036, %swap3A_1037], %add3A_1035 {strides = array<i32>} : memref<1024x33xf32, #tpu.memory_space<vmem>>, vector<256x33xf32>,
    } else {
    }
    %gt3A_935 = arith.constant 768 : i32
    %gt3A_936 = arith.cmpi sgt, %get3A_1, %gt3A_935 : i32
    %gt3A_937 = arith.constant 0 : i32
    %gt3A_938 = arith.cmpi sgt, %get3A_1, %gt3A_937 : i32
    %and3A_939 = arith.andi %gt3A_936, %gt3A_938 : i1
    %convert_element_type3A_940 = arith.extui %and3A_939 : i1 to i32
    %cond3A_941 = arith.constant 0 : i32
    %cond3A_942 = arith.cmpi ne, %convert_element_type3A_940, %cond3A_941 : i32
    scf.if %cond3A_942 {
      %slice3A_1014 = vector.extract_strided_slice %exp3A_815 {offsets = [768], sizes = [256], strides = [1]} : vector<1024xf32> to vector<256xf32>
      %broadcast_in_dim3A_1015 = vector.shape_cast %slice3A_1014 : vector<256xf32> to vector<256x1xf32>
      %slice3A_1016 = vector.extract_strided_slice %select_n3A_826 {offsets = [0], sizes = [256], strides = [1]} : vector<1024xf32> to vector<256xf32>
      %broadcast_in_dim3A_1017 = vector.shape_cast %slice3A_1016 : vector<256xf32> to vector<1x256xf32>
      %mul3A_1018 = vector.broadcast %broadcast_in_dim3A_1015 : vector<256x1xf32> to vector<256x256xf32>
      %mul3A_1019 = vector.broadcast %broadcast_in_dim3A_1017 : vector<1x256xf32> to vector<256x256xf32>
      %mul3A_1020 = arith.mulf %mul3A_1018, %mul3A_1019 : vector<256x256xf32>
      %slice3A_1021 = vector.extract_strided_slice %exp3A_820 {offsets = [768], sizes = [256], strides = [1]} : vector<1024xf32> to vector<256xf32>
      %broadcast_in_dim3A_1022 = vector.shape_cast %slice3A_1021 : vector<256xf32> to vector<256x1xf32>
      %slice3A_1023 = vector.extract_strided_slice %select_n3A_833 {offsets = [0], sizes = [256], strides = [1]} : vector<1024xf32> to vector<256xf32>
      %broadcast_in_dim3A_1024 = vector.shape_cast %slice3A_1023 : vector<256xf32> to vector<1x256xf32>
      %mul3A_1025 = vector.broadcast %broadcast_in_dim3A_1022 : vector<256x1xf32> to vector<256x256xf32>
      %mul3A_1026 = vector.broadcast %broadcast_in_dim3A_1024 : vector<1x256xf32> to vector<256x256xf32>
      %mul3A_1027 = arith.mulf %mul3A_1025, %mul3A_1026 : vector<256x256xf32>
      %max3A_1028 = arith.maximumf %mul3A_1020, %mul3A_1027 : vector<256x256xf32>
      %slice3A_1029 = vector.extract_strided_slice %concatenate3A_790 {offsets = [0, 0], sizes = [256, 33], strides = [1, 1]} : vector<1024x33xf32> to vector<256x33xf32>
      %dot_general3A_1030 = arith.constant dense<0.000000e+00> : vector<256x33xf32>
      %dot_general3A_1031 = tpu.matmul %max3A_1028, %slice3A_1029, %dot_general3A_1030 {dimension_numbers = #tpu.dot_dimension_numbers<[1], [0], [0], [1], [0, 0, 1, 1], [], []>, transpose_lhs_hint = false} : vector<256x256xf32>, vector<256x33xf32>, vector<256x33xf32> -> vector<256x33xf32>
      %get3A_1032 = arith.constant 768 : index
      %get3A_1033 = arith.constant 0 : index
      %get3A_1034 = vector.load %arg9[%get3A_1032, %get3A_1033] : memref<1024x33xf32, #tpu.memory_space<vmem>>, vector<256x33xf32>
      %add3A_1035 = arith.addf %get3A_1034, %dot_general3A_1031 : vector<256x33xf32>
      %swap3A_1036 = arith.constant 768 : index
      %swap3A_1037 = arith.constant 0 : index
      %swap3A_1038 = vector.load %arg9[%swap3A_1036, %swap3A_1037] : memref<1024x33xf32, #tpu.memory_space<vmem>>, vector<256x33xf32>
      tpu.vector_store %arg9[%swap3A_1036, %swap3A_1037], %add3A_1035 {strides = array<i32>} : memref<1024x33xf32, #tpu.memory_space<vmem>>, vector<256x33xf32>,
    } else {
    }
    %gt3A_943 = arith.constant 768 : i32
    %gt3A_944 = arith.cmpi sgt, %get3A_1, %gt3A_943 : i32
    %gt3A_945 = arith.constant 256 : i32
    %gt3A_946 = arith.cmpi sgt, %get3A_1, %gt3A_945 : i32
    %and3A_947 = arith.andi %gt3A_944, %gt3A_946 : i1
    %convert_element_type3A_948 = arith.extui %and3A_947 : i1 to i32
    %cond3A_949 = arith.constant 0 : i32
    %cond3A_950 = arith.cmpi ne, %convert_element_type3A_948, %cond3A_949 : i32
    scf.if %cond3A_950 {
      %slice3A_1014 = vector.extract_strided_slice %exp3A_815 {offsets = [768], sizes = [256], strides = [1]} : vector<1024xf32> to vector<256xf32>
      %broadcast_in_dim3A_1015 = vector.shape_cast %slice3A_1014 : vector<256xf32> to vector<256x1xf32>
      %slice3A_1016 = vector.extract_strided_slice %select_n3A_826 {offsets = [256], sizes = [256], strides = [1]} : vector<1024xf32> to vector<256xf32>
      %broadcast_in_dim3A_1017 = vector.shape_cast %slice3A_1016 : vector<256xf32> to vector<1x256xf32>
      %mul3A_1018 = vector.broadcast %broadcast_in_dim3A_1015 : vector<256x1xf32> to vector<256x256xf32>
      %mul3A_1019 = vector.broadcast %broadcast_in_dim3A_1017 : vector<1x256xf32> to vector<256x256xf32>
      %mul3A_1020 = arith.mulf %mul3A_1018, %mul3A_1019 : vector<256x256xf32>
      %slice3A_1021 = vector.extract_strided_slice %exp3A_820 {offsets = [768], sizes = [256], strides = [1]} : vector<1024xf32> to vector<256xf32>
      %broadcast_in_dim3A_1022 = vector.shape_cast %slice3A_1021 : vector<256xf32> to vector<256x1xf32>
      %slice3A_1023 = vector.extract_strided_slice %select_n3A_833 {offsets = [256], sizes = [256], strides = [1]} : vector<1024xf32> to vector<256xf32>
      %broadcast_in_dim3A_1024 = vector.shape_cast %slice3A_1023 : vector<256xf32> to vector<1x256xf32>
      %mul3A_1025 = vector.broadcast %broadcast_in_dim3A_1022 : vector<256x1xf32> to vector<256x256xf32>
      %mul3A_1026 = vector.broadcast %broadcast_in_dim3A_1024 : vector<1x256xf32> to vector<256x256xf32>
      %mul3A_1027 = arith.mulf %mul3A_1025, %mul3A_1026 : vector<256x256xf32>
      %max3A_1028 = arith.maximumf %mul3A_1020, %mul3A_1027 : vector<256x256xf32>
      %slice3A_1029 = vector.extract_strided_slice %concatenate3A_790 {offsets = [256, 0], sizes = [256, 33], strides = [1, 1]} : vector<1024x33xf32> to vector<256x33xf32>
      %dot_general3A_1030 = arith.constant dense<0.000000e+00> : vector<256x33xf32>
      %dot_general3A_1031 = tpu.matmul %max3A_1028, %slice3A_1029, %dot_general3A_1030 {dimension_numbers = #tpu.dot_dimension_numbers<[1], [0], [0], [1], [0, 0, 1, 1], [], []>, transpose_lhs_hint = false} : vector<256x256xf32>, vector<256x33xf32>, vector<256x33xf32> -> vector<256x33xf32>
      %get3A_1032 = arith.constant 768 : index
      %get3A_1033 = arith.constant 0 : index
      %get3A_1034 = vector.load %arg9[%get3A_1032, %get3A_1033] : memref<1024x33xf32, #tpu.memory_space<vmem>>, vector<256x33xf32>
      %add3A_1035 = arith.addf %get3A_1034, %dot_general3A_1031 : vector<256x33xf32>
      %swap3A_1036 = arith.constant 768 : index
      %swap3A_1037 = arith.constant 0 : index
      %swap3A_1038 = vector.load %arg9[%swap3A_1036, %swap3A_1037] : memref<1024x33xf32, #tpu.memory_space<vmem>>, vector<256x33xf32>
      tpu.vector_store %arg9[%swap3A_1036, %swap3A_1037], %add3A_1035 {strides = array<i32>} : memref<1024x33xf32, #tpu.memory_space<vmem>>, vector<256x33xf32>,
    } else {
    }
    %gt3A_951 = arith.constant 768 : i32
    %gt3A_952 = arith.cmpi sgt, %get3A_1, %gt3A_951 : i32
    %gt3A_953 = arith.constant 512 : i32
    %gt3A_954 = arith.cmpi sgt, %get3A_1, %gt3A_953 : i32
    %and3A_955 = arith.andi %gt3A_952, %gt3A_954 : i1
    %convert_element_type3A_956 = arith.extui %and3A_955 : i1 to i32
    %cond3A_957 = arith.constant 0 : i32
    %cond3A_958 = arith.cmpi ne, %convert_element_type3A_956, %cond3A_957 : i32
    scf.if %cond3A_958 {
      %slice3A_1014 = vector.extract_strided_slice %exp3A_815 {offsets = [768], sizes = [256], strides = [1]} : vector<1024xf32> to vector<256xf32>
      %broadcast_in_dim3A_1015 = vector.shape_cast %slice3A_1014 : vector<256xf32> to vector<256x1xf32>
      %slice3A_1016 = vector.extract_strided_slice %select_n3A_826 {offsets = [512], sizes = [256], strides = [1]} : vector<1024xf32> to vector<256xf32>
      %broadcast_in_dim3A_1017 = vector.shape_cast %slice3A_1016 : vector<256xf32> to vector<1x256xf32>
      %mul3A_1018 = vector.broadcast %broadcast_in_dim3A_1015 : vector<256x1xf32> to vector<256x256xf32>
      %mul3A_1019 = vector.broadcast %broadcast_in_dim3A_1017 : vector<1x256xf32> to vector<256x256xf32>
      %mul3A_1020 = arith.mulf %mul3A_1018, %mul3A_1019 : vector<256x256xf32>
      %slice3A_1021 = vector.extract_strided_slice %exp3A_820 {offsets = [768], sizes = [256], strides = [1]} : vector<1024xf32> to vector<256xf32>
      %broadcast_in_dim3A_1022 = vector.shape_cast %slice3A_1021 : vector<256xf32> to vector<256x1xf32>
      %slice3A_1023 = vector.extract_strided_slice %select_n3A_833 {offsets = [512], sizes = [256], strides = [1]} : vector<1024xf32> to vector<256xf32>
      %broadcast_in_dim3A_1024 = vector.shape_cast %slice3A_1023 : vector<256xf32> to vector<1x256xf32>
      %mul3A_1025 = vector.broadcast %broadcast_in_dim3A_1022 : vector<256x1xf32> to vector<256x256xf32>
      %mul3A_1026 = vector.broadcast %broadcast_in_dim3A_1024 : vector<1x256xf32> to vector<256x256xf32>
      %mul3A_1027 = arith.mulf %mul3A_1025, %mul3A_1026 : vector<256x256xf32>
      %max3A_1028 = arith.maximumf %mul3A_1020, %mul3A_1027 : vector<256x256xf32>
      %slice3A_1029 = vector.extract_strided_slice %concatenate3A_790 {offsets = [512, 0], sizes = [256, 33], strides = [1, 1]} : vector<1024x33xf32> to vector<256x33xf32>
      %dot_general3A_1030 = arith.constant dense<0.000000e+00> : vector<256x33xf32>
      %dot_general3A_1031 = tpu.matmul %max3A_1028, %slice3A_1029, %dot_general3A_1030 {dimension_numbers = #tpu.dot_dimension_numbers<[1], [0], [0], [1], [0, 0, 1, 1], [], []>, transpose_lhs_hint = false} : vector<256x256xf32>, vector<256x33xf32>, vector<256x33xf32> -> vector<256x33xf32>
      %get3A_1032 = arith.constant 768 : index
      %get3A_1033 = arith.constant 0 : index
      %get3A_1034 = vector.load %arg9[%get3A_1032, %get3A_1033] : memref<1024x33xf32, #tpu.memory_space<vmem>>, vector<256x33xf32>
      %add3A_1035 = arith.addf %get3A_1034, %dot_general3A_1031 : vector<256x33xf32>
      %swap3A_1036 = arith.constant 768 : index
      %swap3A_1037 = arith.constant 0 : index
      %swap3A_1038 = vector.load %arg9[%swap3A_1036, %swap3A_1037] : memref<1024x33xf32, #tpu.memory_space<vmem>>, vector<256x33xf32>
      tpu.vector_store %arg9[%swap3A_1036, %swap3A_1037], %add3A_1035 {strides = array<i32>} : memref<1024x33xf32, #tpu.memory_space<vmem>>, vector<256x33xf32>,
    } else {
    }
    %gt3A_959 = arith.constant 768 : i32
    %gt3A_960 = arith.cmpi sgt, %get3A_1, %gt3A_959 : i32
    %gt3A_961 = arith.constant 768 : i32
    %gt3A_962 = arith.cmpi sgt, %get3A_1, %gt3A_961 : i32
    %and3A_963 = arith.andi %gt3A_960, %gt3A_962 : i1
    %convert_element_type3A_964 = arith.extui %and3A_963 : i1 to i32
    %cond3A_965 = arith.constant 0 : i32
    %cond3A_966 = arith.cmpi ne, %convert_element_type3A_964, %cond3A_965 : i32
    scf.if %cond3A_966 {
      %slice3A_1014 = vector.extract_strided_slice %exp3A_815 {offsets = [768], sizes = [256], strides = [1]} : vector<1024xf32> to vector<256xf32>
      %broadcast_in_dim3A_1015 = vector.shape_cast %slice3A_1014 : vector<256xf32> to vector<256x1xf32>
      %slice3A_1016 = vector.extract_strided_slice %select_n3A_826 {offsets = [768], sizes = [256], strides = [1]} : vector<1024xf32> to vector<256xf32>
      %broadcast_in_dim3A_1017 = vector.shape_cast %slice3A_1016 : vector<256xf32> to vector<1x256xf32>
      %mul3A_1018 = vector.broadcast %broadcast_in_dim3A_1015 : vector<256x1xf32> to vector<256x256xf32>
      %mul3A_1019 = vector.broadcast %broadcast_in_dim3A_1017 : vector<1x256xf32> to vector<256x256xf32>
      %mul3A_1020 = arith.mulf %mul3A_1018, %mul3A_1019 : vector<256x256xf32>
      %slice3A_1021 = vector.extract_strided_slice %exp3A_820 {offsets = [768], sizes = [256], strides = [1]} : vector<1024xf32> to vector<256xf32>
      %broadcast_in_dim3A_1022 = vector.shape_cast %slice3A_1021 : vector<256xf32> to vector<256x1xf32>
      %slice3A_1023 = vector.extract_strided_slice %select_n3A_833 {offsets = [768], sizes = [256], strides = [1]} : vector<1024xf32> to vector<256xf32>
      %broadcast_in_dim3A_1024 = vector.shape_cast %slice3A_1023 : vector<256xf32> to vector<1x256xf32>
      %mul3A_1025 = vector.broadcast %broadcast_in_dim3A_1022 : vector<256x1xf32> to vector<256x256xf32>
      %mul3A_1026 = vector.broadcast %broadcast_in_dim3A_1024 : vector<1x256xf32> to vector<256x256xf32>
      %mul3A_1027 = arith.mulf %mul3A_1025, %mul3A_1026 : vector<256x256xf32>
      %max3A_1028 = arith.maximumf %mul3A_1020, %mul3A_1027 : vector<256x256xf32>
      %slice3A_1029 = vector.extract_strided_slice %concatenate3A_790 {offsets = [768, 0], sizes = [256, 33], strides = [1, 1]} : vector<1024x33xf32> to vector<256x33xf32>
      %dot_general3A_1030 = arith.constant dense<0.000000e+00> : vector<256x33xf32>
      %dot_general3A_1031 = tpu.matmul %max3A_1028, %slice3A_1029, %dot_general3A_1030 {dimension_numbers = #tpu.dot_dimension_numbers<[1], [0], [0], [1], [0, 0, 1, 1], [], []>, transpose_lhs_hint = false} : vector<256x256xf32>, vector<256x33xf32>, vector<256x33xf32> -> vector<256x33xf32>
      %get3A_1032 = arith.constant 768 : index
      %get3A_1033 = arith.constant 0 : index
      %get3A_1034 = vector.load %arg9[%get3A_1032, %get3A_1033] : memref<1024x33xf32, #tpu.memory_space<vmem>>, vector<256x33xf32>
      %add3A_1035 = arith.addf %get3A_1034, %dot_general3A_1031 : vector<256x33xf32>
      %swap3A_1036 = arith.constant 768 : index
      %swap3A_1037 = arith.constant 0 : index
      %swap3A_1038 = vector.load %arg9[%swap3A_1036, %swap3A_1037] : memref<1024x33xf32, #tpu.memory_space<vmem>>, vector<256x33xf32>
      tpu.vector_store %arg9[%swap3A_1036, %swap3A_1037], %add3A_1035 {strides = array<i32>} : memref<1024x33xf32, #tpu.memory_space<vmem>>, vector<256x33xf32>,
    } else {
    }
    %get3A_967 = arith.constant 0 : index
    %get3A_968 = arith.constant 0 : index
    %get3A_969 = vector.load %arg9[%get3A_967, %get3A_968] : memref<1024x33xf32, #tpu.memory_space<vmem>>, vector<1024x33xf32>
    %slice3A_970 = vector.extract_strided_slice %get3A_969 {offsets = [0, 32], sizes = [1024, 1], strides = [1, 1]} : vector<1024x33xf32> to vector<1024x1xf32>
    %max3A_971 = arith.constant 1.000000e-30 : f32
    %max3A_972 = vector.broadcast %max3A_971 : f32 to vector<1024x1xf32>
    %max3A_973 = arith.maximumf %slice3A_970, %max3A_972 : vector<1024x1xf32>
    %slice3A_974 = vector.extract_strided_slice %get3A_969 {offsets = [0, 0], sizes = [1024, 32], strides = [1, 1]} : vector<1024x33xf32> to vector<1024x32xf32>
    %div3A_975 = vector.broadcast %max3A_973 : vector<1024x1xf32> to vector<1024x32xf32>
    %div3A_976 = arith.divf %slice3A_974, %div3A_975 : vector<1024x32xf32>
    %gt3A_977 = arith.constant 0.000000e+00 : f32
    %gt3A_978 = vector.broadcast %gt3A_977 : f32 to vector<1024x32xf32>
    %gt3A_979 = arith.cmpf ogt, %div3A_976, %gt3A_978 : vector<1024x32xf32>
    %min3A_980 = arith.constant 0.000000e+00 : f32
    %min3A_981 = vector.broadcast %min3A_980 : f32 to vector<1024x32xf32>
    %min3A_982 = arith.minimumf %div3A_976, %min3A_981 : vector<1024x32xf32>
    %exp3A_983 = math.exp %min3A_982 : vector<1024x32xf32>
    %sub3A_984 = arith.constant 1.000000e+00 : f32
    %sub3A_985 = vector.broadcast %sub3A_984 : f32 to vector<1024x32xf32>
    %sub3A_986 = arith.subf %exp3A_983, %sub3A_985 : vector<1024x32xf32>
    %select_n3A_987 = arith.select %gt3A_979, %div3A_976, %sub3A_986 : vector<1024x32xi1>, vector<1024x32xf32>
    %dot_general3A_988 = arith.constant dense<0.000000e+00> : vector<32x32xf32>
    %dot_general3A_989 = tpu.matmul %select_n3A_987, %slice3A_12, %dot_general3A_988 {dimension_numbers = #tpu.dot_dimension_numbers<[0], [0], [1], [1], [0, 1, 1, 1], [], []>, transpose_lhs_hint = false} : vector<1024x32xf32>, vector<1024x32xf32>, vector<32x32xf32> -> vector<32x32xf32>
    %get3A_990 = arith.constant 0 : index
    %get3A_991 = vector.load %arg7[%get3A_990] : memref<32xf32, #tpu.memory_space<vmem>>, vector<32xf32>
    %broadcast_in_dim3A_992 = vector.shape_cast %get3A_991 : vector<32xf32> to vector<1x32xf32>
    %add3A_993 = vector.broadcast %broadcast_in_dim3A_992 : vector<1x32xf32> to vector<32x32xf32>
    %add3A_994 = arith.addf %dot_general3A_989, %add3A_993 : vector<32x32xf32>
    %gt3A_995 = arith.constant 0.000000e+00 : f32
    %gt3A_996 = vector.broadcast %gt3A_995 : f32 to vector<32x32xf32>
    %gt3A_997 = arith.cmpf ogt, %add3A_994, %gt3A_996 : vector<32x32xf32>
    %min3A_998 = arith.constant 0.000000e+00 : f32
    %min3A_999 = vector.broadcast %min3A_998 : f32 to vector<32x32xf32>
    %min3A_1000 = arith.minimumf %add3A_994, %min3A_999 : vector<32x32xf32>
    %exp3A_1001 = math.exp %min3A_1000 : vector<32x32xf32>
    %sub3A_1002 = arith.constant 1.000000e+00 : f32
    %sub3A_1003 = vector.broadcast %sub3A_1002 : f32 to vector<32x32xf32>
    %sub3A_1004 = arith.subf %exp3A_1001, %sub3A_1003 : vector<32x32xf32>
    %select_n3A_1005 = arith.select %gt3A_997, %add3A_994, %sub3A_1004 : vector<32x32xi1>, vector<32x32xf32>
    %reduce_max3A_1006 = arith.constant dense<0xFF800000> : vector<32xf32>
    %reduce_max3A_1007 = vector.multi_reduction <maximumf>, %select_n3A_1005, %reduce_max3A_1006 [1] : vector<32x32xf32> to vector<32xf32>
    %swap3A_1008 = arith.constant 0 : index
    %swap3A_1009 = arith.constant 0 : index
    %swap3A_1010 = arith.constant 0 : index
    %swap3A_1011 = vector.load %arg8[%swap3A_1008, %swap3A_1009, %swap3A_1010] : memref<1x1x32xf32, #tpu.memory_space<vmem>>, vector<1x1x32xf32>
    %swap3A_1012 = vector.shape_cast %swap3A_1011 : vector<1x1x32xf32> to vector<32xf32>
    %swap3A_1013 = vector.shape_cast %reduce_max3A_1007 : vector<32xf32> to vector<1x1x32xf32>
    tpu.vector_store %arg8[%swap3A_1008, %swap3A_1009, %swap3A_1010], %swap3A_1013 {strides = array<i32>} : memref<1x1x32xf32, #tpu.memory_space<vmem>>, vector<1x1x32xf32>,
    return
  }
  func.func @transform_0(%arg0: i32) -> (i32, i32) {
    %c0_i32 = arith.constant 0 : i32
    %c0_i32_0 = arith.constant 0 : i32
    %c0_i32_1 = arith.constant 0 : i32
    return %c0_i32, %c0_i32_0 : i32, i32
  }
  func.func @transform_1(%arg0: i32) -> (i32, i32, i32) {
    %c0_i32 = arith.constant 0 : i32
    %c0_i32_0 = arith.constant 0 : i32
    %c0_i32_1 = arith.constant 0 : i32
    return %arg0, %c0_i32, %c0_i32_0 : i32, i32, i32
  }
  func.func @transform_2(%arg0: i32) -> (i32, i32) {
    %c0_i32 = arith.constant 0 : i32
    %c0_i32_0 = arith.constant 0 : i32
    %c0_i32_1 = arith.constant 0 : i32
    return %c0_i32, %c0_i32_0 : i32, i32
  }
  func.func @transform_3(%arg0: i32) -> (i32, i32) {
    %c0_i32 = arith.constant 0 : i32
    %c0_i32_0 = arith.constant 0 : i32
    %c0_i32_1 = arith.constant 0 : i32
    return %c0_i32, %c0_i32_0 : i32, i32
  }
  func.func @transform_4(%arg0: i32) -> (i32, i32) {
    %c0_i32 = arith.constant 0 : i32
    %c0_i32_0 = arith.constant 0 : i32
    %c0_i32_1 = arith.constant 0 : i32
    return %c0_i32, %c0_i32_0 : i32, i32
  }
  func.func @transform_5(%arg0: i32) -> (i32, i32) {
    %c0_i32 = arith.constant 0 : i32
    %c0_i32_0 = arith.constant 0 : i32
    %c0_i32_1 = arith.constant 0 : i32
    return %c0_i32, %c0_i32_0 : i32, i32
  }
  func.func @transform_6(%arg0: i32) -> i32 {
    %c0_i32 = arith.constant 0 : i32
    %c0_i32_0 = arith.constant 0 : i32
    return %c0_i32 : i32
  }
  func.func @transform_7(%arg0: i32) -> (i32, i32, i32) {
    %c0_i32 = arith.constant 0 : i32
    %c0_i32_0 = arith.constant 0 : i32
    %c0_i32_1 = arith.constant 0 : i32
    return %arg0, %c0_i32, %c0_i32_0 : i32, i32, i32
  }
}

</mosaic_0001>

<sc_bundles>
// kernel: kernel.6.cloned.1.call-start
scs
__scs_entry_jumppad:
0x0: {  	(pc) =	sbr.rel $0x88, $3  }
0x1: {  	(tag) =	ssettag $0x0;
	lr =	simm.s32 $0x1  }
0x2: {  	[smem:$0x3F94] =	sst lr;
	_ =	strace $0xD0000000  }
0x3: {  	_ = 	snop  }
0x4: {  	_ = 	snop  }
0x5: {  	_ = 	snop  }
0x6: {  	_ = 	snop  }
0x7: {  	_ = 	snop  }
__scs_overlays_trampoline_lowered:
0x8: {  	[smem:$0x3FA3] =	sst s0  }
0x9: {  	[smem:$0x3FA4] =	sst s1  }
0xa: {  	[smem:$0x3FA5] =	sst s2  }
0xb: {  	[smem:$0x3FA6] =	sst s3  }
0xc: {  	[smem:$0x3FA7] =	sst s4  }
0xd: {  	[smem:$0x3FA8] =	sst s5  }
0xe: {  	[smem:$0x3FA9] =	sst s6  }
0xf: {  	[smem:$0x3FAA] =	sst s7  }
0x10: {  	[smem:$0x3FAB] =	sst s8  }
0x11: {  	[smem:$0x3FAC] =	sst s9;
	s0 =	simm.s32 @!p0 $0x0  }
0x12: {  	s1 =	sld [smem:$0x3F92];
	s0 =	simm.s32 @p0 $0x1  }
0x13: {  	[smem:$0x3FAD] =	sst s0;
	s0 =	simm.s32 @!p1 $0x0  }
0x14: {  	s2 =	sld [smem:$0x3F91];
	s0 =	simm.s32 @p1 $0x1  }
0x15: {  	[smem:$0x3FAE] =	sst s0;
	s0 =	simm.s32 @!p2 $0x0  }
0x16: {  	s3 =	sld [smem:$0x3FDB];
	s0 =	simm.s32 @p2 $0x1  }
0x17: {  	s4 =	simm.s32 $0x1BF5;
	[smem:$0x3FB0] =	sst s0  }
0x18: {  	s0 =	sld [smem:$0x3F93];
	_ =	swait.ge [sflag:s4], $0x0  }
0x19: {  	s7 =	sld [smem:$0x3F94]  }
0x1a: {  	s8 =	sadd.s32 $0xFFFFE003, lr  }
0x1b: {  	s9 =	sadd.s32 $0xFFFFFEF7, lr;
	s5 =	simm.s32 $0xFFFFFFFF;
	p2 =	slt.u32 s8, $0xFFFFF086  }
0x1c: {  	p1 =	slt.u32 s9, $0xF7A;
	s5 =	simm.s32 @!p2 $0x0  }
0x1d: {  	s5 =	simm.s32 @p1 $0x1;
	p0 =	seq.s32 s7, s2  }
0x1e: {  	s7 =	smul.u32 @!p0 $0xF7A, s2;
	p2 =	seq.s32 @!p0 s5, $0x0  }
0x1f: {  	s9 =	smul.u32 $0xF7A, s1;
	s8 =	simm.s32 @!p0 $0x1BF5;
	p2 =	por !p2, p0  }
0x20: {  	[sflag:s8] =	ssyncset.s32 @!p0 $0xFFFFF086;
	s6 =	sadd.s32 @!p0 s3, s7;
	s7 =	simm.s32 @!p0 $0x108  }
0x21: {  	s3 =	sadd.s32 s3, s9;
	s6 =	sadd.s32 @!p0 $0x88, s6;
	s7 =	simm.s32 @p2 $0x1082  }
0x22: {  	[simem:s7], [sflag:s8] =	dma.local @!p0 [hbm:s6], $0xF7A  }
0x23: {  	s9 =	sor.u32 $0xD0000000, s2;
	s6 =	simm.s32 $0x108;
	_ =	swait.ge @!p0 [sflag:s8], $0x0  }
0x24: {  	s3 =	sadd.s32 $0x88, s3;
	s6 =	simm.s32 @!p1 $0x1082;
	[sflag:s4] =	ssyncset.s32 $0xFFFFF086  }
0x25: {  	[simem:s6], [sflag:s4] =	dma.local [hbm:s3], $0xF7A  }
0x26: {  	[smem:$0x3F94] =	sst s1;
	(tag) =	ssettag s2;
	_ =	strace s9  }
0x27: {  	s1 =	sld [smem:$0x3FA4]  }
0x28: {  	s2 =	sld [smem:$0x3FA5]  }
0x29: {  	s4 =	sld [smem:$0x3FA7]  }
0x2a: {  	p0 =	seq.s32 s5, $0x0;
	s5 =	sld [smem:$0x3FA8]  }
0x2b: {  	s6 =	sld [smem:$0x3FA9]  }
0x2c: {  	s7 =	sld [smem:$0x3FAA]  }
0x2d: {  	s3 =	simm.s32 $0x108;
	s8 =	sld [smem:$0x3FAB]  }
0x2e: {  	s3 =	simm.s32 @!p0 $0x1082;
	s9 =	sld [smem:$0x3FAC]  }
0x2f: {  	lr =	sadd.s32 s0, s3;
	s0 =	sld [smem:$0x3FA3]  }
0x30: {  	s3 =	sld [smem:$0x3FA6]  }
0x31: {  	[smem:$0x3FAF] =	sst s10  }
0x32: {  	s10 =	sld [smem:$0x3FAD];
	_ =	sdelay $0x3  }
0x33: {  	p0 =	seq.s32 s10, $0x1;
	s10 =	sld [smem:$0x3FAF];
	_ =	sdelay $0x3  }
0x34: {  	[smem:$0x3FAF] =	sst s10  }
0x35: {  	s10 =	sld [smem:$0x3FAE];
	_ =	sdelay $0x3  }
0x36: {  	p1 =	seq.s32 s10, $0x1;
	s10 =	sld [smem:$0x3FAF];
	_ =	sdelay $0x3  }
0x37: {  	[smem:$0x3FAF] =	sst s10  }
0x38: {  	s10 =	sld [smem:$0x3FB0]  }
0x39: {  	_ = 	snop;
	(pc) =	sbr.ind lr, $3  }
0x3a: {  	_ = 	snop  }
0x3b: {  	_ = 	snop  }
0x3c: {  	p2 =	seq.s32 s10, $0x1;
	s10 =	sld [smem:$0x3FAF]  }
0x3d: {  	_ =	shalt  }
0x3e: {  	_ =	shalt  }
0x3f: {  	_ =	shalt  }
0x40: {  	_ =	shalt  }
0x41: {  	_ =	shalt  }
0x42: {  	_ =	shalt  }
0x43: {  	_ =	shalt  }
0x44: {  	_ =	shalt  }
0x45: {  	_ =	shalt  }
0x46: {  	_ =	shalt  }
0x47: {  	_ =	shalt  }
0x48: {  	_ =	shalt  }
0x49: {  	_ =	shalt  }
0x4a: {  	_ =	shalt  }
0x4b: {  	_ =	shalt  }
0x4c: {  	_ =	shalt  }
0x4d: {  	_ =	shalt  }
0x4e: {  	_ =	shalt  }
0x4f: {  	_ =	shalt  }
0x50: {  	_ =	shalt  }
0x51: {  	_ =	shalt  }
0x52: {  	_ =	shalt  }
0x53: {  	_ =	shalt  }
0x54: {  	_ =	shalt  }
0x55: {  	_ =	shalt  }
0x56: {  	_ =	shalt  }
0x57: {  	_ =	shalt  }
0x58: {  	_ =	shalt  }
0x59: {  	_ =	shalt  }
0x5a: {  	_ =	shalt  }
0x5b: {  	_ =	shalt  }
0x5c: {  	_ =	shalt  }
0x5d: {  	_ =	shalt  }
0x5e: {  	_ =	shalt  }
0x5f: {  	_ =	shalt  }
0x60: {  	_ =	shalt  }
0x61: {  	_ =	shalt  }
0x62: {  	_ =	shalt  }
0x63: {  	_ =	shalt  }
0x64: {  	_ =	shalt  }
0x65: {  	_ =	shalt  }
0x66: {  	_ =	shalt  }
0x67: {  	_ =	shalt  }
0x68: {  	_ =	shalt  }
0x69: {  	_ =	shalt  }
0x6a: {  	_ =	shalt  }
0x6b: {  	_ =	shalt  }
0x6c: {  	_ =	shalt  }
0x6d: {  	_ =	shalt  }
0x6e: {  	_ =	shalt  }
0x6f: {  	_ =	shalt  }
0x70: {  	_ =	shalt  }
0x71: {  	_ =	shalt  }
0x72: {  	_ =	shalt  }
0x73: {  	_ =	shalt  }
0x74: {  	_ =	shalt  }
0x75: {  	_ =	shalt  }
0x76: {  	_ =	shalt  }
0x77: {  	_ =	shalt  }
0x78: {  	_ =	shalt  }
0x79: {  	_ =	shalt  }
0x7a: {  	_ =	shalt  }
0x7b: {  	_ =	shalt  }
0x7c: {  	_ =	shalt  }
0x7d: {  	_ =	shalt  }
0x7e: {  	_ =	shalt  }
0x7f: {  	_ =	shalt  }
0x80: {  	_ =	shalt  }
0x81: {  	_ =	shalt  }
0x82: {  	_ =	shalt  }
0x83: {  	_ =	shalt  }
0x84: {  	_ =	shalt  }
0x85: {  	_ =	shalt  }
0x86: {  	_ =	shalt  }
0x87: {  	_ =	shalt  }
.Lfunc_end0:
.L_simem_size_0:
called_computation_lowered:
.L_overlay_start_0:
0x88: {  	s2 =	sld [smem:$0x3FD9]  }
0x89: {  	s3 =	sld [smem:$0x3FFE];
	_ =	sdelay $0x1  }
0x8a: {  	s1 =	srdreg.scid  }
0x8b: {  	s0 =	sand.u32 $0x1, s1  }
0x8c: {  	s16 =	sshll.u32 s0, $0xA;
	s2 =	sadd.s32 s3, s2  }
0x8d: {  	s2 =	sadd.s32 s2, s16  }
0x8e: {  	[smem:$0x3FBB] =	sst s2  }
0x8f: {  	_ = 	snop  }
0x90: {  	(tm) =	ssettm $0x1  }
0x91: {  	s17 =	sld [smem:$0x3FFB];
	_ =	sdelay $0x3  }
0x92: {  	_ =	strace s17  }
0x93: {  	s2 =	sld [smem:$0x3FFC];
	_ =	sdelay $0x3  }
0x94: {  	_ =	strace s2  }
0x95: {  	s2 =	sld [smem:$0x3FFD];
	_ =	sdelay $0x3  }
0x96: {  	_ =	strace s2  }
0x97: {  	_ =	strace $0x8FFFFFFF  }
0x98: {  	s18 =	sld [smem:$0x3FDB];
	_ =	sdelay $0x1  }
0x99: {  	s19 =	simm.s32 $_scs_section_size  }
0x9a: {  	s4 =	simm.s32 $_size__tile_overlayer_lowered;
	s5 =	simm.s32 $_tile_overlayer_lowered  }
0x9b: {  	s22 =	simm.s32 $0x1BFF;
	s21 =	sshll.u32 s5, $0x1;
	s2 =	sadd.s32 s19, s18  }
0x9c: {  	s6 =	simm.s32 $0x0;
	s20 =	sshll.u32 s4, $0x1;
	s4 =	sadd.s32 s21, s2  }
0x9d: {  	[timem:s6], [sflag:s22] =	dma.local [hbm:s4], s20  }
0x9e: {  	_ =	swait.ge [sflag:s22], s20  }
0x9f: {  	s3 =	ssub.s32 $0x0, s20;
	[sflag:s22] =	ssyncset.done $0x0  }
0xa0: {  	[sflag:s22] =	ssyncadd.s32 s3;
	_ =	sdelay $0x1  }
0xa1: {  	s23 =	simm.s32 $0x1B8B  }
0xa2: {  	_ =	swait.ge [sflag:s23], $0x1  }
0xa3: {  	[sflag:s23] =	ssyncset.done $0x0  }
0xa4: {  	s25 =	simm.s32 $0x1B8E;
	s24 =	sld [smem:$0x3FFE];
	[sflag:s23] =	ssyncadd.s32 $0xFFFFFFFF  }
0xa5: {  	s26 =	simm.s32 $execute0_lowered;
	[smem:$0x3FD2] =	sst s25  }
0xa6: {  	s4 =	sshll.u32 s26, $0x1;
	_ =	strace $0x80000046;
	[dreg:$0x1] =	wrdreg $0xFFFFFFFF  }
0xa7: {  	s28 =	simm.s32 $_size_execute0_lowered;
	s2 =	sadd.s32 s2, s4;
	[dreg:$0x0] =	wrdreg $0x0  }
0xa8: {  	s4 =	sshll.u32 s28, $0x1;
	[dreg:$0x2] =	wrdreg s2  }
0xa9: {  	[dreg:$0x3] =	wrdreg s4  }
0xaa: {  	[dreg:$0x4] =	wrdreg $0xC0  }
0xab: {  	_ =	task [dreg:s6], $0x5FFFF  }
0xac: {  	[dreg:$0x1] =	wrdreg $0xFFFFFFFF  }
0xad: {  	[dreg:$0x0] =	wrdreg $0x60  }
0xae: {  	[dreg:$0x2] =	wrdreg s24  }
0xaf: {  	[dreg:$0x3] =	wrdreg $0x9  }
0xb0: {  	_ =	task.clear_ibuf [dreg:s6], $0x4FFFF;
	_ =	strace $0x90000046  }
0xb1: {  	s29 =	simm.s32 $0x9;
	_ =	strace $0x80000048  }
0xb2: {  	_ =	swait.ge [sflag:s29], $0x1  }
0xb3: {  	[sflag:s29] =	ssyncadd.s32 $0xFFFFFFFF  }
0xb4: {  	_ =	strace $0x90000048  }
0xb5: {  	_ =	sfence  }
0xb6: {  	s30 =	sld [smem:$0x0];
	_ =	sdelay $0x2  }
0xb7: {  	s31 =	sshll.u32 s1, $0xD;
	s1 =	sshrl.u32 s1, $0x2  }
0xb8: {  	s3 =	sand.u32 $0x4000, s31;
	s1 =	sadd.s32 s1, s30  }
0xb9: {  	s0 =	sor.u32 s3, s0;
	s1 =	sshll.u32 s1, $0x11  }
0xba: {  	s0 =	sor.u32 s1, s0  }
0xbb: {  	s0 =	sadd.s32 $0x8F2B, s0  }
0xbc: {  	[sflag:s0] =	ssyncadd.remote.s32 $0x1  }
0xbd: {  	_ =	sfence.sel $0xFFFF  }
0xbe: {  	[dreg:$0x0] =	wrdreg $0xFFFFFFFF;
	(pc) =	sbr.abs _section_cstart, $3  }
0xbf: {  	[dreg:$0x1] =	wrdreg $0xFFFFFFFF  }
0xc0: {  	_ =	task.clear_ibuf [dreg:s6], $0x2FFFF;
	_ =	strace $0x9FFFFFFF  }
0xc1: {  	(tm) =	ssettm $0x7FFFFFFF  }
tec
execute0_lowered:
.L_overlay_start_1:
0x0: {  	(tag) =	ssettag $0x1  }
0x1: {  	s3 =	rddreg [dreg:$0x0]  }
0x2: {  	s0 =	rddreg [dreg:$0x1]  }
0x3: {  	s2 =	simm.s32 $0x0;
	s1 =	stileid.u32;
	s6 =	srdreg.scid  }
0x4: {  	[smem:$0x7FF] =	sst s2;
	s4 =	sshrl.u32 s1, $0x1;
	s7 =	sshll.u32 s1, $0x1  }
0x5: {  	s6 =	sand.u32 $0x1, s6;
	_ =	strace $0x80000047;
	s5 =	sshll.u32 s4, $0x7  }
0x6: {  	s4 =	sshll.u32 s4, $0xE;
	s7 =	sand.u32 $0x2, s7;
	s9 =	ssub.s32 $0x2, s6  }
0x7: {  	s5 =	sadd.s32 s5, s3;
	s8 =	sadd.s32 s4, s3;
	s30 =	sshrl.u32 s9, $0x1  }
0x8: {  	s28 =	sor.u32 s6, s7;
	s3 =	sadd.s32 $0x1E00, s5;
	s6 =	ssub.s32 s9, s30  }
0x9: {  	[tilespmem:s2], [sflag:$0x1] =	stream.linear.gather [hbm4b:s3+s2], $0x400, $0x38;
	[tilespmem:$0x8400] =	vst v63  }
0xa: {  	s4 =	simm.s32 $0x1;
	s31 =	smax.u32 s6, $0x1  }
0xb: {  	s29 =	sshll.u32 s28, $0xC;
	_ =	swait.ge [sflag:s4], $0x400;
	p0 =	sne.s32 s31, $0x1  }
.Ltmp0:
0xc: {  	s5 =	sadd.s32 s29, s8;
	[sflag:s4] =	ssyncset.done $0x0;
	(pc) =	sbr.rel @!p0 .LBB2_2-.Ltmp0, $4  }
0xd: {  	s6 =	simm.s32 $0x400;
	s5 =	sadd.s32 $0x6200, s5;
	[sflag:s4] =	ssyncadd.s32 $0xFFFFFC00  }
0xe: {  	[hbm4b:s5+s2] =	stream.linear.scatter [tilespmem:s6], [sflag:$0x1], $0x8000, $0x38;
	[tilespmem:$0x8400] =	vst v63  }
0xf: {  	_ =	swait.ge [sflag:s4], $0x8000  }
0x10: {  	s7 =	sadd.s32 $0xFFFFFFFF, s31;
	[sflag:s4] =	ssyncset.done $0x0  }
.LBB2_1:
0x11: {  	p0 =	sne.s32 s7, $0x1;
	s7 =	sadd.s32 $0xFFFFFFFF, s7;
	[sflag:s4] =	ssyncadd.s32 $0xFFFF8000  }
0x12: {  	[tilespmem:s2], [sflag:$0x1] =	stream.linear.gather [hbm4b:s3+s2], $0x400, $0x38;
	[tilespmem:$0x8400] =	vst v63  }
0x13: {  	_ =	swait.ge [sflag:s4], $0x400  }
.Ltmp1:
0x14: {  	[sflag:s4] =	ssyncset.done $0x0;
	(pc) =	sbr.rel @p0 .LBB2_1-.Ltmp1, $4  }
0x15: {  	[sflag:s4] =	ssyncadd.s32 $0xFFFFFC00  }
0x16: {  	[hbm4b:s5+s2] =	stream.linear.scatter [tilespmem:s6], [sflag:$0x1], $0x8000, $0x38;
	[tilespmem:$0x8400] =	vst v63  }
0x17: {  	_ =	swait.ge [sflag:s4], $0x8000  }
0x18: {  	[sflag:s4] =	ssyncset.done $0x0  }
.LBB2_2:
0x19: {  	[sflag:s4] =	ssyncadd.s32 $0xFFFF8000  }
0x1a: {  	_ =	sfence.sel $0x180000  }
0x1b: {  	[bflag:$0x0] =	sbarrier.arrive $0xFFFF  }
0x1c: {  	p0 =	sne.s32 s1, $0x0;
	_ =	strace $0x90000047  }
0x1d: {  	s0 =	sadd.s32 @!p0 $0x100000, s0;
	[bflag:$0x2] =	sbarrier.arrive $0xFFFF  }
0x1e: {  	[sflag:s0] =	ssyncadd.tile.s32 @!p0 $0x1;
	_ =	shalt  }
.Lfunc_end2:
_tile_overlayer_lowered:
.L_overlay_start_2:
0x1f: {  	(tag) =	ssettag $0x2  }
0x20: {  	s0 =	rddreg [dreg:$0x0];
	s2 =	stileid.u32  }
0x21: {  	s1 =	rddreg [dreg:$0x1];
	p0 =	sne.s32 s2, $0x0  }
0x22: {  	s3 =	rddreg [dreg:$0x2];
	[bflag:$0x3] =	sbarrier.arrive $0xFFFF;
	s2 =	simm.s32 @!p0 $0x1C01  }
0x23: {  	[timem:s3], [sflag:s2] =	dma.local @!p0 [hbm:s0], s1  }
0x24: {  	s0 =	simm.s32 @!p0 $0x1  }
0x25: {  	_ =	swait.ge @!p0 [sflag:s0], s1  }
0x26: {  	s1 =	ssub.s32 @!p0 $0x0, s1;
	[sflag:s0] =	ssyncset.done @!p0 $0x0  }
0x27: {  	[sflag:s0] =	ssyncadd.s32 @!p0 s1  }
0x28: {  	[bflag:$0x3] =	sbarrier.arrive $0xFFFF  }
0x29: {  	_ =	shalt  }

</sc_bundles>
